<compile_context>
chip_gen: v7x
topology: tpu7x:2x2x1
jax: 0.10.2.dev20260603
libtpu: 0.0.44.dev20260713+nightly
codegen_flags: <defaults>
</compile_context>

<pallas_src>
import jax
import jax.numpy as jnp
from jax import lax
from jax.experimental import pallas as pl
from jax.experimental.pallas import tpu as pltpu
from jax.experimental.pallas import tpu_sc as plsc

FP = 16
LANES = 128
KDEPTH = 5
NSC = 2
NTILE = 16
BLK = 2000


def _sc_mesh():
    return plsc.VectorSubcoreMesh(
        core_axis_name="c", subcore_axis_name="s", num_cores=NSC,
        num_subcores=NTILE)


def _agg_loop(tab, edg, idxb, rowsb, acc, gsem, ssem, isem, slab_lo, nslab):

    def idx_load(t):
        p = lax.rem(t, 3)
        r0 = (slab_lo + t) * KDEPTH
        pltpu.async_copy(edg.at[0, pl.ds(r0, KDEPTH)], idxb.at[p, 0], isem)
        pltpu.async_copy(edg.at[1, pl.ds(r0, KDEPTH)], idxb.at[p, 1], isem)

    def gathers(t):
        p = lax.rem(t, 3)
        b = lax.rem(t, 2)
        for j in range(KDEPTH):
            pltpu.async_copy(tab.at[idxb.at[p, 0, j]], rowsb.at[b, j], gsem)

    def drain_scatters():
        for j in range(KDEPTH):
            pltpu.make_async_copy(rowsb.at[0, j], acc.at[idxb.at[0, 1, j]],
                                  ssem).wait()

    r_start = slab_lo * KDEPTH
    pltpu.sync_copy(edg.at[0, pl.ds(r_start, KDEPTH)], idxb.at[0, 0])
    pltpu.sync_copy(edg.at[1, pl.ds(r_start, KDEPTH)], idxb.at[0, 1])
    gathers(0)
    idx_load(1)

    def slab(t, carry):
        p = lax.rem(t, 3)
        b = lax.rem(t, 2)
        for j in range(KDEPTH):
            pltpu.make_async_copy(tab.at[idxb.at[p, 0, j]], rowsb.at[b, j],
                                  gsem).wait()
        for j in range(KDEPTH):
            pltpu.async_copy(rowsb.at[b, j], acc.at[idxb.at[p, 1, j]], ssem,
                             add=True)

        @pl.when(t + 1 < nslab)
        def _():
            pltpu.make_async_copy(edg.at[0, pl.ds(r_start, KDEPTH)],
                                  idxb.at[0, 0], isem).wait()
            pltpu.make_async_copy(edg.at[1, pl.ds(r_start, KDEPTH)],
                                  idxb.at[0, 1], isem).wait()

        @pl.when(t >= 1)
        def _():
            drain_scatters()

        @pl.when(t + 2 < nslab)
        def _():
            idx_load(t + 2)

        @pl.when(t + 1 < nslab)
        def _():
            gathers(t + 1)

        return carry

    lax.fori_loop(0, nslab, slab, 0)
    drain_scatters()


def _sc_scratch(np_):
    return [
        pltpu.VMEM((3, 2, KDEPTH, LANES), jnp.int32),
        pltpu.VMEM((2, KDEPTH, LANES, FP), jnp.float32),
        pltpu.VMEM_SHARED((np_, FP), jnp.float32),
        pltpu.SemaphoreType.DMA,
        pltpu.SemaphoreType.DMA,
        pltpu.SemaphoreType.DMA,
    ]


def _make_sc_agg1(np_, rows):
    stripe = np_ // NTILE
    slabs_per_sc = rows // (NSC * KDEPTH)

    def body(tab, edg, zrows, out_a, out_b, idxb, rowsb, acc, gsem,
             ssem, isem):
        c = lax.axis_index("c")
        s = lax.axis_index("s")
        pltpu.sync_copy(zrows, acc.at[pl.ds(s * stripe, stripe)])
        plsc.subcore_barrier()
        lo = c * slabs_per_sc + (s * slabs_per_sc) // NTILE
        hi = c * slabs_per_sc + ((s + 1) * slabs_per_sc) // NTILE
        _agg_loop(tab, edg, idxb, rowsb, acc, gsem, ssem, isem, lo, hi - lo)
        plsc.subcore_barrier()

        @pl.when(c == 0)
        def _():
            pltpu.sync_copy(acc.at[pl.ds(s * stripe, stripe)],
                            out_a.at[pl.ds(s * stripe, stripe)])

        @pl.when(c == 1)
        def _():
            pltpu.sync_copy(acc.at[pl.ds(s * stripe, stripe)],
                            out_b.at[pl.ds(s * stripe, stripe)])

    return pl.kernel(
        body,
        out_type=(jax.ShapeDtypeStruct((np_, FP), jnp.float32),
                  jax.ShapeDtypeStruct((np_, FP), jnp.float32)),
        mesh=_sc_mesh(),
        compiler_params=pltpu.CompilerParams(use_tc_tiling_on_sc=False),
        scratch_types=_sc_scratch(np_),
    )


def _make_sc_agg2(np_, rows):
    stripe = np_ // NTILE
    nslabs = rows // KDEPTH

    def body(tab_a, tab_b, edg, zrows, out_a, out_b, idxb, rowsb, acc,
             gsem, ssem, isem):
        c = lax.axis_index("c")
        s = lax.axis_index("s")
        pltpu.sync_copy(zrows, acc.at[pl.ds(s * stripe, stripe)])
        plsc.subcore_barrier()
        lo = (s * nslabs) // NTILE
        hi = ((s + 1) * nslabs) // NTILE

        @pl.when(c == 0)
        def _():
            _agg_loop(tab_a, edg, idxb, rowsb, acc, gsem, ssem, isem,
                      lo, hi - lo)

        @pl.when(c == 1)
        def _():
            _agg_loop(tab_b, edg, idxb, rowsb, acc, gsem, ssem, isem,
                      lo, hi - lo)

        plsc.subcore_barrier()

        @pl.when(c == 0)
        def _():
            pltpu.sync_copy(acc.at[pl.ds(s * stripe, stripe)],
                            out_a.at[pl.ds(s * stripe, stripe)])

        @pl.when(c == 1)
        def _():
            pltpu.sync_copy(acc.at[pl.ds(s * stripe, stripe)],
                            out_b.at[pl.ds(s * stripe, stripe)])

    return pl.kernel(
        body,
        out_type=(jax.ShapeDtypeStruct((np_, FP), jnp.float32),
                  jax.ShapeDtypeStruct((np_, FP), jnp.float32)),
        mesh=_sc_mesh(),
        compiler_params=pltpu.CompilerParams(use_tc_tiling_on_sc=False),
        scratch_types=_sc_scratch(np_),
    )


def _tc1_body(n, a0, a1, xp, wl, wr, b, g, be, ha, hb, inv_ref, ssum, ssq):
    ph = pl.program_id(0)
    i = pl.program_id(1)
    cnt = a0[:, FP - 1:FP] + a1[:, FP - 1:FP]
    inv = 1.0 / jnp.maximum(cnt, 1.0)
    agg = (a0[...] + a1[...]) * inv
    t = (jnp.dot(agg, wl[...], preferred_element_type=jnp.float32)
         + jnp.dot(xp[...], wr[...], preferred_element_type=jnp.float32)
         + b[...])

    @pl.when((ph == 0) & (i == 0))
    def _():
        ssum[...] = jnp.zeros_like(ssum)
        ssq[...] = jnp.zeros_like(ssq)

    @pl.when(ph == 0)
    def _():
        ssum[...] += jnp.sum(t, axis=0, keepdims=True)
        ssq[...] += jnp.sum(t * t, axis=0, keepdims=True)

    rn = 1.0 / n
    mean = ssum[...] * rn
    var = ssq[...] * rn - mean * mean
    isd = lax.rsqrt(var + 1e-5)
    h = jnp.maximum((t - mean) * isd * g[...] + be[...], 0.0)
    ha[...] = h[:, :FP]
    hb[...] = h[:, FP:]
    inv_ref[...] = inv


def _tc2_body(n, a2a, a2b, h1a, h1b, invc, wl, wr, b, g, be, wm1, bm1, wm2,
              bm2, out, ssum, ssq):
    ph = pl.program_id(0)
    i = pl.program_id(1)
    inv = invc[...]
    t = (jnp.dot(a2a[...] * inv, wl[0:FP, :],
                 preferred_element_type=jnp.float32)
         + jnp.dot(a2b[...] * inv, wl[FP:2 * FP, :],
                   preferred_element_type=jnp.float32)
         + jnp.dot(h1a[...], wr[0:FP, :],
                   preferred_element_type=jnp.float32)
         + jnp.dot(h1b[...], wr[FP:2 * FP, :],
                   preferred_element_type=jnp.float32)
         + b[...])

    @pl.when((ph == 0) & (i == 0))
    def _():
        ssum[...] = jnp.zeros_like(ssum)
        ssq[...] = jnp.zeros_like(ssq)

    @pl.when(ph == 0)
    def _():
        ssum[...] += jnp.sum(t, axis=0, keepdims=True)
        ssq[...] += jnp.sum(t * t, axis=0, keepdims=True)

    rn = 1.0 / n
    mean = ssum[...] * rn
    var = ssq[...] * rn - mean * mean
    isd = lax.rsqrt(var + 1e-5)
    h = jnp.maximum((t - mean) * isd * g[...] + be[...], 0.0)
    m = jnp.maximum(
        jnp.dot(h, wm1[...], preferred_element_type=jnp.float32) + bm1[...],
        0.0)
    out[...] = (jnp.dot(m, wm2[...], preferred_element_type=jnp.float32)
                + bm2[...])


def kernel(x, edge_index, W1l, b1l, W1r, g1, be1, W2l, b2l, W2r, g2, be2,
           Wm1, bm1, Wm2, bm2):
    import functools
    n, f = x.shape
    e = edge_index.shape[1]
    nb = n // BLK
    np_ = (n // 128 + 1) * 128
    rows = e // LANES

    edg = edge_index.astype(jnp.int32).reshape(2, rows, LANES)

    xp = jnp.concatenate(
        [x, jnp.zeros((n, FP - 1 - f), x.dtype), jnp.ones((n, 1), x.dtype)],
        axis=1)
    zrows = jnp.zeros((np_ // NTILE, FP), jnp.float32)
    w1l = jnp.concatenate([W1l, jnp.zeros((FP - f, W1l.shape[1]))], axis=0)
    w1r = jnp.concatenate([W1r, jnp.zeros((FP - f, W1r.shape[1]))], axis=0)

    a1a, a1b = _make_sc_agg1(np_, rows)(xp, edg, zrows)

    row_spec = pl.BlockSpec((BLK, FP), lambda ph, i: (i, 0))
    col_spec = pl.BlockSpec((BLK, 1), lambda ph, i: (i, 0))
    full = lambda shape: pl.BlockSpec(shape, lambda ph, i: (0, 0))

    h1a, h1b, invc = pl.pallas_call(
        functools.partial(_tc1_body, n),
        grid=(2, nb),
        in_specs=[row_spec, row_spec, row_spec, full((FP, 32)),
                  full((FP, 32)), full((1, 32)), full((1, 32)),
                  full((1, 32))],
        out_specs=[row_spec, row_spec, col_spec],
        out_shape=[jax.ShapeDtypeStruct((n, FP), jnp.float32),
                   jax.ShapeDtypeStruct((n, FP), jnp.float32),
                   jax.ShapeDtypeStruct((n, 1), jnp.float32)],
        scratch_shapes=[pltpu.VMEM((1, 32), jnp.float32),
                        pltpu.VMEM((1, 32), jnp.float32)],
    )(a1a, a1b, xp, w1l, w1r, b1l.reshape(1, -1), g1.reshape(1, -1),
      be1.reshape(1, -1))

    a2a, a2b = _make_sc_agg2(np_, rows)(h1a, h1b, edg, zrows)

    out = pl.pallas_call(
        functools.partial(_tc2_body, n),
        grid=(2, nb),
        in_specs=[row_spec, row_spec, row_spec, row_spec, col_spec,
                  full((32, 32)), full((32, 32)), full((1, 32)),
                  full((1, 32)), full((1, 32)), full((32, 64)),
                  full((1, 64)), full((64, 1)), full((1, 1))],
        out_specs=col_spec,
        out_shape=jax.ShapeDtypeStruct((n, 1), jnp.float32),
        scratch_shapes=[pltpu.VMEM((1, 32), jnp.float32),
                        pltpu.VMEM((1, 32), jnp.float32)],
    )(a2a, a2b, h1a, h1b, invc, W2l, W2r, b2l.reshape(1, -1),
      g2.reshape(1, -1), be2.reshape(1, -1), Wm1, bm1.reshape(1, -1), Wm2,
      bm2.reshape(1, -1))

    return out.reshape(n)

# --- scband reference (transcript-rebuilt; emitter-appended) ---
"""Pipeline reference for scband-graph-sagenet-64295660421273 (READ-ONLY COPY).

The authoritative reference and input builder live on the scoring server;
editing this copy changes nothing except your own understanding.
"""

import jax, jax.numpy as jnp
import numpy as np

N = 100000
E = 6400000

def setup_inputs(seed: int = 0) -> dict:
    key = jax.random.key(seed)
    ks = jax.random.split(key, 16)
    x = jax.random.normal(ks[0], (N, 11), dtype=jnp.float32)
    edge_index = jax.random.randint(ks[1], (2, E), 0, N, dtype=jnp.int64)
    s = 0.1
    return {
        'x': x,
        'edge_index': edge_index,
        'W1l': jax.random.normal(ks[2], (11, 32), dtype=jnp.float32) * s,
        'b1l': jnp.zeros((32,), dtype=jnp.float32),
        'W1r': jax.random.normal(ks[3], (11, 32), dtype=jnp.float32) * s,
        'g1': jnp.ones((32,), dtype=jnp.float32),
        'be1': jnp.zeros((32,), dtype=jnp.float32),
        'W2l': jax.random.normal(ks[4], (32, 32), dtype=jnp.float32) * s,
        'b2l': jnp.zeros((32,), dtype=jnp.float32),
        'W2r': jax.random.normal(ks[5], (32, 32), dtype=jnp.float32) * s,
        'g2': jnp.ones((32,), dtype=jnp.float32),
        'be2': jnp.zeros((32,), dtype=jnp.float32),
        'Wm1': jax.random.normal(ks[6], (32, 64), dtype=jnp.float32) * s,
        'bm1': jnp.zeros((64,), dtype=jnp.float32),
        'Wm2': jax.random.normal(ks[7], (64, 1), dtype=jnp.float32) * s,
        'bm2': jnp.zeros((1,), dtype=jnp.float32),
    }

def _sage_conv(x, edge_index, Wl, bl, Wr):
    src = edge_index[0]
    dst = edge_index[1]
    msg = jnp.take(x, src, axis=0)
    agg = jax.ops.segment_sum(msg, dst, num_segments=x.shape[0])
    cnt = jax.ops.segment_sum(jnp.ones((edge_index.shape[1],), dtype=x.dtype), dst, num_segments=x.shape[0])
    agg = agg / jnp.clip(cnt, 1.0)[:, None]
    return agg @ Wl + bl + x @ Wr

def _batch_norm(x, g, b, eps=1e-5):
    mean = jnp.mean(x, axis=0)
    var = jnp.var(x, axis=0)
    return (x - mean) / jnp.sqrt(var + eps) * g + b

def reference(x, edge_index, W1l, b1l, W1r, g1, be1, W2l, b2l, W2r, g2, be2, Wm1, bm1, Wm2, bm2):
    h = _sage_conv(x, edge_index, W1l, b1l, W1r)
    h = _batch_norm(h, g1, be1)
    h = jax.nn.relu(h)
    # dropout identity (eval mode)
    h = _sage_conv(h, edge_index, W2l, b2l, W2r)
    h = _batch_norm(h, g2, be2)
    h = jax.nn.relu(h)
    h = jax.nn.relu(h @ Wm1 + bm1)
    h = h @ Wm2 + bm2
    return jnp.squeeze(h, axis=-1)

if __name__ == "__main__":
    import jax
    _d = setup_inputs()
    print(jax.jit(kernel)(*tuple(_d.values())))

</pallas_src>

<mosaic_0001>
#map = affine_map<(d0, d1) -> (0, 0)>
#map1 = affine_map<(d0, d1) -> (0, 0, 0)>
module attributes {stable_mosaic.version = 14 : i64} {
  func.func @body(%arg0: i32, %arg1: i32, %arg2: memref<100000x16xf32, #tpu.memory_space<hbm>>, %arg3: memref<2x50000x128xi32, #tpu.memory_space<hbm>>, %arg4: memref<6256x16xf32, #tpu.memory_space<hbm>>, %arg5: memref<100096x16xf32, #tpu.memory_space<hbm>>, %arg6: memref<100096x16xf32, #tpu.memory_space<hbm>>, %arg7: memref<3x2x5x128xi32, #tpu.memory_space<vmem>>, %arg8: memref<2x5x128x16xf32, #tpu.memory_space<vmem>>, %arg9: memref<100096x16xf32, #tpu.memory_space<vmem_shared>>, %arg10: memref<!tpu.dma_semaphore, #tpu.memory_space<semaphore_mem>>, %arg11: memref<!tpu.dma_semaphore, #tpu.memory_space<semaphore_mem>>, %arg12: memref<!tpu.dma_semaphore, #tpu.memory_space<semaphore_mem>>) attributes {dimension_semantics = [#tpu.dimension_semantics<core_parallel>, #tpu.dimension_semantics<subcore_parallel>], iteration_bounds = array<i64: 2, 16>, scalar_prefetch = 0 : i64, scratch_operands = 6 : i64, tpu.core_type = #tpu.core_type<sc_vector_subcore>, window_params = [{transform_indices = #map}, {transform_indices = #map1}, {transform_indices = #map}, {transform_indices = #map}, {transform_indices = #map}]} {
    %mul3A = arith.constant 6256 : i32
    %mul3A_0 = arith.muli %arg1, %mul3A : i32
    "tpu.region"() ({
      %run_scoped3A_260 = tpu.sem_alloc : memref<!tpu.dma_semaphore, #tpu.memory_space<semaphore_mem>>
      %dma_start3A_261 = arith.constant 0 : i32
      %dma_start3A_262 = tpu.memref_slice %arg9[%mul3A_0, %dma_start3A_261] : memref<100096x16xf32, #tpu.memory_space<vmem_shared>> -> memref<6256x16xf32, #tpu.memory_space<vmem_shared>>
      tpu.enqueue_dma source(%arg4 : memref<6256x16xf32, #tpu.memory_space<hbm>>) target(%dma_start3A_262 : memref<6256x16xf32, #tpu.memory_space<vmem_shared>>) target_semaphore(%run_scoped3A_260 : memref<!tpu.dma_semaphore, #tpu.memory_space<semaphore_mem>>)
      %dma_wait3A_263 = arith.constant 0 : i32
      %dma_wait3A_264 = tpu.memref_slice %arg9[%mul3A_0, %dma_wait3A_263] : memref<100096x16xf32, #tpu.memory_space<vmem_shared>> -> memref<6256x16xf32, #tpu.memory_space<vmem_shared>>
      tpu.wait_dma2 semaphore(%run_scoped3A_260 : memref<!tpu.dma_semaphore, #tpu.memory_space<semaphore_mem>>) src(%arg4 : memref<6256x16xf32, #tpu.memory_space<hbm>>) dst(%dma_wait3A_264 : memref<6256x16xf32, #tpu.memory_space<vmem_shared>>)
      tpu.yield
    }) : () -> ()
    %barrier3A = arith.constant 0 : index
    tpu.barrier barrier_id(%barrier3A)
    %mul3A_1 = arith.constant 5000 : i32
    %mul3A_2 = arith.muli %arg0, %mul3A_1 : i32
    %mul3A_3 = arith.constant 5000 : i32
    %mul3A_4 = arith.muli %arg1, %mul3A_3 : i32
    %jit3A = arith.constant 16 : i32
    %div3A = arith.divsi %mul3A_4, %jit3A : i32
    %sign3A = arith.constant 0 : i32
    %sign3A_5 = arith.cmpi sgt, %mul3A_4, %sign3A : i32
    %sign3A_6 = arith.extui %sign3A_5 : i1 to i32
    %sign3A_7 = arith.constant 0 : i32
    %sign3A_8 = arith.cmpi slt, %mul3A_4, %sign3A_7 : i32
    %sign3A_9 = arith.extui %sign3A_8 : i1 to i32
    %sign3A_10 = arith.subi %sign3A_6, %sign3A_9 : i32
    %sign3A_11 = arith.constant 0 : i32
    %sign3A_12 = arith.cmpi sgt, %jit3A, %sign3A_11 : i32
    %sign3A_13 = arith.extui %sign3A_12 : i1 to i32
    %sign3A_14 = arith.constant 0 : i32
    %sign3A_15 = arith.cmpi slt, %jit3A, %sign3A_14 : i32
    %sign3A_16 = arith.extui %sign3A_15 : i1 to i32
    %sign3A_17 = arith.subi %sign3A_13, %sign3A_16 : i32
    %ne3A = arith.cmpi ne, %sign3A_10, %sign3A_17 : i32
    %rem3A = arith.remsi %mul3A_4, %jit3A : i32
    %ne3A_18 = arith.constant 0 : i32
    %ne3A_19 = arith.cmpi ne, %rem3A, %ne3A_18 : i32
    %and3A = arith.andi %ne3A, %ne3A_19 : i1
    %sub3A = arith.constant 1 : i32
    %sub3A_20 = arith.subi %div3A, %sub3A : i32
    %select_n3A = arith.select %and3A, %sub3A_20, %div3A : i32
    %add3A = arith.addi %mul3A_2, %select_n3A : i32
    %mul3A_21 = arith.constant 5000 : i32
    %mul3A_22 = arith.muli %arg0, %mul3A_21 : i32
    %add3A_23 = arith.constant 1 : i32
    %add3A_24 = arith.addi %arg1, %add3A_23 : i32
    %mul3A_25 = arith.constant 5000 : i32
    %mul3A_26 = arith.muli %add3A_24, %mul3A_25 : i32
    %jit3A_27 = arith.constant 16 : i32
    %div3A_28 = arith.divsi %mul3A_26, %jit3A_27 : i32
    %sign3A_29 = arith.constant 0 : i32
    %sign3A_30 = arith.cmpi sgt, %mul3A_26, %sign3A_29 : i32
    %sign3A_31 = arith.extui %sign3A_30 : i1 to i32
    %sign3A_32 = arith.constant 0 : i32
    %sign3A_33 = arith.cmpi slt, %mul3A_26, %sign3A_32 : i32
    %sign3A_34 = arith.extui %sign3A_33 : i1 to i32
    %sign3A_35 = arith.subi %sign3A_31, %sign3A_34 : i32
    %sign3A_36 = arith.constant 0 : i32
    %sign3A_37 = arith.cmpi sgt, %jit3A_27, %sign3A_36 : i32
    %sign3A_38 = arith.extui %sign3A_37 : i1 to i32
    %sign3A_39 = arith.constant 0 : i32
    %sign3A_40 = arith.cmpi slt, %jit3A_27, %sign3A_39 : i32
    %sign3A_41 = arith.extui %sign3A_40 : i1 to i32
    %sign3A_42 = arith.subi %sign3A_38, %sign3A_41 : i32
    %ne3A_43 = arith.cmpi ne, %sign3A_35, %sign3A_42 : i32
    %rem3A_44 = arith.remsi %mul3A_26, %jit3A_27 : i32
    %ne3A_45 = arith.constant 0 : i32
    %ne3A_46 = arith.cmpi ne, %rem3A_44, %ne3A_45 : i32
    %and3A_47 = arith.andi %ne3A_43, %ne3A_46 : i1
    %sub3A_48 = arith.constant 1 : i32
    %sub3A_49 = arith.subi %div3A_28, %sub3A_48 : i32
    %select_n3A_50 = arith.select %and3A_47, %sub3A_49, %div3A_28 : i32
    %add3A_51 = arith.addi %mul3A_22, %select_n3A_50 : i32
    %sub3A_52 = arith.subi %add3A_51, %add3A : i32
    %mul3A_53 = arith.constant 5 : i32
    %mul3A_54 = arith.muli %add3A, %mul3A_53 : i32
    %run_scoped3A = arith.constant 0 : i32
    %run_scoped3A_55 = arith.constant 0 : i32
    %run_scoped3A_56 = arith.constant 0 : i32
    "tpu.region"() ({
      %run_scoped3A_260 = tpu.sem_alloc : memref<!tpu.dma_semaphore, #tpu.memory_space<semaphore_mem>>
      %dma_start3A_261 = arith.constant 0 : i32
      %dma_start3A_262 = arith.constant 0 : i32
      %dma_start3A_263 = tpu.memref_slice %arg7[%run_scoped3A_55, %run_scoped3A_56, %dma_start3A_261, %dma_start3A_262] : memref<3x2x5x128xi32, #tpu.memory_space<vmem>> -> memref<1x1x5x128xi32, #tpu.memory_space<vmem>>
      %dma_start3A_264 = tpu.memref_squeeze %dma_start3A_263 : memref<1x1x5x128xi32, #tpu.memory_space<vmem>> -> memref<5x128xi32, #tpu.memory_space<vmem>>
      %dma_start3A_265 = arith.constant 0 : i32
      %dma_start3A_266 = tpu.memref_slice %arg3[%run_scoped3A, %mul3A_54, %dma_start3A_265] : memref<2x50000x128xi32, #tpu.memory_space<hbm>> -> memref<1x5x128xi32, #tpu.memory_space<hbm>>
      %dma_start3A_267 = tpu.memref_squeeze %dma_start3A_266 : memref<1x5x128xi32, #tpu.memory_space<hbm>> -> memref<5x128xi32, #tpu.memory_space<hbm>>
      %dma_start3A_268 = arith.constant 0 : i32
      %dma_start3A_269 = arith.constant 0 : i32
      %dma_start3A_270 = tpu.memref_slice %arg7[%run_scoped3A_55, %run_scoped3A_56, %dma_start3A_268, %dma_start3A_269] : memref<3x2x5x128xi32, #tpu.memory_space<vmem>> -> memref<1x1x5x128xi32, #tpu.memory_space<vmem>>
      %dma_start3A_271 = tpu.memref_squeeze %dma_start3A_270 : memref<1x1x5x128xi32, #tpu.memory_space<vmem>> -> memref<5x128xi32, #tpu.memory_space<vmem>>
      %dma_start3A_272 = arith.constant 0 : i32
      %dma_start3A_273 = tpu.memref_slice %arg3[%run_scoped3A, %mul3A_54, %dma_start3A_272] : memref<2x50000x128xi32, #tpu.memory_space<hbm>> -> memref<1x5x128xi32, #tpu.memory_space<hbm>>
      %dma_start3A_274 = tpu.memref_squeeze %dma_start3A_273 : memref<1x5x128xi32, #tpu.memory_space<hbm>> -> memref<5x128xi32, #tpu.memory_space<hbm>>
      tpu.enqueue_dma source(%dma_start3A_274 : memref<5x128xi32, #tpu.memory_space<hbm>>) target(%dma_start3A_271 : memref<5x128xi32, #tpu.memory_space<vmem>>) target_semaphore(%run_scoped3A_260 : memref<!tpu.dma_semaphore, #tpu.memory_space<semaphore_mem>>)
      %dma_wait3A_275 = arith.constant 0 : i32
      %dma_wait3A_276 = arith.constant 0 : i32
      %dma_wait3A_277 = tpu.memref_slice %arg7[%run_scoped3A_55, %run_scoped3A_56, %dma_wait3A_275, %dma_wait3A_276] : memref<3x2x5x128xi32, #tpu.memory_space<vmem>> -> memref<1x1x5x128xi32, #tpu.memory_space<vmem>>
      %dma_wait3A_278 = tpu.memref_squeeze %dma_wait3A_277 : memref<1x1x5x128xi32, #tpu.memory_space<vmem>> -> memref<5x128xi32, #tpu.memory_space<vmem>>
      %dma_wait3A_279 = arith.constant 0 : i32
      %dma_wait3A_280 = tpu.memref_slice %arg3[%run_scoped3A, %mul3A_54, %dma_wait3A_279] : memref<2x50000x128xi32, #tpu.memory_space<hbm>> -> memref<1x5x128xi32, #tpu.memory_space<hbm>>
      %dma_wait3A_281 = tpu.memref_squeeze %dma_wait3A_280 : memref<1x5x128xi32, #tpu.memory_space<hbm>> -> memref<5x128xi32, #tpu.memory_space<hbm>>
      %dma_wait3A_282 = arith.constant 0 : i32
      %dma_wait3A_283 = arith.constant 0 : i32
      %dma_wait3A_284 = tpu.memref_slice %arg7[%run_scoped3A_55, %run_scoped3A_56, %dma_wait3A_282, %dma_wait3A_283] : memref<3x2x5x128xi32, #tpu.memory_space<vmem>> -> memref<1x1x5x128xi32, #tpu.memory_space<vmem>>
      %dma_wait3A_285 = tpu.memref_squeeze %dma_wait3A_284 : memref<1x1x5x128xi32, #tpu.memory_space<vmem>> -> memref<5x128xi32, #tpu.memory_space<vmem>>
      %dma_wait3A_286 = arith.constant 0 : i32
      %dma_wait3A_287 = tpu.memref_slice %arg3[%run_scoped3A, %mul3A_54, %dma_wait3A_286] : memref<2x50000x128xi32, #tpu.memory_space<hbm>> -> memref<1x5x128xi32, #tpu.memory_space<hbm>>
      %dma_wait3A_288 = tpu.memref_squeeze %dma_wait3A_287 : memref<1x5x128xi32, #tpu.memory_space<hbm>> -> memref<5x128xi32, #tpu.memory_space<hbm>>
      tpu.wait_dma2 semaphore(%run_scoped3A_260 : memref<!tpu.dma_semaphore, #tpu.memory_space<semaphore_mem>>) src(%dma_wait3A_288 : memref<5x128xi32, #tpu.memory_space<hbm>>) dst(%dma_wait3A_285 : memref<5x128xi32, #tpu.memory_space<vmem>>)
      tpu.yield
    }) : () -> ()
    %run_scoped3A_57 = arith.constant 1 : i32
    %run_scoped3A_58 = arith.constant 0 : i32
    %run_scoped3A_59 = arith.constant 1 : i32
    "tpu.region"() ({
      %run_scoped3A_260 = tpu.sem_alloc : memref<!tpu.dma_semaphore, #tpu.memory_space<semaphore_mem>>
      %dma_start3A_261 = arith.constant 0 : i32
      %dma_start3A_262 = arith.constant 0 : i32
      %dma_start3A_263 = tpu.memref_slice %arg7[%run_scoped3A_58, %run_scoped3A_59, %dma_start3A_261, %dma_start3A_262] : memref<3x2x5x128xi32, #tpu.memory_space<vmem>> -> memref<1x1x5x128xi32, #tpu.memory_space<vmem>>
      %dma_start3A_264 = tpu.memref_squeeze %dma_start3A_263 : memref<1x1x5x128xi32, #tpu.memory_space<vmem>> -> memref<5x128xi32, #tpu.memory_space<vmem>>
      %dma_start3A_265 = arith.constant 0 : i32
      %dma_start3A_266 = tpu.memref_slice %arg3[%run_scoped3A_57, %mul3A_54, %dma_start3A_265] : memref<2x50000x128xi32, #tpu.memory_space<hbm>> -> memref<1x5x128xi32, #tpu.memory_space<hbm>>
      %dma_start3A_267 = tpu.memref_squeeze %dma_start3A_266 : memref<1x5x128xi32, #tpu.memory_space<hbm>> -> memref<5x128xi32, #tpu.memory_space<hbm>>
      %dma_start3A_268 = arith.constant 0 : i32
      %dma_start3A_269 = arith.constant 0 : i32
      %dma_start3A_270 = tpu.memref_slice %arg7[%run_scoped3A_58, %run_scoped3A_59, %dma_start3A_268, %dma_start3A_269] : memref<3x2x5x128xi32, #tpu.memory_space<vmem>> -> memref<1x1x5x128xi32, #tpu.memory_space<vmem>>
      %dma_start3A_271 = tpu.memref_squeeze %dma_start3A_270 : memref<1x1x5x128xi32, #tpu.memory_space<vmem>> -> memref<5x128xi32, #tpu.memory_space<vmem>>
      %dma_start3A_272 = arith.constant 0 : i32
      %dma_start3A_273 = tpu.memref_slice %arg3[%run_scoped3A_57, %mul3A_54, %dma_start3A_272] : memref<2x50000x128xi32, #tpu.memory_space<hbm>> -> memref<1x5x128xi32, #tpu.memory_space<hbm>>
      %dma_start3A_274 = tpu.memref_squeeze %dma_start3A_273 : memref<1x5x128xi32, #tpu.memory_space<hbm>> -> memref<5x128xi32, #tpu.memory_space<hbm>>
      tpu.enqueue_dma source(%dma_start3A_274 : memref<5x128xi32, #tpu.memory_space<hbm>>) target(%dma_start3A_271 : memref<5x128xi32, #tpu.memory_space<vmem>>) target_semaphore(%run_scoped3A_260 : memref<!tpu.dma_semaphore, #tpu.memory_space<semaphore_mem>>)
      %dma_wait3A_275 = arith.constant 0 : i32
      %dma_wait3A_276 = arith.constant 0 : i32
      %dma_wait3A_277 = tpu.memref_slice %arg7[%run_scoped3A_58, %run_scoped3A_59, %dma_wait3A_275, %dma_wait3A_276] : memref<3x2x5x128xi32, #tpu.memory_space<vmem>> -> memref<1x1x5x128xi32, #tpu.memory_space<vmem>>
      %dma_wait3A_278 = tpu.memref_squeeze %dma_wait3A_277 : memref<1x1x5x128xi32, #tpu.memory_space<vmem>> -> memref<5x128xi32, #tpu.memory_space<vmem>>
      %dma_wait3A_279 = arith.constant 0 : i32
      %dma_wait3A_280 = tpu.memref_slice %arg3[%run_scoped3A_57, %mul3A_54, %dma_wait3A_279] : memref<2x50000x128xi32, #tpu.memory_space<hbm>> -> memref<1x5x128xi32, #tpu.memory_space<hbm>>
      %dma_wait3A_281 = tpu.memref_squeeze %dma_wait3A_280 : memref<1x5x128xi32, #tpu.memory_space<hbm>> -> memref<5x128xi32, #tpu.memory_space<hbm>>
      %dma_wait3A_282 = arith.constant 0 : i32
      %dma_wait3A_283 = arith.constant 0 : i32
      %dma_wait3A_284 = tpu.memref_slice %arg7[%run_scoped3A_58, %run_scoped3A_59, %dma_wait3A_282, %dma_wait3A_283] : memref<3x2x5x128xi32, #tpu.memory_space<vmem>> -> memref<1x1x5x128xi32, #tpu.memory_space<vmem>>
      %dma_wait3A_285 = tpu.memref_squeeze %dma_wait3A_284 : memref<1x1x5x128xi32, #tpu.memory_space<vmem>> -> memref<5x128xi32, #tpu.memory_space<vmem>>
      %dma_wait3A_286 = arith.constant 0 : i32
      %dma_wait3A_287 = tpu.memref_slice %arg3[%run_scoped3A_57, %mul3A_54, %dma_wait3A_286] : memref<2x50000x128xi32, #tpu.memory_space<hbm>> -> memref<1x5x128xi32, #tpu.memory_space<hbm>>
      %dma_wait3A_288 = tpu.memref_squeeze %dma_wait3A_287 : memref<1x5x128xi32, #tpu.memory_space<hbm>> -> memref<5x128xi32, #tpu.memory_space<hbm>>
      tpu.wait_dma2 semaphore(%run_scoped3A_260 : memref<!tpu.dma_semaphore, #tpu.memory_space<semaphore_mem>>) src(%dma_wait3A_288 : memref<5x128xi32, #tpu.memory_space<hbm>>) dst(%dma_wait3A_285 : memref<5x128xi32, #tpu.memory_space<vmem>>)
      tpu.yield
    }) : () -> ()
    %rem3A_60 = arith.constant 0 : i32
    %rem3A_61 = arith.constant 3 : i32
    %rem3A_62 = arith.remsi %rem3A_60, %rem3A_61 : i32
    %rem3A_63 = arith.constant 0 : i32
    %rem3A_64 = arith.constant 2 : i32
    %rem3A_65 = arith.remsi %rem3A_63, %rem3A_64 : i32
    %dma_start3A = arith.constant 0 : i32
    %dma_start3A_66 = arith.constant 0 : i32
    %dma_start3A_67 = arith.constant 0 : i32
    %dma_start3A_68 = arith.constant 0 : i32
    %dma_start3A_69 = arith.constant 0 : i32
    %dma_start3A_70 = tpu.memref_slice %arg8[%rem3A_65, %dma_start3A_67, %dma_start3A_68, %dma_start3A_69] : memref<2x5x128x16xf32, #tpu.memory_space<vmem>> -> memref<1x1x128x16xf32, #tpu.memory_space<vmem>>
    %dma_start3A_71 = tpu.memref_squeeze %dma_start3A_70 : memref<1x1x128x16xf32, #tpu.memory_space<vmem>> -> memref<128x16xf32, #tpu.memory_space<vmem>>
    %dma_start3A_72 = arith.constant 0 : i32
    %dma_start3A_73 = tpu.memref_slice %arg7[%rem3A_62, %dma_start3A, %dma_start3A_66, %dma_start3A_72] : memref<3x2x5x128xi32, #tpu.memory_space<vmem>> -> memref<1x1x1x128xi32, #tpu.memory_space<vmem>>
    %dma_start3A_74 = tpu.memref_squeeze %dma_start3A_73 : memref<1x1x1x128xi32, #tpu.memory_space<vmem>> -> memref<128xi32, #tpu.memory_space<vmem>>
    %dma_start3A_75 = arith.constant 0 : i32
    %dma_start3A_76 = arith.constant 0 : i32
    %dma_start3A_77 = tpu.memref_slice %arg2[%dma_start3A_75, %dma_start3A_76] : memref<100000x16xf32, #tpu.memory_space<hbm>> -> memref<100000x16xf32, #tpu.memory_space<hbm>>
    tpu.enqueue_indirect_dma source(%dma_start3A_77 : memref<100000x16xf32, #tpu.memory_space<hbm>>) target(%dma_start3A_71 : memref<128x16xf32, #tpu.memory_space<vmem>>) offsets(%dma_start3A_74 : memref<128xi32, #tpu.memory_space<vmem>>) semaphore(%arg10 : memref<!tpu.dma_semaphore, #tpu.memory_space<semaphore_mem>>)
    %dma_start3A_78 = arith.constant 0 : i32
    %dma_start3A_79 = arith.constant 1 : i32
    %dma_start3A_80 = arith.constant 1 : i32
    %dma_start3A_81 = arith.constant 0 : i32
    %dma_start3A_82 = arith.constant 0 : i32
    %dma_start3A_83 = tpu.memref_slice %arg8[%rem3A_65, %dma_start3A_80, %dma_start3A_81, %dma_start3A_82] : memref<2x5x128x16xf32, #tpu.memory_space<vmem>> -> memref<1x1x128x16xf32, #tpu.memory_space<vmem>>
    %dma_start3A_84 = tpu.memref_squeeze %dma_start3A_83 : memref<1x1x128x16xf32, #tpu.memory_space<vmem>> -> memref<128x16xf32, #tpu.memory_space<vmem>>
    %dma_start3A_85 = arith.constant 0 : i32
    %dma_start3A_86 = tpu.memref_slice %arg7[%rem3A_62, %dma_start3A_78, %dma_start3A_79, %dma_start3A_85] : memref<3x2x5x128xi32, #tpu.memory_space<vmem>> -> memref<1x1x1x128xi32, #tpu.memory_space<vmem>>
    %dma_start3A_87 = tpu.memref_squeeze %dma_start3A_86 : memref<1x1x1x128xi32, #tpu.memory_space<vmem>> -> memref<128xi32, #tpu.memory_space<vmem>>
    %dma_start3A_88 = arith.constant 0 : i32
    %dma_start3A_89 = arith.constant 0 : i32
    %dma_start3A_90 = tpu.memref_slice %arg2[%dma_start3A_88, %dma_start3A_89] : memref<100000x16xf32, #tpu.memory_space<hbm>> -> memref<100000x16xf32, #tpu.memory_space<hbm>>
    tpu.enqueue_indirect_dma source(%dma_start3A_90 : memref<100000x16xf32, #tpu.memory_space<hbm>>) target(%dma_start3A_84 : memref<128x16xf32, #tpu.memory_space<vmem>>) offsets(%dma_start3A_87 : memref<128xi32, #tpu.memory_space<vmem>>) semaphore(%arg10 : memref<!tpu.dma_semaphore, #tpu.memory_space<semaphore_mem>>)
    %dma_start3A_91 = arith.constant 0 : i32
    %dma_start3A_92 = arith.constant 2 : i32
    %dma_start3A_93 = arith.constant 2 : i32
    %dma_start3A_94 = arith.constant 0 : i32
    %dma_start3A_95 = arith.constant 0 : i32
    %dma_start3A_96 = tpu.memref_slice %arg8[%rem3A_65, %dma_start3A_93, %dma_start3A_94, %dma_start3A_95] : memref<2x5x128x16xf32, #tpu.memory_space<vmem>> -> memref<1x1x128x16xf32, #tpu.memory_space<vmem>>
    %dma_start3A_97 = tpu.memref_squeeze %dma_start3A_96 : memref<1x1x128x16xf32, #tpu.memory_space<vmem>> -> memref<128x16xf32, #tpu.memory_space<vmem>>
    %dma_start3A_98 = arith.constant 0 : i32
    %dma_start3A_99 = tpu.memref_slice %arg7[%rem3A_62, %dma_start3A_91, %dma_start3A_92, %dma_start3A_98] : memref<3x2x5x128xi32, #tpu.memory_space<vmem>> -> memref<1x1x1x128xi32, #tpu.memory_space<vmem>>
    %dma_start3A_100 = tpu.memref_squeeze %dma_start3A_99 : memref<1x1x1x128xi32, #tpu.memory_space<vmem>> -> memref<128xi32, #tpu.memory_space<vmem>>
    %dma_start3A_101 = arith.constant 0 : i32
    %dma_start3A_102 = arith.constant 0 : i32
    %dma_start3A_103 = tpu.memref_slice %arg2[%dma_start3A_101, %dma_start3A_102] : memref<100000x16xf32, #tpu.memory_space<hbm>> -> memref<100000x16xf32, #tpu.memory_space<hbm>>
    tpu.enqueue_indirect_dma source(%dma_start3A_103 : memref<100000x16xf32, #tpu.memory_space<hbm>>) target(%dma_start3A_97 : memref<128x16xf32, #tpu.memory_space<vmem>>) offsets(%dma_start3A_100 : memref<128xi32, #tpu.memory_space<vmem>>) semaphore(%arg10 : memref<!tpu.dma_semaphore, #tpu.memory_space<semaphore_mem>>)
    %dma_start3A_104 = arith.constant 0 : i32
    %dma_start3A_105 = arith.constant 3 : i32
    %dma_start3A_106 = arith.constant 3 : i32
    %dma_start3A_107 = arith.constant 0 : i32
    %dma_start3A_108 = arith.constant 0 : i32
    %dma_start3A_109 = tpu.memref_slice %arg8[%rem3A_65, %dma_start3A_106, %dma_start3A_107, %dma_start3A_108] : memref<2x5x128x16xf32, #tpu.memory_space<vmem>> -> memref<1x1x128x16xf32, #tpu.memory_space<vmem>>
    %dma_start3A_110 = tpu.memref_squeeze %dma_start3A_109 : memref<1x1x128x16xf32, #tpu.memory_space<vmem>> -> memref<128x16xf32, #tpu.memory_space<vmem>>
    %dma_start3A_111 = arith.constant 0 : i32
    %dma_start3A_112 = tpu.memref_slice %arg7[%rem3A_62, %dma_start3A_104, %dma_start3A_105, %dma_start3A_111] : memref<3x2x5x128xi32, #tpu.memory_space<vmem>> -> memref<1x1x1x128xi32, #tpu.memory_space<vmem>>
    %dma_start3A_113 = tpu.memref_squeeze %dma_start3A_112 : memref<1x1x1x128xi32, #tpu.memory_space<vmem>> -> memref<128xi32, #tpu.memory_space<vmem>>
    %dma_start3A_114 = arith.constant 0 : i32
    %dma_start3A_115 = arith.constant 0 : i32
    %dma_start3A_116 = tpu.memref_slice %arg2[%dma_start3A_114, %dma_start3A_115] : memref<100000x16xf32, #tpu.memory_space<hbm>> -> memref<100000x16xf32, #tpu.memory_space<hbm>>
    tpu.enqueue_indirect_dma source(%dma_start3A_116 : memref<100000x16xf32, #tpu.memory_space<hbm>>) target(%dma_start3A_110 : memref<128x16xf32, #tpu.memory_space<vmem>>) offsets(%dma_start3A_113 : memref<128xi32, #tpu.memory_space<vmem>>) semaphore(%arg10 : memref<!tpu.dma_semaphore, #tpu.memory_space<semaphore_mem>>)
    %dma_start3A_117 = arith.constant 0 : i32
    %dma_start3A_118 = arith.constant 4 : i32
    %dma_start3A_119 = arith.constant 4 : i32
    %dma_start3A_120 = arith.constant 0 : i32
    %dma_start3A_121 = arith.constant 0 : i32
    %dma_start3A_122 = tpu.memref_slice %arg8[%rem3A_65, %dma_start3A_119, %dma_start3A_120, %dma_start3A_121] : memref<2x5x128x16xf32, #tpu.memory_space<vmem>> -> memref<1x1x128x16xf32, #tpu.memory_space<vmem>>
    %dma_start3A_123 = tpu.memref_squeeze %dma_start3A_122 : memref<1x1x128x16xf32, #tpu.memory_space<vmem>> -> memref<128x16xf32, #tpu.memory_space<vmem>>
    %dma_start3A_124 = arith.constant 0 : i32
    %dma_start3A_125 = tpu.memref_slice %arg7[%rem3A_62, %dma_start3A_117, %dma_start3A_118, %dma_start3A_124] : memref<3x2x5x128xi32, #tpu.memory_space<vmem>> -> memref<1x1x1x128xi32, #tpu.memory_space<vmem>>
    %dma_start3A_126 = tpu.memref_squeeze %dma_start3A_125 : memref<1x1x1x128xi32, #tpu.memory_space<vmem>> -> memref<128xi32, #tpu.memory_space<vmem>>
    %dma_start3A_127 = arith.constant 0 : i32
    %dma_start3A_128 = arith.constant 0 : i32
    %dma_start3A_129 = tpu.memref_slice %arg2[%dma_start3A_127, %dma_start3A_128] : memref<100000x16xf32, #tpu.memory_space<hbm>> -> memref<100000x16xf32, #tpu.memory_space<hbm>>
    tpu.enqueue_indirect_dma source(%dma_start3A_129 : memref<100000x16xf32, #tpu.memory_space<hbm>>) target(%dma_start3A_123 : memref<128x16xf32, #tpu.memory_space<vmem>>) offsets(%dma_start3A_126 : memref<128xi32, #tpu.memory_space<vmem>>) semaphore(%arg10 : memref<!tpu.dma_semaphore, #tpu.memory_space<semaphore_mem>>)
    %rem3A_130 = arith.constant 1 : i32
    %rem3A_131 = arith.constant 3 : i32
    %rem3A_132 = arith.remsi %rem3A_130, %rem3A_131 : i32
    %add3A_133 = arith.constant 1 : i32
    %add3A_134 = arith.addi %add3A, %add3A_133 : i32
    %mul3A_135 = arith.constant 5 : i32
    %mul3A_136 = arith.muli %add3A_134, %mul3A_135 : i32
    %dma_start3A_137 = arith.constant 0 : i32
    %dma_start3A_138 = arith.constant 0 : i32
    %dma_start3A_139 = arith.constant 0 : i32
    %dma_start3A_140 = arith.constant 0 : i32
    %dma_start3A_141 = tpu.memref_slice %arg7[%rem3A_132, %dma_start3A_138, %dma_start3A_139, %dma_start3A_140] : memref<3x2x5x128xi32, #tpu.memory_space<vmem>> -> memref<1x1x5x128xi32, #tpu.memory_space<vmem>>
    %dma_start3A_142 = tpu.memref_squeeze %dma_start3A_141 : memref<1x1x5x128xi32, #tpu.memory_space<vmem>> -> memref<5x128xi32, #tpu.memory_space<vmem>>
    %dma_start3A_143 = arith.constant 0 : i32
    %dma_start3A_144 = tpu.memref_slice %arg3[%dma_start3A_137, %mul3A_136, %dma_start3A_143] : memref<2x50000x128xi32, #tpu.memory_space<hbm>> -> memref<1x5x128xi32, #tpu.memory_space<hbm>>
    %dma_start3A_145 = tpu.memref_squeeze %dma_start3A_144 : memref<1x5x128xi32, #tpu.memory_space<hbm>> -> memref<5x128xi32, #tpu.memory_space<hbm>>
    %dma_start3A_146 = arith.constant 0 : i32
    %dma_start3A_147 = arith.constant 0 : i32
    %dma_start3A_148 = tpu.memref_slice %arg7[%rem3A_132, %dma_start3A_138, %dma_start3A_146, %dma_start3A_147] : memref<3x2x5x128xi32, #tpu.memory_space<vmem>> -> memref<1x1x5x128xi32, #tpu.memory_space<vmem>>
    %dma_start3A_149 = tpu.memref_squeeze %dma_start3A_148 : memref<1x1x5x128xi32, #tpu.memory_space<vmem>> -> memref<5x128xi32, #tpu.memory_space<vmem>>
    %dma_start3A_150 = arith.constant 0 : i32
    %dma_start3A_151 = tpu.memref_slice %arg3[%dma_start3A_137, %mul3A_136, %dma_start3A_150] : memref<2x50000x128xi32, #tpu.memory_space<hbm>> -> memref<1x5x128xi32, #tpu.memory_space<hbm>>
    %dma_start3A_152 = tpu.memref_squeeze %dma_start3A_151 : memref<1x5x128xi32, #tpu.memory_space<hbm>> -> memref<5x128xi32, #tpu.memory_space<hbm>>
    tpu.enqueue_dma source(%dma_start3A_152 : memref<5x128xi32, #tpu.memory_space<hbm>>) target(%dma_start3A_149 : memref<5x128xi32, #tpu.memory_space<vmem>>) target_semaphore(%arg12 : memref<!tpu.dma_semaphore, #tpu.memory_space<semaphore_mem>>)
    %dma_start3A_153 = arith.constant 1 : i32
    %dma_start3A_154 = arith.constant 1 : i32
    %dma_start3A_155 = arith.constant 0 : i32
    %dma_start3A_156 = arith.constant 0 : i32
    %dma_start3A_157 = tpu.memref_slice %arg7[%rem3A_132, %dma_start3A_154, %dma_start3A_155, %dma_start3A_156] : memref<3x2x5x128xi32, #tpu.memory_space<vmem>> -> memref<1x1x5x128xi32, #tpu.memory_space<vmem>>
    %dma_start3A_158 = tpu.memref_squeeze %dma_start3A_157 : memref<1x1x5x128xi32, #tpu.memory_space<vmem>> -> memref<5x128xi32, #tpu.memory_space<vmem>>
    %dma_start3A_159 = arith.constant 0 : i32
    %dma_start3A_160 = tpu.memref_slice %arg3[%dma_start3A_153, %mul3A_136, %dma_start3A_159] : memref<2x50000x128xi32, #tpu.memory_space<hbm>> -> memref<1x5x128xi32, #tpu.memory_space<hbm>>
    %dma_start3A_161 = tpu.memref_squeeze %dma_start3A_160 : memref<1x5x128xi32, #tpu.memory_space<hbm>> -> memref<5x128xi32, #tpu.memory_space<hbm>>
    %dma_start3A_162 = arith.constant 0 : i32
    %dma_start3A_163 = arith.constant 0 : i32
    %dma_start3A_164 = tpu.memref_slice %arg7[%rem3A_132, %dma_start3A_154, %dma_start3A_162, %dma_start3A_163] : memref<3x2x5x128xi32, #tpu.memory_space<vmem>> -> memref<1x1x5x128xi32, #tpu.memory_space<vmem>>
    %dma_start3A_165 = tpu.memref_squeeze %dma_start3A_164 : memref<1x1x5x128xi32, #tpu.memory_space<vmem>> -> memref<5x128xi32, #tpu.memory_space<vmem>>
    %dma_start3A_166 = arith.constant 0 : i32
    %dma_start3A_167 = tpu.memref_slice %arg3[%dma_start3A_153, %mul3A_136, %dma_start3A_166] : memref<2x50000x128xi32, #tpu.memory_space<hbm>> -> memref<1x5x128xi32, #tpu.memory_space<hbm>>
    %dma_start3A_168 = tpu.memref_squeeze %dma_start3A_167 : memref<1x5x128xi32, #tpu.memory_space<hbm>> -> memref<5x128xi32, #tpu.memory_space<hbm>>
    tpu.enqueue_dma source(%dma_start3A_168 : memref<5x128xi32, #tpu.memory_space<hbm>>) target(%dma_start3A_165 : memref<5x128xi32, #tpu.memory_space<vmem>>) target_semaphore(%arg12 : memref<!tpu.dma_semaphore, #tpu.memory_space<semaphore_mem>>)
    %while3A = arith.constant 0 : i32
    %while3A_169 = arith.constant 0 : i32
    %while3A_170 = arith.subi %sub3A_52, %while3A_169 : i32
    %while3A_171 = arith.addi %while3A_169, %while3A_170 : i32
    %while3A_172 = arith.constant 1 : i32
    %while3A_173 = arith.divsi %while3A_170, %while3A_172 : i32
    %while3A_174 = arith.muli %while3A_173, %while3A_172 : i32
    %while3A_175 = arith.addi %while3A_169, %while3A_174 : i32
    %while3A_176 = arith.constant 1 : i32
    scf.for %while3A_260 = %while3A_169 to %while3A_175 step %while3A_176  : i32 {
      %rem3A_261 = arith.constant 3 : i32
      %rem3A_262 = arith.remsi %while3A_260, %rem3A_261 : i32
      %rem3A_263 = arith.constant 2 : i32
      %rem3A_264 = arith.remsi %while3A_260, %rem3A_263 : i32
      %dma_wait3A_265 = arith.constant 0 : i32
      %dma_wait3A_266 = arith.constant 0 : i32
      %dma_wait3A_267 = arith.constant 0 : i32
      %dma_wait3A_268 = arith.constant 0 : i32
      %dma_wait3A_269 = arith.constant 0 : i32
      %dma_wait3A_270 = tpu.memref_slice %arg8[%rem3A_264, %dma_wait3A_267, %dma_wait3A_268, %dma_wait3A_269] : memref<2x5x128x16xf32, #tpu.memory_space<vmem>> -> memref<1x1x128x16xf32, #tpu.memory_space<vmem>>
      %dma_wait3A_271 = tpu.memref_squeeze %dma_wait3A_270 : memref<1x1x128x16xf32, #tpu.memory_space<vmem>> -> memref<128x16xf32, #tpu.memory_space<vmem>>
      %dma_wait3A_272 = arith.constant 0 : i32
      %dma_wait3A_273 = tpu.memref_slice %arg7[%rem3A_262, %dma_wait3A_265, %dma_wait3A_266, %dma_wait3A_272] : memref<3x2x5x128xi32, #tpu.memory_space<vmem>> -> memref<1x1x1x128xi32, #tpu.memory_space<vmem>>
      %dma_wait3A_274 = tpu.memref_squeeze %dma_wait3A_273 : memref<1x1x1x128xi32, #tpu.memory_space<vmem>> -> memref<128xi32, #tpu.memory_space<vmem>>
      %dma_wait3A_275 = arith.constant 0 : i32
      %dma_wait3A_276 = arith.constant 0 : i32
      %dma_wait3A_277 = tpu.memref_slice %arg2[%dma_wait3A_275, %dma_wait3A_276] : memref<100000x16xf32, #tpu.memory_space<hbm>> -> memref<100000x16xf32, #tpu.memory_space<hbm>>
      tpu.wait_indirect_dma semaphore(%arg10 : memref<!tpu.dma_semaphore, #tpu.memory_space<semaphore_mem>>) src(%dma_wait3A_277 : memref<100000x16xf32, #tpu.memory_space<hbm>>) dst(%dma_wait3A_271 : memref<128x16xf32, #tpu.memory_space<vmem>>)
      %dma_wait3A_278 = arith.constant 0 : i32
      %dma_wait3A_279 = arith.constant 1 : i32
      %dma_wait3A_280 = arith.constant 1 : i32
      %dma_wait3A_281 = arith.constant 0 : i32
      %dma_wait3A_282 = arith.constant 0 : i32
      %dma_wait3A_283 = tpu.memref_slice %arg8[%rem3A_264, %dma_wait3A_280, %dma_wait3A_281, %dma_wait3A_282] : memref<2x5x128x16xf32, #tpu.memory_space<vmem>> -> memref<1x1x128x16xf32, #tpu.memory_space<vmem>>
      %dma_wait3A_284 = tpu.memref_squeeze %dma_wait3A_283 : memref<1x1x128x16xf32, #tpu.memory_space<vmem>> -> memref<128x16xf32, #tpu.memory_space<vmem>>
      %dma_wait3A_285 = arith.constant 0 : i32
      %dma_wait3A_286 = tpu.memref_slice %arg7[%rem3A_262, %dma_wait3A_278, %dma_wait3A_279, %dma_wait3A_285] : memref<3x2x5x128xi32, #tpu.memory_space<vmem>> -> memref<1x1x1x128xi32, #tpu.memory_space<vmem>>
      %dma_wait3A_287 = tpu.memref_squeeze %dma_wait3A_286 : memref<1x1x1x128xi32, #tpu.memory_space<vmem>> -> memref<128xi32, #tpu.memory_space<vmem>>
      %dma_wait3A_288 = arith.constant 0 : i32
      %dma_wait3A_289 = arith.constant 0 : i32
      %dma_wait3A_290 = tpu.memref_slice %arg2[%dma_wait3A_288, %dma_wait3A_289] : memref<100000x16xf32, #tpu.memory_space<hbm>> -> memref<100000x16xf32, #tpu.memory_space<hbm>>
      tpu.wait_indirect_dma semaphore(%arg10 : memref<!tpu.dma_semaphore, #tpu.memory_space<semaphore_mem>>) src(%dma_wait3A_290 : memref<100000x16xf32, #tpu.memory_space<hbm>>) dst(%dma_wait3A_284 : memref<128x16xf32, #tpu.memory_space<vmem>>)
      %dma_wait3A_291 = arith.constant 0 : i32
      %dma_wait3A_292 = arith.constant 2 : i32
      %dma_wait3A_293 = arith.constant 2 : i32
      %dma_wait3A_294 = arith.constant 0 : i32
      %dma_wait3A_295 = arith.constant 0 : i32
      %dma_wait3A_296 = tpu.memref_slice %arg8[%rem3A_264, %dma_wait3A_293, %dma_wait3A_294, %dma_wait3A_295] : memref<2x5x128x16xf32, #tpu.memory_space<vmem>> -> memref<1x1x128x16xf32, #tpu.memory_space<vmem>>
      %dma_wait3A_297 = tpu.memref_squeeze %dma_wait3A_296 : memref<1x1x128x16xf32, #tpu.memory_space<vmem>> -> memref<128x16xf32, #tpu.memory_space<vmem>>
      %dma_wait3A_298 = arith.constant 0 : i32
      %dma_wait3A_299 = tpu.memref_slice %arg7[%rem3A_262, %dma_wait3A_291, %dma_wait3A_292, %dma_wait3A_298] : memref<3x2x5x128xi32, #tpu.memory_space<vmem>> -> memref<1x1x1x128xi32, #tpu.memory_space<vmem>>
      %dma_wait3A_300 = tpu.memref_squeeze %dma_wait3A_299 : memref<1x1x1x128xi32, #tpu.memory_space<vmem>> -> memref<128xi32, #tpu.memory_space<vmem>>
      %dma_wait3A_301 = arith.constant 0 : i32
      %dma_wait3A_302 = arith.constant 0 : i32
      %dma_wait3A_303 = tpu.memref_slice %arg2[%dma_wait3A_301, %dma_wait3A_302] : memref<100000x16xf32, #tpu.memory_space<hbm>> -> memref<100000x16xf32, #tpu.memory_space<hbm>>
      tpu.wait_indirect_dma semaphore(%arg10 : memref<!tpu.dma_semaphore, #tpu.memory_space<semaphore_mem>>) src(%dma_wait3A_303 : memref<100000x16xf32, #tpu.memory_space<hbm>>) dst(%dma_wait3A_297 : memref<128x16xf32, #tpu.memory_space<vmem>>)
      %dma_wait3A_304 = arith.constant 0 : i32
      %dma_wait3A_305 = arith.constant 3 : i32
      %dma_wait3A_306 = arith.constant 3 : i32
      %dma_wait3A_307 = arith.constant 0 : i32
      %dma_wait3A_308 = arith.constant 0 : i32
      %dma_wait3A_309 = tpu.memref_slice %arg8[%rem3A_264, %dma_wait3A_306, %dma_wait3A_307, %dma_wait3A_308] : memref<2x5x128x16xf32, #tpu.memory_space<vmem>> -> memref<1x1x128x16xf32, #tpu.memory_space<vmem>>
      %dma_wait3A_310 = tpu.memref_squeeze %dma_wait3A_309 : memref<1x1x128x16xf32, #tpu.memory_space<vmem>> -> memref<128x16xf32, #tpu.memory_space<vmem>>
      %dma_wait3A_311 = arith.constant 0 : i32
      %dma_wait3A_312 = tpu.memref_slice %arg7[%rem3A_262, %dma_wait3A_304, %dma_wait3A_305, %dma_wait3A_311] : memref<3x2x5x128xi32, #tpu.memory_space<vmem>> -> memref<1x1x1x128xi32, #tpu.memory_space<vmem>>
      %dma_wait3A_313 = tpu.memref_squeeze %dma_wait3A_312 : memref<1x1x1x128xi32, #tpu.memory_space<vmem>> -> memref<128xi32, #tpu.memory_space<vmem>>
      %dma_wait3A_314 = arith.constant 0 : i32
      %dma_wait3A_315 = arith.constant 0 : i32
      %dma_wait3A_316 = tpu.memref_slice %arg2[%dma_wait3A_314, %dma_wait3A_315] : memref<100000x16xf32, #tpu.memory_space<hbm>> -> memref<100000x16xf32, #tpu.memory_space<hbm>>
      tpu.wait_indirect_dma semaphore(%arg10 : memref<!tpu.dma_semaphore, #tpu.memory_space<semaphore_mem>>) src(%dma_wait3A_316 : memref<100000x16xf32, #tpu.memory_space<hbm>>) dst(%dma_wait3A_310 : memref<128x16xf32, #tpu.memory_space<vmem>>)
      %dma_wait3A_317 = arith.constant 0 : i32
      %dma_wait3A_318 = arith.constant 4 : i32
      %dma_wait3A_319 = arith.constant 4 : i32
      %dma_wait3A_320 = arith.constant 0 : i32
      %dma_wait3A_321 = arith.constant 0 : i32
      %dma_wait3A_322 = tpu.memref_slice %arg8[%rem3A_264, %dma_wait3A_319, %dma_wait3A_320, %dma_wait3A_321] : memref<2x5x128x16xf32, #tpu.memory_space<vmem>> -> memref<1x1x128x16xf32, #tpu.memory_space<vmem>>
      %dma_wait3A_323 = tpu.memref_squeeze %dma_wait3A_322 : memref<1x1x128x16xf32, #tpu.memory_space<vmem>> -> memref<128x16xf32, #tpu.memory_space<vmem>>
      %dma_wait3A_324 = arith.constant 0 : i32
      %dma_wait3A_325 = tpu.memref_slice %arg7[%rem3A_262, %dma_wait3A_317, %dma_wait3A_318, %dma_wait3A_324] : memref<3x2x5x128xi32, #tpu.memory_space<vmem>> -> memref<1x1x1x128xi32, #tpu.memory_space<vmem>>
      %dma_wait3A_326 = tpu.memref_squeeze %dma_wait3A_325 : memref<1x1x1x128xi32, #tpu.memory_space<vmem>> -> memref<128xi32, #tpu.memory_space<vmem>>
      %dma_wait3A_327 = arith.constant 0 : i32
      %dma_wait3A_328 = arith.constant 0 : i32
      %dma_wait3A_329 = tpu.memref_slice %arg2[%dma_wait3A_327, %dma_wait3A_328] : memref<100000x16xf32, #tpu.memory_space<hbm>> -> memref<100000x16xf32, #tpu.memory_space<hbm>>
      tpu.wait_indirect_dma semaphore(%arg10 : memref<!tpu.dma_semaphore, #tpu.memory_space<semaphore_mem>>) src(%dma_wait3A_329 : memref<100000x16xf32, #tpu.memory_space<hbm>>) dst(%dma_wait3A_323 : memref<128x16xf32, #tpu.memory_space<vmem>>)
      %dma_start3A_330 = arith.constant 0 : i32
      %dma_start3A_331 = arith.constant 1 : i32
      %dma_start3A_332 = arith.constant 0 : i32
      %dma_start3A_333 = arith.constant 0 : i32
      %dma_start3A_334 = arith.constant 0 : i32
      %dma_start3A_335 = tpu.memref_slice %arg8[%rem3A_264, %dma_start3A_330, %dma_start3A_333, %dma_start3A_334] : memref<2x5x128x16xf32, #tpu.memory_space<vmem>> -> memref<1x1x128x16xf32, #tpu.memory_space<vmem>>
      %dma_start3A_336 = tpu.memref_squeeze %dma_start3A_335 : memref<1x1x128x16xf32, #tpu.memory_space<vmem>> -> memref<128x16xf32, #tpu.memory_space<vmem>>
      %dma_start3A_337 = arith.constant 0 : i32
      %dma_start3A_338 = tpu.memref_slice %arg7[%rem3A_262, %dma_start3A_331, %dma_start3A_332, %dma_start3A_337] : memref<3x2x5x128xi32, #tpu.memory_space<vmem>> -> memref<1x1x1x128xi32, #tpu.memory_space<vmem>>
      %dma_start3A_339 = tpu.memref_squeeze %dma_start3A_338 : memref<1x1x1x128xi32, #tpu.memory_space<vmem>> -> memref<128xi32, #tpu.memory_space<vmem>>
      %dma_start3A_340 = arith.constant 0 : i32
      %dma_start3A_341 = arith.constant 0 : i32
      %dma_start3A_342 = tpu.memref_slice %arg9[%dma_start3A_340, %dma_start3A_341] : memref<100096x16xf32, #tpu.memory_space<vmem_shared>> -> memref<100096x16xf32, #tpu.memory_space<vmem_shared>>
      tpu.enqueue_indirect_dma source(%dma_start3A_336 : memref<128x16xf32, #tpu.memory_space<vmem>>) target(%dma_start3A_342 : memref<100096x16xf32, #tpu.memory_space<vmem_shared>>) offsets(%dma_start3A_339 : memref<128xi32, #tpu.memory_space<vmem>>) semaphore(%arg11 : memref<!tpu.dma_semaphore, #tpu.memory_space<semaphore_mem>>) {add = true}
      %dma_start3A_343 = arith.constant 1 : i32
      %dma_start3A_344 = arith.constant 1 : i32
      %dma_start3A_345 = arith.constant 1 : i32
      %dma_start3A_346 = arith.constant 0 : i32
      %dma_start3A_347 = arith.constant 0 : i32
      %dma_start3A_348 = tpu.memref_slice %arg8[%rem3A_264, %dma_start3A_343, %dma_start3A_346, %dma_start3A_347] : memref<2x5x128x16xf32, #tpu.memory_space<vmem>> -> memref<1x1x128x16xf32, #tpu.memory_space<vmem>>
      %dma_start3A_349 = tpu.memref_squeeze %dma_start3A_348 : memref<1x1x128x16xf32, #tpu.memory_space<vmem>> -> memref<128x16xf32, #tpu.memory_space<vmem>>
      %dma_start3A_350 = arith.constant 0 : i32
      %dma_start3A_351 = tpu.memref_slice %arg7[%rem3A_262, %dma_start3A_344, %dma_start3A_345, %dma_start3A_350] : memref<3x2x5x128xi32, #tpu.memory_space<vmem>> -> memref<1x1x1x128xi32, #tpu.memory_space<vmem>>
      %dma_start3A_352 = tpu.memref_squeeze %dma_start3A_351 : memref<1x1x1x128xi32, #tpu.memory_space<vmem>> -> memref<128xi32, #tpu.memory_space<vmem>>
      %dma_start3A_353 = arith.constant 0 : i32
      %dma_start3A_354 = arith.constant 0 : i32
      %dma_start3A_355 = tpu.memref_slice %arg9[%dma_start3A_353, %dma_start3A_354] : memref<100096x16xf32, #tpu.memory_space<vmem_shared>> -> memref<100096x16xf32, #tpu.memory_space<vmem_shared>>
      tpu.enqueue_indirect_dma source(%dma_start3A_349 : memref<128x16xf32, #tpu.memory_space<vmem>>) target(%dma_start3A_355 : memref<100096x16xf32, #tpu.memory_space<vmem_shared>>) offsets(%dma_start3A_352 : memref<128xi32, #tpu.memory_space<vmem>>) semaphore(%arg11 : memref<!tpu.dma_semaphore, #tpu.memory_space<semaphore_mem>>) {add = true}
      %dma_start3A_356 = arith.constant 2 : i32
      %dma_start3A_357 = arith.constant 1 : i32
      %dma_start3A_358 = arith.constant 2 : i32
      %dma_start3A_359 = arith.constant 0 : i32
      %dma_start3A_360 = arith.constant 0 : i32
      %dma_start3A_361 = tpu.memref_slice %arg8[%rem3A_264, %dma_start3A_356, %dma_start3A_359, %dma_start3A_360] : memref<2x5x128x16xf32, #tpu.memory_space<vmem>> -> memref<1x1x128x16xf32, #tpu.memory_space<vmem>>
      %dma_start3A_362 = tpu.memref_squeeze %dma_start3A_361 : memref<1x1x128x16xf32, #tpu.memory_space<vmem>> -> memref<128x16xf32, #tpu.memory_space<vmem>>
      %dma_start3A_363 = arith.constant 0 : i32
      %dma_start3A_364 = tpu.memref_slice %arg7[%rem3A_262, %dma_start3A_357, %dma_start3A_358, %dma_start3A_363] : memref<3x2x5x128xi32, #tpu.memory_space<vmem>> -> memref<1x1x1x128xi32, #tpu.memory_space<vmem>>
      %dma_start3A_365 = tpu.memref_squeeze %dma_start3A_364 : memref<1x1x1x128xi32, #tpu.memory_space<vmem>> -> memref<128xi32, #tpu.memory_space<vmem>>
      %dma_start3A_366 = arith.constant 0 : i32
      %dma_start3A_367 = arith.constant 0 : i32
      %dma_start3A_368 = tpu.memref_slice %arg9[%dma_start3A_366, %dma_start3A_367] : memref<100096x16xf32, #tpu.memory_space<vmem_shared>> -> memref<100096x16xf32, #tpu.memory_space<vmem_shared>>
      tpu.enqueue_indirect_dma source(%dma_start3A_362 : memref<128x16xf32, #tpu.memory_space<vmem>>) target(%dma_start3A_368 : memref<100096x16xf32, #tpu.memory_space<vmem_shared>>) offsets(%dma_start3A_365 : memref<128xi32, #tpu.memory_space<vmem>>) semaphore(%arg11 : memref<!tpu.dma_semaphore, #tpu.memory_space<semaphore_mem>>) {add = true}
      %dma_start3A_369 = arith.constant 3 : i32
      %dma_start3A_370 = arith.constant 1 : i32
      %dma_start3A_371 = arith.constant 3 : i32
      %dma_start3A_372 = arith.constant 0 : i32
      %dma_start3A_373 = arith.constant 0 : i32
      %dma_start3A_374 = tpu.memref_slice %arg8[%rem3A_264, %dma_start3A_369, %dma_start3A_372, %dma_start3A_373] : memref<2x5x128x16xf32, #tpu.memory_space<vmem>> -> memref<1x1x128x16xf32, #tpu.memory_space<vmem>>
      %dma_start3A_375 = tpu.memref_squeeze %dma_start3A_374 : memref<1x1x128x16xf32, #tpu.memory_space<vmem>> -> memref<128x16xf32, #tpu.memory_space<vmem>>
      %dma_start3A_376 = arith.constant 0 : i32
      %dma_start3A_377 = tpu.memref_slice %arg7[%rem3A_262, %dma_start3A_370, %dma_start3A_371, %dma_start3A_376] : memref<3x2x5x128xi32, #tpu.memory_space<vmem>> -> memref<1x1x1x128xi32, #tpu.memory_space<vmem>>
      %dma_start3A_378 = tpu.memref_squeeze %dma_start3A_377 : memref<1x1x1x128xi32, #tpu.memory_space<vmem>> -> memref<128xi32, #tpu.memory_space<vmem>>
      %dma_start3A_379 = arith.constant 0 : i32
      %dma_start3A_380 = arith.constant 0 : i32
      %dma_start3A_381 = tpu.memref_slice %arg9[%dma_start3A_379, %dma_start3A_380] : memref<100096x16xf32, #tpu.memory_space<vmem_shared>> -> memref<100096x16xf32, #tpu.memory_space<vmem_shared>>
      tpu.enqueue_indirect_dma source(%dma_start3A_375 : memref<128x16xf32, #tpu.memory_space<vmem>>) target(%dma_start3A_381 : memref<100096x16xf32, #tpu.memory_space<vmem_shared>>) offsets(%dma_start3A_378 : memref<128xi32, #tpu.memory_space<vmem>>) semaphore(%arg11 : memref<!tpu.dma_semaphore, #tpu.memory_space<semaphore_mem>>) {add = true}
      %dma_start3A_382 = arith.constant 4 : i32
      %dma_start3A_383 = arith.constant 1 : i32
      %dma_start3A_384 = arith.constant 4 : i32
      %dma_start3A_385 = arith.constant 0 : i32
      %dma_start3A_386 = arith.constant 0 : i32
      %dma_start3A_387 = tpu.memref_slice %arg8[%rem3A_264, %dma_start3A_382, %dma_start3A_385, %dma_start3A_386] : memref<2x5x128x16xf32, #tpu.memory_space<vmem>> -> memref<1x1x128x16xf32, #tpu.memory_space<vmem>>
      %dma_start3A_388 = tpu.memref_squeeze %dma_start3A_387 : memref<1x1x128x16xf32, #tpu.memory_space<vmem>> -> memref<128x16xf32, #tpu.memory_space<vmem>>
      %dma_start3A_389 = arith.constant 0 : i32
      %dma_start3A_390 = tpu.memref_slice %arg7[%rem3A_262, %dma_start3A_383, %dma_start3A_384, %dma_start3A_389] : memref<3x2x5x128xi32, #tpu.memory_space<vmem>> -> memref<1x1x1x128xi32, #tpu.memory_space<vmem>>
      %dma_start3A_391 = tpu.memref_squeeze %dma_start3A_390 : memref<1x1x1x128xi32, #tpu.memory_space<vmem>> -> memref<128xi32, #tpu.memory_space<vmem>>
      %dma_start3A_392 = arith.constant 0 : i32
      %dma_start3A_393 = arith.constant 0 : i32
      %dma_start3A_394 = tpu.memref_slice %arg9[%dma_start3A_392, %dma_start3A_393] : memref<100096x16xf32, #tpu.memory_space<vmem_shared>> -> memref<100096x16xf32, #tpu.memory_space<vmem_shared>>
      tpu.enqueue_indirect_dma source(%dma_start3A_388 : memref<128x16xf32, #tpu.memory_space<vmem>>) target(%dma_start3A_394 : memref<100096x16xf32, #tpu.memory_space<vmem_shared>>) offsets(%dma_start3A_391 : memref<128xi32, #tpu.memory_space<vmem>>) semaphore(%arg11 : memref<!tpu.dma_semaphore, #tpu.memory_space<semaphore_mem>>) {add = true}
      %add3A_395 = arith.constant 1 : i32
      %add3A_396 = arith.addi %while3A_260, %add3A_395 : i32
      %lt3A = arith.cmpi slt, %add3A_396, %sub3A_52 : i32
      %convert_element_type3A_397 = arith.extui %lt3A : i1 to i32
      %cond3A_398 = arith.constant 0 : i32
      %cond3A_399 = arith.cmpi ne, %convert_element_type3A_397, %cond3A_398 : i32
      scf.if %cond3A_399 {
        %dma_wait3A_416 = arith.constant 0 : i32
        %dma_wait3A_417 = arith.constant 0 : i32
        %dma_wait3A_418 = arith.constant 0 : i32
        %dma_wait3A_419 = arith.constant 0 : i32
        %dma_wait3A_420 = arith.constant 0 : i32
        %dma_wait3A_421 = tpu.memref_slice %arg7[%dma_wait3A_417, %dma_wait3A_418, %dma_wait3A_419, %dma_wait3A_420] : memref<3x2x5x128xi32, #tpu.memory_space<vmem>> -> memref<1x1x5x128xi32, #tpu.memory_space<vmem>>
        %dma_wait3A_422 = tpu.memref_squeeze %dma_wait3A_421 : memref<1x1x5x128xi32, #tpu.memory_space<vmem>> -> memref<5x128xi32, #tpu.memory_space<vmem>>
        %dma_wait3A_423 = arith.constant 0 : i32
        %dma_wait3A_424 = tpu.memref_slice %arg3[%dma_wait3A_416, %mul3A_54, %dma_wait3A_423] : memref<2x50000x128xi32, #tpu.memory_space<hbm>> -> memref<1x5x128xi32, #tpu.memory_space<hbm>>
        %dma_wait3A_425 = tpu.memref_squeeze %dma_wait3A_424 : memref<1x5x128xi32, #tpu.memory_space<hbm>> -> memref<5x128xi32, #tpu.memory_space<hbm>>
        %dma_wait3A_426 = arith.constant 0 : i32
        %dma_wait3A_427 = arith.constant 0 : i32
        %dma_wait3A_428 = tpu.memref_slice %arg7[%dma_wait3A_417, %dma_wait3A_418, %dma_wait3A_426, %dma_wait3A_427] : memref<3x2x5x128xi32, #tpu.memory_space<vmem>> -> memref<1x1x5x128xi32, #tpu.memory_space<vmem>>
        %dma_wait3A_429 = tpu.memref_squeeze %dma_wait3A_428 : memref<1x1x5x128xi32, #tpu.memory_space<vmem>> -> memref<5x128xi32, #tpu.memory_space<vmem>>
        %dma_wait3A_430 = arith.constant 0 : i32
        %dma_wait3A_431 = tpu.memref_slice %arg3[%dma_wait3A_416, %mul3A_54, %dma_wait3A_430] : memref<2x50000x128xi32, #tpu.memory_space<hbm>> -> memref<1x5x128xi32, #tpu.memory_space<hbm>>
        %dma_wait3A_432 = tpu.memref_squeeze %dma_wait3A_431 : memref<1x5x128xi32, #tpu.memory_space<hbm>> -> memref<5x128xi32, #tpu.memory_space<hbm>>
        tpu.wait_dma2 semaphore(%arg12 : memref<!tpu.dma_semaphore, #tpu.memory_space<semaphore_mem>>) src(%dma_wait3A_432 : memref<5x128xi32, #tpu.memory_space<hbm>>) dst(%dma_wait3A_429 : memref<5x128xi32, #tpu.memory_space<vmem>>)
        %dma_wait3A_433 = arith.constant 1 : i32
        %dma_wait3A_434 = arith.constant 0 : i32
        %dma_wait3A_435 = arith.constant 1 : i32
        %dma_wait3A_436 = arith.constant 0 : i32
        %dma_wait3A_437 = arith.constant 0 : i32
        %dma_wait3A_438 = tpu.memref_slice %arg7[%dma_wait3A_434, %dma_wait3A_435, %dma_wait3A_436, %dma_wait3A_437] : memref<3x2x5x128xi32, #tpu.memory_space<vmem>> -> memref<1x1x5x128xi32, #tpu.memory_space<vmem>>
        %dma_wait3A_439 = tpu.memref_squeeze %dma_wait3A_438 : memref<1x1x5x128xi32, #tpu.memory_space<vmem>> -> memref<5x128xi32, #tpu.memory_space<vmem>>
        %dma_wait3A_440 = arith.constant 0 : i32
        %dma_wait3A_441 = tpu.memref_slice %arg3[%dma_wait3A_433, %mul3A_54, %dma_wait3A_440] : memref<2x50000x128xi32, #tpu.memory_space<hbm>> -> memref<1x5x128xi32, #tpu.memory_space<hbm>>
        %dma_wait3A_442 = tpu.memref_squeeze %dma_wait3A_441 : memref<1x5x128xi32, #tpu.memory_space<hbm>> -> memref<5x128xi32, #tpu.memory_space<hbm>>
        %dma_wait3A_443 = arith.constant 0 : i32
        %dma_wait3A_444 = arith.constant 0 : i32
        %dma_wait3A_445 = tpu.memref_slice %arg7[%dma_wait3A_434, %dma_wait3A_435, %dma_wait3A_443, %dma_wait3A_444] : memref<3x2x5x128xi32, #tpu.memory_space<vmem>> -> memref<1x1x5x128xi32, #tpu.memory_space<vmem>>
        %dma_wait3A_446 = tpu.memref_squeeze %dma_wait3A_445 : memref<1x1x5x128xi32, #tpu.memory_space<vmem>> -> memref<5x128xi32, #tpu.memory_space<vmem>>
        %dma_wait3A_447 = arith.constant 0 : i32
        %dma_wait3A_448 = tpu.memref_slice %arg3[%dma_wait3A_433, %mul3A_54, %dma_wait3A_447] : memref<2x50000x128xi32, #tpu.memory_space<hbm>> -> memref<1x5x128xi32, #tpu.memory_space<hbm>>
        %dma_wait3A_449 = tpu.memref_squeeze %dma_wait3A_448 : memref<1x5x128xi32, #tpu.memory_space<hbm>> -> memref<5x128xi32, #tpu.memory_space<hbm>>
        tpu.wait_dma2 semaphore(%arg12 : memref<!tpu.dma_semaphore, #tpu.memory_space<semaphore_mem>>) src(%dma_wait3A_449 : memref<5x128xi32, #tpu.memory_space<hbm>>) dst(%dma_wait3A_446 : memref<5x128xi32, #tpu.memory_space<vmem>>)
      } else {
      }
      %ge3A = arith.constant 1 : i32
      %ge3A_400 = arith.cmpi sge, %while3A_260, %ge3A : i32
      %convert_element_type3A_401 = arith.extui %ge3A_400 : i1 to i32
      %cond3A_402 = arith.constant 0 : i32
      %cond3A_403 = arith.cmpi ne, %convert_element_type3A_401, %cond3A_402 : i32
      scf.if %cond3A_403 {
        %dma_wait3A_416 = arith.constant 0 : i32
        %dma_wait3A_417 = arith.constant 0 : i32
        %dma_wait3A_418 = arith.constant 0 : i32
        %dma_wait3A_419 = arith.constant 1 : i32
        %dma_wait3A_420 = arith.constant 0 : i32
        %dma_wait3A_421 = arith.constant 0 : i32
        %dma_wait3A_422 = arith.constant 0 : i32
        %dma_wait3A_423 = tpu.memref_slice %arg8[%dma_wait3A_416, %dma_wait3A_417, %dma_wait3A_421, %dma_wait3A_422] : memref<2x5x128x16xf32, #tpu.memory_space<vmem>> -> memref<1x1x128x16xf32, #tpu.memory_space<vmem>>
        %dma_wait3A_424 = tpu.memref_squeeze %dma_wait3A_423 : memref<1x1x128x16xf32, #tpu.memory_space<vmem>> -> memref<128x16xf32, #tpu.memory_space<vmem>>
        %dma_wait3A_425 = arith.constant 0 : i32
        %dma_wait3A_426 = tpu.memref_slice %arg7[%dma_wait3A_418, %dma_wait3A_419, %dma_wait3A_420, %dma_wait3A_425] : memref<3x2x5x128xi32, #tpu.memory_space<vmem>> -> memref<1x1x1x128xi32, #tpu.memory_space<vmem>>
        %dma_wait3A_427 = tpu.memref_squeeze %dma_wait3A_426 : memref<1x1x1x128xi32, #tpu.memory_space<vmem>> -> memref<128xi32, #tpu.memory_space<vmem>>
        %dma_wait3A_428 = arith.constant 0 : i32
        %dma_wait3A_429 = arith.constant 0 : i32
        %dma_wait3A_430 = tpu.memref_slice %arg9[%dma_wait3A_428, %dma_wait3A_429] : memref<100096x16xf32, #tpu.memory_space<vmem_shared>> -> memref<100096x16xf32, #tpu.memory_space<vmem_shared>>
        tpu.wait_indirect_dma semaphore(%arg11 : memref<!tpu.dma_semaphore, #tpu.memory_space<semaphore_mem>>) src(%dma_wait3A_424 : memref<128x16xf32, #tpu.memory_space<vmem>>) dst(%dma_wait3A_430 : memref<100096x16xf32, #tpu.memory_space<vmem_shared>>)
        %dma_wait3A_431 = arith.constant 0 : i32
        %dma_wait3A_432 = arith.constant 1 : i32
        %dma_wait3A_433 = arith.constant 0 : i32
        %dma_wait3A_434 = arith.constant 1 : i32
        %dma_wait3A_435 = arith.constant 1 : i32
        %dma_wait3A_436 = arith.constant 0 : i32
        %dma_wait3A_437 = arith.constant 0 : i32
        %dma_wait3A_438 = tpu.memref_slice %arg8[%dma_wait3A_431, %dma_wait3A_432, %dma_wait3A_436, %dma_wait3A_437] : memref<2x5x128x16xf32, #tpu.memory_space<vmem>> -> memref<1x1x128x16xf32, #tpu.memory_space<vmem>>
        %dma_wait3A_439 = tpu.memref_squeeze %dma_wait3A_438 : memref<1x1x128x16xf32, #tpu.memory_space<vmem>> -> memref<128x16xf32, #tpu.memory_space<vmem>>
        %dma_wait3A_440 = arith.constant 0 : i32
        %dma_wait3A_441 = tpu.memref_slice %arg7[%dma_wait3A_433, %dma_wait3A_434, %dma_wait3A_435, %dma_wait3A_440] : memref<3x2x5x128xi32, #tpu.memory_space<vmem>> -> memref<1x1x1x128xi32, #tpu.memory_space<vmem>>
        %dma_wait3A_442 = tpu.memref_squeeze %dma_wait3A_441 : memref<1x1x1x128xi32, #tpu.memory_space<vmem>> -> memref<128xi32, #tpu.memory_space<vmem>>
        %dma_wait3A_443 = arith.constant 0 : i32
        %dma_wait3A_444 = arith.constant 0 : i32
        %dma_wait3A_445 = tpu.memref_slice %arg9[%dma_wait3A_443, %dma_wait3A_444] : memref<100096x16xf32, #tpu.memory_space<vmem_shared>> -> memref<100096x16xf32, #tpu.memory_space<vmem_shared>>
        tpu.wait_indirect_dma semaphore(%arg11 : memref<!tpu.dma_semaphore, #tpu.memory_space<semaphore_mem>>) src(%dma_wait3A_439 : memref<128x16xf32, #tpu.memory_space<vmem>>) dst(%dma_wait3A_445 : memref<100096x16xf32, #tpu.memory_space<vmem_shared>>)
        %dma_wait3A_446 = arith.constant 0 : i32
        %dma_wait3A_447 = arith.constant 2 : i32
        %dma_wait3A_448 = arith.constant 0 : i32
        %dma_wait3A_449 = arith.constant 1 : i32
        %dma_wait3A_450 = arith.constant 2 : i32
        %dma_wait3A_451 = arith.constant 0 : i32
        %dma_wait3A_452 = arith.constant 0 : i32
        %dma_wait3A_453 = tpu.memref_slice %arg8[%dma_wait3A_446, %dma_wait3A_447, %dma_wait3A_451, %dma_wait3A_452] : memref<2x5x128x16xf32, #tpu.memory_space<vmem>> -> memref<1x1x128x16xf32, #tpu.memory_space<vmem>>
        %dma_wait3A_454 = tpu.memref_squeeze %dma_wait3A_453 : memref<1x1x128x16xf32, #tpu.memory_space<vmem>> -> memref<128x16xf32, #tpu.memory_space<vmem>>
        %dma_wait3A_455 = arith.constant 0 : i32
        %dma_wait3A_456 = tpu.memref_slice %arg7[%dma_wait3A_448, %dma_wait3A_449, %dma_wait3A_450, %dma_wait3A_455] : memref<3x2x5x128xi32, #tpu.memory_space<vmem>> -> memref<1x1x1x128xi32, #tpu.memory_space<vmem>>
        %dma_wait3A_457 = tpu.memref_squeeze %dma_wait3A_456 : memref<1x1x1x128xi32, #tpu.memory_space<vmem>> -> memref<128xi32, #tpu.memory_space<vmem>>
        %dma_wait3A_458 = arith.constant 0 : i32
        %dma_wait3A_459 = arith.constant 0 : i32
        %dma_wait3A_460 = tpu.memref_slice %arg9[%dma_wait3A_458, %dma_wait3A_459] : memref<100096x16xf32, #tpu.memory_space<vmem_shared>> -> memref<100096x16xf32, #tpu.memory_space<vmem_shared>>
        tpu.wait_indirect_dma semaphore(%arg11 : memref<!tpu.dma_semaphore, #tpu.memory_space<semaphore_mem>>) src(%dma_wait3A_454 : memref<128x16xf32, #tpu.memory_space<vmem>>) dst(%dma_wait3A_460 : memref<100096x16xf32, #tpu.memory_space<vmem_shared>>)
        %dma_wait3A_461 = arith.constant 0 : i32
        %dma_wait3A_462 = arith.constant 3 : i32
        %dma_wait3A_463 = arith.constant 0 : i32
        %dma_wait3A_464 = arith.constant 1 : i32
        %dma_wait3A_465 = arith.constant 3 : i32
        %dma_wait3A_466 = arith.constant 0 : i32
        %dma_wait3A_467 = arith.constant 0 : i32
        %dma_wait3A_468 = tpu.memref_slice %arg8[%dma_wait3A_461, %dma_wait3A_462, %dma_wait3A_466, %dma_wait3A_467] : memref<2x5x128x16xf32, #tpu.memory_space<vmem>> -> memref<1x1x128x16xf32, #tpu.memory_space<vmem>>
        %dma_wait3A_469 = tpu.memref_squeeze %dma_wait3A_468 : memref<1x1x128x16xf32, #tpu.memory_space<vmem>> -> memref<128x16xf32, #tpu.memory_space<vmem>>
        %dma_wait3A_470 = arith.constant 0 : i32
        %dma_wait3A_471 = tpu.memref_slice %arg7[%dma_wait3A_463, %dma_wait3A_464, %dma_wait3A_465, %dma_wait3A_470] : memref<3x2x5x128xi32, #tpu.memory_space<vmem>> -> memref<1x1x1x128xi32, #tpu.memory_space<vmem>>
        %dma_wait3A_472 = tpu.memref_squeeze %dma_wait3A_471 : memref<1x1x1x128xi32, #tpu.memory_space<vmem>> -> memref<128xi32, #tpu.memory_space<vmem>>
        %dma_wait3A_473 = arith.constant 0 : i32
        %dma_wait3A_474 = arith.constant 0 : i32
        %dma_wait3A_475 = tpu.memref_slice %arg9[%dma_wait3A_473, %dma_wait3A_474] : memref<100096x16xf32, #tpu.memory_space<vmem_shared>> -> memref<100096x16xf32, #tpu.memory_space<vmem_shared>>
        tpu.wait_indirect_dma semaphore(%arg11 : memref<!tpu.dma_semaphore, #tpu.memory_space<semaphore_mem>>) src(%dma_wait3A_469 : memref<128x16xf32, #tpu.memory_space<vmem>>) dst(%dma_wait3A_475 : memref<100096x16xf32, #tpu.memory_space<vmem_shared>>)
        %dma_wait3A_476 = arith.constant 0 : i32
        %dma_wait3A_477 = arith.constant 4 : i32
        %dma_wait3A_478 = arith.constant 0 : i32
        %dma_wait3A_479 = arith.constant 1 : i32
        %dma_wait3A_480 = arith.constant 4 : i32
        %dma_wait3A_481 = arith.constant 0 : i32
        %dma_wait3A_482 = arith.constant 0 : i32
        %dma_wait3A_483 = tpu.memref_slice %arg8[%dma_wait3A_476, %dma_wait3A_477, %dma_wait3A_481, %dma_wait3A_482] : memref<2x5x128x16xf32, #tpu.memory_space<vmem>> -> memref<1x1x128x16xf32, #tpu.memory_space<vmem>>
        %dma_wait3A_484 = tpu.memref_squeeze %dma_wait3A_483 : memref<1x1x128x16xf32, #tpu.memory_space<vmem>> -> memref<128x16xf32, #tpu.memory_space<vmem>>
        %dma_wait3A_485 = arith.constant 0 : i32
        %dma_wait3A_486 = tpu.memref_slice %arg7[%dma_wait3A_478, %dma_wait3A_479, %dma_wait3A_480, %dma_wait3A_485] : memref<3x2x5x128xi32, #tpu.memory_space<vmem>> -> memref<1x1x1x128xi32, #tpu.memory_space<vmem>>
        %dma_wait3A_487 = tpu.memref_squeeze %dma_wait3A_486 : memref<1x1x1x128xi32, #tpu.memory_space<vmem>> -> memref<128xi32, #tpu.memory_space<vmem>>
        %dma_wait3A_488 = arith.constant 0 : i32
        %dma_wait3A_489 = arith.constant 0 : i32
        %dma_wait3A_490 = tpu.memref_slice %arg9[%dma_wait3A_488, %dma_wait3A_489] : memref<100096x16xf32, #tpu.memory_space<vmem_shared>> -> memref<100096x16xf32, #tpu.memory_space<vmem_shared>>
        tpu.wait_indirect_dma semaphore(%arg11 : memref<!tpu.dma_semaphore, #tpu.memory_space<semaphore_mem>>) src(%dma_wait3A_484 : memref<128x16xf32, #tpu.memory_space<vmem>>) dst(%dma_wait3A_490 : memref<100096x16xf32, #tpu.memory_space<vmem_shared>>)
      } else {
      }
      %add3A_404 = arith.constant 2 : i32
      %add3A_405 = arith.addi %while3A_260, %add3A_404 : i32
      %lt3A_406 = arith.cmpi slt, %add3A_405, %sub3A_52 : i32
      %convert_element_type3A_407 = arith.extui %lt3A_406 : i1 to i32
      %cond3A_408 = arith.constant 0 : i32
      %cond3A_409 = arith.cmpi ne, %convert_element_type3A_407, %cond3A_408 : i32
      scf.if %cond3A_409 {
        %add3A_416 = arith.constant 2 : i32
        %add3A_417 = arith.addi %while3A_260, %add3A_416 : i32
        %rem3A_418 = arith.constant 3 : i32
        %rem3A_419 = arith.remsi %add3A_417, %rem3A_418 : i32
        %add3A_420 = arith.addi %add3A, %add3A_417 : i32
        %mul3A_421 = arith.constant 5 : i32
        %mul3A_422 = arith.muli %add3A_420, %mul3A_421 : i32
        %dma_start3A_423 = arith.constant 0 : i32
        %dma_start3A_424 = arith.constant 0 : i32
        %dma_start3A_425 = arith.constant 0 : i32
        %dma_start3A_426 = arith.constant 0 : i32
        %dma_start3A_427 = tpu.memref_slice %arg7[%rem3A_419, %dma_start3A_424, %dma_start3A_425, %dma_start3A_426] : memref<3x2x5x128xi32, #tpu.memory_space<vmem>> -> memref<1x1x5x128xi32, #tpu.memory_space<vmem>>
        %dma_start3A_428 = tpu.memref_squeeze %dma_start3A_427 : memref<1x1x5x128xi32, #tpu.memory_space<vmem>> -> memref<5x128xi32, #tpu.memory_space<vmem>>
        %dma_start3A_429 = arith.constant 0 : i32
        %dma_start3A_430 = tpu.memref_slice %arg3[%dma_start3A_423, %mul3A_422, %dma_start3A_429] : memref<2x50000x128xi32, #tpu.memory_space<hbm>> -> memref<1x5x128xi32, #tpu.memory_space<hbm>>
        %dma_start3A_431 = tpu.memref_squeeze %dma_start3A_430 : memref<1x5x128xi32, #tpu.memory_space<hbm>> -> memref<5x128xi32, #tpu.memory_space<hbm>>
        %dma_start3A_432 = arith.constant 0 : i32
        %dma_start3A_433 = arith.constant 0 : i32
        %dma_start3A_434 = tpu.memref_slice %arg7[%rem3A_419, %dma_start3A_424, %dma_start3A_432, %dma_start3A_433] : memref<3x2x5x128xi32, #tpu.memory_space<vmem>> -> memref<1x1x5x128xi32, #tpu.memory_space<vmem>>
        %dma_start3A_435 = tpu.memref_squeeze %dma_start3A_434 : memref<1x1x5x128xi32, #tpu.memory_space<vmem>> -> memref<5x128xi32, #tpu.memory_space<vmem>>
        %dma_start3A_436 = arith.constant 0 : i32
        %dma_start3A_437 = tpu.memref_slice %arg3[%dma_start3A_423, %mul3A_422, %dma_start3A_436] : memref<2x50000x128xi32, #tpu.memory_space<hbm>> -> memref<1x5x128xi32, #tpu.memory_space<hbm>>
        %dma_start3A_438 = tpu.memref_squeeze %dma_start3A_437 : memref<1x5x128xi32, #tpu.memory_space<hbm>> -> memref<5x128xi32, #tpu.memory_space<hbm>>
        tpu.enqueue_dma source(%dma_start3A_438 : memref<5x128xi32, #tpu.memory_space<hbm>>) target(%dma_start3A_435 : memref<5x128xi32, #tpu.memory_space<vmem>>) target_semaphore(%arg12 : memref<!tpu.dma_semaphore, #tpu.memory_space<semaphore_mem>>)
        %dma_start3A_439 = arith.constant 1 : i32
        %dma_start3A_440 = arith.constant 1 : i32
        %dma_start3A_441 = arith.constant 0 : i32
        %dma_start3A_442 = arith.constant 0 : i32
        %dma_start3A_443 = tpu.memref_slice %arg7[%rem3A_419, %dma_start3A_440, %dma_start3A_441, %dma_start3A_442] : memref<3x2x5x128xi32, #tpu.memory_space<vmem>> -> memref<1x1x5x128xi32, #tpu.memory_space<vmem>>
        %dma_start3A_444 = tpu.memref_squeeze %dma_start3A_443 : memref<1x1x5x128xi32, #tpu.memory_space<vmem>> -> memref<5x128xi32, #tpu.memory_space<vmem>>
        %dma_start3A_445 = arith.constant 0 : i32
        %dma_start3A_446 = tpu.memref_slice %arg3[%dma_start3A_439, %mul3A_422, %dma_start3A_445] : memref<2x50000x128xi32, #tpu.memory_space<hbm>> -> memref<1x5x128xi32, #tpu.memory_space<hbm>>
        %dma_start3A_447 = tpu.memref_squeeze %dma_start3A_446 : memref<1x5x128xi32, #tpu.memory_space<hbm>> -> memref<5x128xi32, #tpu.memory_space<hbm>>
        %dma_start3A_448 = arith.constant 0 : i32
        %dma_start3A_449 = arith.constant 0 : i32
        %dma_start3A_450 = tpu.memref_slice %arg7[%rem3A_419, %dma_start3A_440, %dma_start3A_448, %dma_start3A_449] : memref<3x2x5x128xi32, #tpu.memory_space<vmem>> -> memref<1x1x5x128xi32, #tpu.memory_space<vmem>>
        %dma_start3A_451 = tpu.memref_squeeze %dma_start3A_450 : memref<1x1x5x128xi32, #tpu.memory_space<vmem>> -> memref<5x128xi32, #tpu.memory_space<vmem>>
        %dma_start3A_452 = arith.constant 0 : i32
        %dma_start3A_453 = tpu.memref_slice %arg3[%dma_start3A_439, %mul3A_422, %dma_start3A_452] : memref<2x50000x128xi32, #tpu.memory_space<hbm>> -> memref<1x5x128xi32, #tpu.memory_space<hbm>>
        %dma_start3A_454 = tpu.memref_squeeze %dma_start3A_453 : memref<1x5x128xi32, #tpu.memory_space<hbm>> -> memref<5x128xi32, #tpu.memory_space<hbm>>
        tpu.enqueue_dma source(%dma_start3A_454 : memref<5x128xi32, #tpu.memory_space<hbm>>) target(%dma_start3A_451 : memref<5x128xi32, #tpu.memory_space<vmem>>) target_semaphore(%arg12 : memref<!tpu.dma_semaphore, #tpu.memory_space<semaphore_mem>>)
      } else {
      }
      %add3A_410 = arith.constant 1 : i32
      %add3A_411 = arith.addi %while3A_260, %add3A_410 : i32
      %lt3A_412 = arith.cmpi slt, %add3A_411, %sub3A_52 : i32
      %convert_element_type3A_413 = arith.extui %lt3A_412 : i1 to i32
      %cond3A_414 = arith.constant 0 : i32
      %cond3A_415 = arith.cmpi ne, %convert_element_type3A_413, %cond3A_414 : i32
      scf.if %cond3A_415 {
        %add3A_416 = arith.constant 1 : i32
        %add3A_417 = arith.addi %while3A_260, %add3A_416 : i32
        %rem3A_418 = arith.constant 3 : i32
        %rem3A_419 = arith.remsi %add3A_417, %rem3A_418 : i32
        %rem3A_420 = arith.constant 2 : i32
        %rem3A_421 = arith.remsi %add3A_417, %rem3A_420 : i32
        %dma_start3A_422 = arith.constant 0 : i32
        %dma_start3A_423 = arith.constant 0 : i32
        %dma_start3A_424 = arith.constant 0 : i32
        %dma_start3A_425 = arith.constant 0 : i32
        %dma_start3A_426 = arith.constant 0 : i32
        %dma_start3A_427 = tpu.memref_slice %arg8[%rem3A_421, %dma_start3A_424, %dma_start3A_425, %dma_start3A_426] : memref<2x5x128x16xf32, #tpu.memory_space<vmem>> -> memref<1x1x128x16xf32, #tpu.memory_space<vmem>>
        %dma_start3A_428 = tpu.memref_squeeze %dma_start3A_427 : memref<1x1x128x16xf32, #tpu.memory_space<vmem>> -> memref<128x16xf32, #tpu.memory_space<vmem>>
        %dma_start3A_429 = arith.constant 0 : i32
        %dma_start3A_430 = tpu.memref_slice %arg7[%rem3A_419, %dma_start3A_422, %dma_start3A_423, %dma_start3A_429] : memref<3x2x5x128xi32, #tpu.memory_space<vmem>> -> memref<1x1x1x128xi32, #tpu.memory_space<vmem>>
        %dma_start3A_431 = tpu.memref_squeeze %dma_start3A_430 : memref<1x1x1x128xi32, #tpu.memory_space<vmem>> -> memref<128xi32, #tpu.memory_space<vmem>>
        %dma_start3A_432 = arith.constant 0 : i32
        %dma_start3A_433 = arith.constant 0 : i32
        %dma_start3A_434 = tpu.memref_slice %arg2[%dma_start3A_432, %dma_start3A_433] : memref<100000x16xf32, #tpu.memory_space<hbm>> -> memref<100000x16xf32, #tpu.memory_space<hbm>>
        tpu.enqueue_indirect_dma source(%dma_start3A_434 : memref<100000x16xf32, #tpu.memory_space<hbm>>) target(%dma_start3A_428 : memref<128x16xf32, #tpu.memory_space<vmem>>) offsets(%dma_start3A_431 : memref<128xi32, #tpu.memory_space<vmem>>) semaphore(%arg10 : memref<!tpu.dma_semaphore, #tpu.memory_space<semaphore_mem>>)
        %dma_start3A_435 = arith.constant 0 : i32
        %dma_start3A_436 = arith.constant 1 : i32
        %dma_start3A_437 = arith.constant 1 : i32
        %dma_start3A_438 = arith.constant 0 : i32
        %dma_start3A_439 = arith.constant 0 : i32
        %dma_start3A_440 = tpu.memref_slice %arg8[%rem3A_421, %dma_start3A_437, %dma_start3A_438, %dma_start3A_439] : memref<2x5x128x16xf32, #tpu.memory_space<vmem>> -> memref<1x1x128x16xf32, #tpu.memory_space<vmem>>
        %dma_start3A_441 = tpu.memref_squeeze %dma_start3A_440 : memref<1x1x128x16xf32, #tpu.memory_space<vmem>> -> memref<128x16xf32, #tpu.memory_space<vmem>>
        %dma_start3A_442 = arith.constant 0 : i32
        %dma_start3A_443 = tpu.memref_slice %arg7[%rem3A_419, %dma_start3A_435, %dma_start3A_436, %dma_start3A_442] : memref<3x2x5x128xi32, #tpu.memory_space<vmem>> -> memref<1x1x1x128xi32, #tpu.memory_space<vmem>>
        %dma_start3A_444 = tpu.memref_squeeze %dma_start3A_443 : memref<1x1x1x128xi32, #tpu.memory_space<vmem>> -> memref<128xi32, #tpu.memory_space<vmem>>
        %dma_start3A_445 = arith.constant 0 : i32
        %dma_start3A_446 = arith.constant 0 : i32
        %dma_start3A_447 = tpu.memref_slice %arg2[%dma_start3A_445, %dma_start3A_446] : memref<100000x16xf32, #tpu.memory_space<hbm>> -> memref<100000x16xf32, #tpu.memory_space<hbm>>
        tpu.enqueue_indirect_dma source(%dma_start3A_447 : memref<100000x16xf32, #tpu.memory_space<hbm>>) target(%dma_start3A_441 : memref<128x16xf32, #tpu.memory_space<vmem>>) offsets(%dma_start3A_444 : memref<128xi32, #tpu.memory_space<vmem>>) semaphore(%arg10 : memref<!tpu.dma_semaphore, #tpu.memory_space<semaphore_mem>>)
        %dma_start3A_448 = arith.constant 0 : i32
        %dma_start3A_449 = arith.constant 2 : i32
        %dma_start3A_450 = arith.constant 2 : i32
        %dma_start3A_451 = arith.constant 0 : i32
        %dma_start3A_452 = arith.constant 0 : i32
        %dma_start3A_453 = tpu.memref_slice %arg8[%rem3A_421, %dma_start3A_450, %dma_start3A_451, %dma_start3A_452] : memref<2x5x128x16xf32, #tpu.memory_space<vmem>> -> memref<1x1x128x16xf32, #tpu.memory_space<vmem>>
        %dma_start3A_454 = tpu.memref_squeeze %dma_start3A_453 : memref<1x1x128x16xf32, #tpu.memory_space<vmem>> -> memref<128x16xf32, #tpu.memory_space<vmem>>
        %dma_start3A_455 = arith.constant 0 : i32
        %dma_start3A_456 = tpu.memref_slice %arg7[%rem3A_419, %dma_start3A_448, %dma_start3A_449, %dma_start3A_455] : memref<3x2x5x128xi32, #tpu.memory_space<vmem>> -> memref<1x1x1x128xi32, #tpu.memory_space<vmem>>
        %dma_start3A_457 = tpu.memref_squeeze %dma_start3A_456 : memref<1x1x1x128xi32, #tpu.memory_space<vmem>> -> memref<128xi32, #tpu.memory_space<vmem>>
        %dma_start3A_458 = arith.constant 0 : i32
        %dma_start3A_459 = arith.constant 0 : i32
        %dma_start3A_460 = tpu.memref_slice %arg2[%dma_start3A_458, %dma_start3A_459] : memref<100000x16xf32, #tpu.memory_space<hbm>> -> memref<100000x16xf32, #tpu.memory_space<hbm>>
        tpu.enqueue_indirect_dma source(%dma_start3A_460 : memref<100000x16xf32, #tpu.memory_space<hbm>>) target(%dma_start3A_454 : memref<128x16xf32, #tpu.memory_space<vmem>>) offsets(%dma_start3A_457 : memref<128xi32, #tpu.memory_space<vmem>>) semaphore(%arg10 : memref<!tpu.dma_semaphore, #tpu.memory_space<semaphore_mem>>)
        %dma_start3A_461 = arith.constant 0 : i32
        %dma_start3A_462 = arith.constant 3 : i32
        %dma_start3A_463 = arith.constant 3 : i32
        %dma_start3A_464 = arith.constant 0 : i32
        %dma_start3A_465 = arith.constant 0 : i32
        %dma_start3A_466 = tpu.memref_slice %arg8[%rem3A_421, %dma_start3A_463, %dma_start3A_464, %dma_start3A_465] : memref<2x5x128x16xf32, #tpu.memory_space<vmem>> -> memref<1x1x128x16xf32, #tpu.memory_space<vmem>>
        %dma_start3A_467 = tpu.memref_squeeze %dma_start3A_466 : memref<1x1x128x16xf32, #tpu.memory_space<vmem>> -> memref<128x16xf32, #tpu.memory_space<vmem>>
        %dma_start3A_468 = arith.constant 0 : i32
        %dma_start3A_469 = tpu.memref_slice %arg7[%rem3A_419, %dma_start3A_461, %dma_start3A_462, %dma_start3A_468] : memref<3x2x5x128xi32, #tpu.memory_space<vmem>> -> memref<1x1x1x128xi32, #tpu.memory_space<vmem>>
        %dma_start3A_470 = tpu.memref_squeeze %dma_start3A_469 : memref<1x1x1x128xi32, #tpu.memory_space<vmem>> -> memref<128xi32, #tpu.memory_space<vmem>>
        %dma_start3A_471 = arith.constant 0 : i32
        %dma_start3A_472 = arith.constant 0 : i32
        %dma_start3A_473 = tpu.memref_slice %arg2[%dma_start3A_471, %dma_start3A_472] : memref<100000x16xf32, #tpu.memory_space<hbm>> -> memref<100000x16xf32, #tpu.memory_space<hbm>>
        tpu.enqueue_indirect_dma source(%dma_start3A_473 : memref<100000x16xf32, #tpu.memory_space<hbm>>) target(%dma_start3A_467 : memref<128x16xf32, #tpu.memory_space<vmem>>) offsets(%dma_start3A_470 : memref<128xi32, #tpu.memory_space<vmem>>) semaphore(%arg10 : memref<!tpu.dma_semaphore, #tpu.memory_space<semaphore_mem>>)
        %dma_start3A_474 = arith.constant 0 : i32
        %dma_start3A_475 = arith.constant 4 : i32
        %dma_start3A_476 = arith.constant 4 : i32
        %dma_start3A_477 = arith.constant 0 : i32
        %dma_start3A_478 = arith.constant 0 : i32
        %dma_start3A_479 = tpu.memref_slice %arg8[%rem3A_421, %dma_start3A_476, %dma_start3A_477, %dma_start3A_478] : memref<2x5x128x16xf32, #tpu.memory_space<vmem>> -> memref<1x1x128x16xf32, #tpu.memory_space<vmem>>
        %dma_start3A_480 = tpu.memref_squeeze %dma_start3A_479 : memref<1x1x128x16xf32, #tpu.memory_space<vmem>> -> memref<128x16xf32, #tpu.memory_space<vmem>>
        %dma_start3A_481 = arith.constant 0 : i32
        %dma_start3A_482 = tpu.memref_slice %arg7[%rem3A_419, %dma_start3A_474, %dma_start3A_475, %dma_start3A_481] : memref<3x2x5x128xi32, #tpu.memory_space<vmem>> -> memref<1x1x1x128xi32, #tpu.memory_space<vmem>>
        %dma_start3A_483 = tpu.memref_squeeze %dma_start3A_482 : memref<1x1x1x128xi32, #tpu.memory_space<vmem>> -> memref<128xi32, #tpu.memory_space<vmem>>
        %dma_start3A_484 = arith.constant 0 : i32
        %dma_start3A_485 = arith.constant 0 : i32
        %dma_start3A_486 = tpu.memref_slice %arg2[%dma_start3A_484, %dma_start3A_485] : memref<100000x16xf32, #tpu.memory_space<hbm>> -> memref<100000x16xf32, #tpu.memory_space<hbm>>
        tpu.enqueue_indirect_dma source(%dma_start3A_486 : memref<100000x16xf32, #tpu.memory_space<hbm>>) target(%dma_start3A_480 : memref<128x16xf32, #tpu.memory_space<vmem>>) offsets(%dma_start3A_483 : memref<128xi32, #tpu.memory_space<vmem>>) semaphore(%arg10 : memref<!tpu.dma_semaphore, #tpu.memory_space<semaphore_mem>>)
      } else {
      }
    }
    %while3A_177 = arith.constant 1 : i32
    scf.for %while3A_260 = %while3A_175 to %while3A_171 step %while3A_177  : i32 {
      %rem3A_261 = arith.constant 3 : i32
      %rem3A_262 = arith.remsi %while3A_260, %rem3A_261 : i32
      %rem3A_263 = arith.constant 2 : i32
      %rem3A_264 = arith.remsi %while3A_260, %rem3A_263 : i32
      %dma_wait3A_265 = arith.constant 0 : i32
      %dma_wait3A_266 = arith.constant 0 : i32
      %dma_wait3A_267 = arith.constant 0 : i32
      %dma_wait3A_268 = arith.constant 0 : i32
      %dma_wait3A_269 = arith.constant 0 : i32
      %dma_wait3A_270 = tpu.memref_slice %arg8[%rem3A_264, %dma_wait3A_267, %dma_wait3A_268, %dma_wait3A_269] : memref<2x5x128x16xf32, #tpu.memory_space<vmem>> -> memref<1x1x128x16xf32, #tpu.memory_space<vmem>>
      %dma_wait3A_271 = tpu.memref_squeeze %dma_wait3A_270 : memref<1x1x128x16xf32, #tpu.memory_space<vmem>> -> memref<128x16xf32, #tpu.memory_space<vmem>>
      %dma_wait3A_272 = arith.constant 0 : i32
      %dma_wait3A_273 = tpu.memref_slice %arg7[%rem3A_262, %dma_wait3A_265, %dma_wait3A_266, %dma_wait3A_272] : memref<3x2x5x128xi32, #tpu.memory_space<vmem>> -> memref<1x1x1x128xi32, #tpu.memory_space<vmem>>
      %dma_wait3A_274 = tpu.memref_squeeze %dma_wait3A_273 : memref<1x1x1x128xi32, #tpu.memory_space<vmem>> -> memref<128xi32, #tpu.memory_space<vmem>>
      %dma_wait3A_275 = arith.constant 0 : i32
      %dma_wait3A_276 = arith.constant 0 : i32
      %dma_wait3A_277 = tpu.memref_slice %arg2[%dma_wait3A_275, %dma_wait3A_276] : memref<100000x16xf32, #tpu.memory_space<hbm>> -> memref<100000x16xf32, #tpu.memory_space<hbm>>
      tpu.wait_indirect_dma semaphore(%arg10 : memref<!tpu.dma_semaphore, #tpu.memory_space<semaphore_mem>>) src(%dma_wait3A_277 : memref<100000x16xf32, #tpu.memory_space<hbm>>) dst(%dma_wait3A_271 : memref<128x16xf32, #tpu.memory_space<vmem>>)
      %dma_wait3A_278 = arith.constant 0 : i32
      %dma_wait3A_279 = arith.constant 1 : i32
      %dma_wait3A_280 = arith.constant 1 : i32
      %dma_wait3A_281 = arith.constant 0 : i32
      %dma_wait3A_282 = arith.constant 0 : i32
      %dma_wait3A_283 = tpu.memref_slice %arg8[%rem3A_264, %dma_wait3A_280, %dma_wait3A_281, %dma_wait3A_282] : memref<2x5x128x16xf32, #tpu.memory_space<vmem>> -> memref<1x1x128x16xf32, #tpu.memory_space<vmem>>
      %dma_wait3A_284 = tpu.memref_squeeze %dma_wait3A_283 : memref<1x1x128x16xf32, #tpu.memory_space<vmem>> -> memref<128x16xf32, #tpu.memory_space<vmem>>
      %dma_wait3A_285 = arith.constant 0 : i32
      %dma_wait3A_286 = tpu.memref_slice %arg7[%rem3A_262, %dma_wait3A_278, %dma_wait3A_279, %dma_wait3A_285] : memref<3x2x5x128xi32, #tpu.memory_space<vmem>> -> memref<1x1x1x128xi32, #tpu.memory_space<vmem>>
      %dma_wait3A_287 = tpu.memref_squeeze %dma_wait3A_286 : memref<1x1x1x128xi32, #tpu.memory_space<vmem>> -> memref<128xi32, #tpu.memory_space<vmem>>
      %dma_wait3A_288 = arith.constant 0 : i32
      %dma_wait3A_289 = arith.constant 0 : i32
      %dma_wait3A_290 = tpu.memref_slice %arg2[%dma_wait3A_288, %dma_wait3A_289] : memref<100000x16xf32, #tpu.memory_space<hbm>> -> memref<100000x16xf32, #tpu.memory_space<hbm>>
      tpu.wait_indirect_dma semaphore(%arg10 : memref<!tpu.dma_semaphore, #tpu.memory_space<semaphore_mem>>) src(%dma_wait3A_290 : memref<100000x16xf32, #tpu.memory_space<hbm>>) dst(%dma_wait3A_284 : memref<128x16xf32, #tpu.memory_space<vmem>>)
      %dma_wait3A_291 = arith.constant 0 : i32
      %dma_wait3A_292 = arith.constant 2 : i32
      %dma_wait3A_293 = arith.constant 2 : i32
      %dma_wait3A_294 = arith.constant 0 : i32
      %dma_wait3A_295 = arith.constant 0 : i32
      %dma_wait3A_296 = tpu.memref_slice %arg8[%rem3A_264, %dma_wait3A_293, %dma_wait3A_294, %dma_wait3A_295] : memref<2x5x128x16xf32, #tpu.memory_space<vmem>> -> memref<1x1x128x16xf32, #tpu.memory_space<vmem>>
      %dma_wait3A_297 = tpu.memref_squeeze %dma_wait3A_296 : memref<1x1x128x16xf32, #tpu.memory_space<vmem>> -> memref<128x16xf32, #tpu.memory_space<vmem>>
      %dma_wait3A_298 = arith.constant 0 : i32
      %dma_wait3A_299 = tpu.memref_slice %arg7[%rem3A_262, %dma_wait3A_291, %dma_wait3A_292, %dma_wait3A_298] : memref<3x2x5x128xi32, #tpu.memory_space<vmem>> -> memref<1x1x1x128xi32, #tpu.memory_space<vmem>>
      %dma_wait3A_300 = tpu.memref_squeeze %dma_wait3A_299 : memref<1x1x1x128xi32, #tpu.memory_space<vmem>> -> memref<128xi32, #tpu.memory_space<vmem>>
      %dma_wait3A_301 = arith.constant 0 : i32
      %dma_wait3A_302 = arith.constant 0 : i32
      %dma_wait3A_303 = tpu.memref_slice %arg2[%dma_wait3A_301, %dma_wait3A_302] : memref<100000x16xf32, #tpu.memory_space<hbm>> -> memref<100000x16xf32, #tpu.memory_space<hbm>>
      tpu.wait_indirect_dma semaphore(%arg10 : memref<!tpu.dma_semaphore, #tpu.memory_space<semaphore_mem>>) src(%dma_wait3A_303 : memref<100000x16xf32, #tpu.memory_space<hbm>>) dst(%dma_wait3A_297 : memref<128x16xf32, #tpu.memory_space<vmem>>)
      %dma_wait3A_304 = arith.constant 0 : i32
      %dma_wait3A_305 = arith.constant 3 : i32
      %dma_wait3A_306 = arith.constant 3 : i32
      %dma_wait3A_307 = arith.constant 0 : i32
      %dma_wait3A_308 = arith.constant 0 : i32
      %dma_wait3A_309 = tpu.memref_slice %arg8[%rem3A_264, %dma_wait3A_306, %dma_wait3A_307, %dma_wait3A_308] : memref<2x5x128x16xf32, #tpu.memory_space<vmem>> -> memref<1x1x128x16xf32, #tpu.memory_space<vmem>>
      %dma_wait3A_310 = tpu.memref_squeeze %dma_wait3A_309 : memref<1x1x128x16xf32, #tpu.memory_space<vmem>> -> memref<128x16xf32, #tpu.memory_space<vmem>>
      %dma_wait3A_311 = arith.constant 0 : i32
      %dma_wait3A_312 = tpu.memref_slice %arg7[%rem3A_262, %dma_wait3A_304, %dma_wait3A_305, %dma_wait3A_311] : memref<3x2x5x128xi32, #tpu.memory_space<vmem>> -> memref<1x1x1x128xi32, #tpu.memory_space<vmem>>
      %dma_wait3A_313 = tpu.memref_squeeze %dma_wait3A_312 : memref<1x1x1x128xi32, #tpu.memory_space<vmem>> -> memref<128xi32, #tpu.memory_space<vmem>>
      %dma_wait3A_314 = arith.constant 0 : i32
      %dma_wait3A_315 = arith.constant 0 : i32
      %dma_wait3A_316 = tpu.memref_slice %arg2[%dma_wait3A_314, %dma_wait3A_315] : memref<100000x16xf32, #tpu.memory_space<hbm>> -> memref<100000x16xf32, #tpu.memory_space<hbm>>
      tpu.wait_indirect_dma semaphore(%arg10 : memref<!tpu.dma_semaphore, #tpu.memory_space<semaphore_mem>>) src(%dma_wait3A_316 : memref<100000x16xf32, #tpu.memory_space<hbm>>) dst(%dma_wait3A_310 : memref<128x16xf32, #tpu.memory_space<vmem>>)
      %dma_wait3A_317 = arith.constant 0 : i32
      %dma_wait3A_318 = arith.constant 4 : i32
      %dma_wait3A_319 = arith.constant 4 : i32
      %dma_wait3A_320 = arith.constant 0 : i32
      %dma_wait3A_321 = arith.constant 0 : i32
      %dma_wait3A_322 = tpu.memref_slice %arg8[%rem3A_264, %dma_wait3A_319, %dma_wait3A_320, %dma_wait3A_321] : memref<2x5x128x16xf32, #tpu.memory_space<vmem>> -> memref<1x1x128x16xf32, #tpu.memory_space<vmem>>
      %dma_wait3A_323 = tpu.memref_squeeze %dma_wait3A_322 : memref<1x1x128x16xf32, #tpu.memory_space<vmem>> -> memref<128x16xf32, #tpu.memory_space<vmem>>
      %dma_wait3A_324 = arith.constant 0 : i32
      %dma_wait3A_325 = tpu.memref_slice %arg7[%rem3A_262, %dma_wait3A_317, %dma_wait3A_318, %dma_wait3A_324] : memref<3x2x5x128xi32, #tpu.memory_space<vmem>> -> memref<1x1x1x128xi32, #tpu.memory_space<vmem>>
      %dma_wait3A_326 = tpu.memref_squeeze %dma_wait3A_325 : memref<1x1x1x128xi32, #tpu.memory_space<vmem>> -> memref<128xi32, #tpu.memory_space<vmem>>
      %dma_wait3A_327 = arith.constant 0 : i32
      %dma_wait3A_328 = arith.constant 0 : i32
      %dma_wait3A_329 = tpu.memref_slice %arg2[%dma_wait3A_327, %dma_wait3A_328] : memref<100000x16xf32, #tpu.memory_space<hbm>> -> memref<100000x16xf32, #tpu.memory_space<hbm>>
      tpu.wait_indirect_dma semaphore(%arg10 : memref<!tpu.dma_semaphore, #tpu.memory_space<semaphore_mem>>) src(%dma_wait3A_329 : memref<100000x16xf32, #tpu.memory_space<hbm>>) dst(%dma_wait3A_323 : memref<128x16xf32, #tpu.memory_space<vmem>>)
      %dma_start3A_330 = arith.constant 0 : i32
      %dma_start3A_331 = arith.constant 1 : i32
      %dma_start3A_332 = arith.constant 0 : i32
      %dma_start3A_333 = arith.constant 0 : i32
      %dma_start3A_334 = arith.constant 0 : i32
      %dma_start3A_335 = tpu.memref_slice %arg8[%rem3A_264, %dma_start3A_330, %dma_start3A_333, %dma_start3A_334] : memref<2x5x128x16xf32, #tpu.memory_space<vmem>> -> memref<1x1x128x16xf32, #tpu.memory_space<vmem>>
      %dma_start3A_336 = tpu.memref_squeeze %dma_start3A_335 : memref<1x1x128x16xf32, #tpu.memory_space<vmem>> -> memref<128x16xf32, #tpu.memory_space<vmem>>
      %dma_start3A_337 = arith.constant 0 : i32
      %dma_start3A_338 = tpu.memref_slice %arg7[%rem3A_262, %dma_start3A_331, %dma_start3A_332, %dma_start3A_337] : memref<3x2x5x128xi32, #tpu.memory_space<vmem>> -> memref<1x1x1x128xi32, #tpu.memory_space<vmem>>
      %dma_start3A_339 = tpu.memref_squeeze %dma_start3A_338 : memref<1x1x1x128xi32, #tpu.memory_space<vmem>> -> memref<128xi32, #tpu.memory_space<vmem>>
      %dma_start3A_340 = arith.constant 0 : i32
      %dma_start3A_341 = arith.constant 0 : i32
      %dma_start3A_342 = tpu.memref_slice %arg9[%dma_start3A_340, %dma_start3A_341] : memref<100096x16xf32, #tpu.memory_space<vmem_shared>> -> memref<100096x16xf32, #tpu.memory_space<vmem_shared>>
      tpu.enqueue_indirect_dma source(%dma_start3A_336 : memref<128x16xf32, #tpu.memory_space<vmem>>) target(%dma_start3A_342 : memref<100096x16xf32, #tpu.memory_space<vmem_shared>>) offsets(%dma_start3A_339 : memref<128xi32, #tpu.memory_space<vmem>>) semaphore(%arg11 : memref<!tpu.dma_semaphore, #tpu.memory_space<semaphore_mem>>) {add = true}
      %dma_start3A_343 = arith.constant 1 : i32
      %dma_start3A_344 = arith.constant 1 : i32
      %dma_start3A_345 = arith.constant 1 : i32
      %dma_start3A_346 = arith.constant 0 : i32
      %dma_start3A_347 = arith.constant 0 : i32
      %dma_start3A_348 = tpu.memref_slice %arg8[%rem3A_264, %dma_start3A_343, %dma_start3A_346, %dma_start3A_347] : memref<2x5x128x16xf32, #tpu.memory_space<vmem>> -> memref<1x1x128x16xf32, #tpu.memory_space<vmem>>
      %dma_start3A_349 = tpu.memref_squeeze %dma_start3A_348 : memref<1x1x128x16xf32, #tpu.memory_space<vmem>> -> memref<128x16xf32, #tpu.memory_space<vmem>>
      %dma_start3A_350 = arith.constant 0 : i32
      %dma_start3A_351 = tpu.memref_slice %arg7[%rem3A_262, %dma_start3A_344, %dma_start3A_345, %dma_start3A_350] : memref<3x2x5x128xi32, #tpu.memory_space<vmem>> -> memref<1x1x1x128xi32, #tpu.memory_space<vmem>>
      %dma_start3A_352 = tpu.memref_squeeze %dma_start3A_351 : memref<1x1x1x128xi32, #tpu.memory_space<vmem>> -> memref<128xi32, #tpu.memory_space<vmem>>
      %dma_start3A_353 = arith.constant 0 : i32
      %dma_start3A_354 = arith.constant 0 : i32
      %dma_start3A_355 = tpu.memref_slice %arg9[%dma_start3A_353, %dma_start3A_354] : memref<100096x16xf32, #tpu.memory_space<vmem_shared>> -> memref<100096x16xf32, #tpu.memory_space<vmem_shared>>
      tpu.enqueue_indirect_dma source(%dma_start3A_349 : memref<128x16xf32, #tpu.memory_space<vmem>>) target(%dma_start3A_355 : memref<100096x16xf32, #tpu.memory_space<vmem_shared>>) offsets(%dma_start3A_352 : memref<128xi32, #tpu.memory_space<vmem>>) semaphore(%arg11 : memref<!tpu.dma_semaphore, #tpu.memory_space<semaphore_mem>>) {add = true}
      %dma_start3A_356 = arith.constant 2 : i32
      %dma_start3A_357 = arith.constant 1 : i32
      %dma_start3A_358 = arith.constant 2 : i32
      %dma_start3A_359 = arith.constant 0 : i32
      %dma_start3A_360 = arith.constant 0 : i32
      %dma_start3A_361 = tpu.memref_slice %arg8[%rem3A_264, %dma_start3A_356, %dma_start3A_359, %dma_start3A_360] : memref<2x5x128x16xf32, #tpu.memory_space<vmem>> -> memref<1x1x128x16xf32, #tpu.memory_space<vmem>>
      %dma_start3A_362 = tpu.memref_squeeze %dma_start3A_361 : memref<1x1x128x16xf32, #tpu.memory_space<vmem>> -> memref<128x16xf32, #tpu.memory_space<vmem>>
      %dma_start3A_363 = arith.constant 0 : i32
      %dma_start3A_364 = tpu.memref_slice %arg7[%rem3A_262, %dma_start3A_357, %dma_start3A_358, %dma_start3A_363] : memref<3x2x5x128xi32, #tpu.memory_space<vmem>> -> memref<1x1x1x128xi32, #tpu.memory_space<vmem>>
      %dma_start3A_365 = tpu.memref_squeeze %dma_start3A_364 : memref<1x1x1x128xi32, #tpu.memory_space<vmem>> -> memref<128xi32, #tpu.memory_space<vmem>>
      %dma_start3A_366 = arith.constant 0 : i32
      %dma_start3A_367 = arith.constant 0 : i32
      %dma_start3A_368 = tpu.memref_slice %arg9[%dma_start3A_366, %dma_start3A_367] : memref<100096x16xf32, #tpu.memory_space<vmem_shared>> -> memref<100096x16xf32, #tpu.memory_space<vmem_shared>>
      tpu.enqueue_indirect_dma source(%dma_start3A_362 : memref<128x16xf32, #tpu.memory_space<vmem>>) target(%dma_start3A_368 : memref<100096x16xf32, #tpu.memory_space<vmem_shared>>) offsets(%dma_start3A_365 : memref<128xi32, #tpu.memory_space<vmem>>) semaphore(%arg11 : memref<!tpu.dma_semaphore, #tpu.memory_space<semaphore_mem>>) {add = true}
      %dma_start3A_369 = arith.constant 3 : i32
      %dma_start3A_370 = arith.constant 1 : i32
      %dma_start3A_371 = arith.constant 3 : i32
      %dma_start3A_372 = arith.constant 0 : i32
      %dma_start3A_373 = arith.constant 0 : i32
      %dma_start3A_374 = tpu.memref_slice %arg8[%rem3A_264, %dma_start3A_369, %dma_start3A_372, %dma_start3A_373] : memref<2x5x128x16xf32, #tpu.memory_space<vmem>> -> memref<1x1x128x16xf32, #tpu.memory_space<vmem>>
      %dma_start3A_375 = tpu.memref_squeeze %dma_start3A_374 : memref<1x1x128x16xf32, #tpu.memory_space<vmem>> -> memref<128x16xf32, #tpu.memory_space<vmem>>
      %dma_start3A_376 = arith.constant 0 : i32
      %dma_start3A_377 = tpu.memref_slice %arg7[%rem3A_262, %dma_start3A_370, %dma_start3A_371, %dma_start3A_376] : memref<3x2x5x128xi32, #tpu.memory_space<vmem>> -> memref<1x1x1x128xi32, #tpu.memory_space<vmem>>
      %dma_start3A_378 = tpu.memref_squeeze %dma_start3A_377 : memref<1x1x1x128xi32, #tpu.memory_space<vmem>> -> memref<128xi32, #tpu.memory_space<vmem>>
      %dma_start3A_379 = arith.constant 0 : i32
      %dma_start3A_380 = arith.constant 0 : i32
      %dma_start3A_381 = tpu.memref_slice %arg9[%dma_start3A_379, %dma_start3A_380] : memref<100096x16xf32, #tpu.memory_space<vmem_shared>> -> memref<100096x16xf32, #tpu.memory_space<vmem_shared>>
      tpu.enqueue_indirect_dma source(%dma_start3A_375 : memref<128x16xf32, #tpu.memory_space<vmem>>) target(%dma_start3A_381 : memref<100096x16xf32, #tpu.memory_space<vmem_shared>>) offsets(%dma_start3A_378 : memref<128xi32, #tpu.memory_space<vmem>>) semaphore(%arg11 : memref<!tpu.dma_semaphore, #tpu.memory_space<semaphore_mem>>) {add = true}
      %dma_start3A_382 = arith.constant 4 : i32
      %dma_start3A_383 = arith.constant 1 : i32
      %dma_start3A_384 = arith.constant 4 : i32
      %dma_start3A_385 = arith.constant 0 : i32
      %dma_start3A_386 = arith.constant 0 : i32
      %dma_start3A_387 = tpu.memref_slice %arg8[%rem3A_264, %dma_start3A_382, %dma_start3A_385, %dma_start3A_386] : memref<2x5x128x16xf32, #tpu.memory_space<vmem>> -> memref<1x1x128x16xf32, #tpu.memory_space<vmem>>
      %dma_start3A_388 = tpu.memref_squeeze %dma_start3A_387 : memref<1x1x128x16xf32, #tpu.memory_space<vmem>> -> memref<128x16xf32, #tpu.memory_space<vmem>>
      %dma_start3A_389 = arith.constant 0 : i32
      %dma_start3A_390 = tpu.memref_slice %arg7[%rem3A_262, %dma_start3A_383, %dma_start3A_384, %dma_start3A_389] : memref<3x2x5x128xi32, #tpu.memory_space<vmem>> -> memref<1x1x1x128xi32, #tpu.memory_space<vmem>>
      %dma_start3A_391 = tpu.memref_squeeze %dma_start3A_390 : memref<1x1x1x128xi32, #tpu.memory_space<vmem>> -> memref<128xi32, #tpu.memory_space<vmem>>
      %dma_start3A_392 = arith.constant 0 : i32
      %dma_start3A_393 = arith.constant 0 : i32
      %dma_start3A_394 = tpu.memref_slice %arg9[%dma_start3A_392, %dma_start3A_393] : memref<100096x16xf32, #tpu.memory_space<vmem_shared>> -> memref<100096x16xf32, #tpu.memory_space<vmem_shared>>
      tpu.enqueue_indirect_dma source(%dma_start3A_388 : memref<128x16xf32, #tpu.memory_space<vmem>>) target(%dma_start3A_394 : memref<100096x16xf32, #tpu.memory_space<vmem_shared>>) offsets(%dma_start3A_391 : memref<128xi32, #tpu.memory_space<vmem>>) semaphore(%arg11 : memref<!tpu.dma_semaphore, #tpu.memory_space<semaphore_mem>>) {add = true}
      %add3A_395 = arith.constant 1 : i32
      %add3A_396 = arith.addi %while3A_260, %add3A_395 : i32
      %lt3A = arith.cmpi slt, %add3A_396, %sub3A_52 : i32
      %convert_element_type3A_397 = arith.extui %lt3A : i1 to i32
      %cond3A_398 = arith.constant 0 : i32
      %cond3A_399 = arith.cmpi ne, %convert_element_type3A_397, %cond3A_398 : i32
      scf.if %cond3A_399 {
        %dma_wait3A_416 = arith.constant 0 : i32
        %dma_wait3A_417 = arith.constant 0 : i32
        %dma_wait3A_418 = arith.constant 0 : i32
        %dma_wait3A_419 = arith.constant 0 : i32
        %dma_wait3A_420 = arith.constant 0 : i32
        %dma_wait3A_421 = tpu.memref_slice %arg7[%dma_wait3A_417, %dma_wait3A_418, %dma_wait3A_419, %dma_wait3A_420] : memref<3x2x5x128xi32, #tpu.memory_space<vmem>> -> memref<1x1x5x128xi32, #tpu.memory_space<vmem>>
        %dma_wait3A_422 = tpu.memref_squeeze %dma_wait3A_421 : memref<1x1x5x128xi32, #tpu.memory_space<vmem>> -> memref<5x128xi32, #tpu.memory_space<vmem>>
        %dma_wait3A_423 = arith.constant 0 : i32
        %dma_wait3A_424 = tpu.memref_slice %arg3[%dma_wait3A_416, %mul3A_54, %dma_wait3A_423] : memref<2x50000x128xi32, #tpu.memory_space<hbm>> -> memref<1x5x128xi32, #tpu.memory_space<hbm>>
        %dma_wait3A_425 = tpu.memref_squeeze %dma_wait3A_424 : memref<1x5x128xi32, #tpu.memory_space<hbm>> -> memref<5x128xi32, #tpu.memory_space<hbm>>
        %dma_wait3A_426 = arith.constant 0 : i32
        %dma_wait3A_427 = arith.constant 0 : i32
        %dma_wait3A_428 = tpu.memref_slice %arg7[%dma_wait3A_417, %dma_wait3A_418, %dma_wait3A_426, %dma_wait3A_427] : memref<3x2x5x128xi32, #tpu.memory_space<vmem>> -> memref<1x1x5x128xi32, #tpu.memory_space<vmem>>
        %dma_wait3A_429 = tpu.memref_squeeze %dma_wait3A_428 : memref<1x1x5x128xi32, #tpu.memory_space<vmem>> -> memref<5x128xi32, #tpu.memory_space<vmem>>
        %dma_wait3A_430 = arith.constant 0 : i32
        %dma_wait3A_431 = tpu.memref_slice %arg3[%dma_wait3A_416, %mul3A_54, %dma_wait3A_430] : memref<2x50000x128xi32, #tpu.memory_space<hbm>> -> memref<1x5x128xi32, #tpu.memory_space<hbm>>
        %dma_wait3A_432 = tpu.memref_squeeze %dma_wait3A_431 : memref<1x5x128xi32, #tpu.memory_space<hbm>> -> memref<5x128xi32, #tpu.memory_space<hbm>>
        tpu.wait_dma2 semaphore(%arg12 : memref<!tpu.dma_semaphore, #tpu.memory_space<semaphore_mem>>) src(%dma_wait3A_432 : memref<5x128xi32, #tpu.memory_space<hbm>>) dst(%dma_wait3A_429 : memref<5x128xi32, #tpu.memory_space<vmem>>)
        %dma_wait3A_433 = arith.constant 1 : i32
        %dma_wait3A_434 = arith.constant 0 : i32
        %dma_wait3A_435 = arith.constant 1 : i32
        %dma_wait3A_436 = arith.constant 0 : i32
        %dma_wait3A_437 = arith.constant 0 : i32
        %dma_wait3A_438 = tpu.memref_slice %arg7[%dma_wait3A_434, %dma_wait3A_435, %dma_wait3A_436, %dma_wait3A_437] : memref<3x2x5x128xi32, #tpu.memory_space<vmem>> -> memref<1x1x5x128xi32, #tpu.memory_space<vmem>>
        %dma_wait3A_439 = tpu.memref_squeeze %dma_wait3A_438 : memref<1x1x5x128xi32, #tpu.memory_space<vmem>> -> memref<5x128xi32, #tpu.memory_space<vmem>>
        %dma_wait3A_440 = arith.constant 0 : i32
        %dma_wait3A_441 = tpu.memref_slice %arg3[%dma_wait3A_433, %mul3A_54, %dma_wait3A_440] : memref<2x50000x128xi32, #tpu.memory_space<hbm>> -> memref<1x5x128xi32, #tpu.memory_space<hbm>>
        %dma_wait3A_442 = tpu.memref_squeeze %dma_wait3A_441 : memref<1x5x128xi32, #tpu.memory_space<hbm>> -> memref<5x128xi32, #tpu.memory_space<hbm>>
        %dma_wait3A_443 = arith.constant 0 : i32
        %dma_wait3A_444 = arith.constant 0 : i32
        %dma_wait3A_445 = tpu.memref_slice %arg7[%dma_wait3A_434, %dma_wait3A_435, %dma_wait3A_443, %dma_wait3A_444] : memref<3x2x5x128xi32, #tpu.memory_space<vmem>> -> memref<1x1x5x128xi32, #tpu.memory_space<vmem>>
        %dma_wait3A_446 = tpu.memref_squeeze %dma_wait3A_445 : memref<1x1x5x128xi32, #tpu.memory_space<vmem>> -> memref<5x128xi32, #tpu.memory_space<vmem>>
        %dma_wait3A_447 = arith.constant 0 : i32
        %dma_wait3A_448 = tpu.memref_slice %arg3[%dma_wait3A_433, %mul3A_54, %dma_wait3A_447] : memref<2x50000x128xi32, #tpu.memory_space<hbm>> -> memref<1x5x128xi32, #tpu.memory_space<hbm>>
        %dma_wait3A_449 = tpu.memref_squeeze %dma_wait3A_448 : memref<1x5x128xi32, #tpu.memory_space<hbm>> -> memref<5x128xi32, #tpu.memory_space<hbm>>
        tpu.wait_dma2 semaphore(%arg12 : memref<!tpu.dma_semaphore, #tpu.memory_space<semaphore_mem>>) src(%dma_wait3A_449 : memref<5x128xi32, #tpu.memory_space<hbm>>) dst(%dma_wait3A_446 : memref<5x128xi32, #tpu.memory_space<vmem>>)
      } else {
      }
      %ge3A = arith.constant 1 : i32
      %ge3A_400 = arith.cmpi sge, %while3A_260, %ge3A : i32
      %convert_element_type3A_401 = arith.extui %ge3A_400 : i1 to i32
      %cond3A_402 = arith.constant 0 : i32
      %cond3A_403 = arith.cmpi ne, %convert_element_type3A_401, %cond3A_402 : i32
      scf.if %cond3A_403 {
        %dma_wait3A_416 = arith.constant 0 : i32
        %dma_wait3A_417 = arith.constant 0 : i32
        %dma_wait3A_418 = arith.constant 0 : i32
        %dma_wait3A_419 = arith.constant 1 : i32
        %dma_wait3A_420 = arith.constant 0 : i32
        %dma_wait3A_421 = arith.constant 0 : i32
        %dma_wait3A_422 = arith.constant 0 : i32
        %dma_wait3A_423 = tpu.memref_slice %arg8[%dma_wait3A_416, %dma_wait3A_417, %dma_wait3A_421, %dma_wait3A_422] : memref<2x5x128x16xf32, #tpu.memory_space<vmem>> -> memref<1x1x128x16xf32, #tpu.memory_space<vmem>>
        %dma_wait3A_424 = tpu.memref_squeeze %dma_wait3A_423 : memref<1x1x128x16xf32, #tpu.memory_space<vmem>> -> memref<128x16xf32, #tpu.memory_space<vmem>>
        %dma_wait3A_425 = arith.constant 0 : i32
        %dma_wait3A_426 = tpu.memref_slice %arg7[%dma_wait3A_418, %dma_wait3A_419, %dma_wait3A_420, %dma_wait3A_425] : memref<3x2x5x128xi32, #tpu.memory_space<vmem>> -> memref<1x1x1x128xi32, #tpu.memory_space<vmem>>
        %dma_wait3A_427 = tpu.memref_squeeze %dma_wait3A_426 : memref<1x1x1x128xi32, #tpu.memory_space<vmem>> -> memref<128xi32, #tpu.memory_space<vmem>>
        %dma_wait3A_428 = arith.constant 0 : i32
        %dma_wait3A_429 = arith.constant 0 : i32
        %dma_wait3A_430 = tpu.memref_slice %arg9[%dma_wait3A_428, %dma_wait3A_429] : memref<100096x16xf32, #tpu.memory_space<vmem_shared>> -> memref<100096x16xf32, #tpu.memory_space<vmem_shared>>
        tpu.wait_indirect_dma semaphore(%arg11 : memref<!tpu.dma_semaphore, #tpu.memory_space<semaphore_mem>>) src(%dma_wait3A_424 : memref<128x16xf32, #tpu.memory_space<vmem>>) dst(%dma_wait3A_430 : memref<100096x16xf32, #tpu.memory_space<vmem_shared>>)
        %dma_wait3A_431 = arith.constant 0 : i32
        %dma_wait3A_432 = arith.constant 1 : i32
        %dma_wait3A_433 = arith.constant 0 : i32
        %dma_wait3A_434 = arith.constant 1 : i32
        %dma_wait3A_435 = arith.constant 1 : i32
        %dma_wait3A_436 = arith.constant 0 : i32
        %dma_wait3A_437 = arith.constant 0 : i32
        %dma_wait3A_438 = tpu.memref_slice %arg8[%dma_wait3A_431, %dma_wait3A_432, %dma_wait3A_436, %dma_wait3A_437] : memref<2x5x128x16xf32, #tpu.memory_space<vmem>> -> memref<1x1x128x16xf32, #tpu.memory_space<vmem>>
        %dma_wait3A_439 = tpu.memref_squeeze %dma_wait3A_438 : memref<1x1x128x16xf32, #tpu.memory_space<vmem>> -> memref<128x16xf32, #tpu.memory_space<vmem>>
        %dma_wait3A_440 = arith.constant 0 : i32
        %dma_wait3A_441 = tpu.memref_slice %arg7[%dma_wait3A_433, %dma_wait3A_434, %dma_wait3A_435, %dma_wait3A_440] : memref<3x2x5x128xi32, #tpu.memory_space<vmem>> -> memref<1x1x1x128xi32, #tpu.memory_space<vmem>>
        %dma_wait3A_442 = tpu.memref_squeeze %dma_wait3A_441 : memref<1x1x1x128xi32, #tpu.memory_space<vmem>> -> memref<128xi32, #tpu.memory_space<vmem>>
        %dma_wait3A_443 = arith.constant 0 : i32
        %dma_wait3A_444 = arith.constant 0 : i32
        %dma_wait3A_445 = tpu.memref_slice %arg9[%dma_wait3A_443, %dma_wait3A_444] : memref<100096x16xf32, #tpu.memory_space<vmem_shared>> -> memref<100096x16xf32, #tpu.memory_space<vmem_shared>>
        tpu.wait_indirect_dma semaphore(%arg11 : memref<!tpu.dma_semaphore, #tpu.memory_space<semaphore_mem>>) src(%dma_wait3A_439 : memref<128x16xf32, #tpu.memory_space<vmem>>) dst(%dma_wait3A_445 : memref<100096x16xf32, #tpu.memory_space<vmem_shared>>)
        %dma_wait3A_446 = arith.constant 0 : i32
        %dma_wait3A_447 = arith.constant 2 : i32
        %dma_wait3A_448 = arith.constant 0 : i32
        %dma_wait3A_449 = arith.constant 1 : i32
        %dma_wait3A_450 = arith.constant 2 : i32
        %dma_wait3A_451 = arith.constant 0 : i32
        %dma_wait3A_452 = arith.constant 0 : i32
        %dma_wait3A_453 = tpu.memref_slice %arg8[%dma_wait3A_446, %dma_wait3A_447, %dma_wait3A_451, %dma_wait3A_452] : memref<2x5x128x16xf32, #tpu.memory_space<vmem>> -> memref<1x1x128x16xf32, #tpu.memory_space<vmem>>
        %dma_wait3A_454 = tpu.memref_squeeze %dma_wait3A_453 : memref<1x1x128x16xf32, #tpu.memory_space<vmem>> -> memref<128x16xf32, #tpu.memory_space<vmem>>
        %dma_wait3A_455 = arith.constant 0 : i32
        %dma_wait3A_456 = tpu.memref_slice %arg7[%dma_wait3A_448, %dma_wait3A_449, %dma_wait3A_450, %dma_wait3A_455] : memref<3x2x5x128xi32, #tpu.memory_space<vmem>> -> memref<1x1x1x128xi32, #tpu.memory_space<vmem>>
        %dma_wait3A_457 = tpu.memref_squeeze %dma_wait3A_456 : memref<1x1x1x128xi32, #tpu.memory_space<vmem>> -> memref<128xi32, #tpu.memory_space<vmem>>
        %dma_wait3A_458 = arith.constant 0 : i32
        %dma_wait3A_459 = arith.constant 0 : i32
        %dma_wait3A_460 = tpu.memref_slice %arg9[%dma_wait3A_458, %dma_wait3A_459] : memref<100096x16xf32, #tpu.memory_space<vmem_shared>> -> memref<100096x16xf32, #tpu.memory_space<vmem_shared>>
        tpu.wait_indirect_dma semaphore(%arg11 : memref<!tpu.dma_semaphore, #tpu.memory_space<semaphore_mem>>) src(%dma_wait3A_454 : memref<128x16xf32, #tpu.memory_space<vmem>>) dst(%dma_wait3A_460 : memref<100096x16xf32, #tpu.memory_space<vmem_shared>>)
        %dma_wait3A_461 = arith.constant 0 : i32
        %dma_wait3A_462 = arith.constant 3 : i32
        %dma_wait3A_463 = arith.constant 0 : i32
        %dma_wait3A_464 = arith.constant 1 : i32
        %dma_wait3A_465 = arith.constant 3 : i32
        %dma_wait3A_466 = arith.constant 0 : i32
        %dma_wait3A_467 = arith.constant 0 : i32
        %dma_wait3A_468 = tpu.memref_slice %arg8[%dma_wait3A_461, %dma_wait3A_462, %dma_wait3A_466, %dma_wait3A_467] : memref<2x5x128x16xf32, #tpu.memory_space<vmem>> -> memref<1x1x128x16xf32, #tpu.memory_space<vmem>>
        %dma_wait3A_469 = tpu.memref_squeeze %dma_wait3A_468 : memref<1x1x128x16xf32, #tpu.memory_space<vmem>> -> memref<128x16xf32, #tpu.memory_space<vmem>>
        %dma_wait3A_470 = arith.constant 0 : i32
        %dma_wait3A_471 = tpu.memref_slice %arg7[%dma_wait3A_463, %dma_wait3A_464, %dma_wait3A_465, %dma_wait3A_470] : memref<3x2x5x128xi32, #tpu.memory_space<vmem>> -> memref<1x1x1x128xi32, #tpu.memory_space<vmem>>
        %dma_wait3A_472 = tpu.memref_squeeze %dma_wait3A_471 : memref<1x1x1x128xi32, #tpu.memory_space<vmem>> -> memref<128xi32, #tpu.memory_space<vmem>>
        %dma_wait3A_473 = arith.constant 0 : i32
        %dma_wait3A_474 = arith.constant 0 : i32
        %dma_wait3A_475 = tpu.memref_slice %arg9[%dma_wait3A_473, %dma_wait3A_474] : memref<100096x16xf32, #tpu.memory_space<vmem_shared>> -> memref<100096x16xf32, #tpu.memory_space<vmem_shared>>
        tpu.wait_indirect_dma semaphore(%arg11 : memref<!tpu.dma_semaphore, #tpu.memory_space<semaphore_mem>>) src(%dma_wait3A_469 : memref<128x16xf32, #tpu.memory_space<vmem>>) dst(%dma_wait3A_475 : memref<100096x16xf32, #tpu.memory_space<vmem_shared>>)
        %dma_wait3A_476 = arith.constant 0 : i32
        %dma_wait3A_477 = arith.constant 4 : i32
        %dma_wait3A_478 = arith.constant 0 : i32
        %dma_wait3A_479 = arith.constant 1 : i32
        %dma_wait3A_480 = arith.constant 4 : i32
        %dma_wait3A_481 = arith.constant 0 : i32
        %dma_wait3A_482 = arith.constant 0 : i32
        %dma_wait3A_483 = tpu.memref_slice %arg8[%dma_wait3A_476, %dma_wait3A_477, %dma_wait3A_481, %dma_wait3A_482] : memref<2x5x128x16xf32, #tpu.memory_space<vmem>> -> memref<1x1x128x16xf32, #tpu.memory_space<vmem>>
        %dma_wait3A_484 = tpu.memref_squeeze %dma_wait3A_483 : memref<1x1x128x16xf32, #tpu.memory_space<vmem>> -> memref<128x16xf32, #tpu.memory_space<vmem>>
        %dma_wait3A_485 = arith.constant 0 : i32
        %dma_wait3A_486 = tpu.memref_slice %arg7[%dma_wait3A_478, %dma_wait3A_479, %dma_wait3A_480, %dma_wait3A_485] : memref<3x2x5x128xi32, #tpu.memory_space<vmem>> -> memref<1x1x1x128xi32, #tpu.memory_space<vmem>>
        %dma_wait3A_487 = tpu.memref_squeeze %dma_wait3A_486 : memref<1x1x1x128xi32, #tpu.memory_space<vmem>> -> memref<128xi32, #tpu.memory_space<vmem>>
        %dma_wait3A_488 = arith.constant 0 : i32
        %dma_wait3A_489 = arith.constant 0 : i32
        %dma_wait3A_490 = tpu.memref_slice %arg9[%dma_wait3A_488, %dma_wait3A_489] : memref<100096x16xf32, #tpu.memory_space<vmem_shared>> -> memref<100096x16xf32, #tpu.memory_space<vmem_shared>>
        tpu.wait_indirect_dma semaphore(%arg11 : memref<!tpu.dma_semaphore, #tpu.memory_space<semaphore_mem>>) src(%dma_wait3A_484 : memref<128x16xf32, #tpu.memory_space<vmem>>) dst(%dma_wait3A_490 : memref<100096x16xf32, #tpu.memory_space<vmem_shared>>)
      } else {
      }
      %add3A_404 = arith.constant 2 : i32
      %add3A_405 = arith.addi %while3A_260, %add3A_404 : i32
      %lt3A_406 = arith.cmpi slt, %add3A_405, %sub3A_52 : i32
      %convert_element_type3A_407 = arith.extui %lt3A_406 : i1 to i32
      %cond3A_408 = arith.constant 0 : i32
      %cond3A_409 = arith.cmpi ne, %convert_element_type3A_407, %cond3A_408 : i32
      scf.if %cond3A_409 {
        %add3A_416 = arith.constant 2 : i32
        %add3A_417 = arith.addi %while3A_260, %add3A_416 : i32
        %rem3A_418 = arith.constant 3 : i32
        %rem3A_419 = arith.remsi %add3A_417, %rem3A_418 : i32
        %add3A_420 = arith.addi %add3A, %add3A_417 : i32
        %mul3A_421 = arith.constant 5 : i32
        %mul3A_422 = arith.muli %add3A_420, %mul3A_421 : i32
        %dma_start3A_423 = arith.constant 0 : i32
        %dma_start3A_424 = arith.constant 0 : i32
        %dma_start3A_425 = arith.constant 0 : i32
        %dma_start3A_426 = arith.constant 0 : i32
        %dma_start3A_427 = tpu.memref_slice %arg7[%rem3A_419, %dma_start3A_424, %dma_start3A_425, %dma_start3A_426] : memref<3x2x5x128xi32, #tpu.memory_space<vmem>> -> memref<1x1x5x128xi32, #tpu.memory_space<vmem>>
        %dma_start3A_428 = tpu.memref_squeeze %dma_start3A_427 : memref<1x1x5x128xi32, #tpu.memory_space<vmem>> -> memref<5x128xi32, #tpu.memory_space<vmem>>
        %dma_start3A_429 = arith.constant 0 : i32
        %dma_start3A_430 = tpu.memref_slice %arg3[%dma_start3A_423, %mul3A_422, %dma_start3A_429] : memref<2x50000x128xi32, #tpu.memory_space<hbm>> -> memref<1x5x128xi32, #tpu.memory_space<hbm>>
        %dma_start3A_431 = tpu.memref_squeeze %dma_start3A_430 : memref<1x5x128xi32, #tpu.memory_space<hbm>> -> memref<5x128xi32, #tpu.memory_space<hbm>>
        %dma_start3A_432 = arith.constant 0 : i32
        %dma_start3A_433 = arith.constant 0 : i32
        %dma_start3A_434 = tpu.memref_slice %arg7[%rem3A_419, %dma_start3A_424, %dma_start3A_432, %dma_start3A_433] : memref<3x2x5x128xi32, #tpu.memory_space<vmem>> -> memref<1x1x5x128xi32, #tpu.memory_space<vmem>>
        %dma_start3A_435 = tpu.memref_squeeze %dma_start3A_434 : memref<1x1x5x128xi32, #tpu.memory_space<vmem>> -> memref<5x128xi32, #tpu.memory_space<vmem>>
        %dma_start3A_436 = arith.constant 0 : i32
        %dma_start3A_437 = tpu.memref_slice %arg3[%dma_start3A_423, %mul3A_422, %dma_start3A_436] : memref<2x50000x128xi32, #tpu.memory_space<hbm>> -> memref<1x5x128xi32, #tpu.memory_space<hbm>>
        %dma_start3A_438 = tpu.memref_squeeze %dma_start3A_437 : memref<1x5x128xi32, #tpu.memory_space<hbm>> -> memref<5x128xi32, #tpu.memory_space<hbm>>
        tpu.enqueue_dma source(%dma_start3A_438 : memref<5x128xi32, #tpu.memory_space<hbm>>) target(%dma_start3A_435 : memref<5x128xi32, #tpu.memory_space<vmem>>) target_semaphore(%arg12 : memref<!tpu.dma_semaphore, #tpu.memory_space<semaphore_mem>>)
        %dma_start3A_439 = arith.constant 1 : i32
        %dma_start3A_440 = arith.constant 1 : i32
        %dma_start3A_441 = arith.constant 0 : i32
        %dma_start3A_442 = arith.constant 0 : i32
        %dma_start3A_443 = tpu.memref_slice %arg7[%rem3A_419, %dma_start3A_440, %dma_start3A_441, %dma_start3A_442] : memref<3x2x5x128xi32, #tpu.memory_space<vmem>> -> memref<1x1x5x128xi32, #tpu.memory_space<vmem>>
        %dma_start3A_444 = tpu.memref_squeeze %dma_start3A_443 : memref<1x1x5x128xi32, #tpu.memory_space<vmem>> -> memref<5x128xi32, #tpu.memory_space<vmem>>
        %dma_start3A_445 = arith.constant 0 : i32
        %dma_start3A_446 = tpu.memref_slice %arg3[%dma_start3A_439, %mul3A_422, %dma_start3A_445] : memref<2x50000x128xi32, #tpu.memory_space<hbm>> -> memref<1x5x128xi32, #tpu.memory_space<hbm>>
        %dma_start3A_447 = tpu.memref_squeeze %dma_start3A_446 : memref<1x5x128xi32, #tpu.memory_space<hbm>> -> memref<5x128xi32, #tpu.memory_space<hbm>>
        %dma_start3A_448 = arith.constant 0 : i32
        %dma_start3A_449 = arith.constant 0 : i32
        %dma_start3A_450 = tpu.memref_slice %arg7[%rem3A_419, %dma_start3A_440, %dma_start3A_448, %dma_start3A_449] : memref<3x2x5x128xi32, #tpu.memory_space<vmem>> -> memref<1x1x5x128xi32, #tpu.memory_space<vmem>>
        %dma_start3A_451 = tpu.memref_squeeze %dma_start3A_450 : memref<1x1x5x128xi32, #tpu.memory_space<vmem>> -> memref<5x128xi32, #tpu.memory_space<vmem>>
        %dma_start3A_452 = arith.constant 0 : i32
        %dma_start3A_453 = tpu.memref_slice %arg3[%dma_start3A_439, %mul3A_422, %dma_start3A_452] : memref<2x50000x128xi32, #tpu.memory_space<hbm>> -> memref<1x5x128xi32, #tpu.memory_space<hbm>>
        %dma_start3A_454 = tpu.memref_squeeze %dma_start3A_453 : memref<1x5x128xi32, #tpu.memory_space<hbm>> -> memref<5x128xi32, #tpu.memory_space<hbm>>
        tpu.enqueue_dma source(%dma_start3A_454 : memref<5x128xi32, #tpu.memory_space<hbm>>) target(%dma_start3A_451 : memref<5x128xi32, #tpu.memory_space<vmem>>) target_semaphore(%arg12 : memref<!tpu.dma_semaphore, #tpu.memory_space<semaphore_mem>>)
      } else {
      }
      %add3A_410 = arith.constant 1 : i32
      %add3A_411 = arith.addi %while3A_260, %add3A_410 : i32
      %lt3A_412 = arith.cmpi slt, %add3A_411, %sub3A_52 : i32
      %convert_element_type3A_413 = arith.extui %lt3A_412 : i1 to i32
      %cond3A_414 = arith.constant 0 : i32
      %cond3A_415 = arith.cmpi ne, %convert_element_type3A_413, %cond3A_414 : i32
      scf.if %cond3A_415 {
        %add3A_416 = arith.constant 1 : i32
        %add3A_417 = arith.addi %while3A_260, %add3A_416 : i32
        %rem3A_418 = arith.constant 3 : i32
        %rem3A_419 = arith.remsi %add3A_417, %rem3A_418 : i32
        %rem3A_420 = arith.constant 2 : i32
        %rem3A_421 = arith.remsi %add3A_417, %rem3A_420 : i32
        %dma_start3A_422 = arith.constant 0 : i32
        %dma_start3A_423 = arith.constant 0 : i32
        %dma_start3A_424 = arith.constant 0 : i32
        %dma_start3A_425 = arith.constant 0 : i32
        %dma_start3A_426 = arith.constant 0 : i32
        %dma_start3A_427 = tpu.memref_slice %arg8[%rem3A_421, %dma_start3A_424, %dma_start3A_425, %dma_start3A_426] : memref<2x5x128x16xf32, #tpu.memory_space<vmem>> -> memref<1x1x128x16xf32, #tpu.memory_space<vmem>>
        %dma_start3A_428 = tpu.memref_squeeze %dma_start3A_427 : memref<1x1x128x16xf32, #tpu.memory_space<vmem>> -> memref<128x16xf32, #tpu.memory_space<vmem>>
        %dma_start3A_429 = arith.constant 0 : i32
        %dma_start3A_430 = tpu.memref_slice %arg7[%rem3A_419, %dma_start3A_422, %dma_start3A_423, %dma_start3A_429] : memref<3x2x5x128xi32, #tpu.memory_space<vmem>> -> memref<1x1x1x128xi32, #tpu.memory_space<vmem>>
        %dma_start3A_431 = tpu.memref_squeeze %dma_start3A_430 : memref<1x1x1x128xi32, #tpu.memory_space<vmem>> -> memref<128xi32, #tpu.memory_space<vmem>>
        %dma_start3A_432 = arith.constant 0 : i32
        %dma_start3A_433 = arith.constant 0 : i32
        %dma_start3A_434 = tpu.memref_slice %arg2[%dma_start3A_432, %dma_start3A_433] : memref<100000x16xf32, #tpu.memory_space<hbm>> -> memref<100000x16xf32, #tpu.memory_space<hbm>>
        tpu.enqueue_indirect_dma source(%dma_start3A_434 : memref<100000x16xf32, #tpu.memory_space<hbm>>) target(%dma_start3A_428 : memref<128x16xf32, #tpu.memory_space<vmem>>) offsets(%dma_start3A_431 : memref<128xi32, #tpu.memory_space<vmem>>) semaphore(%arg10 : memref<!tpu.dma_semaphore, #tpu.memory_space<semaphore_mem>>)
        %dma_start3A_435 = arith.constant 0 : i32
        %dma_start3A_436 = arith.constant 1 : i32
        %dma_start3A_437 = arith.constant 1 : i32
        %dma_start3A_438 = arith.constant 0 : i32
        %dma_start3A_439 = arith.constant 0 : i32
        %dma_start3A_440 = tpu.memref_slice %arg8[%rem3A_421, %dma_start3A_437, %dma_start3A_438, %dma_start3A_439] : memref<2x5x128x16xf32, #tpu.memory_space<vmem>> -> memref<1x1x128x16xf32, #tpu.memory_space<vmem>>
        %dma_start3A_441 = tpu.memref_squeeze %dma_start3A_440 : memref<1x1x128x16xf32, #tpu.memory_space<vmem>> -> memref<128x16xf32, #tpu.memory_space<vmem>>
        %dma_start3A_442 = arith.constant 0 : i32
        %dma_start3A_443 = tpu.memref_slice %arg7[%rem3A_419, %dma_start3A_435, %dma_start3A_436, %dma_start3A_442] : memref<3x2x5x128xi32, #tpu.memory_space<vmem>> -> memref<1x1x1x128xi32, #tpu.memory_space<vmem>>
        %dma_start3A_444 = tpu.memref_squeeze %dma_start3A_443 : memref<1x1x1x128xi32, #tpu.memory_space<vmem>> -> memref<128xi32, #tpu.memory_space<vmem>>
        %dma_start3A_445 = arith.constant 0 : i32
        %dma_start3A_446 = arith.constant 0 : i32
        %dma_start3A_447 = tpu.memref_slice %arg2[%dma_start3A_445, %dma_start3A_446] : memref<100000x16xf32, #tpu.memory_space<hbm>> -> memref<100000x16xf32, #tpu.memory_space<hbm>>
        tpu.enqueue_indirect_dma source(%dma_start3A_447 : memref<100000x16xf32, #tpu.memory_space<hbm>>) target(%dma_start3A_441 : memref<128x16xf32, #tpu.memory_space<vmem>>) offsets(%dma_start3A_444 : memref<128xi32, #tpu.memory_space<vmem>>) semaphore(%arg10 : memref<!tpu.dma_semaphore, #tpu.memory_space<semaphore_mem>>)
        %dma_start3A_448 = arith.constant 0 : i32
        %dma_start3A_449 = arith.constant 2 : i32
        %dma_start3A_450 = arith.constant 2 : i32
        %dma_start3A_451 = arith.constant 0 : i32
        %dma_start3A_452 = arith.constant 0 : i32
        %dma_start3A_453 = tpu.memref_slice %arg8[%rem3A_421, %dma_start3A_450, %dma_start3A_451, %dma_start3A_452] : memref<2x5x128x16xf32, #tpu.memory_space<vmem>> -> memref<1x1x128x16xf32, #tpu.memory_space<vmem>>
        %dma_start3A_454 = tpu.memref_squeeze %dma_start3A_453 : memref<1x1x128x16xf32, #tpu.memory_space<vmem>> -> memref<128x16xf32, #tpu.memory_space<vmem>>
        %dma_start3A_455 = arith.constant 0 : i32
        %dma_start3A_456 = tpu.memref_slice %arg7[%rem3A_419, %dma_start3A_448, %dma_start3A_449, %dma_start3A_455] : memref<3x2x5x128xi32, #tpu.memory_space<vmem>> -> memref<1x1x1x128xi32, #tpu.memory_space<vmem>>
        %dma_start3A_457 = tpu.memref_squeeze %dma_start3A_456 : memref<1x1x1x128xi32, #tpu.memory_space<vmem>> -> memref<128xi32, #tpu.memory_space<vmem>>
        %dma_start3A_458 = arith.constant 0 : i32
        %dma_start3A_459 = arith.constant 0 : i32
        %dma_start3A_460 = tpu.memref_slice %arg2[%dma_start3A_458, %dma_start3A_459] : memref<100000x16xf32, #tpu.memory_space<hbm>> -> memref<100000x16xf32, #tpu.memory_space<hbm>>
        tpu.enqueue_indirect_dma source(%dma_start3A_460 : memref<100000x16xf32, #tpu.memory_space<hbm>>) target(%dma_start3A_454 : memref<128x16xf32, #tpu.memory_space<vmem>>) offsets(%dma_start3A_457 : memref<128xi32, #tpu.memory_space<vmem>>) semaphore(%arg10 : memref<!tpu.dma_semaphore, #tpu.memory_space<semaphore_mem>>)
        %dma_start3A_461 = arith.constant 0 : i32
        %dma_start3A_462 = arith.constant 3 : i32
        %dma_start3A_463 = arith.constant 3 : i32
        %dma_start3A_464 = arith.constant 0 : i32
        %dma_start3A_465 = arith.constant 0 : i32
        %dma_start3A_466 = tpu.memref_slice %arg8[%rem3A_421, %dma_start3A_463, %dma_start3A_464, %dma_start3A_465] : memref<2x5x128x16xf32, #tpu.memory_space<vmem>> -> memref<1x1x128x16xf32, #tpu.memory_space<vmem>>
        %dma_start3A_467 = tpu.memref_squeeze %dma_start3A_466 : memref<1x1x128x16xf32, #tpu.memory_space<vmem>> -> memref<128x16xf32, #tpu.memory_space<vmem>>
        %dma_start3A_468 = arith.constant 0 : i32
        %dma_start3A_469 = tpu.memref_slice %arg7[%rem3A_419, %dma_start3A_461, %dma_start3A_462, %dma_start3A_468] : memref<3x2x5x128xi32, #tpu.memory_space<vmem>> -> memref<1x1x1x128xi32, #tpu.memory_space<vmem>>
        %dma_start3A_470 = tpu.memref_squeeze %dma_start3A_469 : memref<1x1x1x128xi32, #tpu.memory_space<vmem>> -> memref<128xi32, #tpu.memory_space<vmem>>
        %dma_start3A_471 = arith.constant 0 : i32
        %dma_start3A_472 = arith.constant 0 : i32
        %dma_start3A_473 = tpu.memref_slice %arg2[%dma_start3A_471, %dma_start3A_472] : memref<100000x16xf32, #tpu.memory_space<hbm>> -> memref<100000x16xf32, #tpu.memory_space<hbm>>
        tpu.enqueue_indirect_dma source(%dma_start3A_473 : memref<100000x16xf32, #tpu.memory_space<hbm>>) target(%dma_start3A_467 : memref<128x16xf32, #tpu.memory_space<vmem>>) offsets(%dma_start3A_470 : memref<128xi32, #tpu.memory_space<vmem>>) semaphore(%arg10 : memref<!tpu.dma_semaphore, #tpu.memory_space<semaphore_mem>>)
        %dma_start3A_474 = arith.constant 0 : i32
        %dma_start3A_475 = arith.constant 4 : i32
        %dma_start3A_476 = arith.constant 4 : i32
        %dma_start3A_477 = arith.constant 0 : i32
        %dma_start3A_478 = arith.constant 0 : i32
        %dma_start3A_479 = tpu.memref_slice %arg8[%rem3A_421, %dma_start3A_476, %dma_start3A_477, %dma_start3A_478] : memref<2x5x128x16xf32, #tpu.memory_space<vmem>> -> memref<1x1x128x16xf32, #tpu.memory_space<vmem>>
        %dma_start3A_480 = tpu.memref_squeeze %dma_start3A_479 : memref<1x1x128x16xf32, #tpu.memory_space<vmem>> -> memref<128x16xf32, #tpu.memory_space<vmem>>
        %dma_start3A_481 = arith.constant 0 : i32
        %dma_start3A_482 = tpu.memref_slice %arg7[%rem3A_419, %dma_start3A_474, %dma_start3A_475, %dma_start3A_481] : memref<3x2x5x128xi32, #tpu.memory_space<vmem>> -> memref<1x1x1x128xi32, #tpu.memory_space<vmem>>
        %dma_start3A_483 = tpu.memref_squeeze %dma_start3A_482 : memref<1x1x1x128xi32, #tpu.memory_space<vmem>> -> memref<128xi32, #tpu.memory_space<vmem>>
        %dma_start3A_484 = arith.constant 0 : i32
        %dma_start3A_485 = arith.constant 0 : i32
        %dma_start3A_486 = tpu.memref_slice %arg2[%dma_start3A_484, %dma_start3A_485] : memref<100000x16xf32, #tpu.memory_space<hbm>> -> memref<100000x16xf32, #tpu.memory_space<hbm>>
        tpu.enqueue_indirect_dma source(%dma_start3A_486 : memref<100000x16xf32, #tpu.memory_space<hbm>>) target(%dma_start3A_480 : memref<128x16xf32, #tpu.memory_space<vmem>>) offsets(%dma_start3A_483 : memref<128xi32, #tpu.memory_space<vmem>>) semaphore(%arg10 : memref<!tpu.dma_semaphore, #tpu.memory_space<semaphore_mem>>)
      } else {
      }
    }
    %dma_wait3A = arith.constant 0 : i32
    %dma_wait3A_178 = arith.constant 0 : i32
    %dma_wait3A_179 = arith.constant 0 : i32
    %dma_wait3A_180 = arith.constant 1 : i32
    %dma_wait3A_181 = arith.constant 0 : i32
    %dma_wait3A_182 = arith.constant 0 : i32
    %dma_wait3A_183 = arith.constant 0 : i32
    %dma_wait3A_184 = tpu.memref_slice %arg8[%dma_wait3A, %dma_wait3A_178, %dma_wait3A_182, %dma_wait3A_183] : memref<2x5x128x16xf32, #tpu.memory_space<vmem>> -> memref<1x1x128x16xf32, #tpu.memory_space<vmem>>
    %dma_wait3A_185 = tpu.memref_squeeze %dma_wait3A_184 : memref<1x1x128x16xf32, #tpu.memory_space<vmem>> -> memref<128x16xf32, #tpu.memory_space<vmem>>
    %dma_wait3A_186 = arith.constant 0 : i32
    %dma_wait3A_187 = tpu.memref_slice %arg7[%dma_wait3A_179, %dma_wait3A_180, %dma_wait3A_181, %dma_wait3A_186] : memref<3x2x5x128xi32, #tpu.memory_space<vmem>> -> memref<1x1x1x128xi32, #tpu.memory_space<vmem>>
    %dma_wait3A_188 = tpu.memref_squeeze %dma_wait3A_187 : memref<1x1x1x128xi32, #tpu.memory_space<vmem>> -> memref<128xi32, #tpu.memory_space<vmem>>
    %dma_wait3A_189 = arith.constant 0 : i32
    %dma_wait3A_190 = arith.constant 0 : i32
    %dma_wait3A_191 = tpu.memref_slice %arg9[%dma_wait3A_189, %dma_wait3A_190] : memref<100096x16xf32, #tpu.memory_space<vmem_shared>> -> memref<100096x16xf32, #tpu.memory_space<vmem_shared>>
    tpu.wait_indirect_dma semaphore(%arg11 : memref<!tpu.dma_semaphore, #tpu.memory_space<semaphore_mem>>) src(%dma_wait3A_185 : memref<128x16xf32, #tpu.memory_space<vmem>>) dst(%dma_wait3A_191 : memref<100096x16xf32, #tpu.memory_space<vmem_shared>>)
    %dma_wait3A_192 = arith.constant 0 : i32
    %dma_wait3A_193 = arith.constant 1 : i32
    %dma_wait3A_194 = arith.constant 0 : i32
    %dma_wait3A_195 = arith.constant 1 : i32
    %dma_wait3A_196 = arith.constant 1 : i32
    %dma_wait3A_197 = arith.constant 0 : i32
    %dma_wait3A_198 = arith.constant 0 : i32
    %dma_wait3A_199 = tpu.memref_slice %arg8[%dma_wait3A_192, %dma_wait3A_193, %dma_wait3A_197, %dma_wait3A_198] : memref<2x5x128x16xf32, #tpu.memory_space<vmem>> -> memref<1x1x128x16xf32, #tpu.memory_space<vmem>>
    %dma_wait3A_200 = tpu.memref_squeeze %dma_wait3A_199 : memref<1x1x128x16xf32, #tpu.memory_space<vmem>> -> memref<128x16xf32, #tpu.memory_space<vmem>>
    %dma_wait3A_201 = arith.constant 0 : i32
    %dma_wait3A_202 = tpu.memref_slice %arg7[%dma_wait3A_194, %dma_wait3A_195, %dma_wait3A_196, %dma_wait3A_201] : memref<3x2x5x128xi32, #tpu.memory_space<vmem>> -> memref<1x1x1x128xi32, #tpu.memory_space<vmem>>
    %dma_wait3A_203 = tpu.memref_squeeze %dma_wait3A_202 : memref<1x1x1x128xi32, #tpu.memory_space<vmem>> -> memref<128xi32, #tpu.memory_space<vmem>>
    %dma_wait3A_204 = arith.constant 0 : i32
    %dma_wait3A_205 = arith.constant 0 : i32
    %dma_wait3A_206 = tpu.memref_slice %arg9[%dma_wait3A_204, %dma_wait3A_205] : memref<100096x16xf32, #tpu.memory_space<vmem_shared>> -> memref<100096x16xf32, #tpu.memory_space<vmem_shared>>
    tpu.wait_indirect_dma semaphore(%arg11 : memref<!tpu.dma_semaphore, #tpu.memory_space<semaphore_mem>>) src(%dma_wait3A_200 : memref<128x16xf32, #tpu.memory_space<vmem>>) dst(%dma_wait3A_206 : memref<100096x16xf32, #tpu.memory_space<vmem_shared>>)
    %dma_wait3A_207 = arith.constant 0 : i32
    %dma_wait3A_208 = arith.constant 2 : i32
    %dma_wait3A_209 = arith.constant 0 : i32
    %dma_wait3A_210 = arith.constant 1 : i32
    %dma_wait3A_211 = arith.constant 2 : i32
    %dma_wait3A_212 = arith.constant 0 : i32
    %dma_wait3A_213 = arith.constant 0 : i32
    %dma_wait3A_214 = tpu.memref_slice %arg8[%dma_wait3A_207, %dma_wait3A_208, %dma_wait3A_212, %dma_wait3A_213] : memref<2x5x128x16xf32, #tpu.memory_space<vmem>> -> memref<1x1x128x16xf32, #tpu.memory_space<vmem>>
    %dma_wait3A_215 = tpu.memref_squeeze %dma_wait3A_214 : memref<1x1x128x16xf32, #tpu.memory_space<vmem>> -> memref<128x16xf32, #tpu.memory_space<vmem>>
    %dma_wait3A_216 = arith.constant 0 : i32
    %dma_wait3A_217 = tpu.memref_slice %arg7[%dma_wait3A_209, %dma_wait3A_210, %dma_wait3A_211, %dma_wait3A_216] : memref<3x2x5x128xi32, #tpu.memory_space<vmem>> -> memref<1x1x1x128xi32, #tpu.memory_space<vmem>>
    %dma_wait3A_218 = tpu.memref_squeeze %dma_wait3A_217 : memref<1x1x1x128xi32, #tpu.memory_space<vmem>> -> memref<128xi32, #tpu.memory_space<vmem>>
    %dma_wait3A_219 = arith.constant 0 : i32
    %dma_wait3A_220 = arith.constant 0 : i32
    %dma_wait3A_221 = tpu.memref_slice %arg9[%dma_wait3A_219, %dma_wait3A_220] : memref<100096x16xf32, #tpu.memory_space<vmem_shared>> -> memref<100096x16xf32, #tpu.memory_space<vmem_shared>>
    tpu.wait_indirect_dma semaphore(%arg11 : memref<!tpu.dma_semaphore, #tpu.memory_space<semaphore_mem>>) src(%dma_wait3A_215 : memref<128x16xf32, #tpu.memory_space<vmem>>) dst(%dma_wait3A_221 : memref<100096x16xf32, #tpu.memory_space<vmem_shared>>)
    %dma_wait3A_222 = arith.constant 0 : i32
    %dma_wait3A_223 = arith.constant 3 : i32
    %dma_wait3A_224 = arith.constant 0 : i32
    %dma_wait3A_225 = arith.constant 1 : i32
    %dma_wait3A_226 = arith.constant 3 : i32
    %dma_wait3A_227 = arith.constant 0 : i32
    %dma_wait3A_228 = arith.constant 0 : i32
    %dma_wait3A_229 = tpu.memref_slice %arg8[%dma_wait3A_222, %dma_wait3A_223, %dma_wait3A_227, %dma_wait3A_228] : memref<2x5x128x16xf32, #tpu.memory_space<vmem>> -> memref<1x1x128x16xf32, #tpu.memory_space<vmem>>
    %dma_wait3A_230 = tpu.memref_squeeze %dma_wait3A_229 : memref<1x1x128x16xf32, #tpu.memory_space<vmem>> -> memref<128x16xf32, #tpu.memory_space<vmem>>
    %dma_wait3A_231 = arith.constant 0 : i32
    %dma_wait3A_232 = tpu.memref_slice %arg7[%dma_wait3A_224, %dma_wait3A_225, %dma_wait3A_226, %dma_wait3A_231] : memref<3x2x5x128xi32, #tpu.memory_space<vmem>> -> memref<1x1x1x128xi32, #tpu.memory_space<vmem>>
    %dma_wait3A_233 = tpu.memref_squeeze %dma_wait3A_232 : memref<1x1x1x128xi32, #tpu.memory_space<vmem>> -> memref<128xi32, #tpu.memory_space<vmem>>
    %dma_wait3A_234 = arith.constant 0 : i32
    %dma_wait3A_235 = arith.constant 0 : i32
    %dma_wait3A_236 = tpu.memref_slice %arg9[%dma_wait3A_234, %dma_wait3A_235] : memref<100096x16xf32, #tpu.memory_space<vmem_shared>> -> memref<100096x16xf32, #tpu.memory_space<vmem_shared>>
    tpu.wait_indirect_dma semaphore(%arg11 : memref<!tpu.dma_semaphore, #tpu.memory_space<semaphore_mem>>) src(%dma_wait3A_230 : memref<128x16xf32, #tpu.memory_space<vmem>>) dst(%dma_wait3A_236 : memref<100096x16xf32, #tpu.memory_space<vmem_shared>>)
    %dma_wait3A_237 = arith.constant 0 : i32
    %dma_wait3A_238 = arith.constant 4 : i32
    %dma_wait3A_239 = arith.constant 0 : i32
    %dma_wait3A_240 = arith.constant 1 : i32
    %dma_wait3A_241 = arith.constant 4 : i32
    %dma_wait3A_242 = arith.constant 0 : i32
    %dma_wait3A_243 = arith.constant 0 : i32
    %dma_wait3A_244 = tpu.memref_slice %arg8[%dma_wait3A_237, %dma_wait3A_238, %dma_wait3A_242, %dma_wait3A_243] : memref<2x5x128x16xf32, #tpu.memory_space<vmem>> -> memref<1x1x128x16xf32, #tpu.memory_space<vmem>>
    %dma_wait3A_245 = tpu.memref_squeeze %dma_wait3A_244 : memref<1x1x128x16xf32, #tpu.memory_space<vmem>> -> memref<128x16xf32, #tpu.memory_space<vmem>>
    %dma_wait3A_246 = arith.constant 0 : i32
    %dma_wait3A_247 = tpu.memref_slice %arg7[%dma_wait3A_239, %dma_wait3A_240, %dma_wait3A_241, %dma_wait3A_246] : memref<3x2x5x128xi32, #tpu.memory_space<vmem>> -> memref<1x1x1x128xi32, #tpu.memory_space<vmem>>
    %dma_wait3A_248 = tpu.memref_squeeze %dma_wait3A_247 : memref<1x1x1x128xi32, #tpu.memory_space<vmem>> -> memref<128xi32, #tpu.memory_space<vmem>>
    %dma_wait3A_249 = arith.constant 0 : i32
    %dma_wait3A_250 = arith.constant 0 : i32
    %dma_wait3A_251 = tpu.memref_slice %arg9[%dma_wait3A_249, %dma_wait3A_250] : memref<100096x16xf32, #tpu.memory_space<vmem_shared>> -> memref<100096x16xf32, #tpu.memory_space<vmem_shared>>
    tpu.wait_indirect_dma semaphore(%arg11 : memref<!tpu.dma_semaphore, #tpu.memory_space<semaphore_mem>>) src(%dma_wait3A_245 : memref<128x16xf32, #tpu.memory_space<vmem>>) dst(%dma_wait3A_251 : memref<100096x16xf32, #tpu.memory_space<vmem_shared>>)
    %barrier3A_252 = arith.constant 0 : index
    tpu.barrier barrier_id(%barrier3A_252)
    %eq3A = arith.constant 0 : i32
    %eq3A_253 = arith.cmpi eq, %arg0, %eq3A : i32
    %convert_element_type3A = arith.extui %eq3A_253 : i1 to i32
    %cond3A = arith.constant 0 : i32
    %cond3A_254 = arith.cmpi ne, %convert_element_type3A, %cond3A : i32
    scf.if %cond3A_254 {
      %mul3A_260 = arith.constant 6256 : i32
      %mul3A_261 = arith.muli %arg1, %mul3A_260 : i32
      %mul3A_262 = arith.constant 6256 : i32
      %mul3A_263 = arith.muli %arg1, %mul3A_262 : i32
      "tpu.region"() ({
        %run_scoped3A_264 = tpu.sem_alloc : memref<!tpu.dma_semaphore, #tpu.memory_space<semaphore_mem>>
        %dma_start3A_265 = arith.constant 0 : i32
        %dma_start3A_266 = tpu.memref_slice %arg5[%mul3A_263, %dma_start3A_265] : memref<100096x16xf32, #tpu.memory_space<hbm>> -> memref<6256x16xf32, #tpu.memory_space<hbm>>
        %dma_start3A_267 = arith.constant 0 : i32
        %dma_start3A_268 = tpu.memref_slice %arg9[%mul3A_261, %dma_start3A_267] : memref<100096x16xf32, #tpu.memory_space<vmem_shared>> -> memref<6256x16xf32, #tpu.memory_space<vmem_shared>>
        tpu.enqueue_dma source(%dma_start3A_268 : memref<6256x16xf32, #tpu.memory_space<vmem_shared>>) target(%dma_start3A_266 : memref<6256x16xf32, #tpu.memory_space<hbm>>) target_semaphore(%run_scoped3A_264 : memref<!tpu.dma_semaphore, #tpu.memory_space<semaphore_mem>>)
        %dma_wait3A_269 = arith.constant 0 : i32
        %dma_wait3A_270 = tpu.memref_slice %arg5[%mul3A_263, %dma_wait3A_269] : memref<100096x16xf32, #tpu.memory_space<hbm>> -> memref<6256x16xf32, #tpu.memory_space<hbm>>
        %dma_wait3A_271 = arith.constant 0 : i32
        %dma_wait3A_272 = tpu.memref_slice %arg9[%mul3A_261, %dma_wait3A_271] : memref<100096x16xf32, #tpu.memory_space<vmem_shared>> -> memref<6256x16xf32, #tpu.memory_space<vmem_shared>>
        tpu.wait_dma2 semaphore(%run_scoped3A_264 : memref<!tpu.dma_semaphore, #tpu.memory_space<semaphore_mem>>) src(%dma_wait3A_272 : memref<6256x16xf32, #tpu.memory_space<vmem_shared>>) dst(%dma_wait3A_270 : memref<6256x16xf32, #tpu.memory_space<hbm>>)
        tpu.yield
      }) : () -> ()
    } else {
    }
    %eq3A_255 = arith.constant 1 : i32
    %eq3A_256 = arith.cmpi eq, %arg0, %eq3A_255 : i32
    %convert_element_type3A_257 = arith.extui %eq3A_256 : i1 to i32
    %cond3A_258 = arith.constant 0 : i32
    %cond3A_259 = arith.cmpi ne, %convert_element_type3A_257, %cond3A_258 : i32
    scf.if %cond3A_259 {
      %mul3A_260 = arith.constant 6256 : i32
      %mul3A_261 = arith.muli %arg1, %mul3A_260 : i32
      %mul3A_262 = arith.constant 6256 : i32
      %mul3A_263 = arith.muli %arg1, %mul3A_262 : i32
      "tpu.region"() ({
        %run_scoped3A_264 = tpu.sem_alloc : memref<!tpu.dma_semaphore, #tpu.memory_space<semaphore_mem>>
        %dma_start3A_265 = arith.constant 0 : i32
        %dma_start3A_266 = tpu.memref_slice %arg6[%mul3A_263, %dma_start3A_265] : memref<100096x16xf32, #tpu.memory_space<hbm>> -> memref<6256x16xf32, #tpu.memory_space<hbm>>
        %dma_start3A_267 = arith.constant 0 : i32
        %dma_start3A_268 = tpu.memref_slice %arg9[%mul3A_261, %dma_start3A_267] : memref<100096x16xf32, #tpu.memory_space<vmem_shared>> -> memref<6256x16xf32, #tpu.memory_space<vmem_shared>>
        tpu.enqueue_dma source(%dma_start3A_268 : memref<6256x16xf32, #tpu.memory_space<vmem_shared>>) target(%dma_start3A_266 : memref<6256x16xf32, #tpu.memory_space<hbm>>) target_semaphore(%run_scoped3A_264 : memref<!tpu.dma_semaphore, #tpu.memory_space<semaphore_mem>>)
        %dma_wait3A_269 = arith.constant 0 : i32
        %dma_wait3A_270 = tpu.memref_slice %arg6[%mul3A_263, %dma_wait3A_269] : memref<100096x16xf32, #tpu.memory_space<hbm>> -> memref<6256x16xf32, #tpu.memory_space<hbm>>
        %dma_wait3A_271 = arith.constant 0 : i32
        %dma_wait3A_272 = tpu.memref_slice %arg9[%mul3A_261, %dma_wait3A_271] : memref<100096x16xf32, #tpu.memory_space<vmem_shared>> -> memref<6256x16xf32, #tpu.memory_space<vmem_shared>>
        tpu.wait_dma2 semaphore(%run_scoped3A_264 : memref<!tpu.dma_semaphore, #tpu.memory_space<semaphore_mem>>) src(%dma_wait3A_272 : memref<6256x16xf32, #tpu.memory_space<vmem_shared>>) dst(%dma_wait3A_270 : memref<6256x16xf32, #tpu.memory_space<hbm>>)
        tpu.yield
      }) : () -> ()
    } else {
    }
    return
  }
}

#map = affine_map<(d0, d1) -> (0, 0)>
#map1 = affine_map<(d0, d1) -> (0, 0, 0)>
module attributes {stable_mosaic.version = 14 : i64} {
  func.func @body(%arg0: i32, %arg1: i32, %arg2: memref<100000x16xf32, #tpu.memory_space<hbm>>, %arg3: memref<100000x16xf32, #tpu.memory_space<hbm>>, %arg4: memref<2x50000x128xi32, #tpu.memory_space<hbm>>, %arg5: memref<6256x16xf32, #tpu.memory_space<hbm>>, %arg6: memref<100096x16xf32, #tpu.memory_space<hbm>>, %arg7: memref<100096x16xf32, #tpu.memory_space<hbm>>, %arg8: memref<3x2x5x128xi32, #tpu.memory_space<vmem>>, %arg9: memref<2x5x128x16xf32, #tpu.memory_space<vmem>>, %arg10: memref<100096x16xf32, #tpu.memory_space<vmem_shared>>, %arg11: memref<!tpu.dma_semaphore, #tpu.memory_space<semaphore_mem>>, %arg12: memref<!tpu.dma_semaphore, #tpu.memory_space<semaphore_mem>>, %arg13: memref<!tpu.dma_semaphore, #tpu.memory_space<semaphore_mem>>) attributes {dimension_semantics = [#tpu.dimension_semantics<core_parallel>, #tpu.dimension_semantics<subcore_parallel>], iteration_bounds = array<i64: 2, 16>, scalar_prefetch = 0 : i64, scratch_operands = 6 : i64, tpu.core_type = #tpu.core_type<sc_vector_subcore>, window_params = [{transform_indices = #map}, {transform_indices = #map}, {transform_indices = #map1}, {transform_indices = #map}, {transform_indices = #map}, {transform_indices = #map}]} {
    %mul3A = arith.constant 6256 : i32
    %mul3A_0 = arith.muli %arg1, %mul3A : i32
    "tpu.region"() ({
      %run_scoped3A = tpu.sem_alloc : memref<!tpu.dma_semaphore, #tpu.memory_space<semaphore_mem>>
      %dma_start3A = arith.constant 0 : i32
      %dma_start3A_64 = tpu.memref_slice %arg10[%mul3A_0, %dma_start3A] : memref<100096x16xf32, #tpu.memory_space<vmem_shared>> -> memref<6256x16xf32, #tpu.memory_space<vmem_shared>>
      tpu.enqueue_dma source(%arg5 : memref<6256x16xf32, #tpu.memory_space<hbm>>) target(%dma_start3A_64 : memref<6256x16xf32, #tpu.memory_space<vmem_shared>>) target_semaphore(%run_scoped3A : memref<!tpu.dma_semaphore, #tpu.memory_space<semaphore_mem>>)
      %dma_wait3A = arith.constant 0 : i32
      %dma_wait3A_65 = tpu.memref_slice %arg10[%mul3A_0, %dma_wait3A] : memref<100096x16xf32, #tpu.memory_space<vmem_shared>> -> memref<6256x16xf32, #tpu.memory_space<vmem_shared>>
      tpu.wait_dma2 semaphore(%run_scoped3A : memref<!tpu.dma_semaphore, #tpu.memory_space<semaphore_mem>>) src(%arg5 : memref<6256x16xf32, #tpu.memory_space<hbm>>) dst(%dma_wait3A_65 : memref<6256x16xf32, #tpu.memory_space<vmem_shared>>)
      tpu.yield
    }) : () -> ()
    %barrier3A = arith.constant 0 : index
    tpu.barrier barrier_id(%barrier3A)
    %mul3A_1 = arith.constant 10000 : i32
    %mul3A_2 = arith.muli %arg1, %mul3A_1 : i32
    %jit3A = arith.constant 16 : i32
    %div3A = arith.divsi %mul3A_2, %jit3A : i32
    %sign3A = arith.constant 0 : i32
    %sign3A_3 = arith.cmpi sgt, %mul3A_2, %sign3A : i32
    %sign3A_4 = arith.extui %sign3A_3 : i1 to i32
    %sign3A_5 = arith.constant 0 : i32
    %sign3A_6 = arith.cmpi slt, %mul3A_2, %sign3A_5 : i32
    %sign3A_7 = arith.extui %sign3A_6 : i1 to i32
    %sign3A_8 = arith.subi %sign3A_4, %sign3A_7 : i32
    %sign3A_9 = arith.constant 0 : i32
    %sign3A_10 = arith.cmpi sgt, %jit3A, %sign3A_9 : i32
    %sign3A_11 = arith.extui %sign3A_10 : i1 to i32
    %sign3A_12 = arith.constant 0 : i32
    %sign3A_13 = arith.cmpi slt, %jit3A, %sign3A_12 : i32
    %sign3A_14 = arith.extui %sign3A_13 : i1 to i32
    %sign3A_15 = arith.subi %sign3A_11, %sign3A_14 : i32
    %ne3A = arith.cmpi ne, %sign3A_8, %sign3A_15 : i32
    %rem3A = arith.remsi %mul3A_2, %jit3A : i32
    %ne3A_16 = arith.constant 0 : i32
    %ne3A_17 = arith.cmpi ne, %rem3A, %ne3A_16 : i32
    %and3A = arith.andi %ne3A, %ne3A_17 : i1
    %sub3A = arith.constant 1 : i32
    %sub3A_18 = arith.subi %div3A, %sub3A : i32
    %select_n3A = arith.select %and3A, %sub3A_18, %div3A : i32
    %add3A = arith.constant 1 : i32
    %add3A_19 = arith.addi %arg1, %add3A : i32
    %mul3A_20 = arith.constant 10000 : i32
    %mul3A_21 = arith.muli %add3A_19, %mul3A_20 : i32
    %jit3A_22 = arith.constant 16 : i32
    %div3A_23 = arith.divsi %mul3A_21, %jit3A_22 : i32
    %sign3A_24 = arith.constant 0 : i32
    %sign3A_25 = arith.cmpi sgt, %mul3A_21, %sign3A_24 : i32
    %sign3A_26 = arith.extui %sign3A_25 : i1 to i32
    %sign3A_27 = arith.constant 0 : i32
    %sign3A_28 = arith.cmpi slt, %mul3A_21, %sign3A_27 : i32
    %sign3A_29 = arith.extui %sign3A_28 : i1 to i32
    %sign3A_30 = arith.subi %sign3A_26, %sign3A_29 : i32
    %sign3A_31 = arith.constant 0 : i32
    %sign3A_32 = arith.cmpi sgt, %jit3A_22, %sign3A_31 : i32
    %sign3A_33 = arith.extui %sign3A_32 : i1 to i32
    %sign3A_34 = arith.constant 0 : i32
    %sign3A_35 = arith.cmpi slt, %jit3A_22, %sign3A_34 : i32
    %sign3A_36 = arith.extui %sign3A_35 : i1 to i32
    %sign3A_37 = arith.subi %sign3A_33, %sign3A_36 : i32
    %ne3A_38 = arith.cmpi ne, %sign3A_30, %sign3A_37 : i32
    %rem3A_39 = arith.remsi %mul3A_21, %jit3A_22 : i32
    %ne3A_40 = arith.constant 0 : i32
    %ne3A_41 = arith.cmpi ne, %rem3A_39, %ne3A_40 : i32
    %and3A_42 = arith.andi %ne3A_38, %ne3A_41 : i1
    %sub3A_43 = arith.constant 1 : i32
    %sub3A_44 = arith.subi %div3A_23, %sub3A_43 : i32
    %select_n3A_45 = arith.select %and3A_42, %sub3A_44, %div3A_23 : i32
    %eq3A = arith.constant 0 : i32
    %eq3A_46 = arith.cmpi eq, %arg0, %eq3A : i32
    %convert_element_type3A = arith.extui %eq3A_46 : i1 to i32
    %cond3A = arith.constant 0 : i32
    %cond3A_47 = arith.cmpi ne, %convert_element_type3A, %cond3A : i32
    scf.if %cond3A_47 {
      %sub3A_64 = arith.subi %select_n3A_45, %select_n3A : i32
      %mul3A_65 = arith.constant 5 : i32
      %mul3A_66 = arith.muli %select_n3A, %mul3A_65 : i32
      %run_scoped3A = arith.constant 0 : i32
      %run_scoped3A_67 = arith.constant 0 : i32
      %run_scoped3A_68 = arith.constant 0 : i32
      "tpu.region"() ({
        %run_scoped3A_264 = tpu.sem_alloc : memref<!tpu.dma_semaphore, #tpu.memory_space<semaphore_mem>>
        %dma_start3A_265 = arith.constant 0 : i32
        %dma_start3A_266 = arith.constant 0 : i32
        %dma_start3A_267 = tpu.memref_slice %arg8[%run_scoped3A_67, %run_scoped3A_68, %dma_start3A_265, %dma_start3A_266] : memref<3x2x5x128xi32, #tpu.memory_space<vmem>> -> memref<1x1x5x128xi32, #tpu.memory_space<vmem>>
        %dma_start3A_268 = tpu.memref_squeeze %dma_start3A_267 : memref<1x1x5x128xi32, #tpu.memory_space<vmem>> -> memref<5x128xi32, #tpu.memory_space<vmem>>
        %dma_start3A_269 = arith.constant 0 : i32
        %dma_start3A_270 = tpu.memref_slice %arg4[%run_scoped3A, %mul3A_66, %dma_start3A_269] : memref<2x50000x128xi32, #tpu.memory_space<hbm>> -> memref<1x5x128xi32, #tpu.memory_space<hbm>>
        %dma_start3A_271 = tpu.memref_squeeze %dma_start3A_270 : memref<1x5x128xi32, #tpu.memory_space<hbm>> -> memref<5x128xi32, #tpu.memory_space<hbm>>
        %dma_start3A_272 = arith.constant 0 : i32
        %dma_start3A_273 = arith.constant 0 : i32
        %dma_start3A_274 = tpu.memref_slice %arg8[%run_scoped3A_67, %run_scoped3A_68, %dma_start3A_272, %dma_start3A_273] : memref<3x2x5x128xi32, #tpu.memory_space<vmem>> -> memref<1x1x5x128xi32, #tpu.memory_space<vmem>>
        %dma_start3A_275 = tpu.memref_squeeze %dma_start3A_274 : memref<1x1x5x128xi32, #tpu.memory_space<vmem>> -> memref<5x128xi32, #tpu.memory_space<vmem>>
        %dma_start3A_276 = arith.constant 0 : i32
        %dma_start3A_277 = tpu.memref_slice %arg4[%run_scoped3A, %mul3A_66, %dma_start3A_276] : memref<2x50000x128xi32, #tpu.memory_space<hbm>> -> memref<1x5x128xi32, #tpu.memory_space<hbm>>
        %dma_start3A_278 = tpu.memref_squeeze %dma_start3A_277 : memref<1x5x128xi32, #tpu.memory_space<hbm>> -> memref<5x128xi32, #tpu.memory_space<hbm>>
        tpu.enqueue_dma source(%dma_start3A_278 : memref<5x128xi32, #tpu.memory_space<hbm>>) target(%dma_start3A_275 : memref<5x128xi32, #tpu.memory_space<vmem>>) target_semaphore(%run_scoped3A_264 : memref<!tpu.dma_semaphore, #tpu.memory_space<semaphore_mem>>)
        %dma_wait3A_279 = arith.constant 0 : i32
        %dma_wait3A_280 = arith.constant 0 : i32
        %dma_wait3A_281 = tpu.memref_slice %arg8[%run_scoped3A_67, %run_scoped3A_68, %dma_wait3A_279, %dma_wait3A_280] : memref<3x2x5x128xi32, #tpu.memory_space<vmem>> -> memref<1x1x5x128xi32, #tpu.memory_space<vmem>>
        %dma_wait3A_282 = tpu.memref_squeeze %dma_wait3A_281 : memref<1x1x5x128xi32, #tpu.memory_space<vmem>> -> memref<5x128xi32, #tpu.memory_space<vmem>>
        %dma_wait3A_283 = arith.constant 0 : i32
        %dma_wait3A_284 = tpu.memref_slice %arg4[%run_scoped3A, %mul3A_66, %dma_wait3A_283] : memref<2x50000x128xi32, #tpu.memory_space<hbm>> -> memref<1x5x128xi32, #tpu.memory_space<hbm>>
        %dma_wait3A_285 = tpu.memref_squeeze %dma_wait3A_284 : memref<1x5x128xi32, #tpu.memory_space<hbm>> -> memref<5x128xi32, #tpu.memory_space<hbm>>
        %dma_wait3A_286 = arith.constant 0 : i32
        %dma_wait3A_287 = arith.constant 0 : i32
        %dma_wait3A_288 = tpu.memref_slice %arg8[%run_scoped3A_67, %run_scoped3A_68, %dma_wait3A_286, %dma_wait3A_287] : memref<3x2x5x128xi32, #tpu.memory_space<vmem>> -> memref<1x1x5x128xi32, #tpu.memory_space<vmem>>
        %dma_wait3A_289 = tpu.memref_squeeze %dma_wait3A_288 : memref<1x1x5x128xi32, #tpu.memory_space<vmem>> -> memref<5x128xi32, #tpu.memory_space<vmem>>
        %dma_wait3A_290 = arith.constant 0 : i32
        %dma_wait3A_291 = tpu.memref_slice %arg4[%run_scoped3A, %mul3A_66, %dma_wait3A_290] : memref<2x50000x128xi32, #tpu.memory_space<hbm>> -> memref<1x5x128xi32, #tpu.memory_space<hbm>>
        %dma_wait3A_292 = tpu.memref_squeeze %dma_wait3A_291 : memref<1x5x128xi32, #tpu.memory_space<hbm>> -> memref<5x128xi32, #tpu.memory_space<hbm>>
        tpu.wait_dma2 semaphore(%run_scoped3A_264 : memref<!tpu.dma_semaphore, #tpu.memory_space<semaphore_mem>>) src(%dma_wait3A_292 : memref<5x128xi32, #tpu.memory_space<hbm>>) dst(%dma_wait3A_289 : memref<5x128xi32, #tpu.memory_space<vmem>>)
        tpu.yield
      }) : () -> ()
      %run_scoped3A_69 = arith.constant 1 : i32
      %run_scoped3A_70 = arith.constant 0 : i32
      %run_scoped3A_71 = arith.constant 1 : i32
      "tpu.region"() ({
        %run_scoped3A_264 = tpu.sem_alloc : memref<!tpu.dma_semaphore, #tpu.memory_space<semaphore_mem>>
        %dma_start3A_265 = arith.constant 0 : i32
        %dma_start3A_266 = arith.constant 0 : i32
        %dma_start3A_267 = tpu.memref_slice %arg8[%run_scoped3A_70, %run_scoped3A_71, %dma_start3A_265, %dma_start3A_266] : memref<3x2x5x128xi32, #tpu.memory_space<vmem>> -> memref<1x1x5x128xi32, #tpu.memory_space<vmem>>
        %dma_start3A_268 = tpu.memref_squeeze %dma_start3A_267 : memref<1x1x5x128xi32, #tpu.memory_space<vmem>> -> memref<5x128xi32, #tpu.memory_space<vmem>>
        %dma_start3A_269 = arith.constant 0 : i32
        %dma_start3A_270 = tpu.memref_slice %arg4[%run_scoped3A_69, %mul3A_66, %dma_start3A_269] : memref<2x50000x128xi32, #tpu.memory_space<hbm>> -> memref<1x5x128xi32, #tpu.memory_space<hbm>>
        %dma_start3A_271 = tpu.memref_squeeze %dma_start3A_270 : memref<1x5x128xi32, #tpu.memory_space<hbm>> -> memref<5x128xi32, #tpu.memory_space<hbm>>
        %dma_start3A_272 = arith.constant 0 : i32
        %dma_start3A_273 = arith.constant 0 : i32
        %dma_start3A_274 = tpu.memref_slice %arg8[%run_scoped3A_70, %run_scoped3A_71, %dma_start3A_272, %dma_start3A_273] : memref<3x2x5x128xi32, #tpu.memory_space<vmem>> -> memref<1x1x5x128xi32, #tpu.memory_space<vmem>>
        %dma_start3A_275 = tpu.memref_squeeze %dma_start3A_274 : memref<1x1x5x128xi32, #tpu.memory_space<vmem>> -> memref<5x128xi32, #tpu.memory_space<vmem>>
        %dma_start3A_276 = arith.constant 0 : i32
        %dma_start3A_277 = tpu.memref_slice %arg4[%run_scoped3A_69, %mul3A_66, %dma_start3A_276] : memref<2x50000x128xi32, #tpu.memory_space<hbm>> -> memref<1x5x128xi32, #tpu.memory_space<hbm>>
        %dma_start3A_278 = tpu.memref_squeeze %dma_start3A_277 : memref<1x5x128xi32, #tpu.memory_space<hbm>> -> memref<5x128xi32, #tpu.memory_space<hbm>>
        tpu.enqueue_dma source(%dma_start3A_278 : memref<5x128xi32, #tpu.memory_space<hbm>>) target(%dma_start3A_275 : memref<5x128xi32, #tpu.memory_space<vmem>>) target_semaphore(%run_scoped3A_264 : memref<!tpu.dma_semaphore, #tpu.memory_space<semaphore_mem>>)
        %dma_wait3A_279 = arith.constant 0 : i32
        %dma_wait3A_280 = arith.constant 0 : i32
        %dma_wait3A_281 = tpu.memref_slice %arg8[%run_scoped3A_70, %run_scoped3A_71, %dma_wait3A_279, %dma_wait3A_280] : memref<3x2x5x128xi32, #tpu.memory_space<vmem>> -> memref<1x1x5x128xi32, #tpu.memory_space<vmem>>
        %dma_wait3A_282 = tpu.memref_squeeze %dma_wait3A_281 : memref<1x1x5x128xi32, #tpu.memory_space<vmem>> -> memref<5x128xi32, #tpu.memory_space<vmem>>
        %dma_wait3A_283 = arith.constant 0 : i32
        %dma_wait3A_284 = tpu.memref_slice %arg4[%run_scoped3A_69, %mul3A_66, %dma_wait3A_283] : memref<2x50000x128xi32, #tpu.memory_space<hbm>> -> memref<1x5x128xi32, #tpu.memory_space<hbm>>
        %dma_wait3A_285 = tpu.memref_squeeze %dma_wait3A_284 : memref<1x5x128xi32, #tpu.memory_space<hbm>> -> memref<5x128xi32, #tpu.memory_space<hbm>>
        %dma_wait3A_286 = arith.constant 0 : i32
        %dma_wait3A_287 = arith.constant 0 : i32
        %dma_wait3A_288 = tpu.memref_slice %arg8[%run_scoped3A_70, %run_scoped3A_71, %dma_wait3A_286, %dma_wait3A_287] : memref<3x2x5x128xi32, #tpu.memory_space<vmem>> -> memref<1x1x5x128xi32, #tpu.memory_space<vmem>>
        %dma_wait3A_289 = tpu.memref_squeeze %dma_wait3A_288 : memref<1x1x5x128xi32, #tpu.memory_space<vmem>> -> memref<5x128xi32, #tpu.memory_space<vmem>>
        %dma_wait3A_290 = arith.constant 0 : i32
        %dma_wait3A_291 = tpu.memref_slice %arg4[%run_scoped3A_69, %mul3A_66, %dma_wait3A_290] : memref<2x50000x128xi32, #tpu.memory_space<hbm>> -> memref<1x5x128xi32, #tpu.memory_space<hbm>>
        %dma_wait3A_292 = tpu.memref_squeeze %dma_wait3A_291 : memref<1x5x128xi32, #tpu.memory_space<hbm>> -> memref<5x128xi32, #tpu.memory_space<hbm>>
        tpu.wait_dma2 semaphore(%run_scoped3A_264 : memref<!tpu.dma_semaphore, #tpu.memory_space<semaphore_mem>>) src(%dma_wait3A_292 : memref<5x128xi32, #tpu.memory_space<hbm>>) dst(%dma_wait3A_289 : memref<5x128xi32, #tpu.memory_space<vmem>>)
        tpu.yield
      }) : () -> ()
      %rem3A_72 = arith.constant 0 : i32
      %rem3A_73 = arith.constant 3 : i32
      %rem3A_74 = arith.remsi %rem3A_72, %rem3A_73 : i32
      %rem3A_75 = arith.constant 0 : i32
      %rem3A_76 = arith.constant 2 : i32
      %rem3A_77 = arith.remsi %rem3A_75, %rem3A_76 : i32
      %dma_start3A = arith.constant 0 : i32
      %dma_start3A_78 = arith.constant 0 : i32
      %dma_start3A_79 = arith.constant 0 : i32
      %dma_start3A_80 = arith.constant 0 : i32
      %dma_start3A_81 = arith.constant 0 : i32
      %dma_start3A_82 = tpu.memref_slice %arg9[%rem3A_77, %dma_start3A_79, %dma_start3A_80, %dma_start3A_81] : memref<2x5x128x16xf32, #tpu.memory_space<vmem>> -> memref<1x1x128x16xf32, #tpu.memory_space<vmem>>
      %dma_start3A_83 = tpu.memref_squeeze %dma_start3A_82 : memref<1x1x128x16xf32, #tpu.memory_space<vmem>> -> memref<128x16xf32, #tpu.memory_space<vmem>>
      %dma_start3A_84 = arith.constant 0 : i32
      %dma_start3A_85 = tpu.memref_slice %arg8[%rem3A_74, %dma_start3A, %dma_start3A_78, %dma_start3A_84] : memref<3x2x5x128xi32, #tpu.memory_space<vmem>> -> memref<1x1x1x128xi32, #tpu.memory_space<vmem>>
      %dma_start3A_86 = tpu.memref_squeeze %dma_start3A_85 : memref<1x1x1x128xi32, #tpu.memory_space<vmem>> -> memref<128xi32, #tpu.memory_space<vmem>>
      %dma_start3A_87 = arith.constant 0 : i32
      %dma_start3A_88 = arith.constant 0 : i32
      %dma_start3A_89 = tpu.memref_slice %arg2[%dma_start3A_87, %dma_start3A_88] : memref<100000x16xf32, #tpu.memory_space<hbm>> -> memref<100000x16xf32, #tpu.memory_space<hbm>>
      tpu.enqueue_indirect_dma source(%dma_start3A_89 : memref<100000x16xf32, #tpu.memory_space<hbm>>) target(%dma_start3A_83 : memref<128x16xf32, #tpu.memory_space<vmem>>) offsets(%dma_start3A_86 : memref<128xi32, #tpu.memory_space<vmem>>) semaphore(%arg11 : memref<!tpu.dma_semaphore, #tpu.memory_space<semaphore_mem>>)
      %dma_start3A_90 = arith.constant 0 : i32
      %dma_start3A_91 = arith.constant 1 : i32
      %dma_start3A_92 = arith.constant 1 : i32
      %dma_start3A_93 = arith.constant 0 : i32
      %dma_start3A_94 = arith.constant 0 : i32
      %dma_start3A_95 = tpu.memref_slice %arg9[%rem3A_77, %dma_start3A_92, %dma_start3A_93, %dma_start3A_94] : memref<2x5x128x16xf32, #tpu.memory_space<vmem>> -> memref<1x1x128x16xf32, #tpu.memory_space<vmem>>
      %dma_start3A_96 = tpu.memref_squeeze %dma_start3A_95 : memref<1x1x128x16xf32, #tpu.memory_space<vmem>> -> memref<128x16xf32, #tpu.memory_space<vmem>>
      %dma_start3A_97 = arith.constant 0 : i32
      %dma_start3A_98 = tpu.memref_slice %arg8[%rem3A_74, %dma_start3A_90, %dma_start3A_91, %dma_start3A_97] : memref<3x2x5x128xi32, #tpu.memory_space<vmem>> -> memref<1x1x1x128xi32, #tpu.memory_space<vmem>>
      %dma_start3A_99 = tpu.memref_squeeze %dma_start3A_98 : memref<1x1x1x128xi32, #tpu.memory_space<vmem>> -> memref<128xi32, #tpu.memory_space<vmem>>
      %dma_start3A_100 = arith.constant 0 : i32
      %dma_start3A_101 = arith.constant 0 : i32
      %dma_start3A_102 = tpu.memref_slice %arg2[%dma_start3A_100, %dma_start3A_101] : memref<100000x16xf32, #tpu.memory_space<hbm>> -> memref<100000x16xf32, #tpu.memory_space<hbm>>
      tpu.enqueue_indirect_dma source(%dma_start3A_102 : memref<100000x16xf32, #tpu.memory_space<hbm>>) target(%dma_start3A_96 : memref<128x16xf32, #tpu.memory_space<vmem>>) offsets(%dma_start3A_99 : memref<128xi32, #tpu.memory_space<vmem>>) semaphore(%arg11 : memref<!tpu.dma_semaphore, #tpu.memory_space<semaphore_mem>>)
      %dma_start3A_103 = arith.constant 0 : i32
      %dma_start3A_104 = arith.constant 2 : i32
      %dma_start3A_105 = arith.constant 2 : i32
      %dma_start3A_106 = arith.constant 0 : i32
      %dma_start3A_107 = arith.constant 0 : i32
      %dma_start3A_108 = tpu.memref_slice %arg9[%rem3A_77, %dma_start3A_105, %dma_start3A_106, %dma_start3A_107] : memref<2x5x128x16xf32, #tpu.memory_space<vmem>> -> memref<1x1x128x16xf32, #tpu.memory_space<vmem>>
      %dma_start3A_109 = tpu.memref_squeeze %dma_start3A_108 : memref<1x1x128x16xf32, #tpu.memory_space<vmem>> -> memref<128x16xf32, #tpu.memory_space<vmem>>
      %dma_start3A_110 = arith.constant 0 : i32
      %dma_start3A_111 = tpu.memref_slice %arg8[%rem3A_74, %dma_start3A_103, %dma_start3A_104, %dma_start3A_110] : memref<3x2x5x128xi32, #tpu.memory_space<vmem>> -> memref<1x1x1x128xi32, #tpu.memory_space<vmem>>
      %dma_start3A_112 = tpu.memref_squeeze %dma_start3A_111 : memref<1x1x1x128xi32, #tpu.memory_space<vmem>> -> memref<128xi32, #tpu.memory_space<vmem>>
      %dma_start3A_113 = arith.constant 0 : i32
      %dma_start3A_114 = arith.constant 0 : i32
      %dma_start3A_115 = tpu.memref_slice %arg2[%dma_start3A_113, %dma_start3A_114] : memref<100000x16xf32, #tpu.memory_space<hbm>> -> memref<100000x16xf32, #tpu.memory_space<hbm>>
      tpu.enqueue_indirect_dma source(%dma_start3A_115 : memref<100000x16xf32, #tpu.memory_space<hbm>>) target(%dma_start3A_109 : memref<128x16xf32, #tpu.memory_space<vmem>>) offsets(%dma_start3A_112 : memref<128xi32, #tpu.memory_space<vmem>>) semaphore(%arg11 : memref<!tpu.dma_semaphore, #tpu.memory_space<semaphore_mem>>)
      %dma_start3A_116 = arith.constant 0 : i32
      %dma_start3A_117 = arith.constant 3 : i32
      %dma_start3A_118 = arith.constant 3 : i32
      %dma_start3A_119 = arith.constant 0 : i32
      %dma_start3A_120 = arith.constant 0 : i32
      %dma_start3A_121 = tpu.memref_slice %arg9[%rem3A_77, %dma_start3A_118, %dma_start3A_119, %dma_start3A_120] : memref<2x5x128x16xf32, #tpu.memory_space<vmem>> -> memref<1x1x128x16xf32, #tpu.memory_space<vmem>>
      %dma_start3A_122 = tpu.memref_squeeze %dma_start3A_121 : memref<1x1x128x16xf32, #tpu.memory_space<vmem>> -> memref<128x16xf32, #tpu.memory_space<vmem>>
      %dma_start3A_123 = arith.constant 0 : i32
      %dma_start3A_124 = tpu.memref_slice %arg8[%rem3A_74, %dma_start3A_116, %dma_start3A_117, %dma_start3A_123] : memref<3x2x5x128xi32, #tpu.memory_space<vmem>> -> memref<1x1x1x128xi32, #tpu.memory_space<vmem>>
      %dma_start3A_125 = tpu.memref_squeeze %dma_start3A_124 : memref<1x1x1x128xi32, #tpu.memory_space<vmem>> -> memref<128xi32, #tpu.memory_space<vmem>>
      %dma_start3A_126 = arith.constant 0 : i32
      %dma_start3A_127 = arith.constant 0 : i32
      %dma_start3A_128 = tpu.memref_slice %arg2[%dma_start3A_126, %dma_start3A_127] : memref<100000x16xf32, #tpu.memory_space<hbm>> -> memref<100000x16xf32, #tpu.memory_space<hbm>>
      tpu.enqueue_indirect_dma source(%dma_start3A_128 : memref<100000x16xf32, #tpu.memory_space<hbm>>) target(%dma_start3A_122 : memref<128x16xf32, #tpu.memory_space<vmem>>) offsets(%dma_start3A_125 : memref<128xi32, #tpu.memory_space<vmem>>) semaphore(%arg11 : memref<!tpu.dma_semaphore, #tpu.memory_space<semaphore_mem>>)
      %dma_start3A_129 = arith.constant 0 : i32
      %dma_start3A_130 = arith.constant 4 : i32
      %dma_start3A_131 = arith.constant 4 : i32
      %dma_start3A_132 = arith.constant 0 : i32
      %dma_start3A_133 = arith.constant 0 : i32
      %dma_start3A_134 = tpu.memref_slice %arg9[%rem3A_77, %dma_start3A_131, %dma_start3A_132, %dma_start3A_133] : memref<2x5x128x16xf32, #tpu.memory_space<vmem>> -> memref<1x1x128x16xf32, #tpu.memory_space<vmem>>
      %dma_start3A_135 = tpu.memref_squeeze %dma_start3A_134 : memref<1x1x128x16xf32, #tpu.memory_space<vmem>> -> memref<128x16xf32, #tpu.memory_space<vmem>>
      %dma_start3A_136 = arith.constant 0 : i32
      %dma_start3A_137 = tpu.memref_slice %arg8[%rem3A_74, %dma_start3A_129, %dma_start3A_130, %dma_start3A_136] : memref<3x2x5x128xi32, #tpu.memory_space<vmem>> -> memref<1x1x1x128xi32, #tpu.memory_space<vmem>>
      %dma_start3A_138 = tpu.memref_squeeze %dma_start3A_137 : memref<1x1x1x128xi32, #tpu.memory_space<vmem>> -> memref<128xi32, #tpu.memory_space<vmem>>
      %dma_start3A_139 = arith.constant 0 : i32
      %dma_start3A_140 = arith.constant 0 : i32
      %dma_start3A_141 = tpu.memref_slice %arg2[%dma_start3A_139, %dma_start3A_140] : memref<100000x16xf32, #tpu.memory_space<hbm>> -> memref<100000x16xf32, #tpu.memory_space<hbm>>
      tpu.enqueue_indirect_dma source(%dma_start3A_141 : memref<100000x16xf32, #tpu.memory_space<hbm>>) target(%dma_start3A_135 : memref<128x16xf32, #tpu.memory_space<vmem>>) offsets(%dma_start3A_138 : memref<128xi32, #tpu.memory_space<vmem>>) semaphore(%arg11 : memref<!tpu.dma_semaphore, #tpu.memory_space<semaphore_mem>>)
      %rem3A_142 = arith.constant 1 : i32
      %rem3A_143 = arith.constant 3 : i32
      %rem3A_144 = arith.remsi %rem3A_142, %rem3A_143 : i32
      %add3A_145 = arith.constant 1 : i32
      %add3A_146 = arith.addi %select_n3A, %add3A_145 : i32
      %mul3A_147 = arith.constant 5 : i32
      %mul3A_148 = arith.muli %add3A_146, %mul3A_147 : i32
      %dma_start3A_149 = arith.constant 0 : i32
      %dma_start3A_150 = arith.constant 0 : i32
      %dma_start3A_151 = arith.constant 0 : i32
      %dma_start3A_152 = arith.constant 0 : i32
      %dma_start3A_153 = tpu.memref_slice %arg8[%rem3A_144, %dma_start3A_150, %dma_start3A_151, %dma_start3A_152] : memref<3x2x5x128xi32, #tpu.memory_space<vmem>> -> memref<1x1x5x128xi32, #tpu.memory_space<vmem>>
      %dma_start3A_154 = tpu.memref_squeeze %dma_start3A_153 : memref<1x1x5x128xi32, #tpu.memory_space<vmem>> -> memref<5x128xi32, #tpu.memory_space<vmem>>
      %dma_start3A_155 = arith.constant 0 : i32
      %dma_start3A_156 = tpu.memref_slice %arg4[%dma_start3A_149, %mul3A_148, %dma_start3A_155] : memref<2x50000x128xi32, #tpu.memory_space<hbm>> -> memref<1x5x128xi32, #tpu.memory_space<hbm>>
      %dma_start3A_157 = tpu.memref_squeeze %dma_start3A_156 : memref<1x5x128xi32, #tpu.memory_space<hbm>> -> memref<5x128xi32, #tpu.memory_space<hbm>>
      %dma_start3A_158 = arith.constant 0 : i32
      %dma_start3A_159 = arith.constant 0 : i32
      %dma_start3A_160 = tpu.memref_slice %arg8[%rem3A_144, %dma_start3A_150, %dma_start3A_158, %dma_start3A_159] : memref<3x2x5x128xi32, #tpu.memory_space<vmem>> -> memref<1x1x5x128xi32, #tpu.memory_space<vmem>>
      %dma_start3A_161 = tpu.memref_squeeze %dma_start3A_160 : memref<1x1x5x128xi32, #tpu.memory_space<vmem>> -> memref<5x128xi32, #tpu.memory_space<vmem>>
      %dma_start3A_162 = arith.constant 0 : i32
      %dma_start3A_163 = tpu.memref_slice %arg4[%dma_start3A_149, %mul3A_148, %dma_start3A_162] : memref<2x50000x128xi32, #tpu.memory_space<hbm>> -> memref<1x5x128xi32, #tpu.memory_space<hbm>>
      %dma_start3A_164 = tpu.memref_squeeze %dma_start3A_163 : memref<1x5x128xi32, #tpu.memory_space<hbm>> -> memref<5x128xi32, #tpu.memory_space<hbm>>
      tpu.enqueue_dma source(%dma_start3A_164 : memref<5x128xi32, #tpu.memory_space<hbm>>) target(%dma_start3A_161 : memref<5x128xi32, #tpu.memory_space<vmem>>) target_semaphore(%arg13 : memref<!tpu.dma_semaphore, #tpu.memory_space<semaphore_mem>>)
      %dma_start3A_165 = arith.constant 1 : i32
      %dma_start3A_166 = arith.constant 1 : i32
      %dma_start3A_167 = arith.constant 0 : i32
      %dma_start3A_168 = arith.constant 0 : i32
      %dma_start3A_169 = tpu.memref_slice %arg8[%rem3A_144, %dma_start3A_166, %dma_start3A_167, %dma_start3A_168] : memref<3x2x5x128xi32, #tpu.memory_space<vmem>> -> memref<1x1x5x128xi32, #tpu.memory_space<vmem>>
      %dma_start3A_170 = tpu.memref_squeeze %dma_start3A_169 : memref<1x1x5x128xi32, #tpu.memory_space<vmem>> -> memref<5x128xi32, #tpu.memory_space<vmem>>
      %dma_start3A_171 = arith.constant 0 : i32
      %dma_start3A_172 = tpu.memref_slice %arg4[%dma_start3A_165, %mul3A_148, %dma_start3A_171] : memref<2x50000x128xi32, #tpu.memory_space<hbm>> -> memref<1x5x128xi32, #tpu.memory_space<hbm>>
      %dma_start3A_173 = tpu.memref_squeeze %dma_start3A_172 : memref<1x5x128xi32, #tpu.memory_space<hbm>> -> memref<5x128xi32, #tpu.memory_space<hbm>>
      %dma_start3A_174 = arith.constant 0 : i32
      %dma_start3A_175 = arith.constant 0 : i32
      %dma_start3A_176 = tpu.memref_slice %arg8[%rem3A_144, %dma_start3A_166, %dma_start3A_174, %dma_start3A_175] : memref<3x2x5x128xi32, #tpu.memory_space<vmem>> -> memref<1x1x5x128xi32, #tpu.memory_space<vmem>>
      %dma_start3A_177 = tpu.memref_squeeze %dma_start3A_176 : memref<1x1x5x128xi32, #tpu.memory_space<vmem>> -> memref<5x128xi32, #tpu.memory_space<vmem>>
      %dma_start3A_178 = arith.constant 0 : i32
      %dma_start3A_179 = tpu.memref_slice %arg4[%dma_start3A_165, %mul3A_148, %dma_start3A_178] : memref<2x50000x128xi32, #tpu.memory_space<hbm>> -> memref<1x5x128xi32, #tpu.memory_space<hbm>>
      %dma_start3A_180 = tpu.memref_squeeze %dma_start3A_179 : memref<1x5x128xi32, #tpu.memory_space<hbm>> -> memref<5x128xi32, #tpu.memory_space<hbm>>
      tpu.enqueue_dma source(%dma_start3A_180 : memref<5x128xi32, #tpu.memory_space<hbm>>) target(%dma_start3A_177 : memref<5x128xi32, #tpu.memory_space<vmem>>) target_semaphore(%arg13 : memref<!tpu.dma_semaphore, #tpu.memory_space<semaphore_mem>>)
      %while3A = arith.constant 0 : i32
      %while3A_181 = arith.constant 0 : i32
      %while3A_182 = arith.subi %sub3A_64, %while3A_181 : i32
      %while3A_183 = arith.addi %while3A_181, %while3A_182 : i32
      %while3A_184 = arith.constant 1 : i32
      %while3A_185 = arith.divsi %while3A_182, %while3A_184 : i32
      %while3A_186 = arith.muli %while3A_185, %while3A_184 : i32
      %while3A_187 = arith.addi %while3A_181, %while3A_186 : i32
      %while3A_188 = arith.constant 1 : i32
      scf.for %while3A_264 = %while3A_181 to %while3A_187 step %while3A_188  : i32 {
        %rem3A_265 = arith.constant 3 : i32
        %rem3A_266 = arith.remsi %while3A_264, %rem3A_265 : i32
        %rem3A_267 = arith.constant 2 : i32
        %rem3A_268 = arith.remsi %while3A_264, %rem3A_267 : i32
        %dma_wait3A_269 = arith.constant 0 : i32
        %dma_wait3A_270 = arith.constant 0 : i32
        %dma_wait3A_271 = arith.constant 0 : i32
        %dma_wait3A_272 = arith.constant 0 : i32
        %dma_wait3A_273 = arith.constant 0 : i32
        %dma_wait3A_274 = tpu.memref_slice %arg9[%rem3A_268, %dma_wait3A_271, %dma_wait3A_272, %dma_wait3A_273] : memref<2x5x128x16xf32, #tpu.memory_space<vmem>> -> memref<1x1x128x16xf32, #tpu.memory_space<vmem>>
        %dma_wait3A_275 = tpu.memref_squeeze %dma_wait3A_274 : memref<1x1x128x16xf32, #tpu.memory_space<vmem>> -> memref<128x16xf32, #tpu.memory_space<vmem>>
        %dma_wait3A_276 = arith.constant 0 : i32
        %dma_wait3A_277 = tpu.memref_slice %arg8[%rem3A_266, %dma_wait3A_269, %dma_wait3A_270, %dma_wait3A_276] : memref<3x2x5x128xi32, #tpu.memory_space<vmem>> -> memref<1x1x1x128xi32, #tpu.memory_space<vmem>>
        %dma_wait3A_278 = tpu.memref_squeeze %dma_wait3A_277 : memref<1x1x1x128xi32, #tpu.memory_space<vmem>> -> memref<128xi32, #tpu.memory_space<vmem>>
        %dma_wait3A_279 = arith.constant 0 : i32
        %dma_wait3A_280 = arith.constant 0 : i32
        %dma_wait3A_281 = tpu.memref_slice %arg2[%dma_wait3A_279, %dma_wait3A_280] : memref<100000x16xf32, #tpu.memory_space<hbm>> -> memref<100000x16xf32, #tpu.memory_space<hbm>>
        tpu.wait_indirect_dma semaphore(%arg11 : memref<!tpu.dma_semaphore, #tpu.memory_space<semaphore_mem>>) src(%dma_wait3A_281 : memref<100000x16xf32, #tpu.memory_space<hbm>>) dst(%dma_wait3A_275 : memref<128x16xf32, #tpu.memory_space<vmem>>)
        %dma_wait3A_282 = arith.constant 0 : i32
        %dma_wait3A_283 = arith.constant 1 : i32
        %dma_wait3A_284 = arith.constant 1 : i32
        %dma_wait3A_285 = arith.constant 0 : i32
        %dma_wait3A_286 = arith.constant 0 : i32
        %dma_wait3A_287 = tpu.memref_slice %arg9[%rem3A_268, %dma_wait3A_284, %dma_wait3A_285, %dma_wait3A_286] : memref<2x5x128x16xf32, #tpu.memory_space<vmem>> -> memref<1x1x128x16xf32, #tpu.memory_space<vmem>>
        %dma_wait3A_288 = tpu.memref_squeeze %dma_wait3A_287 : memref<1x1x128x16xf32, #tpu.memory_space<vmem>> -> memref<128x16xf32, #tpu.memory_space<vmem>>
        %dma_wait3A_289 = arith.constant 0 : i32
        %dma_wait3A_290 = tpu.memref_slice %arg8[%rem3A_266, %dma_wait3A_282, %dma_wait3A_283, %dma_wait3A_289] : memref<3x2x5x128xi32, #tpu.memory_space<vmem>> -> memref<1x1x1x128xi32, #tpu.memory_space<vmem>>
        %dma_wait3A_291 = tpu.memref_squeeze %dma_wait3A_290 : memref<1x1x1x128xi32, #tpu.memory_space<vmem>> -> memref<128xi32, #tpu.memory_space<vmem>>
        %dma_wait3A_292 = arith.constant 0 : i32
        %dma_wait3A_293 = arith.constant 0 : i32
        %dma_wait3A_294 = tpu.memref_slice %arg2[%dma_wait3A_292, %dma_wait3A_293] : memref<100000x16xf32, #tpu.memory_space<hbm>> -> memref<100000x16xf32, #tpu.memory_space<hbm>>
        tpu.wait_indirect_dma semaphore(%arg11 : memref<!tpu.dma_semaphore, #tpu.memory_space<semaphore_mem>>) src(%dma_wait3A_294 : memref<100000x16xf32, #tpu.memory_space<hbm>>) dst(%dma_wait3A_288 : memref<128x16xf32, #tpu.memory_space<vmem>>)
        %dma_wait3A_295 = arith.constant 0 : i32
        %dma_wait3A_296 = arith.constant 2 : i32
        %dma_wait3A_297 = arith.constant 2 : i32
        %dma_wait3A_298 = arith.constant 0 : i32
        %dma_wait3A_299 = arith.constant 0 : i32
        %dma_wait3A_300 = tpu.memref_slice %arg9[%rem3A_268, %dma_wait3A_297, %dma_wait3A_298, %dma_wait3A_299] : memref<2x5x128x16xf32, #tpu.memory_space<vmem>> -> memref<1x1x128x16xf32, #tpu.memory_space<vmem>>
        %dma_wait3A_301 = tpu.memref_squeeze %dma_wait3A_300 : memref<1x1x128x16xf32, #tpu.memory_space<vmem>> -> memref<128x16xf32, #tpu.memory_space<vmem>>
        %dma_wait3A_302 = arith.constant 0 : i32
        %dma_wait3A_303 = tpu.memref_slice %arg8[%rem3A_266, %dma_wait3A_295, %dma_wait3A_296, %dma_wait3A_302] : memref<3x2x5x128xi32, #tpu.memory_space<vmem>> -> memref<1x1x1x128xi32, #tpu.memory_space<vmem>>
        %dma_wait3A_304 = tpu.memref_squeeze %dma_wait3A_303 : memref<1x1x1x128xi32, #tpu.memory_space<vmem>> -> memref<128xi32, #tpu.memory_space<vmem>>
        %dma_wait3A_305 = arith.constant 0 : i32
        %dma_wait3A_306 = arith.constant 0 : i32
        %dma_wait3A_307 = tpu.memref_slice %arg2[%dma_wait3A_305, %dma_wait3A_306] : memref<100000x16xf32, #tpu.memory_space<hbm>> -> memref<100000x16xf32, #tpu.memory_space<hbm>>
        tpu.wait_indirect_dma semaphore(%arg11 : memref<!tpu.dma_semaphore, #tpu.memory_space<semaphore_mem>>) src(%dma_wait3A_307 : memref<100000x16xf32, #tpu.memory_space<hbm>>) dst(%dma_wait3A_301 : memref<128x16xf32, #tpu.memory_space<vmem>>)
        %dma_wait3A_308 = arith.constant 0 : i32
        %dma_wait3A_309 = arith.constant 3 : i32
        %dma_wait3A_310 = arith.constant 3 : i32
        %dma_wait3A_311 = arith.constant 0 : i32
        %dma_wait3A_312 = arith.constant 0 : i32
        %dma_wait3A_313 = tpu.memref_slice %arg9[%rem3A_268, %dma_wait3A_310, %dma_wait3A_311, %dma_wait3A_312] : memref<2x5x128x16xf32, #tpu.memory_space<vmem>> -> memref<1x1x128x16xf32, #tpu.memory_space<vmem>>
        %dma_wait3A_314 = tpu.memref_squeeze %dma_wait3A_313 : memref<1x1x128x16xf32, #tpu.memory_space<vmem>> -> memref<128x16xf32, #tpu.memory_space<vmem>>
        %dma_wait3A_315 = arith.constant 0 : i32
        %dma_wait3A_316 = tpu.memref_slice %arg8[%rem3A_266, %dma_wait3A_308, %dma_wait3A_309, %dma_wait3A_315] : memref<3x2x5x128xi32, #tpu.memory_space<vmem>> -> memref<1x1x1x128xi32, #tpu.memory_space<vmem>>
        %dma_wait3A_317 = tpu.memref_squeeze %dma_wait3A_316 : memref<1x1x1x128xi32, #tpu.memory_space<vmem>> -> memref<128xi32, #tpu.memory_space<vmem>>
        %dma_wait3A_318 = arith.constant 0 : i32
        %dma_wait3A_319 = arith.constant 0 : i32
        %dma_wait3A_320 = tpu.memref_slice %arg2[%dma_wait3A_318, %dma_wait3A_319] : memref<100000x16xf32, #tpu.memory_space<hbm>> -> memref<100000x16xf32, #tpu.memory_space<hbm>>
        tpu.wait_indirect_dma semaphore(%arg11 : memref<!tpu.dma_semaphore, #tpu.memory_space<semaphore_mem>>) src(%dma_wait3A_320 : memref<100000x16xf32, #tpu.memory_space<hbm>>) dst(%dma_wait3A_314 : memref<128x16xf32, #tpu.memory_space<vmem>>)
        %dma_wait3A_321 = arith.constant 0 : i32
        %dma_wait3A_322 = arith.constant 4 : i32
        %dma_wait3A_323 = arith.constant 4 : i32
        %dma_wait3A_324 = arith.constant 0 : i32
        %dma_wait3A_325 = arith.constant 0 : i32
        %dma_wait3A_326 = tpu.memref_slice %arg9[%rem3A_268, %dma_wait3A_323, %dma_wait3A_324, %dma_wait3A_325] : memref<2x5x128x16xf32, #tpu.memory_space<vmem>> -> memref<1x1x128x16xf32, #tpu.memory_space<vmem>>
        %dma_wait3A_327 = tpu.memref_squeeze %dma_wait3A_326 : memref<1x1x128x16xf32, #tpu.memory_space<vmem>> -> memref<128x16xf32, #tpu.memory_space<vmem>>
        %dma_wait3A_328 = arith.constant 0 : i32
        %dma_wait3A_329 = tpu.memref_slice %arg8[%rem3A_266, %dma_wait3A_321, %dma_wait3A_322, %dma_wait3A_328] : memref<3x2x5x128xi32, #tpu.memory_space<vmem>> -> memref<1x1x1x128xi32, #tpu.memory_space<vmem>>
        %dma_wait3A_330 = tpu.memref_squeeze %dma_wait3A_329 : memref<1x1x1x128xi32, #tpu.memory_space<vmem>> -> memref<128xi32, #tpu.memory_space<vmem>>
        %dma_wait3A_331 = arith.constant 0 : i32
        %dma_wait3A_332 = arith.constant 0 : i32
        %dma_wait3A_333 = tpu.memref_slice %arg2[%dma_wait3A_331, %dma_wait3A_332] : memref<100000x16xf32, #tpu.memory_space<hbm>> -> memref<100000x16xf32, #tpu.memory_space<hbm>>
        tpu.wait_indirect_dma semaphore(%arg11 : memref<!tpu.dma_semaphore, #tpu.memory_space<semaphore_mem>>) src(%dma_wait3A_333 : memref<100000x16xf32, #tpu.memory_space<hbm>>) dst(%dma_wait3A_327 : memref<128x16xf32, #tpu.memory_space<vmem>>)
        %dma_start3A_334 = arith.constant 0 : i32
        %dma_start3A_335 = arith.constant 1 : i32
        %dma_start3A_336 = arith.constant 0 : i32
        %dma_start3A_337 = arith.constant 0 : i32
        %dma_start3A_338 = arith.constant 0 : i32
        %dma_start3A_339 = tpu.memref_slice %arg9[%rem3A_268, %dma_start3A_334, %dma_start3A_337, %dma_start3A_338] : memref<2x5x128x16xf32, #tpu.memory_space<vmem>> -> memref<1x1x128x16xf32, #tpu.memory_space<vmem>>
        %dma_start3A_340 = tpu.memref_squeeze %dma_start3A_339 : memref<1x1x128x16xf32, #tpu.memory_space<vmem>> -> memref<128x16xf32, #tpu.memory_space<vmem>>
        %dma_start3A_341 = arith.constant 0 : i32
        %dma_start3A_342 = tpu.memref_slice %arg8[%rem3A_266, %dma_start3A_335, %dma_start3A_336, %dma_start3A_341] : memref<3x2x5x128xi32, #tpu.memory_space<vmem>> -> memref<1x1x1x128xi32, #tpu.memory_space<vmem>>
        %dma_start3A_343 = tpu.memref_squeeze %dma_start3A_342 : memref<1x1x1x128xi32, #tpu.memory_space<vmem>> -> memref<128xi32, #tpu.memory_space<vmem>>
        %dma_start3A_344 = arith.constant 0 : i32
        %dma_start3A_345 = arith.constant 0 : i32
        %dma_start3A_346 = tpu.memref_slice %arg10[%dma_start3A_344, %dma_start3A_345] : memref<100096x16xf32, #tpu.memory_space<vmem_shared>> -> memref<100096x16xf32, #tpu.memory_space<vmem_shared>>
        tpu.enqueue_indirect_dma source(%dma_start3A_340 : memref<128x16xf32, #tpu.memory_space<vmem>>) target(%dma_start3A_346 : memref<100096x16xf32, #tpu.memory_space<vmem_shared>>) offsets(%dma_start3A_343 : memref<128xi32, #tpu.memory_space<vmem>>) semaphore(%arg12 : memref<!tpu.dma_semaphore, #tpu.memory_space<semaphore_mem>>) {add = true}
        %dma_start3A_347 = arith.constant 1 : i32
        %dma_start3A_348 = arith.constant 1 : i32
        %dma_start3A_349 = arith.constant 1 : i32
        %dma_start3A_350 = arith.constant 0 : i32
        %dma_start3A_351 = arith.constant 0 : i32
        %dma_start3A_352 = tpu.memref_slice %arg9[%rem3A_268, %dma_start3A_347, %dma_start3A_350, %dma_start3A_351] : memref<2x5x128x16xf32, #tpu.memory_space<vmem>> -> memref<1x1x128x16xf32, #tpu.memory_space<vmem>>
        %dma_start3A_353 = tpu.memref_squeeze %dma_start3A_352 : memref<1x1x128x16xf32, #tpu.memory_space<vmem>> -> memref<128x16xf32, #tpu.memory_space<vmem>>
        %dma_start3A_354 = arith.constant 0 : i32
        %dma_start3A_355 = tpu.memref_slice %arg8[%rem3A_266, %dma_start3A_348, %dma_start3A_349, %dma_start3A_354] : memref<3x2x5x128xi32, #tpu.memory_space<vmem>> -> memref<1x1x1x128xi32, #tpu.memory_space<vmem>>
        %dma_start3A_356 = tpu.memref_squeeze %dma_start3A_355 : memref<1x1x1x128xi32, #tpu.memory_space<vmem>> -> memref<128xi32, #tpu.memory_space<vmem>>
        %dma_start3A_357 = arith.constant 0 : i32
        %dma_start3A_358 = arith.constant 0 : i32
        %dma_start3A_359 = tpu.memref_slice %arg10[%dma_start3A_357, %dma_start3A_358] : memref<100096x16xf32, #tpu.memory_space<vmem_shared>> -> memref<100096x16xf32, #tpu.memory_space<vmem_shared>>
        tpu.enqueue_indirect_dma source(%dma_start3A_353 : memref<128x16xf32, #tpu.memory_space<vmem>>) target(%dma_start3A_359 : memref<100096x16xf32, #tpu.memory_space<vmem_shared>>) offsets(%dma_start3A_356 : memref<128xi32, #tpu.memory_space<vmem>>) semaphore(%arg12 : memref<!tpu.dma_semaphore, #tpu.memory_space<semaphore_mem>>) {add = true}
        %dma_start3A_360 = arith.constant 2 : i32
        %dma_start3A_361 = arith.constant 1 : i32
        %dma_start3A_362 = arith.constant 2 : i32
        %dma_start3A_363 = arith.constant 0 : i32
        %dma_start3A_364 = arith.constant 0 : i32
        %dma_start3A_365 = tpu.memref_slice %arg9[%rem3A_268, %dma_start3A_360, %dma_start3A_363, %dma_start3A_364] : memref<2x5x128x16xf32, #tpu.memory_space<vmem>> -> memref<1x1x128x16xf32, #tpu.memory_space<vmem>>
        %dma_start3A_366 = tpu.memref_squeeze %dma_start3A_365 : memref<1x1x128x16xf32, #tpu.memory_space<vmem>> -> memref<128x16xf32, #tpu.memory_space<vmem>>
        %dma_start3A_367 = arith.constant 0 : i32
        %dma_start3A_368 = tpu.memref_slice %arg8[%rem3A_266, %dma_start3A_361, %dma_start3A_362, %dma_start3A_367] : memref<3x2x5x128xi32, #tpu.memory_space<vmem>> -> memref<1x1x1x128xi32, #tpu.memory_space<vmem>>
        %dma_start3A_369 = tpu.memref_squeeze %dma_start3A_368 : memref<1x1x1x128xi32, #tpu.memory_space<vmem>> -> memref<128xi32, #tpu.memory_space<vmem>>
        %dma_start3A_370 = arith.constant 0 : i32
        %dma_start3A_371 = arith.constant 0 : i32
        %dma_start3A_372 = tpu.memref_slice %arg10[%dma_start3A_370, %dma_start3A_371] : memref<100096x16xf32, #tpu.memory_space<vmem_shared>> -> memref<100096x16xf32, #tpu.memory_space<vmem_shared>>
        tpu.enqueue_indirect_dma source(%dma_start3A_366 : memref<128x16xf32, #tpu.memory_space<vmem>>) target(%dma_start3A_372 : memref<100096x16xf32, #tpu.memory_space<vmem_shared>>) offsets(%dma_start3A_369 : memref<128xi32, #tpu.memory_space<vmem>>) semaphore(%arg12 : memref<!tpu.dma_semaphore, #tpu.memory_space<semaphore_mem>>) {add = true}
        %dma_start3A_373 = arith.constant 3 : i32
        %dma_start3A_374 = arith.constant 1 : i32
        %dma_start3A_375 = arith.constant 3 : i32
        %dma_start3A_376 = arith.constant 0 : i32
        %dma_start3A_377 = arith.constant 0 : i32
        %dma_start3A_378 = tpu.memref_slice %arg9[%rem3A_268, %dma_start3A_373, %dma_start3A_376, %dma_start3A_377] : memref<2x5x128x16xf32, #tpu.memory_space<vmem>> -> memref<1x1x128x16xf32, #tpu.memory_space<vmem>>
        %dma_start3A_379 = tpu.memref_squeeze %dma_start3A_378 : memref<1x1x128x16xf32, #tpu.memory_space<vmem>> -> memref<128x16xf32, #tpu.memory_space<vmem>>
        %dma_start3A_380 = arith.constant 0 : i32
        %dma_start3A_381 = tpu.memref_slice %arg8[%rem3A_266, %dma_start3A_374, %dma_start3A_375, %dma_start3A_380] : memref<3x2x5x128xi32, #tpu.memory_space<vmem>> -> memref<1x1x1x128xi32, #tpu.memory_space<vmem>>
        %dma_start3A_382 = tpu.memref_squeeze %dma_start3A_381 : memref<1x1x1x128xi32, #tpu.memory_space<vmem>> -> memref<128xi32, #tpu.memory_space<vmem>>
        %dma_start3A_383 = arith.constant 0 : i32
        %dma_start3A_384 = arith.constant 0 : i32
        %dma_start3A_385 = tpu.memref_slice %arg10[%dma_start3A_383, %dma_start3A_384] : memref<100096x16xf32, #tpu.memory_space<vmem_shared>> -> memref<100096x16xf32, #tpu.memory_space<vmem_shared>>
        tpu.enqueue_indirect_dma source(%dma_start3A_379 : memref<128x16xf32, #tpu.memory_space<vmem>>) target(%dma_start3A_385 : memref<100096x16xf32, #tpu.memory_space<vmem_shared>>) offsets(%dma_start3A_382 : memref<128xi32, #tpu.memory_space<vmem>>) semaphore(%arg12 : memref<!tpu.dma_semaphore, #tpu.memory_space<semaphore_mem>>) {add = true}
        %dma_start3A_386 = arith.constant 4 : i32
        %dma_start3A_387 = arith.constant 1 : i32
        %dma_start3A_388 = arith.constant 4 : i32
        %dma_start3A_389 = arith.constant 0 : i32
        %dma_start3A_390 = arith.constant 0 : i32
        %dma_start3A_391 = tpu.memref_slice %arg9[%rem3A_268, %dma_start3A_386, %dma_start3A_389, %dma_start3A_390] : memref<2x5x128x16xf32, #tpu.memory_space<vmem>> -> memref<1x1x128x16xf32, #tpu.memory_space<vmem>>
        %dma_start3A_392 = tpu.memref_squeeze %dma_start3A_391 : memref<1x1x128x16xf32, #tpu.memory_space<vmem>> -> memref<128x16xf32, #tpu.memory_space<vmem>>
        %dma_start3A_393 = arith.constant 0 : i32
        %dma_start3A_394 = tpu.memref_slice %arg8[%rem3A_266, %dma_start3A_387, %dma_start3A_388, %dma_start3A_393] : memref<3x2x5x128xi32, #tpu.memory_space<vmem>> -> memref<1x1x1x128xi32, #tpu.memory_space<vmem>>
        %dma_start3A_395 = tpu.memref_squeeze %dma_start3A_394 : memref<1x1x1x128xi32, #tpu.memory_space<vmem>> -> memref<128xi32, #tpu.memory_space<vmem>>
        %dma_start3A_396 = arith.constant 0 : i32
        %dma_start3A_397 = arith.constant 0 : i32
        %dma_start3A_398 = tpu.memref_slice %arg10[%dma_start3A_396, %dma_start3A_397] : memref<100096x16xf32, #tpu.memory_space<vmem_shared>> -> memref<100096x16xf32, #tpu.memory_space<vmem_shared>>
        tpu.enqueue_indirect_dma source(%dma_start3A_392 : memref<128x16xf32, #tpu.memory_space<vmem>>) target(%dma_start3A_398 : memref<100096x16xf32, #tpu.memory_space<vmem_shared>>) offsets(%dma_start3A_395 : memref<128xi32, #tpu.memory_space<vmem>>) semaphore(%arg12 : memref<!tpu.dma_semaphore, #tpu.memory_space<semaphore_mem>>) {add = true}
        %add3A_399 = arith.constant 1 : i32
        %add3A_400 = arith.addi %while3A_264, %add3A_399 : i32
        %lt3A = arith.cmpi slt, %add3A_400, %sub3A_64 : i32
        %convert_element_type3A_401 = arith.extui %lt3A : i1 to i32
        %cond3A_402 = arith.constant 0 : i32
        %cond3A_403 = arith.cmpi ne, %convert_element_type3A_401, %cond3A_402 : i32
        scf.if %cond3A_403 {
          %dma_wait3A_420 = arith.constant 0 : i32
          %dma_wait3A_421 = arith.constant 0 : i32
          %dma_wait3A_422 = arith.constant 0 : i32
          %dma_wait3A_423 = arith.constant 0 : i32
          %dma_wait3A_424 = arith.constant 0 : i32
          %dma_wait3A_425 = tpu.memref_slice %arg8[%dma_wait3A_421, %dma_wait3A_422, %dma_wait3A_423, %dma_wait3A_424] : memref<3x2x5x128xi32, #tpu.memory_space<vmem>> -> memref<1x1x5x128xi32, #tpu.memory_space<vmem>>
          %dma_wait3A_426 = tpu.memref_squeeze %dma_wait3A_425 : memref<1x1x5x128xi32, #tpu.memory_space<vmem>> -> memref<5x128xi32, #tpu.memory_space<vmem>>
          %dma_wait3A_427 = arith.constant 0 : i32
          %dma_wait3A_428 = tpu.memref_slice %arg4[%dma_wait3A_420, %mul3A_66, %dma_wait3A_427] : memref<2x50000x128xi32, #tpu.memory_space<hbm>> -> memref<1x5x128xi32, #tpu.memory_space<hbm>>
          %dma_wait3A_429 = tpu.memref_squeeze %dma_wait3A_428 : memref<1x5x128xi32, #tpu.memory_space<hbm>> -> memref<5x128xi32, #tpu.memory_space<hbm>>
          %dma_wait3A_430 = arith.constant 0 : i32
          %dma_wait3A_431 = arith.constant 0 : i32
          %dma_wait3A_432 = tpu.memref_slice %arg8[%dma_wait3A_421, %dma_wait3A_422, %dma_wait3A_430, %dma_wait3A_431] : memref<3x2x5x128xi32, #tpu.memory_space<vmem>> -> memref<1x1x5x128xi32, #tpu.memory_space<vmem>>
          %dma_wait3A_433 = tpu.memref_squeeze %dma_wait3A_432 : memref<1x1x5x128xi32, #tpu.memory_space<vmem>> -> memref<5x128xi32, #tpu.memory_space<vmem>>
          %dma_wait3A_434 = arith.constant 0 : i32
          %dma_wait3A_435 = tpu.memref_slice %arg4[%dma_wait3A_420, %mul3A_66, %dma_wait3A_434] : memref<2x50000x128xi32, #tpu.memory_space<hbm>> -> memref<1x5x128xi32, #tpu.memory_space<hbm>>
          %dma_wait3A_436 = tpu.memref_squeeze %dma_wait3A_435 : memref<1x5x128xi32, #tpu.memory_space<hbm>> -> memref<5x128xi32, #tpu.memory_space<hbm>>
          tpu.wait_dma2 semaphore(%arg13 : memref<!tpu.dma_semaphore, #tpu.memory_space<semaphore_mem>>) src(%dma_wait3A_436 : memref<5x128xi32, #tpu.memory_space<hbm>>) dst(%dma_wait3A_433 : memref<5x128xi32, #tpu.memory_space<vmem>>)
          %dma_wait3A_437 = arith.constant 1 : i32
          %dma_wait3A_438 = arith.constant 0 : i32
          %dma_wait3A_439 = arith.constant 1 : i32
          %dma_wait3A_440 = arith.constant 0 : i32
          %dma_wait3A_441 = arith.constant 0 : i32
          %dma_wait3A_442 = tpu.memref_slice %arg8[%dma_wait3A_438, %dma_wait3A_439, %dma_wait3A_440, %dma_wait3A_441] : memref<3x2x5x128xi32, #tpu.memory_space<vmem>> -> memref<1x1x5x128xi32, #tpu.memory_space<vmem>>
          %dma_wait3A_443 = tpu.memref_squeeze %dma_wait3A_442 : memref<1x1x5x128xi32, #tpu.memory_space<vmem>> -> memref<5x128xi32, #tpu.memory_space<vmem>>
          %dma_wait3A_444 = arith.constant 0 : i32
          %dma_wait3A_445 = tpu.memref_slice %arg4[%dma_wait3A_437, %mul3A_66, %dma_wait3A_444] : memref<2x50000x128xi32, #tpu.memory_space<hbm>> -> memref<1x5x128xi32, #tpu.memory_space<hbm>>
          %dma_wait3A_446 = tpu.memref_squeeze %dma_wait3A_445 : memref<1x5x128xi32, #tpu.memory_space<hbm>> -> memref<5x128xi32, #tpu.memory_space<hbm>>
          %dma_wait3A_447 = arith.constant 0 : i32
          %dma_wait3A_448 = arith.constant 0 : i32
          %dma_wait3A_449 = tpu.memref_slice %arg8[%dma_wait3A_438, %dma_wait3A_439, %dma_wait3A_447, %dma_wait3A_448] : memref<3x2x5x128xi32, #tpu.memory_space<vmem>> -> memref<1x1x5x128xi32, #tpu.memory_space<vmem>>
          %dma_wait3A_450 = tpu.memref_squeeze %dma_wait3A_449 : memref<1x1x5x128xi32, #tpu.memory_space<vmem>> -> memref<5x128xi32, #tpu.memory_space<vmem>>
          %dma_wait3A_451 = arith.constant 0 : i32
          %dma_wait3A_452 = tpu.memref_slice %arg4[%dma_wait3A_437, %mul3A_66, %dma_wait3A_451] : memref<2x50000x128xi32, #tpu.memory_space<hbm>> -> memref<1x5x128xi32, #tpu.memory_space<hbm>>
          %dma_wait3A_453 = tpu.memref_squeeze %dma_wait3A_452 : memref<1x5x128xi32, #tpu.memory_space<hbm>> -> memref<5x128xi32, #tpu.memory_space<hbm>>
          tpu.wait_dma2 semaphore(%arg13 : memref<!tpu.dma_semaphore, #tpu.memory_space<semaphore_mem>>) src(%dma_wait3A_453 : memref<5x128xi32, #tpu.memory_space<hbm>>) dst(%dma_wait3A_450 : memref<5x128xi32, #tpu.memory_space<vmem>>)
        } else {
        }
        %ge3A = arith.constant 1 : i32
        %ge3A_404 = arith.cmpi sge, %while3A_264, %ge3A : i32
        %convert_element_type3A_405 = arith.extui %ge3A_404 : i1 to i32
        %cond3A_406 = arith.constant 0 : i32
        %cond3A_407 = arith.cmpi ne, %convert_element_type3A_405, %cond3A_406 : i32
        scf.if %cond3A_407 {
          %dma_wait3A_420 = arith.constant 0 : i32
          %dma_wait3A_421 = arith.constant 0 : i32
          %dma_wait3A_422 = arith.constant 0 : i32
          %dma_wait3A_423 = arith.constant 1 : i32
          %dma_wait3A_424 = arith.constant 0 : i32
          %dma_wait3A_425 = arith.constant 0 : i32
          %dma_wait3A_426 = arith.constant 0 : i32
          %dma_wait3A_427 = tpu.memref_slice %arg9[%dma_wait3A_420, %dma_wait3A_421, %dma_wait3A_425, %dma_wait3A_426] : memref<2x5x128x16xf32, #tpu.memory_space<vmem>> -> memref<1x1x128x16xf32, #tpu.memory_space<vmem>>
          %dma_wait3A_428 = tpu.memref_squeeze %dma_wait3A_427 : memref<1x1x128x16xf32, #tpu.memory_space<vmem>> -> memref<128x16xf32, #tpu.memory_space<vmem>>
          %dma_wait3A_429 = arith.constant 0 : i32
          %dma_wait3A_430 = tpu.memref_slice %arg8[%dma_wait3A_422, %dma_wait3A_423, %dma_wait3A_424, %dma_wait3A_429] : memref<3x2x5x128xi32, #tpu.memory_space<vmem>> -> memref<1x1x1x128xi32, #tpu.memory_space<vmem>>
          %dma_wait3A_431 = tpu.memref_squeeze %dma_wait3A_430 : memref<1x1x1x128xi32, #tpu.memory_space<vmem>> -> memref<128xi32, #tpu.memory_space<vmem>>
          %dma_wait3A_432 = arith.constant 0 : i32
          %dma_wait3A_433 = arith.constant 0 : i32
          %dma_wait3A_434 = tpu.memref_slice %arg10[%dma_wait3A_432, %dma_wait3A_433] : memref<100096x16xf32, #tpu.memory_space<vmem_shared>> -> memref<100096x16xf32, #tpu.memory_space<vmem_shared>>
          tpu.wait_indirect_dma semaphore(%arg12 : memref<!tpu.dma_semaphore, #tpu.memory_space<semaphore_mem>>) src(%dma_wait3A_428 : memref<128x16xf32, #tpu.memory_space<vmem>>) dst(%dma_wait3A_434 : memref<100096x16xf32, #tpu.memory_space<vmem_shared>>)
          %dma_wait3A_435 = arith.constant 0 : i32
          %dma_wait3A_436 = arith.constant 1 : i32
          %dma_wait3A_437 = arith.constant 0 : i32
          %dma_wait3A_438 = arith.constant 1 : i32
          %dma_wait3A_439 = arith.constant 1 : i32
          %dma_wait3A_440 = arith.constant 0 : i32
          %dma_wait3A_441 = arith.constant 0 : i32
          %dma_wait3A_442 = tpu.memref_slice %arg9[%dma_wait3A_435, %dma_wait3A_436, %dma_wait3A_440, %dma_wait3A_441] : memref<2x5x128x16xf32, #tpu.memory_space<vmem>> -> memref<1x1x128x16xf32, #tpu.memory_space<vmem>>
          %dma_wait3A_443 = tpu.memref_squeeze %dma_wait3A_442 : memref<1x1x128x16xf32, #tpu.memory_space<vmem>> -> memref<128x16xf32, #tpu.memory_space<vmem>>
          %dma_wait3A_444 = arith.constant 0 : i32
          %dma_wait3A_445 = tpu.memref_slice %arg8[%dma_wait3A_437, %dma_wait3A_438, %dma_wait3A_439, %dma_wait3A_444] : memref<3x2x5x128xi32, #tpu.memory_space<vmem>> -> memref<1x1x1x128xi32, #tpu.memory_space<vmem>>
          %dma_wait3A_446 = tpu.memref_squeeze %dma_wait3A_445 : memref<1x1x1x128xi32, #tpu.memory_space<vmem>> -> memref<128xi32, #tpu.memory_space<vmem>>
          %dma_wait3A_447 = arith.constant 0 : i32
          %dma_wait3A_448 = arith.constant 0 : i32
          %dma_wait3A_449 = tpu.memref_slice %arg10[%dma_wait3A_447, %dma_wait3A_448] : memref<100096x16xf32, #tpu.memory_space<vmem_shared>> -> memref<100096x16xf32, #tpu.memory_space<vmem_shared>>
          tpu.wait_indirect_dma semaphore(%arg12 : memref<!tpu.dma_semaphore, #tpu.memory_space<semaphore_mem>>) src(%dma_wait3A_443 : memref<128x16xf32, #tpu.memory_space<vmem>>) dst(%dma_wait3A_449 : memref<100096x16xf32, #tpu.memory_space<vmem_shared>>)
          %dma_wait3A_450 = arith.constant 0 : i32
          %dma_wait3A_451 = arith.constant 2 : i32
          %dma_wait3A_452 = arith.constant 0 : i32
          %dma_wait3A_453 = arith.constant 1 : i32
          %dma_wait3A_454 = arith.constant 2 : i32
          %dma_wait3A_455 = arith.constant 0 : i32
          %dma_wait3A_456 = arith.constant 0 : i32
          %dma_wait3A_457 = tpu.memref_slice %arg9[%dma_wait3A_450, %dma_wait3A_451, %dma_wait3A_455, %dma_wait3A_456] : memref<2x5x128x16xf32, #tpu.memory_space<vmem>> -> memref<1x1x128x16xf32, #tpu.memory_space<vmem>>
          %dma_wait3A_458 = tpu.memref_squeeze %dma_wait3A_457 : memref<1x1x128x16xf32, #tpu.memory_space<vmem>> -> memref<128x16xf32, #tpu.memory_space<vmem>>
          %dma_wait3A_459 = arith.constant 0 : i32
          %dma_wait3A_460 = tpu.memref_slice %arg8[%dma_wait3A_452, %dma_wait3A_453, %dma_wait3A_454, %dma_wait3A_459] : memref<3x2x5x128xi32, #tpu.memory_space<vmem>> -> memref<1x1x1x128xi32, #tpu.memory_space<vmem>>
          %dma_wait3A_461 = tpu.memref_squeeze %dma_wait3A_460 : memref<1x1x1x128xi32, #tpu.memory_space<vmem>> -> memref<128xi32, #tpu.memory_space<vmem>>
          %dma_wait3A_462 = arith.constant 0 : i32
          %dma_wait3A_463 = arith.constant 0 : i32
          %dma_wait3A_464 = tpu.memref_slice %arg10[%dma_wait3A_462, %dma_wait3A_463] : memref<100096x16xf32, #tpu.memory_space<vmem_shared>> -> memref<100096x16xf32, #tpu.memory_space<vmem_shared>>
          tpu.wait_indirect_dma semaphore(%arg12 : memref<!tpu.dma_semaphore, #tpu.memory_space<semaphore_mem>>) src(%dma_wait3A_458 : memref<128x16xf32, #tpu.memory_space<vmem>>) dst(%dma_wait3A_464 : memref<100096x16xf32, #tpu.memory_space<vmem_shared>>)
          %dma_wait3A_465 = arith.constant 0 : i32
          %dma_wait3A_466 = arith.constant 3 : i32
          %dma_wait3A_467 = arith.constant 0 : i32
          %dma_wait3A_468 = arith.constant 1 : i32
          %dma_wait3A_469 = arith.constant 3 : i32
          %dma_wait3A_470 = arith.constant 0 : i32
          %dma_wait3A_471 = arith.constant 0 : i32
          %dma_wait3A_472 = tpu.memref_slice %arg9[%dma_wait3A_465, %dma_wait3A_466, %dma_wait3A_470, %dma_wait3A_471] : memref<2x5x128x16xf32, #tpu.memory_space<vmem>> -> memref<1x1x128x16xf32, #tpu.memory_space<vmem>>
          %dma_wait3A_473 = tpu.memref_squeeze %dma_wait3A_472 : memref<1x1x128x16xf32, #tpu.memory_space<vmem>> -> memref<128x16xf32, #tpu.memory_space<vmem>>
          %dma_wait3A_474 = arith.constant 0 : i32
          %dma_wait3A_475 = tpu.memref_slice %arg8[%dma_wait3A_467, %dma_wait3A_468, %dma_wait3A_469, %dma_wait3A_474] : memref<3x2x5x128xi32, #tpu.memory_space<vmem>> -> memref<1x1x1x128xi32, #tpu.memory_space<vmem>>
          %dma_wait3A_476 = tpu.memref_squeeze %dma_wait3A_475 : memref<1x1x1x128xi32, #tpu.memory_space<vmem>> -> memref<128xi32, #tpu.memory_space<vmem>>
          %dma_wait3A_477 = arith.constant 0 : i32
          %dma_wait3A_478 = arith.constant 0 : i32
          %dma_wait3A_479 = tpu.memref_slice %arg10[%dma_wait3A_477, %dma_wait3A_478] : memref<100096x16xf32, #tpu.memory_space<vmem_shared>> -> memref<100096x16xf32, #tpu.memory_space<vmem_shared>>
          tpu.wait_indirect_dma semaphore(%arg12 : memref<!tpu.dma_semaphore, #tpu.memory_space<semaphore_mem>>) src(%dma_wait3A_473 : memref<128x16xf32, #tpu.memory_space<vmem>>) dst(%dma_wait3A_479 : memref<100096x16xf32, #tpu.memory_space<vmem_shared>>)
          %dma_wait3A_480 = arith.constant 0 : i32
          %dma_wait3A_481 = arith.constant 4 : i32
          %dma_wait3A_482 = arith.constant 0 : i32
          %dma_wait3A_483 = arith.constant 1 : i32
          %dma_wait3A_484 = arith.constant 4 : i32
          %dma_wait3A_485 = arith.constant 0 : i32
          %dma_wait3A_486 = arith.constant 0 : i32
          %dma_wait3A_487 = tpu.memref_slice %arg9[%dma_wait3A_480, %dma_wait3A_481, %dma_wait3A_485, %dma_wait3A_486] : memref<2x5x128x16xf32, #tpu.memory_space<vmem>> -> memref<1x1x128x16xf32, #tpu.memory_space<vmem>>
          %dma_wait3A_488 = tpu.memref_squeeze %dma_wait3A_487 : memref<1x1x128x16xf32, #tpu.memory_space<vmem>> -> memref<128x16xf32, #tpu.memory_space<vmem>>
          %dma_wait3A_489 = arith.constant 0 : i32
          %dma_wait3A_490 = tpu.memref_slice %arg8[%dma_wait3A_482, %dma_wait3A_483, %dma_wait3A_484, %dma_wait3A_489] : memref<3x2x5x128xi32, #tpu.memory_space<vmem>> -> memref<1x1x1x128xi32, #tpu.memory_space<vmem>>
          %dma_wait3A_491 = tpu.memref_squeeze %dma_wait3A_490 : memref<1x1x1x128xi32, #tpu.memory_space<vmem>> -> memref<128xi32, #tpu.memory_space<vmem>>
          %dma_wait3A_492 = arith.constant 0 : i32
          %dma_wait3A_493 = arith.constant 0 : i32
          %dma_wait3A_494 = tpu.memref_slice %arg10[%dma_wait3A_492, %dma_wait3A_493] : memref<100096x16xf32, #tpu.memory_space<vmem_shared>> -> memref<100096x16xf32, #tpu.memory_space<vmem_shared>>
          tpu.wait_indirect_dma semaphore(%arg12 : memref<!tpu.dma_semaphore, #tpu.memory_space<semaphore_mem>>) src(%dma_wait3A_488 : memref<128x16xf32, #tpu.memory_space<vmem>>) dst(%dma_wait3A_494 : memref<100096x16xf32, #tpu.memory_space<vmem_shared>>)
        } else {
        }
        %add3A_408 = arith.constant 2 : i32
        %add3A_409 = arith.addi %while3A_264, %add3A_408 : i32
        %lt3A_410 = arith.cmpi slt, %add3A_409, %sub3A_64 : i32
        %convert_element_type3A_411 = arith.extui %lt3A_410 : i1 to i32
        %cond3A_412 = arith.constant 0 : i32
        %cond3A_413 = arith.cmpi ne, %convert_element_type3A_411, %cond3A_412 : i32
        scf.if %cond3A_413 {
          %add3A_420 = arith.constant 2 : i32
          %add3A_421 = arith.addi %while3A_264, %add3A_420 : i32
          %rem3A_422 = arith.constant 3 : i32
          %rem3A_423 = arith.remsi %add3A_421, %rem3A_422 : i32
          %add3A_424 = arith.addi %select_n3A, %add3A_421 : i32
          %mul3A_425 = arith.constant 5 : i32
          %mul3A_426 = arith.muli %add3A_424, %mul3A_425 : i32
          %dma_start3A_427 = arith.constant 0 : i32
          %dma_start3A_428 = arith.constant 0 : i32
          %dma_start3A_429 = arith.constant 0 : i32
          %dma_start3A_430 = arith.constant 0 : i32
          %dma_start3A_431 = tpu.memref_slice %arg8[%rem3A_423, %dma_start3A_428, %dma_start3A_429, %dma_start3A_430] : memref<3x2x5x128xi32, #tpu.memory_space<vmem>> -> memref<1x1x5x128xi32, #tpu.memory_space<vmem>>
          %dma_start3A_432 = tpu.memref_squeeze %dma_start3A_431 : memref<1x1x5x128xi32, #tpu.memory_space<vmem>> -> memref<5x128xi32, #tpu.memory_space<vmem>>
          %dma_start3A_433 = arith.constant 0 : i32
          %dma_start3A_434 = tpu.memref_slice %arg4[%dma_start3A_427, %mul3A_426, %dma_start3A_433] : memref<2x50000x128xi32, #tpu.memory_space<hbm>> -> memref<1x5x128xi32, #tpu.memory_space<hbm>>
          %dma_start3A_435 = tpu.memref_squeeze %dma_start3A_434 : memref<1x5x128xi32, #tpu.memory_space<hbm>> -> memref<5x128xi32, #tpu.memory_space<hbm>>
          %dma_start3A_436 = arith.constant 0 : i32
          %dma_start3A_437 = arith.constant 0 : i32
          %dma_start3A_438 = tpu.memref_slice %arg8[%rem3A_423, %dma_start3A_428, %dma_start3A_436, %dma_start3A_437] : memref<3x2x5x128xi32, #tpu.memory_space<vmem>> -> memref<1x1x5x128xi32, #tpu.memory_space<vmem>>
          %dma_start3A_439 = tpu.memref_squeeze %dma_start3A_438 : memref<1x1x5x128xi32, #tpu.memory_space<vmem>> -> memref<5x128xi32, #tpu.memory_space<vmem>>
          %dma_start3A_440 = arith.constant 0 : i32
          %dma_start3A_441 = tpu.memref_slice %arg4[%dma_start3A_427, %mul3A_426, %dma_start3A_440] : memref<2x50000x128xi32, #tpu.memory_space<hbm>> -> memref<1x5x128xi32, #tpu.memory_space<hbm>>
          %dma_start3A_442 = tpu.memref_squeeze %dma_start3A_441 : memref<1x5x128xi32, #tpu.memory_space<hbm>> -> memref<5x128xi32, #tpu.memory_space<hbm>>
          tpu.enqueue_dma source(%dma_start3A_442 : memref<5x128xi32, #tpu.memory_space<hbm>>) target(%dma_start3A_439 : memref<5x128xi32, #tpu.memory_space<vmem>>) target_semaphore(%arg13 : memref<!tpu.dma_semaphore, #tpu.memory_space<semaphore_mem>>)
          %dma_start3A_443 = arith.constant 1 : i32
          %dma_start3A_444 = arith.constant 1 : i32
          %dma_start3A_445 = arith.constant 0 : i32
          %dma_start3A_446 = arith.constant 0 : i32
          %dma_start3A_447 = tpu.memref_slice %arg8[%rem3A_423, %dma_start3A_444, %dma_start3A_445, %dma_start3A_446] : memref<3x2x5x128xi32, #tpu.memory_space<vmem>> -> memref<1x1x5x128xi32, #tpu.memory_space<vmem>>
          %dma_start3A_448 = tpu.memref_squeeze %dma_start3A_447 : memref<1x1x5x128xi32, #tpu.memory_space<vmem>> -> memref<5x128xi32, #tpu.memory_space<vmem>>
          %dma_start3A_449 = arith.constant 0 : i32
          %dma_start3A_450 = tpu.memref_slice %arg4[%dma_start3A_443, %mul3A_426, %dma_start3A_449] : memref<2x50000x128xi32, #tpu.memory_space<hbm>> -> memref<1x5x128xi32, #tpu.memory_space<hbm>>
          %dma_start3A_451 = tpu.memref_squeeze %dma_start3A_450 : memref<1x5x128xi32, #tpu.memory_space<hbm>> -> memref<5x128xi32, #tpu.memory_space<hbm>>
          %dma_start3A_452 = arith.constant 0 : i32
          %dma_start3A_453 = arith.constant 0 : i32
          %dma_start3A_454 = tpu.memref_slice %arg8[%rem3A_423, %dma_start3A_444, %dma_start3A_452, %dma_start3A_453] : memref<3x2x5x128xi32, #tpu.memory_space<vmem>> -> memref<1x1x5x128xi32, #tpu.memory_space<vmem>>
          %dma_start3A_455 = tpu.memref_squeeze %dma_start3A_454 : memref<1x1x5x128xi32, #tpu.memory_space<vmem>> -> memref<5x128xi32, #tpu.memory_space<vmem>>
          %dma_start3A_456 = arith.constant 0 : i32
          %dma_start3A_457 = tpu.memref_slice %arg4[%dma_start3A_443, %mul3A_426, %dma_start3A_456] : memref<2x50000x128xi32, #tpu.memory_space<hbm>> -> memref<1x5x128xi32, #tpu.memory_space<hbm>>
          %dma_start3A_458 = tpu.memref_squeeze %dma_start3A_457 : memref<1x5x128xi32, #tpu.memory_space<hbm>> -> memref<5x128xi32, #tpu.memory_space<hbm>>
          tpu.enqueue_dma source(%dma_start3A_458 : memref<5x128xi32, #tpu.memory_space<hbm>>) target(%dma_start3A_455 : memref<5x128xi32, #tpu.memory_space<vmem>>) target_semaphore(%arg13 : memref<!tpu.dma_semaphore, #tpu.memory_space<semaphore_mem>>)
        } else {
        }
        %add3A_414 = arith.constant 1 : i32
        %add3A_415 = arith.addi %while3A_264, %add3A_414 : i32
        %lt3A_416 = arith.cmpi slt, %add3A_415, %sub3A_64 : i32
        %convert_element_type3A_417 = arith.extui %lt3A_416 : i1 to i32
        %cond3A_418 = arith.constant 0 : i32
        %cond3A_419 = arith.cmpi ne, %convert_element_type3A_417, %cond3A_418 : i32
        scf.if %cond3A_419 {
          %add3A_420 = arith.constant 1 : i32
          %add3A_421 = arith.addi %while3A_264, %add3A_420 : i32
          %rem3A_422 = arith.constant 3 : i32
          %rem3A_423 = arith.remsi %add3A_421, %rem3A_422 : i32
          %rem3A_424 = arith.constant 2 : i32
          %rem3A_425 = arith.remsi %add3A_421, %rem3A_424 : i32
          %dma_start3A_426 = arith.constant 0 : i32
          %dma_start3A_427 = arith.constant 0 : i32
          %dma_start3A_428 = arith.constant 0 : i32
          %dma_start3A_429 = arith.constant 0 : i32
          %dma_start3A_430 = arith.constant 0 : i32
          %dma_start3A_431 = tpu.memref_slice %arg9[%rem3A_425, %dma_start3A_428, %dma_start3A_429, %dma_start3A_430] : memref<2x5x128x16xf32, #tpu.memory_space<vmem>> -> memref<1x1x128x16xf32, #tpu.memory_space<vmem>>
          %dma_start3A_432 = tpu.memref_squeeze %dma_start3A_431 : memref<1x1x128x16xf32, #tpu.memory_space<vmem>> -> memref<128x16xf32, #tpu.memory_space<vmem>>
          %dma_start3A_433 = arith.constant 0 : i32
          %dma_start3A_434 = tpu.memref_slice %arg8[%rem3A_423, %dma_start3A_426, %dma_start3A_427, %dma_start3A_433] : memref<3x2x5x128xi32, #tpu.memory_space<vmem>> -> memref<1x1x1x128xi32, #tpu.memory_space<vmem>>
          %dma_start3A_435 = tpu.memref_squeeze %dma_start3A_434 : memref<1x1x1x128xi32, #tpu.memory_space<vmem>> -> memref<128xi32, #tpu.memory_space<vmem>>
          %dma_start3A_436 = arith.constant 0 : i32
          %dma_start3A_437 = arith.constant 0 : i32
          %dma_start3A_438 = tpu.memref_slice %arg2[%dma_start3A_436, %dma_start3A_437] : memref<100000x16xf32, #tpu.memory_space<hbm>> -> memref<100000x16xf32, #tpu.memory_space<hbm>>
          tpu.enqueue_indirect_dma source(%dma_start3A_438 : memref<100000x16xf32, #tpu.memory_space<hbm>>) target(%dma_start3A_432 : memref<128x16xf32, #tpu.memory_space<vmem>>) offsets(%dma_start3A_435 : memref<128xi32, #tpu.memory_space<vmem>>) semaphore(%arg11 : memref<!tpu.dma_semaphore, #tpu.memory_space<semaphore_mem>>)
          %dma_start3A_439 = arith.constant 0 : i32
          %dma_start3A_440 = arith.constant 1 : i32
          %dma_start3A_441 = arith.constant 1 : i32
          %dma_start3A_442 = arith.constant 0 : i32
          %dma_start3A_443 = arith.constant 0 : i32
          %dma_start3A_444 = tpu.memref_slice %arg9[%rem3A_425, %dma_start3A_441, %dma_start3A_442, %dma_start3A_443] : memref<2x5x128x16xf32, #tpu.memory_space<vmem>> -> memref<1x1x128x16xf32, #tpu.memory_space<vmem>>
          %dma_start3A_445 = tpu.memref_squeeze %dma_start3A_444 : memref<1x1x128x16xf32, #tpu.memory_space<vmem>> -> memref<128x16xf32, #tpu.memory_space<vmem>>
          %dma_start3A_446 = arith.constant 0 : i32
          %dma_start3A_447 = tpu.memref_slice %arg8[%rem3A_423, %dma_start3A_439, %dma_start3A_440, %dma_start3A_446] : memref<3x2x5x128xi32, #tpu.memory_space<vmem>> -> memref<1x1x1x128xi32, #tpu.memory_space<vmem>>
          %dma_start3A_448 = tpu.memref_squeeze %dma_start3A_447 : memref<1x1x1x128xi32, #tpu.memory_space<vmem>> -> memref<128xi32, #tpu.memory_space<vmem>>
          %dma_start3A_449 = arith.constant 0 : i32
          %dma_start3A_450 = arith.constant 0 : i32
          %dma_start3A_451 = tpu.memref_slice %arg2[%dma_start3A_449, %dma_start3A_450] : memref<100000x16xf32, #tpu.memory_space<hbm>> -> memref<100000x16xf32, #tpu.memory_space<hbm>>
          tpu.enqueue_indirect_dma source(%dma_start3A_451 : memref<100000x16xf32, #tpu.memory_space<hbm>>) target(%dma_start3A_445 : memref<128x16xf32, #tpu.memory_space<vmem>>) offsets(%dma_start3A_448 : memref<128xi32, #tpu.memory_space<vmem>>) semaphore(%arg11 : memref<!tpu.dma_semaphore, #tpu.memory_space<semaphore_mem>>)
          %dma_start3A_452 = arith.constant 0 : i32
          %dma_start3A_453 = arith.constant 2 : i32
          %dma_start3A_454 = arith.constant 2 : i32
          %dma_start3A_455 = arith.constant 0 : i32
          %dma_start3A_456 = arith.constant 0 : i32
          %dma_start3A_457 = tpu.memref_slice %arg9[%rem3A_425, %dma_start3A_454, %dma_start3A_455, %dma_start3A_456] : memref<2x5x128x16xf32, #tpu.memory_space<vmem>> -> memref<1x1x128x16xf32, #tpu.memory_space<vmem>>
          %dma_start3A_458 = tpu.memref_squeeze %dma_start3A_457 : memref<1x1x128x16xf32, #tpu.memory_space<vmem>> -> memref<128x16xf32, #tpu.memory_space<vmem>>
          %dma_start3A_459 = arith.constant 0 : i32
          %dma_start3A_460 = tpu.memref_slice %arg8[%rem3A_423, %dma_start3A_452, %dma_start3A_453, %dma_start3A_459] : memref<3x2x5x128xi32, #tpu.memory_space<vmem>> -> memref<1x1x1x128xi32, #tpu.memory_space<vmem>>
          %dma_start3A_461 = tpu.memref_squeeze %dma_start3A_460 : memref<1x1x1x128xi32, #tpu.memory_space<vmem>> -> memref<128xi32, #tpu.memory_space<vmem>>
          %dma_start3A_462 = arith.constant 0 : i32
          %dma_start3A_463 = arith.constant 0 : i32
          %dma_start3A_464 = tpu.memref_slice %arg2[%dma_start3A_462, %dma_start3A_463] : memref<100000x16xf32, #tpu.memory_space<hbm>> -> memref<100000x16xf32, #tpu.memory_space<hbm>>
          tpu.enqueue_indirect_dma source(%dma_start3A_464 : memref<100000x16xf32, #tpu.memory_space<hbm>>) target(%dma_start3A_458 : memref<128x16xf32, #tpu.memory_space<vmem>>) offsets(%dma_start3A_461 : memref<128xi32, #tpu.memory_space<vmem>>) semaphore(%arg11 : memref<!tpu.dma_semaphore, #tpu.memory_space<semaphore_mem>>)
          %dma_start3A_465 = arith.constant 0 : i32
          %dma_start3A_466 = arith.constant 3 : i32
          %dma_start3A_467 = arith.constant 3 : i32
          %dma_start3A_468 = arith.constant 0 : i32
          %dma_start3A_469 = arith.constant 0 : i32
          %dma_start3A_470 = tpu.memref_slice %arg9[%rem3A_425, %dma_start3A_467, %dma_start3A_468, %dma_start3A_469] : memref<2x5x128x16xf32, #tpu.memory_space<vmem>> -> memref<1x1x128x16xf32, #tpu.memory_space<vmem>>
          %dma_start3A_471 = tpu.memref_squeeze %dma_start3A_470 : memref<1x1x128x16xf32, #tpu.memory_space<vmem>> -> memref<128x16xf32, #tpu.memory_space<vmem>>
          %dma_start3A_472 = arith.constant 0 : i32
          %dma_start3A_473 = tpu.memref_slice %arg8[%rem3A_423, %dma_start3A_465, %dma_start3A_466, %dma_start3A_472] : memref<3x2x5x128xi32, #tpu.memory_space<vmem>> -> memref<1x1x1x128xi32, #tpu.memory_space<vmem>>
          %dma_start3A_474 = tpu.memref_squeeze %dma_start3A_473 : memref<1x1x1x128xi32, #tpu.memory_space<vmem>> -> memref<128xi32, #tpu.memory_space<vmem>>
          %dma_start3A_475 = arith.constant 0 : i32
          %dma_start3A_476 = arith.constant 0 : i32
          %dma_start3A_477 = tpu.memref_slice %arg2[%dma_start3A_475, %dma_start3A_476] : memref<100000x16xf32, #tpu.memory_space<hbm>> -> memref<100000x16xf32, #tpu.memory_space<hbm>>
          tpu.enqueue_indirect_dma source(%dma_start3A_477 : memref<100000x16xf32, #tpu.memory_space<hbm>>) target(%dma_start3A_471 : memref<128x16xf32, #tpu.memory_space<vmem>>) offsets(%dma_start3A_474 : memref<128xi32, #tpu.memory_space<vmem>>) semaphore(%arg11 : memref<!tpu.dma_semaphore, #tpu.memory_space<semaphore_mem>>)
          %dma_start3A_478 = arith.constant 0 : i32
          %dma_start3A_479 = arith.constant 4 : i32
          %dma_start3A_480 = arith.constant 4 : i32
          %dma_start3A_481 = arith.constant 0 : i32
          %dma_start3A_482 = arith.constant 0 : i32
          %dma_start3A_483 = tpu.memref_slice %arg9[%rem3A_425, %dma_start3A_480, %dma_start3A_481, %dma_start3A_482] : memref<2x5x128x16xf32, #tpu.memory_space<vmem>> -> memref<1x1x128x16xf32, #tpu.memory_space<vmem>>
          %dma_start3A_484 = tpu.memref_squeeze %dma_start3A_483 : memref<1x1x128x16xf32, #tpu.memory_space<vmem>> -> memref<128x16xf32, #tpu.memory_space<vmem>>
          %dma_start3A_485 = arith.constant 0 : i32
          %dma_start3A_486 = tpu.memref_slice %arg8[%rem3A_423, %dma_start3A_478, %dma_start3A_479, %dma_start3A_485] : memref<3x2x5x128xi32, #tpu.memory_space<vmem>> -> memref<1x1x1x128xi32, #tpu.memory_space<vmem>>
          %dma_start3A_487 = tpu.memref_squeeze %dma_start3A_486 : memref<1x1x1x128xi32, #tpu.memory_space<vmem>> -> memref<128xi32, #tpu.memory_space<vmem>>
          %dma_start3A_488 = arith.constant 0 : i32
          %dma_start3A_489 = arith.constant 0 : i32
          %dma_start3A_490 = tpu.memref_slice %arg2[%dma_start3A_488, %dma_start3A_489] : memref<100000x16xf32, #tpu.memory_space<hbm>> -> memref<100000x16xf32, #tpu.memory_space<hbm>>
          tpu.enqueue_indirect_dma source(%dma_start3A_490 : memref<100000x16xf32, #tpu.memory_space<hbm>>) target(%dma_start3A_484 : memref<128x16xf32, #tpu.memory_space<vmem>>) offsets(%dma_start3A_487 : memref<128xi32, #tpu.memory_space<vmem>>) semaphore(%arg11 : memref<!tpu.dma_semaphore, #tpu.memory_space<semaphore_mem>>)
        } else {
        }
      }
      %while3A_189 = arith.constant 1 : i32
      scf.for %while3A_264 = %while3A_187 to %while3A_183 step %while3A_189  : i32 {
        %rem3A_265 = arith.constant 3 : i32
        %rem3A_266 = arith.remsi %while3A_264, %rem3A_265 : i32
        %rem3A_267 = arith.constant 2 : i32
        %rem3A_268 = arith.remsi %while3A_264, %rem3A_267 : i32
        %dma_wait3A_269 = arith.constant 0 : i32
        %dma_wait3A_270 = arith.constant 0 : i32
        %dma_wait3A_271 = arith.constant 0 : i32
        %dma_wait3A_272 = arith.constant 0 : i32
        %dma_wait3A_273 = arith.constant 0 : i32
        %dma_wait3A_274 = tpu.memref_slice %arg9[%rem3A_268, %dma_wait3A_271, %dma_wait3A_272, %dma_wait3A_273] : memref<2x5x128x16xf32, #tpu.memory_space<vmem>> -> memref<1x1x128x16xf32, #tpu.memory_space<vmem>>
        %dma_wait3A_275 = tpu.memref_squeeze %dma_wait3A_274 : memref<1x1x128x16xf32, #tpu.memory_space<vmem>> -> memref<128x16xf32, #tpu.memory_space<vmem>>
        %dma_wait3A_276 = arith.constant 0 : i32
        %dma_wait3A_277 = tpu.memref_slice %arg8[%rem3A_266, %dma_wait3A_269, %dma_wait3A_270, %dma_wait3A_276] : memref<3x2x5x128xi32, #tpu.memory_space<vmem>> -> memref<1x1x1x128xi32, #tpu.memory_space<vmem>>
        %dma_wait3A_278 = tpu.memref_squeeze %dma_wait3A_277 : memref<1x1x1x128xi32, #tpu.memory_space<vmem>> -> memref<128xi32, #tpu.memory_space<vmem>>
        %dma_wait3A_279 = arith.constant 0 : i32
        %dma_wait3A_280 = arith.constant 0 : i32
        %dma_wait3A_281 = tpu.memref_slice %arg2[%dma_wait3A_279, %dma_wait3A_280] : memref<100000x16xf32, #tpu.memory_space<hbm>> -> memref<100000x16xf32, #tpu.memory_space<hbm>>
        tpu.wait_indirect_dma semaphore(%arg11 : memref<!tpu.dma_semaphore, #tpu.memory_space<semaphore_mem>>) src(%dma_wait3A_281 : memref<100000x16xf32, #tpu.memory_space<hbm>>) dst(%dma_wait3A_275 : memref<128x16xf32, #tpu.memory_space<vmem>>)
        %dma_wait3A_282 = arith.constant 0 : i32
        %dma_wait3A_283 = arith.constant 1 : i32
        %dma_wait3A_284 = arith.constant 1 : i32
        %dma_wait3A_285 = arith.constant 0 : i32
        %dma_wait3A_286 = arith.constant 0 : i32
        %dma_wait3A_287 = tpu.memref_slice %arg9[%rem3A_268, %dma_wait3A_284, %dma_wait3A_285, %dma_wait3A_286] : memref<2x5x128x16xf32, #tpu.memory_space<vmem>> -> memref<1x1x128x16xf32, #tpu.memory_space<vmem>>
        %dma_wait3A_288 = tpu.memref_squeeze %dma_wait3A_287 : memref<1x1x128x16xf32, #tpu.memory_space<vmem>> -> memref<128x16xf32, #tpu.memory_space<vmem>>
        %dma_wait3A_289 = arith.constant 0 : i32
        %dma_wait3A_290 = tpu.memref_slice %arg8[%rem3A_266, %dma_wait3A_282, %dma_wait3A_283, %dma_wait3A_289] : memref<3x2x5x128xi32, #tpu.memory_space<vmem>> -> memref<1x1x1x128xi32, #tpu.memory_space<vmem>>
        %dma_wait3A_291 = tpu.memref_squeeze %dma_wait3A_290 : memref<1x1x1x128xi32, #tpu.memory_space<vmem>> -> memref<128xi32, #tpu.memory_space<vmem>>
        %dma_wait3A_292 = arith.constant 0 : i32
        %dma_wait3A_293 = arith.constant 0 : i32
        %dma_wait3A_294 = tpu.memref_slice %arg2[%dma_wait3A_292, %dma_wait3A_293] : memref<100000x16xf32, #tpu.memory_space<hbm>> -> memref<100000x16xf32, #tpu.memory_space<hbm>>
        tpu.wait_indirect_dma semaphore(%arg11 : memref<!tpu.dma_semaphore, #tpu.memory_space<semaphore_mem>>) src(%dma_wait3A_294 : memref<100000x16xf32, #tpu.memory_space<hbm>>) dst(%dma_wait3A_288 : memref<128x16xf32, #tpu.memory_space<vmem>>)
        %dma_wait3A_295 = arith.constant 0 : i32
        %dma_wait3A_296 = arith.constant 2 : i32
        %dma_wait3A_297 = arith.constant 2 : i32
        %dma_wait3A_298 = arith.constant 0 : i32
        %dma_wait3A_299 = arith.constant 0 : i32
        %dma_wait3A_300 = tpu.memref_slice %arg9[%rem3A_268, %dma_wait3A_297, %dma_wait3A_298, %dma_wait3A_299] : memref<2x5x128x16xf32, #tpu.memory_space<vmem>> -> memref<1x1x128x16xf32, #tpu.memory_space<vmem>>
        %dma_wait3A_301 = tpu.memref_squeeze %dma_wait3A_300 : memref<1x1x128x16xf32, #tpu.memory_space<vmem>> -> memref<128x16xf32, #tpu.memory_space<vmem>>
        %dma_wait3A_302 = arith.constant 0 : i32
        %dma_wait3A_303 = tpu.memref_slice %arg8[%rem3A_266, %dma_wait3A_295, %dma_wait3A_296, %dma_wait3A_302] : memref<3x2x5x128xi32, #tpu.memory_space<vmem>> -> memref<1x1x1x128xi32, #tpu.memory_space<vmem>>
        %dma_wait3A_304 = tpu.memref_squeeze %dma_wait3A_303 : memref<1x1x1x128xi32, #tpu.memory_space<vmem>> -> memref<128xi32, #tpu.memory_space<vmem>>
        %dma_wait3A_305 = arith.constant 0 : i32
        %dma_wait3A_306 = arith.constant 0 : i32
        %dma_wait3A_307 = tpu.memref_slice %arg2[%dma_wait3A_305, %dma_wait3A_306] : memref<100000x16xf32, #tpu.memory_space<hbm>> -> memref<100000x16xf32, #tpu.memory_space<hbm>>
        tpu.wait_indirect_dma semaphore(%arg11 : memref<!tpu.dma_semaphore, #tpu.memory_space<semaphore_mem>>) src(%dma_wait3A_307 : memref<100000x16xf32, #tpu.memory_space<hbm>>) dst(%dma_wait3A_301 : memref<128x16xf32, #tpu.memory_space<vmem>>)
        %dma_wait3A_308 = arith.constant 0 : i32
        %dma_wait3A_309 = arith.constant 3 : i32
        %dma_wait3A_310 = arith.constant 3 : i32
        %dma_wait3A_311 = arith.constant 0 : i32
        %dma_wait3A_312 = arith.constant 0 : i32
        %dma_wait3A_313 = tpu.memref_slice %arg9[%rem3A_268, %dma_wait3A_310, %dma_wait3A_311, %dma_wait3A_312] : memref<2x5x128x16xf32, #tpu.memory_space<vmem>> -> memref<1x1x128x16xf32, #tpu.memory_space<vmem>>
        %dma_wait3A_314 = tpu.memref_squeeze %dma_wait3A_313 : memref<1x1x128x16xf32, #tpu.memory_space<vmem>> -> memref<128x16xf32, #tpu.memory_space<vmem>>
        %dma_wait3A_315 = arith.constant 0 : i32
        %dma_wait3A_316 = tpu.memref_slice %arg8[%rem3A_266, %dma_wait3A_308, %dma_wait3A_309, %dma_wait3A_315] : memref<3x2x5x128xi32, #tpu.memory_space<vmem>> -> memref<1x1x1x128xi32, #tpu.memory_space<vmem>>
        %dma_wait3A_317 = tpu.memref_squeeze %dma_wait3A_316 : memref<1x1x1x128xi32, #tpu.memory_space<vmem>> -> memref<128xi32, #tpu.memory_space<vmem>>
        %dma_wait3A_318 = arith.constant 0 : i32
        %dma_wait3A_319 = arith.constant 0 : i32
        %dma_wait3A_320 = tpu.memref_slice %arg2[%dma_wait3A_318, %dma_wait3A_319] : memref<100000x16xf32, #tpu.memory_space<hbm>> -> memref<100000x16xf32, #tpu.memory_space<hbm>>
        tpu.wait_indirect_dma semaphore(%arg11 : memref<!tpu.dma_semaphore, #tpu.memory_space<semaphore_mem>>) src(%dma_wait3A_320 : memref<100000x16xf32, #tpu.memory_space<hbm>>) dst(%dma_wait3A_314 : memref<128x16xf32, #tpu.memory_space<vmem>>)
        %dma_wait3A_321 = arith.constant 0 : i32
        %dma_wait3A_322 = arith.constant 4 : i32
        %dma_wait3A_323 = arith.constant 4 : i32
        %dma_wait3A_324 = arith.constant 0 : i32
        %dma_wait3A_325 = arith.constant 0 : i32
        %dma_wait3A_326 = tpu.memref_slice %arg9[%rem3A_268, %dma_wait3A_323, %dma_wait3A_324, %dma_wait3A_325] : memref<2x5x128x16xf32, #tpu.memory_space<vmem>> -> memref<1x1x128x16xf32, #tpu.memory_space<vmem>>
        %dma_wait3A_327 = tpu.memref_squeeze %dma_wait3A_326 : memref<1x1x128x16xf32, #tpu.memory_space<vmem>> -> memref<128x16xf32, #tpu.memory_space<vmem>>
        %dma_wait3A_328 = arith.constant 0 : i32
        %dma_wait3A_329 = tpu.memref_slice %arg8[%rem3A_266, %dma_wait3A_321, %dma_wait3A_322, %dma_wait3A_328] : memref<3x2x5x128xi32, #tpu.memory_space<vmem>> -> memref<1x1x1x128xi32, #tpu.memory_space<vmem>>
        %dma_wait3A_330 = tpu.memref_squeeze %dma_wait3A_329 : memref<1x1x1x128xi32, #tpu.memory_space<vmem>> -> memref<128xi32, #tpu.memory_space<vmem>>
        %dma_wait3A_331 = arith.constant 0 : i32
        %dma_wait3A_332 = arith.constant 0 : i32
        %dma_wait3A_333 = tpu.memref_slice %arg2[%dma_wait3A_331, %dma_wait3A_332] : memref<100000x16xf32, #tpu.memory_space<hbm>> -> memref<100000x16xf32, #tpu.memory_space<hbm>>
        tpu.wait_indirect_dma semaphore(%arg11 : memref<!tpu.dma_semaphore, #tpu.memory_space<semaphore_mem>>) src(%dma_wait3A_333 : memref<100000x16xf32, #tpu.memory_space<hbm>>) dst(%dma_wait3A_327 : memref<128x16xf32, #tpu.memory_space<vmem>>)
        %dma_start3A_334 = arith.constant 0 : i32
        %dma_start3A_335 = arith.constant 1 : i32
        %dma_start3A_336 = arith.constant 0 : i32
        %dma_start3A_337 = arith.constant 0 : i32
        %dma_start3A_338 = arith.constant 0 : i32
        %dma_start3A_339 = tpu.memref_slice %arg9[%rem3A_268, %dma_start3A_334, %dma_start3A_337, %dma_start3A_338] : memref<2x5x128x16xf32, #tpu.memory_space<vmem>> -> memref<1x1x128x16xf32, #tpu.memory_space<vmem>>
        %dma_start3A_340 = tpu.memref_squeeze %dma_start3A_339 : memref<1x1x128x16xf32, #tpu.memory_space<vmem>> -> memref<128x16xf32, #tpu.memory_space<vmem>>
        %dma_start3A_341 = arith.constant 0 : i32
        %dma_start3A_342 = tpu.memref_slice %arg8[%rem3A_266, %dma_start3A_335, %dma_start3A_336, %dma_start3A_341] : memref<3x2x5x128xi32, #tpu.memory_space<vmem>> -> memref<1x1x1x128xi32, #tpu.memory_space<vmem>>
        %dma_start3A_343 = tpu.memref_squeeze %dma_start3A_342 : memref<1x1x1x128xi32, #tpu.memory_space<vmem>> -> memref<128xi32, #tpu.memory_space<vmem>>
        %dma_start3A_344 = arith.constant 0 : i32
        %dma_start3A_345 = arith.constant 0 : i32
        %dma_start3A_346 = tpu.memref_slice %arg10[%dma_start3A_344, %dma_start3A_345] : memref<100096x16xf32, #tpu.memory_space<vmem_shared>> -> memref<100096x16xf32, #tpu.memory_space<vmem_shared>>
        tpu.enqueue_indirect_dma source(%dma_start3A_340 : memref<128x16xf32, #tpu.memory_space<vmem>>) target(%dma_start3A_346 : memref<100096x16xf32, #tpu.memory_space<vmem_shared>>) offsets(%dma_start3A_343 : memref<128xi32, #tpu.memory_space<vmem>>) semaphore(%arg12 : memref<!tpu.dma_semaphore, #tpu.memory_space<semaphore_mem>>) {add = true}
        %dma_start3A_347 = arith.constant 1 : i32
        %dma_start3A_348 = arith.constant 1 : i32
        %dma_start3A_349 = arith.constant 1 : i32
        %dma_start3A_350 = arith.constant 0 : i32
        %dma_start3A_351 = arith.constant 0 : i32
        %dma_start3A_352 = tpu.memref_slice %arg9[%rem3A_268, %dma_start3A_347, %dma_start3A_350, %dma_start3A_351] : memref<2x5x128x16xf32, #tpu.memory_space<vmem>> -> memref<1x1x128x16xf32, #tpu.memory_space<vmem>>
        %dma_start3A_353 = tpu.memref_squeeze %dma_start3A_352 : memref<1x1x128x16xf32, #tpu.memory_space<vmem>> -> memref<128x16xf32, #tpu.memory_space<vmem>>
        %dma_start3A_354 = arith.constant 0 : i32
        %dma_start3A_355 = tpu.memref_slice %arg8[%rem3A_266, %dma_start3A_348, %dma_start3A_349, %dma_start3A_354] : memref<3x2x5x128xi32, #tpu.memory_space<vmem>> -> memref<1x1x1x128xi32, #tpu.memory_space<vmem>>
        %dma_start3A_356 = tpu.memref_squeeze %dma_start3A_355 : memref<1x1x1x128xi32, #tpu.memory_space<vmem>> -> memref<128xi32, #tpu.memory_space<vmem>>
        %dma_start3A_357 = arith.constant 0 : i32
        %dma_start3A_358 = arith.constant 0 : i32
        %dma_start3A_359 = tpu.memref_slice %arg10[%dma_start3A_357, %dma_start3A_358] : memref<100096x16xf32, #tpu.memory_space<vmem_shared>> -> memref<100096x16xf32, #tpu.memory_space<vmem_shared>>
        tpu.enqueue_indirect_dma source(%dma_start3A_353 : memref<128x16xf32, #tpu.memory_space<vmem>>) target(%dma_start3A_359 : memref<100096x16xf32, #tpu.memory_space<vmem_shared>>) offsets(%dma_start3A_356 : memref<128xi32, #tpu.memory_space<vmem>>) semaphore(%arg12 : memref<!tpu.dma_semaphore, #tpu.memory_space<semaphore_mem>>) {add = true}
        %dma_start3A_360 = arith.constant 2 : i32
        %dma_start3A_361 = arith.constant 1 : i32
        %dma_start3A_362 = arith.constant 2 : i32
        %dma_start3A_363 = arith.constant 0 : i32
        %dma_start3A_364 = arith.constant 0 : i32
        %dma_start3A_365 = tpu.memref_slice %arg9[%rem3A_268, %dma_start3A_360, %dma_start3A_363, %dma_start3A_364] : memref<2x5x128x16xf32, #tpu.memory_space<vmem>> -> memref<1x1x128x16xf32, #tpu.memory_space<vmem>>
        %dma_start3A_366 = tpu.memref_squeeze %dma_start3A_365 : memref<1x1x128x16xf32, #tpu.memory_space<vmem>> -> memref<128x16xf32, #tpu.memory_space<vmem>>
        %dma_start3A_367 = arith.constant 0 : i32
        %dma_start3A_368 = tpu.memref_slice %arg8[%rem3A_266, %dma_start3A_361, %dma_start3A_362, %dma_start3A_367] : memref<3x2x5x128xi32, #tpu.memory_space<vmem>> -> memref<1x1x1x128xi32, #tpu.memory_space<vmem>>
        %dma_start3A_369 = tpu.memref_squeeze %dma_start3A_368 : memref<1x1x1x128xi32, #tpu.memory_space<vmem>> -> memref<128xi32, #tpu.memory_space<vmem>>
        %dma_start3A_370 = arith.constant 0 : i32
        %dma_start3A_371 = arith.constant 0 : i32
        %dma_start3A_372 = tpu.memref_slice %arg10[%dma_start3A_370, %dma_start3A_371] : memref<100096x16xf32, #tpu.memory_space<vmem_shared>> -> memref<100096x16xf32, #tpu.memory_space<vmem_shared>>
        tpu.enqueue_indirect_dma source(%dma_start3A_366 : memref<128x16xf32, #tpu.memory_space<vmem>>) target(%dma_start3A_372 : memref<100096x16xf32, #tpu.memory_space<vmem_shared>>) offsets(%dma_start3A_369 : memref<128xi32, #tpu.memory_space<vmem>>) semaphore(%arg12 : memref<!tpu.dma_semaphore, #tpu.memory_space<semaphore_mem>>) {add = true}
        %dma_start3A_373 = arith.constant 3 : i32
        %dma_start3A_374 = arith.constant 1 : i32
        %dma_start3A_375 = arith.constant 3 : i32
        %dma_start3A_376 = arith.constant 0 : i32
        %dma_start3A_377 = arith.constant 0 : i32
        %dma_start3A_378 = tpu.memref_slice %arg9[%rem3A_268, %dma_start3A_373, %dma_start3A_376, %dma_start3A_377] : memref<2x5x128x16xf32, #tpu.memory_space<vmem>> -> memref<1x1x128x16xf32, #tpu.memory_space<vmem>>
        %dma_start3A_379 = tpu.memref_squeeze %dma_start3A_378 : memref<1x1x128x16xf32, #tpu.memory_space<vmem>> -> memref<128x16xf32, #tpu.memory_space<vmem>>
        %dma_start3A_380 = arith.constant 0 : i32
        %dma_start3A_381 = tpu.memref_slice %arg8[%rem3A_266, %dma_start3A_374, %dma_start3A_375, %dma_start3A_380] : memref<3x2x5x128xi32, #tpu.memory_space<vmem>> -> memref<1x1x1x128xi32, #tpu.memory_space<vmem>>
        %dma_start3A_382 = tpu.memref_squeeze %dma_start3A_381 : memref<1x1x1x128xi32, #tpu.memory_space<vmem>> -> memref<128xi32, #tpu.memory_space<vmem>>
        %dma_start3A_383 = arith.constant 0 : i32
        %dma_start3A_384 = arith.constant 0 : i32
        %dma_start3A_385 = tpu.memref_slice %arg10[%dma_start3A_383, %dma_start3A_384] : memref<100096x16xf32, #tpu.memory_space<vmem_shared>> -> memref<100096x16xf32, #tpu.memory_space<vmem_shared>>
        tpu.enqueue_indirect_dma source(%dma_start3A_379 : memref<128x16xf32, #tpu.memory_space<vmem>>) target(%dma_start3A_385 : memref<100096x16xf32, #tpu.memory_space<vmem_shared>>) offsets(%dma_start3A_382 : memref<128xi32, #tpu.memory_space<vmem>>) semaphore(%arg12 : memref<!tpu.dma_semaphore, #tpu.memory_space<semaphore_mem>>) {add = true}
        %dma_start3A_386 = arith.constant 4 : i32
        %dma_start3A_387 = arith.constant 1 : i32
        %dma_start3A_388 = arith.constant 4 : i32
        %dma_start3A_389 = arith.constant 0 : i32
        %dma_start3A_390 = arith.constant 0 : i32
        %dma_start3A_391 = tpu.memref_slice %arg9[%rem3A_268, %dma_start3A_386, %dma_start3A_389, %dma_start3A_390] : memref<2x5x128x16xf32, #tpu.memory_space<vmem>> -> memref<1x1x128x16xf32, #tpu.memory_space<vmem>>
        %dma_start3A_392 = tpu.memref_squeeze %dma_start3A_391 : memref<1x1x128x16xf32, #tpu.memory_space<vmem>> -> memref<128x16xf32, #tpu.memory_space<vmem>>
        %dma_start3A_393 = arith.constant 0 : i32
        %dma_start3A_394 = tpu.memref_slice %arg8[%rem3A_266, %dma_start3A_387, %dma_start3A_388, %dma_start3A_393] : memref<3x2x5x128xi32, #tpu.memory_space<vmem>> -> memref<1x1x1x128xi32, #tpu.memory_space<vmem>>
        %dma_start3A_395 = tpu.memref_squeeze %dma_start3A_394 : memref<1x1x1x128xi32, #tpu.memory_space<vmem>> -> memref<128xi32, #tpu.memory_space<vmem>>
        %dma_start3A_396 = arith.constant 0 : i32
        %dma_start3A_397 = arith.constant 0 : i32
        %dma_start3A_398 = tpu.memref_slice %arg10[%dma_start3A_396, %dma_start3A_397] : memref<100096x16xf32, #tpu.memory_space<vmem_shared>> -> memref<100096x16xf32, #tpu.memory_space<vmem_shared>>
        tpu.enqueue_indirect_dma source(%dma_start3A_392 : memref<128x16xf32, #tpu.memory_space<vmem>>) target(%dma_start3A_398 : memref<100096x16xf32, #tpu.memory_space<vmem_shared>>) offsets(%dma_start3A_395 : memref<128xi32, #tpu.memory_space<vmem>>) semaphore(%arg12 : memref<!tpu.dma_semaphore, #tpu.memory_space<semaphore_mem>>) {add = true}
        %add3A_399 = arith.constant 1 : i32
        %add3A_400 = arith.addi %while3A_264, %add3A_399 : i32
        %lt3A = arith.cmpi slt, %add3A_400, %sub3A_64 : i32
        %convert_element_type3A_401 = arith.extui %lt3A : i1 to i32
        %cond3A_402 = arith.constant 0 : i32
        %cond3A_403 = arith.cmpi ne, %convert_element_type3A_401, %cond3A_402 : i32
        scf.if %cond3A_403 {
          %dma_wait3A_420 = arith.constant 0 : i32
          %dma_wait3A_421 = arith.constant 0 : i32
          %dma_wait3A_422 = arith.constant 0 : i32
          %dma_wait3A_423 = arith.constant 0 : i32
          %dma_wait3A_424 = arith.constant 0 : i32
          %dma_wait3A_425 = tpu.memref_slice %arg8[%dma_wait3A_421, %dma_wait3A_422, %dma_wait3A_423, %dma_wait3A_424] : memref<3x2x5x128xi32, #tpu.memory_space<vmem>> -> memref<1x1x5x128xi32, #tpu.memory_space<vmem>>
          %dma_wait3A_426 = tpu.memref_squeeze %dma_wait3A_425 : memref<1x1x5x128xi32, #tpu.memory_space<vmem>> -> memref<5x128xi32, #tpu.memory_space<vmem>>
          %dma_wait3A_427 = arith.constant 0 : i32
          %dma_wait3A_428 = tpu.memref_slice %arg4[%dma_wait3A_420, %mul3A_66, %dma_wait3A_427] : memref<2x50000x128xi32, #tpu.memory_space<hbm>> -> memref<1x5x128xi32, #tpu.memory_space<hbm>>
          %dma_wait3A_429 = tpu.memref_squeeze %dma_wait3A_428 : memref<1x5x128xi32, #tpu.memory_space<hbm>> -> memref<5x128xi32, #tpu.memory_space<hbm>>
          %dma_wait3A_430 = arith.constant 0 : i32
          %dma_wait3A_431 = arith.constant 0 : i32
          %dma_wait3A_432 = tpu.memref_slice %arg8[%dma_wait3A_421, %dma_wait3A_422, %dma_wait3A_430, %dma_wait3A_431] : memref<3x2x5x128xi32, #tpu.memory_space<vmem>> -> memref<1x1x5x128xi32, #tpu.memory_space<vmem>>
          %dma_wait3A_433 = tpu.memref_squeeze %dma_wait3A_432 : memref<1x1x5x128xi32, #tpu.memory_space<vmem>> -> memref<5x128xi32, #tpu.memory_space<vmem>>
          %dma_wait3A_434 = arith.constant 0 : i32
          %dma_wait3A_435 = tpu.memref_slice %arg4[%dma_wait3A_420, %mul3A_66, %dma_wait3A_434] : memref<2x50000x128xi32, #tpu.memory_space<hbm>> -> memref<1x5x128xi32, #tpu.memory_space<hbm>>
          %dma_wait3A_436 = tpu.memref_squeeze %dma_wait3A_435 : memref<1x5x128xi32, #tpu.memory_space<hbm>> -> memref<5x128xi32, #tpu.memory_space<hbm>>
          tpu.wait_dma2 semaphore(%arg13 : memref<!tpu.dma_semaphore, #tpu.memory_space<semaphore_mem>>) src(%dma_wait3A_436 : memref<5x128xi32, #tpu.memory_space<hbm>>) dst(%dma_wait3A_433 : memref<5x128xi32, #tpu.memory_space<vmem>>)
          %dma_wait3A_437 = arith.constant 1 : i32
          %dma_wait3A_438 = arith.constant 0 : i32
          %dma_wait3A_439 = arith.constant 1 : i32
          %dma_wait3A_440 = arith.constant 0 : i32
          %dma_wait3A_441 = arith.constant 0 : i32
          %dma_wait3A_442 = tpu.memref_slice %arg8[%dma_wait3A_438, %dma_wait3A_439, %dma_wait3A_440, %dma_wait3A_441] : memref<3x2x5x128xi32, #tpu.memory_space<vmem>> -> memref<1x1x5x128xi32, #tpu.memory_space<vmem>>
          %dma_wait3A_443 = tpu.memref_squeeze %dma_wait3A_442 : memref<1x1x5x128xi32, #tpu.memory_space<vmem>> -> memref<5x128xi32, #tpu.memory_space<vmem>>
          %dma_wait3A_444 = arith.constant 0 : i32
          %dma_wait3A_445 = tpu.memref_slice %arg4[%dma_wait3A_437, %mul3A_66, %dma_wait3A_444] : memref<2x50000x128xi32, #tpu.memory_space<hbm>> -> memref<1x5x128xi32, #tpu.memory_space<hbm>>
          %dma_wait3A_446 = tpu.memref_squeeze %dma_wait3A_445 : memref<1x5x128xi32, #tpu.memory_space<hbm>> -> memref<5x128xi32, #tpu.memory_space<hbm>>
          %dma_wait3A_447 = arith.constant 0 : i32
          %dma_wait3A_448 = arith.constant 0 : i32
          %dma_wait3A_449 = tpu.memref_slice %arg8[%dma_wait3A_438, %dma_wait3A_439, %dma_wait3A_447, %dma_wait3A_448] : memref<3x2x5x128xi32, #tpu.memory_space<vmem>> -> memref<1x1x5x128xi32, #tpu.memory_space<vmem>>
          %dma_wait3A_450 = tpu.memref_squeeze %dma_wait3A_449 : memref<1x1x5x128xi32, #tpu.memory_space<vmem>> -> memref<5x128xi32, #tpu.memory_space<vmem>>
          %dma_wait3A_451 = arith.constant 0 : i32
          %dma_wait3A_452 = tpu.memref_slice %arg4[%dma_wait3A_437, %mul3A_66, %dma_wait3A_451] : memref<2x50000x128xi32, #tpu.memory_space<hbm>> -> memref<1x5x128xi32, #tpu.memory_space<hbm>>
          %dma_wait3A_453 = tpu.memref_squeeze %dma_wait3A_452 : memref<1x5x128xi32, #tpu.memory_space<hbm>> -> memref<5x128xi32, #tpu.memory_space<hbm>>
          tpu.wait_dma2 semaphore(%arg13 : memref<!tpu.dma_semaphore, #tpu.memory_space<semaphore_mem>>) src(%dma_wait3A_453 : memref<5x128xi32, #tpu.memory_space<hbm>>) dst(%dma_wait3A_450 : memref<5x128xi32, #tpu.memory_space<vmem>>)
        } else {
        }
        %ge3A = arith.constant 1 : i32
        %ge3A_404 = arith.cmpi sge, %while3A_264, %ge3A : i32
        %convert_element_type3A_405 = arith.extui %ge3A_404 : i1 to i32
        %cond3A_406 = arith.constant 0 : i32
        %cond3A_407 = arith.cmpi ne, %convert_element_type3A_405, %cond3A_406 : i32
        scf.if %cond3A_407 {
          %dma_wait3A_420 = arith.constant 0 : i32
          %dma_wait3A_421 = arith.constant 0 : i32
          %dma_wait3A_422 = arith.constant 0 : i32
          %dma_wait3A_423 = arith.constant 1 : i32
          %dma_wait3A_424 = arith.constant 0 : i32
          %dma_wait3A_425 = arith.constant 0 : i32
          %dma_wait3A_426 = arith.constant 0 : i32
          %dma_wait3A_427 = tpu.memref_slice %arg9[%dma_wait3A_420, %dma_wait3A_421, %dma_wait3A_425, %dma_wait3A_426] : memref<2x5x128x16xf32, #tpu.memory_space<vmem>> -> memref<1x1x128x16xf32, #tpu.memory_space<vmem>>
          %dma_wait3A_428 = tpu.memref_squeeze %dma_wait3A_427 : memref<1x1x128x16xf32, #tpu.memory_space<vmem>> -> memref<128x16xf32, #tpu.memory_space<vmem>>
          %dma_wait3A_429 = arith.constant 0 : i32
          %dma_wait3A_430 = tpu.memref_slice %arg8[%dma_wait3A_422, %dma_wait3A_423, %dma_wait3A_424, %dma_wait3A_429] : memref<3x2x5x128xi32, #tpu.memory_space<vmem>> -> memref<1x1x1x128xi32, #tpu.memory_space<vmem>>
          %dma_wait3A_431 = tpu.memref_squeeze %dma_wait3A_430 : memref<1x1x1x128xi32, #tpu.memory_space<vmem>> -> memref<128xi32, #tpu.memory_space<vmem>>
          %dma_wait3A_432 = arith.constant 0 : i32
          %dma_wait3A_433 = arith.constant 0 : i32
          %dma_wait3A_434 = tpu.memref_slice %arg10[%dma_wait3A_432, %dma_wait3A_433] : memref<100096x16xf32, #tpu.memory_space<vmem_shared>> -> memref<100096x16xf32, #tpu.memory_space<vmem_shared>>
          tpu.wait_indirect_dma semaphore(%arg12 : memref<!tpu.dma_semaphore, #tpu.memory_space<semaphore_mem>>) src(%dma_wait3A_428 : memref<128x16xf32, #tpu.memory_space<vmem>>) dst(%dma_wait3A_434 : memref<100096x16xf32, #tpu.memory_space<vmem_shared>>)
          %dma_wait3A_435 = arith.constant 0 : i32
          %dma_wait3A_436 = arith.constant 1 : i32
          %dma_wait3A_437 = arith.constant 0 : i32
          %dma_wait3A_438 = arith.constant 1 : i32
          %dma_wait3A_439 = arith.constant 1 : i32
          %dma_wait3A_440 = arith.constant 0 : i32
          %dma_wait3A_441 = arith.constant 0 : i32
          %dma_wait3A_442 = tpu.memref_slice %arg9[%dma_wait3A_435, %dma_wait3A_436, %dma_wait3A_440, %dma_wait3A_441] : memref<2x5x128x16xf32, #tpu.memory_space<vmem>> -> memref<1x1x128x16xf32, #tpu.memory_space<vmem>>
          %dma_wait3A_443 = tpu.memref_squeeze %dma_wait3A_442 : memref<1x1x128x16xf32, #tpu.memory_space<vmem>> -> memref<128x16xf32, #tpu.memory_space<vmem>>
          %dma_wait3A_444 = arith.constant 0 : i32
          %dma_wait3A_445 = tpu.memref_slice %arg8[%dma_wait3A_437, %dma_wait3A_438, %dma_wait3A_439, %dma_wait3A_444] : memref<3x2x5x128xi32, #tpu.memory_space<vmem>> -> memref<1x1x1x128xi32, #tpu.memory_space<vmem>>
          %dma_wait3A_446 = tpu.memref_squeeze %dma_wait3A_445 : memref<1x1x1x128xi32, #tpu.memory_space<vmem>> -> memref<128xi32, #tpu.memory_space<vmem>>
          %dma_wait3A_447 = arith.constant 0 : i32
          %dma_wait3A_448 = arith.constant 0 : i32
          %dma_wait3A_449 = tpu.memref_slice %arg10[%dma_wait3A_447, %dma_wait3A_448] : memref<100096x16xf32, #tpu.memory_space<vmem_shared>> -> memref<100096x16xf32, #tpu.memory_space<vmem_shared>>
          tpu.wait_indirect_dma semaphore(%arg12 : memref<!tpu.dma_semaphore, #tpu.memory_space<semaphore_mem>>) src(%dma_wait3A_443 : memref<128x16xf32, #tpu.memory_space<vmem>>) dst(%dma_wait3A_449 : memref<100096x16xf32, #tpu.memory_space<vmem_shared>>)
          %dma_wait3A_450 = arith.constant 0 : i32
          %dma_wait3A_451 = arith.constant 2 : i32
          %dma_wait3A_452 = arith.constant 0 : i32
          %dma_wait3A_453 = arith.constant 1 : i32
          %dma_wait3A_454 = arith.constant 2 : i32
          %dma_wait3A_455 = arith.constant 0 : i32
          %dma_wait3A_456 = arith.constant 0 : i32
          %dma_wait3A_457 = tpu.memref_slice %arg9[%dma_wait3A_450, %dma_wait3A_451, %dma_wait3A_455, %dma_wait3A_456] : memref<2x5x128x16xf32, #tpu.memory_space<vmem>> -> memref<1x1x128x16xf32, #tpu.memory_space<vmem>>
          %dma_wait3A_458 = tpu.memref_squeeze %dma_wait3A_457 : memref<1x1x128x16xf32, #tpu.memory_space<vmem>> -> memref<128x16xf32, #tpu.memory_space<vmem>>
          %dma_wait3A_459 = arith.constant 0 : i32
          %dma_wait3A_460 = tpu.memref_slice %arg8[%dma_wait3A_452, %dma_wait3A_453, %dma_wait3A_454, %dma_wait3A_459] : memref<3x2x5x128xi32, #tpu.memory_space<vmem>> -> memref<1x1x1x128xi32, #tpu.memory_space<vmem>>
          %dma_wait3A_461 = tpu.memref_squeeze %dma_wait3A_460 : memref<1x1x1x128xi32, #tpu.memory_space<vmem>> -> memref<128xi32, #tpu.memory_space<vmem>>
          %dma_wait3A_462 = arith.constant 0 : i32
          %dma_wait3A_463 = arith.constant 0 : i32
          %dma_wait3A_464 = tpu.memref_slice %arg10[%dma_wait3A_462, %dma_wait3A_463] : memref<100096x16xf32, #tpu.memory_space<vmem_shared>> -> memref<100096x16xf32, #tpu.memory_space<vmem_shared>>
          tpu.wait_indirect_dma semaphore(%arg12 : memref<!tpu.dma_semaphore, #tpu.memory_space<semaphore_mem>>) src(%dma_wait3A_458 : memref<128x16xf32, #tpu.memory_space<vmem>>) dst(%dma_wait3A_464 : memref<100096x16xf32, #tpu.memory_space<vmem_shared>>)
          %dma_wait3A_465 = arith.constant 0 : i32
          %dma_wait3A_466 = arith.constant 3 : i32
          %dma_wait3A_467 = arith.constant 0 : i32
          %dma_wait3A_468 = arith.constant 1 : i32
          %dma_wait3A_469 = arith.constant 3 : i32
          %dma_wait3A_470 = arith.constant 0 : i32
          %dma_wait3A_471 = arith.constant 0 : i32
          %dma_wait3A_472 = tpu.memref_slice %arg9[%dma_wait3A_465, %dma_wait3A_466, %dma_wait3A_470, %dma_wait3A_471] : memref<2x5x128x16xf32, #tpu.memory_space<vmem>> -> memref<1x1x128x16xf32, #tpu.memory_space<vmem>>
          %dma_wait3A_473 = tpu.memref_squeeze %dma_wait3A_472 : memref<1x1x128x16xf32, #tpu.memory_space<vmem>> -> memref<128x16xf32, #tpu.memory_space<vmem>>
          %dma_wait3A_474 = arith.constant 0 : i32
          %dma_wait3A_475 = tpu.memref_slice %arg8[%dma_wait3A_467, %dma_wait3A_468, %dma_wait3A_469, %dma_wait3A_474] : memref<3x2x5x128xi32, #tpu.memory_space<vmem>> -> memref<1x1x1x128xi32, #tpu.memory_space<vmem>>
          %dma_wait3A_476 = tpu.memref_squeeze %dma_wait3A_475 : memref<1x1x1x128xi32, #tpu.memory_space<vmem>> -> memref<128xi32, #tpu.memory_space<vmem>>
          %dma_wait3A_477 = arith.constant 0 : i32
          %dma_wait3A_478 = arith.constant 0 : i32
          %dma_wait3A_479 = tpu.memref_slice %arg10[%dma_wait3A_477, %dma_wait3A_478] : memref<100096x16xf32, #tpu.memory_space<vmem_shared>> -> memref<100096x16xf32, #tpu.memory_space<vmem_shared>>
          tpu.wait_indirect_dma semaphore(%arg12 : memref<!tpu.dma_semaphore, #tpu.memory_space<semaphore_mem>>) src(%dma_wait3A_473 : memref<128x16xf32, #tpu.memory_space<vmem>>) dst(%dma_wait3A_479 : memref<100096x16xf32, #tpu.memory_space<vmem_shared>>)
          %dma_wait3A_480 = arith.constant 0 : i32
          %dma_wait3A_481 = arith.constant 4 : i32
          %dma_wait3A_482 = arith.constant 0 : i32
          %dma_wait3A_483 = arith.constant 1 : i32
          %dma_wait3A_484 = arith.constant 4 : i32
          %dma_wait3A_485 = arith.constant 0 : i32
          %dma_wait3A_486 = arith.constant 0 : i32
          %dma_wait3A_487 = tpu.memref_slice %arg9[%dma_wait3A_480, %dma_wait3A_481, %dma_wait3A_485, %dma_wait3A_486] : memref<2x5x128x16xf32, #tpu.memory_space<vmem>> -> memref<1x1x128x16xf32, #tpu.memory_space<vmem>>
          %dma_wait3A_488 = tpu.memref_squeeze %dma_wait3A_487 : memref<1x1x128x16xf32, #tpu.memory_space<vmem>> -> memref<128x16xf32, #tpu.memory_space<vmem>>
          %dma_wait3A_489 = arith.constant 0 : i32
          %dma_wait3A_490 = tpu.memref_slice %arg8[%dma_wait3A_482, %dma_wait3A_483, %dma_wait3A_484, %dma_wait3A_489] : memref<3x2x5x128xi32, #tpu.memory_space<vmem>> -> memref<1x1x1x128xi32, #tpu.memory_space<vmem>>
          %dma_wait3A_491 = tpu.memref_squeeze %dma_wait3A_490 : memref<1x1x1x128xi32, #tpu.memory_space<vmem>> -> memref<128xi32, #tpu.memory_space<vmem>>
          %dma_wait3A_492 = arith.constant 0 : i32
          %dma_wait3A_493 = arith.constant 0 : i32
          %dma_wait3A_494 = tpu.memref_slice %arg10[%dma_wait3A_492, %dma_wait3A_493] : memref<100096x16xf32, #tpu.memory_space<vmem_shared>> -> memref<100096x16xf32, #tpu.memory_space<vmem_shared>>
          tpu.wait_indirect_dma semaphore(%arg12 : memref<!tpu.dma_semaphore, #tpu.memory_space<semaphore_mem>>) src(%dma_wait3A_488 : memref<128x16xf32, #tpu.memory_space<vmem>>) dst(%dma_wait3A_494 : memref<100096x16xf32, #tpu.memory_space<vmem_shared>>)
        } else {
        }
        %add3A_408 = arith.constant 2 : i32
        %add3A_409 = arith.addi %while3A_264, %add3A_408 : i32
        %lt3A_410 = arith.cmpi slt, %add3A_409, %sub3A_64 : i32
        %convert_element_type3A_411 = arith.extui %lt3A_410 : i1 to i32
        %cond3A_412 = arith.constant 0 : i32
        %cond3A_413 = arith.cmpi ne, %convert_element_type3A_411, %cond3A_412 : i32
        scf.if %cond3A_413 {
          %add3A_420 = arith.constant 2 : i32
          %add3A_421 = arith.addi %while3A_264, %add3A_420 : i32
          %rem3A_422 = arith.constant 3 : i32
          %rem3A_423 = arith.remsi %add3A_421, %rem3A_422 : i32
          %add3A_424 = arith.addi %select_n3A, %add3A_421 : i32
          %mul3A_425 = arith.constant 5 : i32
          %mul3A_426 = arith.muli %add3A_424, %mul3A_425 : i32
          %dma_start3A_427 = arith.constant 0 : i32
          %dma_start3A_428 = arith.constant 0 : i32
          %dma_start3A_429 = arith.constant 0 : i32
          %dma_start3A_430 = arith.constant 0 : i32
          %dma_start3A_431 = tpu.memref_slice %arg8[%rem3A_423, %dma_start3A_428, %dma_start3A_429, %dma_start3A_430] : memref<3x2x5x128xi32, #tpu.memory_space<vmem>> -> memref<1x1x5x128xi32, #tpu.memory_space<vmem>>
          %dma_start3A_432 = tpu.memref_squeeze %dma_start3A_431 : memref<1x1x5x128xi32, #tpu.memory_space<vmem>> -> memref<5x128xi32, #tpu.memory_space<vmem>>
          %dma_start3A_433 = arith.constant 0 : i32
          %dma_start3A_434 = tpu.memref_slice %arg4[%dma_start3A_427, %mul3A_426, %dma_start3A_433] : memref<2x50000x128xi32, #tpu.memory_space<hbm>> -> memref<1x5x128xi32, #tpu.memory_space<hbm>>
          %dma_start3A_435 = tpu.memref_squeeze %dma_start3A_434 : memref<1x5x128xi32, #tpu.memory_space<hbm>> -> memref<5x128xi32, #tpu.memory_space<hbm>>
          %dma_start3A_436 = arith.constant 0 : i32
          %dma_start3A_437 = arith.constant 0 : i32
          %dma_start3A_438 = tpu.memref_slice %arg8[%rem3A_423, %dma_start3A_428, %dma_start3A_436, %dma_start3A_437] : memref<3x2x5x128xi32, #tpu.memory_space<vmem>> -> memref<1x1x5x128xi32, #tpu.memory_space<vmem>>
          %dma_start3A_439 = tpu.memref_squeeze %dma_start3A_438 : memref<1x1x5x128xi32, #tpu.memory_space<vmem>> -> memref<5x128xi32, #tpu.memory_space<vmem>>
          %dma_start3A_440 = arith.constant 0 : i32
          %dma_start3A_441 = tpu.memref_slice %arg4[%dma_start3A_427, %mul3A_426, %dma_start3A_440] : memref<2x50000x128xi32, #tpu.memory_space<hbm>> -> memref<1x5x128xi32, #tpu.memory_space<hbm>>
          %dma_start3A_442 = tpu.memref_squeeze %dma_start3A_441 : memref<1x5x128xi32, #tpu.memory_space<hbm>> -> memref<5x128xi32, #tpu.memory_space<hbm>>
          tpu.enqueue_dma source(%dma_start3A_442 : memref<5x128xi32, #tpu.memory_space<hbm>>) target(%dma_start3A_439 : memref<5x128xi32, #tpu.memory_space<vmem>>) target_semaphore(%arg13 : memref<!tpu.dma_semaphore, #tpu.memory_space<semaphore_mem>>)
          %dma_start3A_443 = arith.constant 1 : i32
          %dma_start3A_444 = arith.constant 1 : i32
          %dma_start3A_445 = arith.constant 0 : i32
          %dma_start3A_446 = arith.constant 0 : i32
          %dma_start3A_447 = tpu.memref_slice %arg8[%rem3A_423, %dma_start3A_444, %dma_start3A_445, %dma_start3A_446] : memref<3x2x5x128xi32, #tpu.memory_space<vmem>> -> memref<1x1x5x128xi32, #tpu.memory_space<vmem>>
          %dma_start3A_448 = tpu.memref_squeeze %dma_start3A_447 : memref<1x1x5x128xi32, #tpu.memory_space<vmem>> -> memref<5x128xi32, #tpu.memory_space<vmem>>
          %dma_start3A_449 = arith.constant 0 : i32
          %dma_start3A_450 = tpu.memref_slice %arg4[%dma_start3A_443, %mul3A_426, %dma_start3A_449] : memref<2x50000x128xi32, #tpu.memory_space<hbm>> -> memref<1x5x128xi32, #tpu.memory_space<hbm>>
          %dma_start3A_451 = tpu.memref_squeeze %dma_start3A_450 : memref<1x5x128xi32, #tpu.memory_space<hbm>> -> memref<5x128xi32, #tpu.memory_space<hbm>>
          %dma_start3A_452 = arith.constant 0 : i32
          %dma_start3A_453 = arith.constant 0 : i32
          %dma_start3A_454 = tpu.memref_slice %arg8[%rem3A_423, %dma_start3A_444, %dma_start3A_452, %dma_start3A_453] : memref<3x2x5x128xi32, #tpu.memory_space<vmem>> -> memref<1x1x5x128xi32, #tpu.memory_space<vmem>>
          %dma_start3A_455 = tpu.memref_squeeze %dma_start3A_454 : memref<1x1x5x128xi32, #tpu.memory_space<vmem>> -> memref<5x128xi32, #tpu.memory_space<vmem>>
          %dma_start3A_456 = arith.constant 0 : i32
          %dma_start3A_457 = tpu.memref_slice %arg4[%dma_start3A_443, %mul3A_426, %dma_start3A_456] : memref<2x50000x128xi32, #tpu.memory_space<hbm>> -> memref<1x5x128xi32, #tpu.memory_space<hbm>>
          %dma_start3A_458 = tpu.memref_squeeze %dma_start3A_457 : memref<1x5x128xi32, #tpu.memory_space<hbm>> -> memref<5x128xi32, #tpu.memory_space<hbm>>
          tpu.enqueue_dma source(%dma_start3A_458 : memref<5x128xi32, #tpu.memory_space<hbm>>) target(%dma_start3A_455 : memref<5x128xi32, #tpu.memory_space<vmem>>) target_semaphore(%arg13 : memref<!tpu.dma_semaphore, #tpu.memory_space<semaphore_mem>>)
        } else {
        }
        %add3A_414 = arith.constant 1 : i32
        %add3A_415 = arith.addi %while3A_264, %add3A_414 : i32
        %lt3A_416 = arith.cmpi slt, %add3A_415, %sub3A_64 : i32
        %convert_element_type3A_417 = arith.extui %lt3A_416 : i1 to i32
        %cond3A_418 = arith.constant 0 : i32
        %cond3A_419 = arith.cmpi ne, %convert_element_type3A_417, %cond3A_418 : i32
        scf.if %cond3A_419 {
          %add3A_420 = arith.constant 1 : i32
          %add3A_421 = arith.addi %while3A_264, %add3A_420 : i32
          %rem3A_422 = arith.constant 3 : i32
          %rem3A_423 = arith.remsi %add3A_421, %rem3A_422 : i32
          %rem3A_424 = arith.constant 2 : i32
          %rem3A_425 = arith.remsi %add3A_421, %rem3A_424 : i32
          %dma_start3A_426 = arith.constant 0 : i32
          %dma_start3A_427 = arith.constant 0 : i32
          %dma_start3A_428 = arith.constant 0 : i32
          %dma_start3A_429 = arith.constant 0 : i32
          %dma_start3A_430 = arith.constant 0 : i32
          %dma_start3A_431 = tpu.memref_slice %arg9[%rem3A_425, %dma_start3A_428, %dma_start3A_429, %dma_start3A_430] : memref<2x5x128x16xf32, #tpu.memory_space<vmem>> -> memref<1x1x128x16xf32, #tpu.memory_space<vmem>>
          %dma_start3A_432 = tpu.memref_squeeze %dma_start3A_431 : memref<1x1x128x16xf32, #tpu.memory_space<vmem>> -> memref<128x16xf32, #tpu.memory_space<vmem>>
          %dma_start3A_433 = arith.constant 0 : i32
          %dma_start3A_434 = tpu.memref_slice %arg8[%rem3A_423, %dma_start3A_426, %dma_start3A_427, %dma_start3A_433] : memref<3x2x5x128xi32, #tpu.memory_space<vmem>> -> memref<1x1x1x128xi32, #tpu.memory_space<vmem>>
          %dma_start3A_435 = tpu.memref_squeeze %dma_start3A_434 : memref<1x1x1x128xi32, #tpu.memory_space<vmem>> -> memref<128xi32, #tpu.memory_space<vmem>>
          %dma_start3A_436 = arith.constant 0 : i32
          %dma_start3A_437 = arith.constant 0 : i32
          %dma_start3A_438 = tpu.memref_slice %arg2[%dma_start3A_436, %dma_start3A_437] : memref<100000x16xf32, #tpu.memory_space<hbm>> -> memref<100000x16xf32, #tpu.memory_space<hbm>>
          tpu.enqueue_indirect_dma source(%dma_start3A_438 : memref<100000x16xf32, #tpu.memory_space<hbm>>) target(%dma_start3A_432 : memref<128x16xf32, #tpu.memory_space<vmem>>) offsets(%dma_start3A_435 : memref<128xi32, #tpu.memory_space<vmem>>) semaphore(%arg11 : memref<!tpu.dma_semaphore, #tpu.memory_space<semaphore_mem>>)
          %dma_start3A_439 = arith.constant 0 : i32
          %dma_start3A_440 = arith.constant 1 : i32
          %dma_start3A_441 = arith.constant 1 : i32
          %dma_start3A_442 = arith.constant 0 : i32
          %dma_start3A_443 = arith.constant 0 : i32
          %dma_start3A_444 = tpu.memref_slice %arg9[%rem3A_425, %dma_start3A_441, %dma_start3A_442, %dma_start3A_443] : memref<2x5x128x16xf32, #tpu.memory_space<vmem>> -> memref<1x1x128x16xf32, #tpu.memory_space<vmem>>
          %dma_start3A_445 = tpu.memref_squeeze %dma_start3A_444 : memref<1x1x128x16xf32, #tpu.memory_space<vmem>> -> memref<128x16xf32, #tpu.memory_space<vmem>>
          %dma_start3A_446 = arith.constant 0 : i32
          %dma_start3A_447 = tpu.memref_slice %arg8[%rem3A_423, %dma_start3A_439, %dma_start3A_440, %dma_start3A_446] : memref<3x2x5x128xi32, #tpu.memory_space<vmem>> -> memref<1x1x1x128xi32, #tpu.memory_space<vmem>>
          %dma_start3A_448 = tpu.memref_squeeze %dma_start3A_447 : memref<1x1x1x128xi32, #tpu.memory_space<vmem>> -> memref<128xi32, #tpu.memory_space<vmem>>
          %dma_start3A_449 = arith.constant 0 : i32
          %dma_start3A_450 = arith.constant 0 : i32
          %dma_start3A_451 = tpu.memref_slice %arg2[%dma_start3A_449, %dma_start3A_450] : memref<100000x16xf32, #tpu.memory_space<hbm>> -> memref<100000x16xf32, #tpu.memory_space<hbm>>
          tpu.enqueue_indirect_dma source(%dma_start3A_451 : memref<100000x16xf32, #tpu.memory_space<hbm>>) target(%dma_start3A_445 : memref<128x16xf32, #tpu.memory_space<vmem>>) offsets(%dma_start3A_448 : memref<128xi32, #tpu.memory_space<vmem>>) semaphore(%arg11 : memref<!tpu.dma_semaphore, #tpu.memory_space<semaphore_mem>>)
          %dma_start3A_452 = arith.constant 0 : i32
          %dma_start3A_453 = arith.constant 2 : i32
          %dma_start3A_454 = arith.constant 2 : i32
          %dma_start3A_455 = arith.constant 0 : i32
          %dma_start3A_456 = arith.constant 0 : i32
          %dma_start3A_457 = tpu.memref_slice %arg9[%rem3A_425, %dma_start3A_454, %dma_start3A_455, %dma_start3A_456] : memref<2x5x128x16xf32, #tpu.memory_space<vmem>> -> memref<1x1x128x16xf32, #tpu.memory_space<vmem>>
          %dma_start3A_458 = tpu.memref_squeeze %dma_start3A_457 : memref<1x1x128x16xf32, #tpu.memory_space<vmem>> -> memref<128x16xf32, #tpu.memory_space<vmem>>
          %dma_start3A_459 = arith.constant 0 : i32
          %dma_start3A_460 = tpu.memref_slice %arg8[%rem3A_423, %dma_start3A_452, %dma_start3A_453, %dma_start3A_459] : memref<3x2x5x128xi32, #tpu.memory_space<vmem>> -> memref<1x1x1x128xi32, #tpu.memory_space<vmem>>
          %dma_start3A_461 = tpu.memref_squeeze %dma_start3A_460 : memref<1x1x1x128xi32, #tpu.memory_space<vmem>> -> memref<128xi32, #tpu.memory_space<vmem>>
          %dma_start3A_462 = arith.constant 0 : i32
          %dma_start3A_463 = arith.constant 0 : i32
          %dma_start3A_464 = tpu.memref_slice %arg2[%dma_start3A_462, %dma_start3A_463] : memref<100000x16xf32, #tpu.memory_space<hbm>> -> memref<100000x16xf32, #tpu.memory_space<hbm>>
          tpu.enqueue_indirect_dma source(%dma_start3A_464 : memref<100000x16xf32, #tpu.memory_space<hbm>>) target(%dma_start3A_458 : memref<128x16xf32, #tpu.memory_space<vmem>>) offsets(%dma_start3A_461 : memref<128xi32, #tpu.memory_space<vmem>>) semaphore(%arg11 : memref<!tpu.dma_semaphore, #tpu.memory_space<semaphore_mem>>)
          %dma_start3A_465 = arith.constant 0 : i32
          %dma_start3A_466 = arith.constant 3 : i32
          %dma_start3A_467 = arith.constant 3 : i32
          %dma_start3A_468 = arith.constant 0 : i32
          %dma_start3A_469 = arith.constant 0 : i32
          %dma_start3A_470 = tpu.memref_slice %arg9[%rem3A_425, %dma_start3A_467, %dma_start3A_468, %dma_start3A_469] : memref<2x5x128x16xf32, #tpu.memory_space<vmem>> -> memref<1x1x128x16xf32, #tpu.memory_space<vmem>>
          %dma_start3A_471 = tpu.memref_squeeze %dma_start3A_470 : memref<1x1x128x16xf32, #tpu.memory_space<vmem>> -> memref<128x16xf32, #tpu.memory_space<vmem>>
          %dma_start3A_472 = arith.constant 0 : i32
          %dma_start3A_473 = tpu.memref_slice %arg8[%rem3A_423, %dma_start3A_465, %dma_start3A_466, %dma_start3A_472] : memref<3x2x5x128xi32, #tpu.memory_space<vmem>> -> memref<1x1x1x128xi32, #tpu.memory_space<vmem>>
          %dma_start3A_474 = tpu.memref_squeeze %dma_start3A_473 : memref<1x1x1x128xi32, #tpu.memory_space<vmem>> -> memref<128xi32, #tpu.memory_space<vmem>>
          %dma_start3A_475 = arith.constant 0 : i32
          %dma_start3A_476 = arith.constant 0 : i32
          %dma_start3A_477 = tpu.memref_slice %arg2[%dma_start3A_475, %dma_start3A_476] : memref<100000x16xf32, #tpu.memory_space<hbm>> -> memref<100000x16xf32, #tpu.memory_space<hbm>>
          tpu.enqueue_indirect_dma source(%dma_start3A_477 : memref<100000x16xf32, #tpu.memory_space<hbm>>) target(%dma_start3A_471 : memref<128x16xf32, #tpu.memory_space<vmem>>) offsets(%dma_start3A_474 : memref<128xi32, #tpu.memory_space<vmem>>) semaphore(%arg11 : memref<!tpu.dma_semaphore, #tpu.memory_space<semaphore_mem>>)
          %dma_start3A_478 = arith.constant 0 : i32
          %dma_start3A_479 = arith.constant 4 : i32
          %dma_start3A_480 = arith.constant 4 : i32
          %dma_start3A_481 = arith.constant 0 : i32
          %dma_start3A_482 = arith.constant 0 : i32
          %dma_start3A_483 = tpu.memref_slice %arg9[%rem3A_425, %dma_start3A_480, %dma_start3A_481, %dma_start3A_482] : memref<2x5x128x16xf32, #tpu.memory_space<vmem>> -> memref<1x1x128x16xf32, #tpu.memory_space<vmem>>
          %dma_start3A_484 = tpu.memref_squeeze %dma_start3A_483 : memref<1x1x128x16xf32, #tpu.memory_space<vmem>> -> memref<128x16xf32, #tpu.memory_space<vmem>>
          %dma_start3A_485 = arith.constant 0 : i32
          %dma_start3A_486 = tpu.memref_slice %arg8[%rem3A_423, %dma_start3A_478, %dma_start3A_479, %dma_start3A_485] : memref<3x2x5x128xi32, #tpu.memory_space<vmem>> -> memref<1x1x1x128xi32, #tpu.memory_space<vmem>>
          %dma_start3A_487 = tpu.memref_squeeze %dma_start3A_486 : memref<1x1x1x128xi32, #tpu.memory_space<vmem>> -> memref<128xi32, #tpu.memory_space<vmem>>
          %dma_start3A_488 = arith.constant 0 : i32
          %dma_start3A_489 = arith.constant 0 : i32
          %dma_start3A_490 = tpu.memref_slice %arg2[%dma_start3A_488, %dma_start3A_489] : memref<100000x16xf32, #tpu.memory_space<hbm>> -> memref<100000x16xf32, #tpu.memory_space<hbm>>
          tpu.enqueue_indirect_dma source(%dma_start3A_490 : memref<100000x16xf32, #tpu.memory_space<hbm>>) target(%dma_start3A_484 : memref<128x16xf32, #tpu.memory_space<vmem>>) offsets(%dma_start3A_487 : memref<128xi32, #tpu.memory_space<vmem>>) semaphore(%arg11 : memref<!tpu.dma_semaphore, #tpu.memory_space<semaphore_mem>>)
        } else {
        }
      }
      %dma_wait3A = arith.constant 0 : i32
      %dma_wait3A_190 = arith.constant 0 : i32
      %dma_wait3A_191 = arith.constant 0 : i32
      %dma_wait3A_192 = arith.constant 1 : i32
      %dma_wait3A_193 = arith.constant 0 : i32
      %dma_wait3A_194 = arith.constant 0 : i32
      %dma_wait3A_195 = arith.constant 0 : i32
      %dma_wait3A_196 = tpu.memref_slice %arg9[%dma_wait3A, %dma_wait3A_190, %dma_wait3A_194, %dma_wait3A_195] : memref<2x5x128x16xf32, #tpu.memory_space<vmem>> -> memref<1x1x128x16xf32, #tpu.memory_space<vmem>>
      %dma_wait3A_197 = tpu.memref_squeeze %dma_wait3A_196 : memref<1x1x128x16xf32, #tpu.memory_space<vmem>> -> memref<128x16xf32, #tpu.memory_space<vmem>>
      %dma_wait3A_198 = arith.constant 0 : i32
      %dma_wait3A_199 = tpu.memref_slice %arg8[%dma_wait3A_191, %dma_wait3A_192, %dma_wait3A_193, %dma_wait3A_198] : memref<3x2x5x128xi32, #tpu.memory_space<vmem>> -> memref<1x1x1x128xi32, #tpu.memory_space<vmem>>
      %dma_wait3A_200 = tpu.memref_squeeze %dma_wait3A_199 : memref<1x1x1x128xi32, #tpu.memory_space<vmem>> -> memref<128xi32, #tpu.memory_space<vmem>>
      %dma_wait3A_201 = arith.constant 0 : i32
      %dma_wait3A_202 = arith.constant 0 : i32
      %dma_wait3A_203 = tpu.memref_slice %arg10[%dma_wait3A_201, %dma_wait3A_202] : memref<100096x16xf32, #tpu.memory_space<vmem_shared>> -> memref<100096x16xf32, #tpu.memory_space<vmem_shared>>
      tpu.wait_indirect_dma semaphore(%arg12 : memref<!tpu.dma_semaphore, #tpu.memory_space<semaphore_mem>>) src(%dma_wait3A_197 : memref<128x16xf32, #tpu.memory_space<vmem>>) dst(%dma_wait3A_203 : memref<100096x16xf32, #tpu.memory_space<vmem_shared>>)
      %dma_wait3A_204 = arith.constant 0 : i32
      %dma_wait3A_205 = arith.constant 1 : i32
      %dma_wait3A_206 = arith.constant 0 : i32
      %dma_wait3A_207 = arith.constant 1 : i32
      %dma_wait3A_208 = arith.constant 1 : i32
      %dma_wait3A_209 = arith.constant 0 : i32
      %dma_wait3A_210 = arith.constant 0 : i32
      %dma_wait3A_211 = tpu.memref_slice %arg9[%dma_wait3A_204, %dma_wait3A_205, %dma_wait3A_209, %dma_wait3A_210] : memref<2x5x128x16xf32, #tpu.memory_space<vmem>> -> memref<1x1x128x16xf32, #tpu.memory_space<vmem>>
      %dma_wait3A_212 = tpu.memref_squeeze %dma_wait3A_211 : memref<1x1x128x16xf32, #tpu.memory_space<vmem>> -> memref<128x16xf32, #tpu.memory_space<vmem>>
      %dma_wait3A_213 = arith.constant 0 : i32
      %dma_wait3A_214 = tpu.memref_slice %arg8[%dma_wait3A_206, %dma_wait3A_207, %dma_wait3A_208, %dma_wait3A_213] : memref<3x2x5x128xi32, #tpu.memory_space<vmem>> -> memref<1x1x1x128xi32, #tpu.memory_space<vmem>>
      %dma_wait3A_215 = tpu.memref_squeeze %dma_wait3A_214 : memref<1x1x1x128xi32, #tpu.memory_space<vmem>> -> memref<128xi32, #tpu.memory_space<vmem>>
      %dma_wait3A_216 = arith.constant 0 : i32
      %dma_wait3A_217 = arith.constant 0 : i32
      %dma_wait3A_218 = tpu.memref_slice %arg10[%dma_wait3A_216, %dma_wait3A_217] : memref<100096x16xf32, #tpu.memory_space<vmem_shared>> -> memref<100096x16xf32, #tpu.memory_space<vmem_shared>>
      tpu.wait_indirect_dma semaphore(%arg12 : memref<!tpu.dma_semaphore, #tpu.memory_space<semaphore_mem>>) src(%dma_wait3A_212 : memref<128x16xf32, #tpu.memory_space<vmem>>) dst(%dma_wait3A_218 : memref<100096x16xf32, #tpu.memory_space<vmem_shared>>)
      %dma_wait3A_219 = arith.constant 0 : i32
      %dma_wait3A_220 = arith.constant 2 : i32
      %dma_wait3A_221 = arith.constant 0 : i32
      %dma_wait3A_222 = arith.constant 1 : i32
      %dma_wait3A_223 = arith.constant 2 : i32
      %dma_wait3A_224 = arith.constant 0 : i32
      %dma_wait3A_225 = arith.constant 0 : i32
      %dma_wait3A_226 = tpu.memref_slice %arg9[%dma_wait3A_219, %dma_wait3A_220, %dma_wait3A_224, %dma_wait3A_225] : memref<2x5x128x16xf32, #tpu.memory_space<vmem>> -> memref<1x1x128x16xf32, #tpu.memory_space<vmem>>
      %dma_wait3A_227 = tpu.memref_squeeze %dma_wait3A_226 : memref<1x1x128x16xf32, #tpu.memory_space<vmem>> -> memref<128x16xf32, #tpu.memory_space<vmem>>
      %dma_wait3A_228 = arith.constant 0 : i32
      %dma_wait3A_229 = tpu.memref_slice %arg8[%dma_wait3A_221, %dma_wait3A_222, %dma_wait3A_223, %dma_wait3A_228] : memref<3x2x5x128xi32, #tpu.memory_space<vmem>> -> memref<1x1x1x128xi32, #tpu.memory_space<vmem>>
      %dma_wait3A_230 = tpu.memref_squeeze %dma_wait3A_229 : memref<1x1x1x128xi32, #tpu.memory_space<vmem>> -> memref<128xi32, #tpu.memory_space<vmem>>
      %dma_wait3A_231 = arith.constant 0 : i32
      %dma_wait3A_232 = arith.constant 0 : i32
      %dma_wait3A_233 = tpu.memref_slice %arg10[%dma_wait3A_231, %dma_wait3A_232] : memref<100096x16xf32, #tpu.memory_space<vmem_shared>> -> memref<100096x16xf32, #tpu.memory_space<vmem_shared>>
      tpu.wait_indirect_dma semaphore(%arg12 : memref<!tpu.dma_semaphore, #tpu.memory_space<semaphore_mem>>) src(%dma_wait3A_227 : memref<128x16xf32, #tpu.memory_space<vmem>>) dst(%dma_wait3A_233 : memref<100096x16xf32, #tpu.memory_space<vmem_shared>>)
      %dma_wait3A_234 = arith.constant 0 : i32
      %dma_wait3A_235 = arith.constant 3 : i32
      %dma_wait3A_236 = arith.constant 0 : i32
      %dma_wait3A_237 = arith.constant 1 : i32
      %dma_wait3A_238 = arith.constant 3 : i32
      %dma_wait3A_239 = arith.constant 0 : i32
      %dma_wait3A_240 = arith.constant 0 : i32
      %dma_wait3A_241 = tpu.memref_slice %arg9[%dma_wait3A_234, %dma_wait3A_235, %dma_wait3A_239, %dma_wait3A_240] : memref<2x5x128x16xf32, #tpu.memory_space<vmem>> -> memref<1x1x128x16xf32, #tpu.memory_space<vmem>>
      %dma_wait3A_242 = tpu.memref_squeeze %dma_wait3A_241 : memref<1x1x128x16xf32, #tpu.memory_space<vmem>> -> memref<128x16xf32, #tpu.memory_space<vmem>>
      %dma_wait3A_243 = arith.constant 0 : i32
      %dma_wait3A_244 = tpu.memref_slice %arg8[%dma_wait3A_236, %dma_wait3A_237, %dma_wait3A_238, %dma_wait3A_243] : memref<3x2x5x128xi32, #tpu.memory_space<vmem>> -> memref<1x1x1x128xi32, #tpu.memory_space<vmem>>
      %dma_wait3A_245 = tpu.memref_squeeze %dma_wait3A_244 : memref<1x1x1x128xi32, #tpu.memory_space<vmem>> -> memref<128xi32, #tpu.memory_space<vmem>>
      %dma_wait3A_246 = arith.constant 0 : i32
      %dma_wait3A_247 = arith.constant 0 : i32
      %dma_wait3A_248 = tpu.memref_slice %arg10[%dma_wait3A_246, %dma_wait3A_247] : memref<100096x16xf32, #tpu.memory_space<vmem_shared>> -> memref<100096x16xf32, #tpu.memory_space<vmem_shared>>
      tpu.wait_indirect_dma semaphore(%arg12 : memref<!tpu.dma_semaphore, #tpu.memory_space<semaphore_mem>>) src(%dma_wait3A_242 : memref<128x16xf32, #tpu.memory_space<vmem>>) dst(%dma_wait3A_248 : memref<100096x16xf32, #tpu.memory_space<vmem_shared>>)
      %dma_wait3A_249 = arith.constant 0 : i32
      %dma_wait3A_250 = arith.constant 4 : i32
      %dma_wait3A_251 = arith.constant 0 : i32
      %dma_wait3A_252 = arith.constant 1 : i32
      %dma_wait3A_253 = arith.constant 4 : i32
      %dma_wait3A_254 = arith.constant 0 : i32
      %dma_wait3A_255 = arith.constant 0 : i32
      %dma_wait3A_256 = tpu.memref_slice %arg9[%dma_wait3A_249, %dma_wait3A_250, %dma_wait3A_254, %dma_wait3A_255] : memref<2x5x128x16xf32, #tpu.memory_space<vmem>> -> memref<1x1x128x16xf32, #tpu.memory_space<vmem>>
      %dma_wait3A_257 = tpu.memref_squeeze %dma_wait3A_256 : memref<1x1x128x16xf32, #tpu.memory_space<vmem>> -> memref<128x16xf32, #tpu.memory_space<vmem>>
      %dma_wait3A_258 = arith.constant 0 : i32
      %dma_wait3A_259 = tpu.memref_slice %arg8[%dma_wait3A_251, %dma_wait3A_252, %dma_wait3A_253, %dma_wait3A_258] : memref<3x2x5x128xi32, #tpu.memory_space<vmem>> -> memref<1x1x1x128xi32, #tpu.memory_space<vmem>>
      %dma_wait3A_260 = tpu.memref_squeeze %dma_wait3A_259 : memref<1x1x1x128xi32, #tpu.memory_space<vmem>> -> memref<128xi32, #tpu.memory_space<vmem>>
      %dma_wait3A_261 = arith.constant 0 : i32
      %dma_wait3A_262 = arith.constant 0 : i32
      %dma_wait3A_263 = tpu.memref_slice %arg10[%dma_wait3A_261, %dma_wait3A_262] : memref<100096x16xf32, #tpu.memory_space<vmem_shared>> -> memref<100096x16xf32, #tpu.memory_space<vmem_shared>>
      tpu.wait_indirect_dma semaphore(%arg12 : memref<!tpu.dma_semaphore, #tpu.memory_space<semaphore_mem>>) src(%dma_wait3A_257 : memref<128x16xf32, #tpu.memory_space<vmem>>) dst(%dma_wait3A_263 : memref<100096x16xf32, #tpu.memory_space<vmem_shared>>)
    } else {
    }
    %eq3A_48 = arith.constant 1 : i32
    %eq3A_49 = arith.cmpi eq, %arg0, %eq3A_48 : i32
    %convert_element_type3A_50 = arith.extui %eq3A_49 : i1 to i32
    %cond3A_51 = arith.constant 0 : i32
    %cond3A_52 = arith.cmpi ne, %convert_element_type3A_50, %cond3A_51 : i32
    scf.if %cond3A_52 {
      %sub3A_64 = arith.subi %select_n3A_45, %select_n3A : i32
      %mul3A_65 = arith.constant 5 : i32
      %mul3A_66 = arith.muli %select_n3A, %mul3A_65 : i32
      %run_scoped3A = arith.constant 0 : i32
      %run_scoped3A_67 = arith.constant 0 : i32
      %run_scoped3A_68 = arith.constant 0 : i32
      "tpu.region"() ({
        %run_scoped3A_264 = tpu.sem_alloc : memref<!tpu.dma_semaphore, #tpu.memory_space<semaphore_mem>>
        %dma_start3A_265 = arith.constant 0 : i32
        %dma_start3A_266 = arith.constant 0 : i32
        %dma_start3A_267 = tpu.memref_slice %arg8[%run_scoped3A_67, %run_scoped3A_68, %dma_start3A_265, %dma_start3A_266] : memref<3x2x5x128xi32, #tpu.memory_space<vmem>> -> memref<1x1x5x128xi32, #tpu.memory_space<vmem>>
        %dma_start3A_268 = tpu.memref_squeeze %dma_start3A_267 : memref<1x1x5x128xi32, #tpu.memory_space<vmem>> -> memref<5x128xi32, #tpu.memory_space<vmem>>
        %dma_start3A_269 = arith.constant 0 : i32
        %dma_start3A_270 = tpu.memref_slice %arg4[%run_scoped3A, %mul3A_66, %dma_start3A_269] : memref<2x50000x128xi32, #tpu.memory_space<hbm>> -> memref<1x5x128xi32, #tpu.memory_space<hbm>>
        %dma_start3A_271 = tpu.memref_squeeze %dma_start3A_270 : memref<1x5x128xi32, #tpu.memory_space<hbm>> -> memref<5x128xi32, #tpu.memory_space<hbm>>
        %dma_start3A_272 = arith.constant 0 : i32
        %dma_start3A_273 = arith.constant 0 : i32
        %dma_start3A_274 = tpu.memref_slice %arg8[%run_scoped3A_67, %run_scoped3A_68, %dma_start3A_272, %dma_start3A_273] : memref<3x2x5x128xi32, #tpu.memory_space<vmem>> -> memref<1x1x5x128xi32, #tpu.memory_space<vmem>>
        %dma_start3A_275 = tpu.memref_squeeze %dma_start3A_274 : memref<1x1x5x128xi32, #tpu.memory_space<vmem>> -> memref<5x128xi32, #tpu.memory_space<vmem>>
        %dma_start3A_276 = arith.constant 0 : i32
        %dma_start3A_277 = tpu.memref_slice %arg4[%run_scoped3A, %mul3A_66, %dma_start3A_276] : memref<2x50000x128xi32, #tpu.memory_space<hbm>> -> memref<1x5x128xi32, #tpu.memory_space<hbm>>
        %dma_start3A_278 = tpu.memref_squeeze %dma_start3A_277 : memref<1x5x128xi32, #tpu.memory_space<hbm>> -> memref<5x128xi32, #tpu.memory_space<hbm>>
        tpu.enqueue_dma source(%dma_start3A_278 : memref<5x128xi32, #tpu.memory_space<hbm>>) target(%dma_start3A_275 : memref<5x128xi32, #tpu.memory_space<vmem>>) target_semaphore(%run_scoped3A_264 : memref<!tpu.dma_semaphore, #tpu.memory_space<semaphore_mem>>)
        %dma_wait3A_279 = arith.constant 0 : i32
        %dma_wait3A_280 = arith.constant 0 : i32
        %dma_wait3A_281 = tpu.memref_slice %arg8[%run_scoped3A_67, %run_scoped3A_68, %dma_wait3A_279, %dma_wait3A_280] : memref<3x2x5x128xi32, #tpu.memory_space<vmem>> -> memref<1x1x5x128xi32, #tpu.memory_space<vmem>>
        %dma_wait3A_282 = tpu.memref_squeeze %dma_wait3A_281 : memref<1x1x5x128xi32, #tpu.memory_space<vmem>> -> memref<5x128xi32, #tpu.memory_space<vmem>>
        %dma_wait3A_283 = arith.constant 0 : i32
        %dma_wait3A_284 = tpu.memref_slice %arg4[%run_scoped3A, %mul3A_66, %dma_wait3A_283] : memref<2x50000x128xi32, #tpu.memory_space<hbm>> -> memref<1x5x128xi32, #tpu.memory_space<hbm>>
        %dma_wait3A_285 = tpu.memref_squeeze %dma_wait3A_284 : memref<1x5x128xi32, #tpu.memory_space<hbm>> -> memref<5x128xi32, #tpu.memory_space<hbm>>
        %dma_wait3A_286 = arith.constant 0 : i32
        %dma_wait3A_287 = arith.constant 0 : i32
        %dma_wait3A_288 = tpu.memref_slice %arg8[%run_scoped3A_67, %run_scoped3A_68, %dma_wait3A_286, %dma_wait3A_287] : memref<3x2x5x128xi32, #tpu.memory_space<vmem>> -> memref<1x1x5x128xi32, #tpu.memory_space<vmem>>
        %dma_wait3A_289 = tpu.memref_squeeze %dma_wait3A_288 : memref<1x1x5x128xi32, #tpu.memory_space<vmem>> -> memref<5x128xi32, #tpu.memory_space<vmem>>
        %dma_wait3A_290 = arith.constant 0 : i32
        %dma_wait3A_291 = tpu.memref_slice %arg4[%run_scoped3A, %mul3A_66, %dma_wait3A_290] : memref<2x50000x128xi32, #tpu.memory_space<hbm>> -> memref<1x5x128xi32, #tpu.memory_space<hbm>>
        %dma_wait3A_292 = tpu.memref_squeeze %dma_wait3A_291 : memref<1x5x128xi32, #tpu.memory_space<hbm>> -> memref<5x128xi32, #tpu.memory_space<hbm>>
        tpu.wait_dma2 semaphore(%run_scoped3A_264 : memref<!tpu.dma_semaphore, #tpu.memory_space<semaphore_mem>>) src(%dma_wait3A_292 : memref<5x128xi32, #tpu.memory_space<hbm>>) dst(%dma_wait3A_289 : memref<5x128xi32, #tpu.memory_space<vmem>>)
        tpu.yield
      }) : () -> ()
      %run_scoped3A_69 = arith.constant 1 : i32
      %run_scoped3A_70 = arith.constant 0 : i32
      %run_scoped3A_71 = arith.constant 1 : i32
      "tpu.region"() ({
        %run_scoped3A_264 = tpu.sem_alloc : memref<!tpu.dma_semaphore, #tpu.memory_space<semaphore_mem>>
        %dma_start3A_265 = arith.constant 0 : i32
        %dma_start3A_266 = arith.constant 0 : i32
        %dma_start3A_267 = tpu.memref_slice %arg8[%run_scoped3A_70, %run_scoped3A_71, %dma_start3A_265, %dma_start3A_266] : memref<3x2x5x128xi32, #tpu.memory_space<vmem>> -> memref<1x1x5x128xi32, #tpu.memory_space<vmem>>
        %dma_start3A_268 = tpu.memref_squeeze %dma_start3A_267 : memref<1x1x5x128xi32, #tpu.memory_space<vmem>> -> memref<5x128xi32, #tpu.memory_space<vmem>>
        %dma_start3A_269 = arith.constant 0 : i32
        %dma_start3A_270 = tpu.memref_slice %arg4[%run_scoped3A_69, %mul3A_66, %dma_start3A_269] : memref<2x50000x128xi32, #tpu.memory_space<hbm>> -> memref<1x5x128xi32, #tpu.memory_space<hbm>>
        %dma_start3A_271 = tpu.memref_squeeze %dma_start3A_270 : memref<1x5x128xi32, #tpu.memory_space<hbm>> -> memref<5x128xi32, #tpu.memory_space<hbm>>
        %dma_start3A_272 = arith.constant 0 : i32
        %dma_start3A_273 = arith.constant 0 : i32
        %dma_start3A_274 = tpu.memref_slice %arg8[%run_scoped3A_70, %run_scoped3A_71, %dma_start3A_272, %dma_start3A_273] : memref<3x2x5x128xi32, #tpu.memory_space<vmem>> -> memref<1x1x5x128xi32, #tpu.memory_space<vmem>>
        %dma_start3A_275 = tpu.memref_squeeze %dma_start3A_274 : memref<1x1x5x128xi32, #tpu.memory_space<vmem>> -> memref<5x128xi32, #tpu.memory_space<vmem>>
        %dma_start3A_276 = arith.constant 0 : i32
        %dma_start3A_277 = tpu.memref_slice %arg4[%run_scoped3A_69, %mul3A_66, %dma_start3A_276] : memref<2x50000x128xi32, #tpu.memory_space<hbm>> -> memref<1x5x128xi32, #tpu.memory_space<hbm>>
        %dma_start3A_278 = tpu.memref_squeeze %dma_start3A_277 : memref<1x5x128xi32, #tpu.memory_space<hbm>> -> memref<5x128xi32, #tpu.memory_space<hbm>>
        tpu.enqueue_dma source(%dma_start3A_278 : memref<5x128xi32, #tpu.memory_space<hbm>>) target(%dma_start3A_275 : memref<5x128xi32, #tpu.memory_space<vmem>>) target_semaphore(%run_scoped3A_264 : memref<!tpu.dma_semaphore, #tpu.memory_space<semaphore_mem>>)
        %dma_wait3A_279 = arith.constant 0 : i32
        %dma_wait3A_280 = arith.constant 0 : i32
        %dma_wait3A_281 = tpu.memref_slice %arg8[%run_scoped3A_70, %run_scoped3A_71, %dma_wait3A_279, %dma_wait3A_280] : memref<3x2x5x128xi32, #tpu.memory_space<vmem>> -> memref<1x1x5x128xi32, #tpu.memory_space<vmem>>
        %dma_wait3A_282 = tpu.memref_squeeze %dma_wait3A_281 : memref<1x1x5x128xi32, #tpu.memory_space<vmem>> -> memref<5x128xi32, #tpu.memory_space<vmem>>
        %dma_wait3A_283 = arith.constant 0 : i32
        %dma_wait3A_284 = tpu.memref_slice %arg4[%run_scoped3A_69, %mul3A_66, %dma_wait3A_283] : memref<2x50000x128xi32, #tpu.memory_space<hbm>> -> memref<1x5x128xi32, #tpu.memory_space<hbm>>
        %dma_wait3A_285 = tpu.memref_squeeze %dma_wait3A_284 : memref<1x5x128xi32, #tpu.memory_space<hbm>> -> memref<5x128xi32, #tpu.memory_space<hbm>>
        %dma_wait3A_286 = arith.constant 0 : i32
        %dma_wait3A_287 = arith.constant 0 : i32
        %dma_wait3A_288 = tpu.memref_slice %arg8[%run_scoped3A_70, %run_scoped3A_71, %dma_wait3A_286, %dma_wait3A_287] : memref<3x2x5x128xi32, #tpu.memory_space<vmem>> -> memref<1x1x5x128xi32, #tpu.memory_space<vmem>>
        %dma_wait3A_289 = tpu.memref_squeeze %dma_wait3A_288 : memref<1x1x5x128xi32, #tpu.memory_space<vmem>> -> memref<5x128xi32, #tpu.memory_space<vmem>>
        %dma_wait3A_290 = arith.constant 0 : i32
        %dma_wait3A_291 = tpu.memref_slice %arg4[%run_scoped3A_69, %mul3A_66, %dma_wait3A_290] : memref<2x50000x128xi32, #tpu.memory_space<hbm>> -> memref<1x5x128xi32, #tpu.memory_space<hbm>>
        %dma_wait3A_292 = tpu.memref_squeeze %dma_wait3A_291 : memref<1x5x128xi32, #tpu.memory_space<hbm>> -> memref<5x128xi32, #tpu.memory_space<hbm>>
        tpu.wait_dma2 semaphore(%run_scoped3A_264 : memref<!tpu.dma_semaphore, #tpu.memory_space<semaphore_mem>>) src(%dma_wait3A_292 : memref<5x128xi32, #tpu.memory_space<hbm>>) dst(%dma_wait3A_289 : memref<5x128xi32, #tpu.memory_space<vmem>>)
        tpu.yield
      }) : () -> ()
      %rem3A_72 = arith.constant 0 : i32
      %rem3A_73 = arith.constant 3 : i32
      %rem3A_74 = arith.remsi %rem3A_72, %rem3A_73 : i32
      %rem3A_75 = arith.constant 0 : i32
      %rem3A_76 = arith.constant 2 : i32
      %rem3A_77 = arith.remsi %rem3A_75, %rem3A_76 : i32
      %dma_start3A = arith.constant 0 : i32
      %dma_start3A_78 = arith.constant 0 : i32
      %dma_start3A_79 = arith.constant 0 : i32
      %dma_start3A_80 = arith.constant 0 : i32
      %dma_start3A_81 = arith.constant 0 : i32
      %dma_start3A_82 = tpu.memref_slice %arg9[%rem3A_77, %dma_start3A_79, %dma_start3A_80, %dma_start3A_81] : memref<2x5x128x16xf32, #tpu.memory_space<vmem>> -> memref<1x1x128x16xf32, #tpu.memory_space<vmem>>
      %dma_start3A_83 = tpu.memref_squeeze %dma_start3A_82 : memref<1x1x128x16xf32, #tpu.memory_space<vmem>> -> memref<128x16xf32, #tpu.memory_space<vmem>>
      %dma_start3A_84 = arith.constant 0 : i32
      %dma_start3A_85 = tpu.memref_slice %arg8[%rem3A_74, %dma_start3A, %dma_start3A_78, %dma_start3A_84] : memref<3x2x5x128xi32, #tpu.memory_space<vmem>> -> memref<1x1x1x128xi32, #tpu.memory_space<vmem>>
      %dma_start3A_86 = tpu.memref_squeeze %dma_start3A_85 : memref<1x1x1x128xi32, #tpu.memory_space<vmem>> -> memref<128xi32, #tpu.memory_space<vmem>>
      %dma_start3A_87 = arith.constant 0 : i32
      %dma_start3A_88 = arith.constant 0 : i32
      %dma_start3A_89 = tpu.memref_slice %arg3[%dma_start3A_87, %dma_start3A_88] : memref<100000x16xf32, #tpu.memory_space<hbm>> -> memref<100000x16xf32, #tpu.memory_space<hbm>>
      tpu.enqueue_indirect_dma source(%dma_start3A_89 : memref<100000x16xf32, #tpu.memory_space<hbm>>) target(%dma_start3A_83 : memref<128x16xf32, #tpu.memory_space<vmem>>) offsets(%dma_start3A_86 : memref<128xi32, #tpu.memory_space<vmem>>) semaphore(%arg11 : memref<!tpu.dma_semaphore, #tpu.memory_space<semaphore_mem>>)
      %dma_start3A_90 = arith.constant 0 : i32
      %dma_start3A_91 = arith.constant 1 : i32
      %dma_start3A_92 = arith.constant 1 : i32
      %dma_start3A_93 = arith.constant 0 : i32
      %dma_start3A_94 = arith.constant 0 : i32
      %dma_start3A_95 = tpu.memref_slice %arg9[%rem3A_77, %dma_start3A_92, %dma_start3A_93, %dma_start3A_94] : memref<2x5x128x16xf32, #tpu.memory_space<vmem>> -> memref<1x1x128x16xf32, #tpu.memory_space<vmem>>
      %dma_start3A_96 = tpu.memref_squeeze %dma_start3A_95 : memref<1x1x128x16xf32, #tpu.memory_space<vmem>> -> memref<128x16xf32, #tpu.memory_space<vmem>>
      %dma_start3A_97 = arith.constant 0 : i32
      %dma_start3A_98 = tpu.memref_slice %arg8[%rem3A_74, %dma_start3A_90, %dma_start3A_91, %dma_start3A_97] : memref<3x2x5x128xi32, #tpu.memory_space<vmem>> -> memref<1x1x1x128xi32, #tpu.memory_space<vmem>>
      %dma_start3A_99 = tpu.memref_squeeze %dma_start3A_98 : memref<1x1x1x128xi32, #tpu.memory_space<vmem>> -> memref<128xi32, #tpu.memory_space<vmem>>
      %dma_start3A_100 = arith.constant 0 : i32
      %dma_start3A_101 = arith.constant 0 : i32
      %dma_start3A_102 = tpu.memref_slice %arg3[%dma_start3A_100, %dma_start3A_101] : memref<100000x16xf32, #tpu.memory_space<hbm>> -> memref<100000x16xf32, #tpu.memory_space<hbm>>
      tpu.enqueue_indirect_dma source(%dma_start3A_102 : memref<100000x16xf32, #tpu.memory_space<hbm>>) target(%dma_start3A_96 : memref<128x16xf32, #tpu.memory_space<vmem>>) offsets(%dma_start3A_99 : memref<128xi32, #tpu.memory_space<vmem>>) semaphore(%arg11 : memref<!tpu.dma_semaphore, #tpu.memory_space<semaphore_mem>>)
      %dma_start3A_103 = arith.constant 0 : i32
      %dma_start3A_104 = arith.constant 2 : i32
      %dma_start3A_105 = arith.constant 2 : i32
      %dma_start3A_106 = arith.constant 0 : i32
      %dma_start3A_107 = arith.constant 0 : i32
      %dma_start3A_108 = tpu.memref_slice %arg9[%rem3A_77, %dma_start3A_105, %dma_start3A_106, %dma_start3A_107] : memref<2x5x128x16xf32, #tpu.memory_space<vmem>> -> memref<1x1x128x16xf32, #tpu.memory_space<vmem>>
      %dma_start3A_109 = tpu.memref_squeeze %dma_start3A_108 : memref<1x1x128x16xf32, #tpu.memory_space<vmem>> -> memref<128x16xf32, #tpu.memory_space<vmem>>
      %dma_start3A_110 = arith.constant 0 : i32
      %dma_start3A_111 = tpu.memref_slice %arg8[%rem3A_74, %dma_start3A_103, %dma_start3A_104, %dma_start3A_110] : memref<3x2x5x128xi32, #tpu.memory_space<vmem>> -> memref<1x1x1x128xi32, #tpu.memory_space<vmem>>
      %dma_start3A_112 = tpu.memref_squeeze %dma_start3A_111 : memref<1x1x1x128xi32, #tpu.memory_space<vmem>> -> memref<128xi32, #tpu.memory_space<vmem>>
      %dma_start3A_113 = arith.constant 0 : i32
      %dma_start3A_114 = arith.constant 0 : i32
      %dma_start3A_115 = tpu.memref_slice %arg3[%dma_start3A_113, %dma_start3A_114] : memref<100000x16xf32, #tpu.memory_space<hbm>> -> memref<100000x16xf32, #tpu.memory_space<hbm>>
      tpu.enqueue_indirect_dma source(%dma_start3A_115 : memref<100000x16xf32, #tpu.memory_space<hbm>>) target(%dma_start3A_109 : memref<128x16xf32, #tpu.memory_space<vmem>>) offsets(%dma_start3A_112 : memref<128xi32, #tpu.memory_space<vmem>>) semaphore(%arg11 : memref<!tpu.dma_semaphore, #tpu.memory_space<semaphore_mem>>)
      %dma_start3A_116 = arith.constant 0 : i32
      %dma_start3A_117 = arith.constant 3 : i32
      %dma_start3A_118 = arith.constant 3 : i32
      %dma_start3A_119 = arith.constant 0 : i32
      %dma_start3A_120 = arith.constant 0 : i32
      %dma_start3A_121 = tpu.memref_slice %arg9[%rem3A_77, %dma_start3A_118, %dma_start3A_119, %dma_start3A_120] : memref<2x5x128x16xf32, #tpu.memory_space<vmem>> -> memref<1x1x128x16xf32, #tpu.memory_space<vmem>>
      %dma_start3A_122 = tpu.memref_squeeze %dma_start3A_121 : memref<1x1x128x16xf32, #tpu.memory_space<vmem>> -> memref<128x16xf32, #tpu.memory_space<vmem>>
      %dma_start3A_123 = arith.constant 0 : i32
      %dma_start3A_124 = tpu.memref_slice %arg8[%rem3A_74, %dma_start3A_116, %dma_start3A_117, %dma_start3A_123] : memref<3x2x5x128xi32, #tpu.memory_space<vmem>> -> memref<1x1x1x128xi32, #tpu.memory_space<vmem>>
      %dma_start3A_125 = tpu.memref_squeeze %dma_start3A_124 : memref<1x1x1x128xi32, #tpu.memory_space<vmem>> -> memref<128xi32, #tpu.memory_space<vmem>>
      %dma_start3A_126 = arith.constant 0 : i32
      %dma_start3A_127 = arith.constant 0 : i32
      %dma_start3A_128 = tpu.memref_slice %arg3[%dma_start3A_126, %dma_start3A_127] : memref<100000x16xf32, #tpu.memory_space<hbm>> -> memref<100000x16xf32, #tpu.memory_space<hbm>>
      tpu.enqueue_indirect_dma source(%dma_start3A_128 : memref<100000x16xf32, #tpu.memory_space<hbm>>) target(%dma_start3A_122 : memref<128x16xf32, #tpu.memory_space<vmem>>) offsets(%dma_start3A_125 : memref<128xi32, #tpu.memory_space<vmem>>) semaphore(%arg11 : memref<!tpu.dma_semaphore, #tpu.memory_space<semaphore_mem>>)
      %dma_start3A_129 = arith.constant 0 : i32
      %dma_start3A_130 = arith.constant 4 : i32
      %dma_start3A_131 = arith.constant 4 : i32
      %dma_start3A_132 = arith.constant 0 : i32
      %dma_start3A_133 = arith.constant 0 : i32
      %dma_start3A_134 = tpu.memref_slice %arg9[%rem3A_77, %dma_start3A_131, %dma_start3A_132, %dma_start3A_133] : memref<2x5x128x16xf32, #tpu.memory_space<vmem>> -> memref<1x1x128x16xf32, #tpu.memory_space<vmem>>
      %dma_start3A_135 = tpu.memref_squeeze %dma_start3A_134 : memref<1x1x128x16xf32, #tpu.memory_space<vmem>> -> memref<128x16xf32, #tpu.memory_space<vmem>>
      %dma_start3A_136 = arith.constant 0 : i32
      %dma_start3A_137 = tpu.memref_slice %arg8[%rem3A_74, %dma_start3A_129, %dma_start3A_130, %dma_start3A_136] : memref<3x2x5x128xi32, #tpu.memory_space<vmem>> -> memref<1x1x1x128xi32, #tpu.memory_space<vmem>>
      %dma_start3A_138 = tpu.memref_squeeze %dma_start3A_137 : memref<1x1x1x128xi32, #tpu.memory_space<vmem>> -> memref<128xi32, #tpu.memory_space<vmem>>
      %dma_start3A_139 = arith.constant 0 : i32
      %dma_start3A_140 = arith.constant 0 : i32
      %dma_start3A_141 = tpu.memref_slice %arg3[%dma_start3A_139, %dma_start3A_140] : memref<100000x16xf32, #tpu.memory_space<hbm>> -> memref<100000x16xf32, #tpu.memory_space<hbm>>
      tpu.enqueue_indirect_dma source(%dma_start3A_141 : memref<100000x16xf32, #tpu.memory_space<hbm>>) target(%dma_start3A_135 : memref<128x16xf32, #tpu.memory_space<vmem>>) offsets(%dma_start3A_138 : memref<128xi32, #tpu.memory_space<vmem>>) semaphore(%arg11 : memref<!tpu.dma_semaphore, #tpu.memory_space<semaphore_mem>>)
      %rem3A_142 = arith.constant 1 : i32
      %rem3A_143 = arith.constant 3 : i32
      %rem3A_144 = arith.remsi %rem3A_142, %rem3A_143 : i32
      %add3A_145 = arith.constant 1 : i32
      %add3A_146 = arith.addi %select_n3A, %add3A_145 : i32
      %mul3A_147 = arith.constant 5 : i32
      %mul3A_148 = arith.muli %add3A_146, %mul3A_147 : i32
      %dma_start3A_149 = arith.constant 0 : i32
      %dma_start3A_150 = arith.constant 0 : i32
      %dma_start3A_151 = arith.constant 0 : i32
      %dma_start3A_152 = arith.constant 0 : i32
      %dma_start3A_153 = tpu.memref_slice %arg8[%rem3A_144, %dma_start3A_150, %dma_start3A_151, %dma_start3A_152] : memref<3x2x5x128xi32, #tpu.memory_space<vmem>> -> memref<1x1x5x128xi32, #tpu.memory_space<vmem>>
      %dma_start3A_154 = tpu.memref_squeeze %dma_start3A_153 : memref<1x1x5x128xi32, #tpu.memory_space<vmem>> -> memref<5x128xi32, #tpu.memory_space<vmem>>
      %dma_start3A_155 = arith.constant 0 : i32
      %dma_start3A_156 = tpu.memref_slice %arg4[%dma_start3A_149, %mul3A_148, %dma_start3A_155] : memref<2x50000x128xi32, #tpu.memory_space<hbm>> -> memref<1x5x128xi32, #tpu.memory_space<hbm>>
      %dma_start3A_157 = tpu.memref_squeeze %dma_start3A_156 : memref<1x5x128xi32, #tpu.memory_space<hbm>> -> memref<5x128xi32, #tpu.memory_space<hbm>>
      %dma_start3A_158 = arith.constant 0 : i32
      %dma_start3A_159 = arith.constant 0 : i32
      %dma_start3A_160 = tpu.memref_slice %arg8[%rem3A_144, %dma_start3A_150, %dma_start3A_158, %dma_start3A_159] : memref<3x2x5x128xi32, #tpu.memory_space<vmem>> -> memref<1x1x5x128xi32, #tpu.memory_space<vmem>>
      %dma_start3A_161 = tpu.memref_squeeze %dma_start3A_160 : memref<1x1x5x128xi32, #tpu.memory_space<vmem>> -> memref<5x128xi32, #tpu.memory_space<vmem>>
      %dma_start3A_162 = arith.constant 0 : i32
      %dma_start3A_163 = tpu.memref_slice %arg4[%dma_start3A_149, %mul3A_148, %dma_start3A_162] : memref<2x50000x128xi32, #tpu.memory_space<hbm>> -> memref<1x5x128xi32, #tpu.memory_space<hbm>>
      %dma_start3A_164 = tpu.memref_squeeze %dma_start3A_163 : memref<1x5x128xi32, #tpu.memory_space<hbm>> -> memref<5x128xi32, #tpu.memory_space<hbm>>
      tpu.enqueue_dma source(%dma_start3A_164 : memref<5x128xi32, #tpu.memory_space<hbm>>) target(%dma_start3A_161 : memref<5x128xi32, #tpu.memory_space<vmem>>) target_semaphore(%arg13 : memref<!tpu.dma_semaphore, #tpu.memory_space<semaphore_mem>>)
      %dma_start3A_165 = arith.constant 1 : i32
      %dma_start3A_166 = arith.constant 1 : i32
      %dma_start3A_167 = arith.constant 0 : i32
      %dma_start3A_168 = arith.constant 0 : i32
      %dma_start3A_169 = tpu.memref_slice %arg8[%rem3A_144, %dma_start3A_166, %dma_start3A_167, %dma_start3A_168] : memref<3x2x5x128xi32, #tpu.memory_space<vmem>> -> memref<1x1x5x128xi32, #tpu.memory_space<vmem>>
      %dma_start3A_170 = tpu.memref_squeeze %dma_start3A_169 : memref<1x1x5x128xi32, #tpu.memory_space<vmem>> -> memref<5x128xi32, #tpu.memory_space<vmem>>
      %dma_start3A_171 = arith.constant 0 : i32
      %dma_start3A_172 = tpu.memref_slice %arg4[%dma_start3A_165, %mul3A_148, %dma_start3A_171] : memref<2x50000x128xi32, #tpu.memory_space<hbm>> -> memref<1x5x128xi32, #tpu.memory_space<hbm>>
      %dma_start3A_173 = tpu.memref_squeeze %dma_start3A_172 : memref<1x5x128xi32, #tpu.memory_space<hbm>> -> memref<5x128xi32, #tpu.memory_space<hbm>>
      %dma_start3A_174 = arith.constant 0 : i32
      %dma_start3A_175 = arith.constant 0 : i32
      %dma_start3A_176 = tpu.memref_slice %arg8[%rem3A_144, %dma_start3A_166, %dma_start3A_174, %dma_start3A_175] : memref<3x2x5x128xi32, #tpu.memory_space<vmem>> -> memref<1x1x5x128xi32, #tpu.memory_space<vmem>>
      %dma_start3A_177 = tpu.memref_squeeze %dma_start3A_176 : memref<1x1x5x128xi32, #tpu.memory_space<vmem>> -> memref<5x128xi32, #tpu.memory_space<vmem>>
      %dma_start3A_178 = arith.constant 0 : i32
      %dma_start3A_179 = tpu.memref_slice %arg4[%dma_start3A_165, %mul3A_148, %dma_start3A_178] : memref<2x50000x128xi32, #tpu.memory_space<hbm>> -> memref<1x5x128xi32, #tpu.memory_space<hbm>>
      %dma_start3A_180 = tpu.memref_squeeze %dma_start3A_179 : memref<1x5x128xi32, #tpu.memory_space<hbm>> -> memref<5x128xi32, #tpu.memory_space<hbm>>
      tpu.enqueue_dma source(%dma_start3A_180 : memref<5x128xi32, #tpu.memory_space<hbm>>) target(%dma_start3A_177 : memref<5x128xi32, #tpu.memory_space<vmem>>) target_semaphore(%arg13 : memref<!tpu.dma_semaphore, #tpu.memory_space<semaphore_mem>>)
      %while3A = arith.constant 0 : i32
      %while3A_181 = arith.constant 0 : i32
      %while3A_182 = arith.subi %sub3A_64, %while3A_181 : i32
      %while3A_183 = arith.addi %while3A_181, %while3A_182 : i32
      %while3A_184 = arith.constant 1 : i32
      %while3A_185 = arith.divsi %while3A_182, %while3A_184 : i32
      %while3A_186 = arith.muli %while3A_185, %while3A_184 : i32
      %while3A_187 = arith.addi %while3A_181, %while3A_186 : i32
      %while3A_188 = arith.constant 1 : i32
      scf.for %while3A_264 = %while3A_181 to %while3A_187 step %while3A_188  : i32 {
        %rem3A_265 = arith.constant 3 : i32
        %rem3A_266 = arith.remsi %while3A_264, %rem3A_265 : i32
        %rem3A_267 = arith.constant 2 : i32
        %rem3A_268 = arith.remsi %while3A_264, %rem3A_267 : i32
        %dma_wait3A_269 = arith.constant 0 : i32
        %dma_wait3A_270 = arith.constant 0 : i32
        %dma_wait3A_271 = arith.constant 0 : i32
        %dma_wait3A_272 = arith.constant 0 : i32
        %dma_wait3A_273 = arith.constant 0 : i32
        %dma_wait3A_274 = tpu.memref_slice %arg9[%rem3A_268, %dma_wait3A_271, %dma_wait3A_272, %dma_wait3A_273] : memref<2x5x128x16xf32, #tpu.memory_space<vmem>> -> memref<1x1x128x16xf32, #tpu.memory_space<vmem>>
        %dma_wait3A_275 = tpu.memref_squeeze %dma_wait3A_274 : memref<1x1x128x16xf32, #tpu.memory_space<vmem>> -> memref<128x16xf32, #tpu.memory_space<vmem>>
        %dma_wait3A_276 = arith.constant 0 : i32
        %dma_wait3A_277 = tpu.memref_slice %arg8[%rem3A_266, %dma_wait3A_269, %dma_wait3A_270, %dma_wait3A_276] : memref<3x2x5x128xi32, #tpu.memory_space<vmem>> -> memref<1x1x1x128xi32, #tpu.memory_space<vmem>>
        %dma_wait3A_278 = tpu.memref_squeeze %dma_wait3A_277 : memref<1x1x1x128xi32, #tpu.memory_space<vmem>> -> memref<128xi32, #tpu.memory_space<vmem>>
        %dma_wait3A_279 = arith.constant 0 : i32
        %dma_wait3A_280 = arith.constant 0 : i32
        %dma_wait3A_281 = tpu.memref_slice %arg3[%dma_wait3A_279, %dma_wait3A_280] : memref<100000x16xf32, #tpu.memory_space<hbm>> -> memref<100000x16xf32, #tpu.memory_space<hbm>>
        tpu.wait_indirect_dma semaphore(%arg11 : memref<!tpu.dma_semaphore, #tpu.memory_space<semaphore_mem>>) src(%dma_wait3A_281 : memref<100000x16xf32, #tpu.memory_space<hbm>>) dst(%dma_wait3A_275 : memref<128x16xf32, #tpu.memory_space<vmem>>)
        %dma_wait3A_282 = arith.constant 0 : i32
        %dma_wait3A_283 = arith.constant 1 : i32
        %dma_wait3A_284 = arith.constant 1 : i32
        %dma_wait3A_285 = arith.constant 0 : i32
        %dma_wait3A_286 = arith.constant 0 : i32
        %dma_wait3A_287 = tpu.memref_slice %arg9[%rem3A_268, %dma_wait3A_284, %dma_wait3A_285, %dma_wait3A_286] : memref<2x5x128x16xf32, #tpu.memory_space<vmem>> -> memref<1x1x128x16xf32, #tpu.memory_space<vmem>>
        %dma_wait3A_288 = tpu.memref_squeeze %dma_wait3A_287 : memref<1x1x128x16xf32, #tpu.memory_space<vmem>> -> memref<128x16xf32, #tpu.memory_space<vmem>>
        %dma_wait3A_289 = arith.constant 0 : i32
        %dma_wait3A_290 = tpu.memref_slice %arg8[%rem3A_266, %dma_wait3A_282, %dma_wait3A_283, %dma_wait3A_289] : memref<3x2x5x128xi32, #tpu.memory_space<vmem>> -> memref<1x1x1x128xi32, #tpu.memory_space<vmem>>
        %dma_wait3A_291 = tpu.memref_squeeze %dma_wait3A_290 : memref<1x1x1x128xi32, #tpu.memory_space<vmem>> -> memref<128xi32, #tpu.memory_space<vmem>>
        %dma_wait3A_292 = arith.constant 0 : i32
        %dma_wait3A_293 = arith.constant 0 : i32
        %dma_wait3A_294 = tpu.memref_slice %arg3[%dma_wait3A_292, %dma_wait3A_293] : memref<100000x16xf32, #tpu.memory_space<hbm>> -> memref<100000x16xf32, #tpu.memory_space<hbm>>
        tpu.wait_indirect_dma semaphore(%arg11 : memref<!tpu.dma_semaphore, #tpu.memory_space<semaphore_mem>>) src(%dma_wait3A_294 : memref<100000x16xf32, #tpu.memory_space<hbm>>) dst(%dma_wait3A_288 : memref<128x16xf32, #tpu.memory_space<vmem>>)
        %dma_wait3A_295 = arith.constant 0 : i32
        %dma_wait3A_296 = arith.constant 2 : i32
        %dma_wait3A_297 = arith.constant 2 : i32
        %dma_wait3A_298 = arith.constant 0 : i32
        %dma_wait3A_299 = arith.constant 0 : i32
        %dma_wait3A_300 = tpu.memref_slice %arg9[%rem3A_268, %dma_wait3A_297, %dma_wait3A_298, %dma_wait3A_299] : memref<2x5x128x16xf32, #tpu.memory_space<vmem>> -> memref<1x1x128x16xf32, #tpu.memory_space<vmem>>
        %dma_wait3A_301 = tpu.memref_squeeze %dma_wait3A_300 : memref<1x1x128x16xf32, #tpu.memory_space<vmem>> -> memref<128x16xf32, #tpu.memory_space<vmem>>
        %dma_wait3A_302 = arith.constant 0 : i32
        %dma_wait3A_303 = tpu.memref_slice %arg8[%rem3A_266, %dma_wait3A_295, %dma_wait3A_296, %dma_wait3A_302] : memref<3x2x5x128xi32, #tpu.memory_space<vmem>> -> memref<1x1x1x128xi32, #tpu.memory_space<vmem>>
        %dma_wait3A_304 = tpu.memref_squeeze %dma_wait3A_303 : memref<1x1x1x128xi32, #tpu.memory_space<vmem>> -> memref<128xi32, #tpu.memory_space<vmem>>
        %dma_wait3A_305 = arith.constant 0 : i32
        %dma_wait3A_306 = arith.constant 0 : i32
        %dma_wait3A_307 = tpu.memref_slice %arg3[%dma_wait3A_305, %dma_wait3A_306] : memref<100000x16xf32, #tpu.memory_space<hbm>> -> memref<100000x16xf32, #tpu.memory_space<hbm>>
        tpu.wait_indirect_dma semaphore(%arg11 : memref<!tpu.dma_semaphore, #tpu.memory_space<semaphore_mem>>) src(%dma_wait3A_307 : memref<100000x16xf32, #tpu.memory_space<hbm>>) dst(%dma_wait3A_301 : memref<128x16xf32, #tpu.memory_space<vmem>>)
        %dma_wait3A_308 = arith.constant 0 : i32
        %dma_wait3A_309 = arith.constant 3 : i32
        %dma_wait3A_310 = arith.constant 3 : i32
        %dma_wait3A_311 = arith.constant 0 : i32
        %dma_wait3A_312 = arith.constant 0 : i32
        %dma_wait3A_313 = tpu.memref_slice %arg9[%rem3A_268, %dma_wait3A_310, %dma_wait3A_311, %dma_wait3A_312] : memref<2x5x128x16xf32, #tpu.memory_space<vmem>> -> memref<1x1x128x16xf32, #tpu.memory_space<vmem>>
        %dma_wait3A_314 = tpu.memref_squeeze %dma_wait3A_313 : memref<1x1x128x16xf32, #tpu.memory_space<vmem>> -> memref<128x16xf32, #tpu.memory_space<vmem>>
        %dma_wait3A_315 = arith.constant 0 : i32
        %dma_wait3A_316 = tpu.memref_slice %arg8[%rem3A_266, %dma_wait3A_308, %dma_wait3A_309, %dma_wait3A_315] : memref<3x2x5x128xi32, #tpu.memory_space<vmem>> -> memref<1x1x1x128xi32, #tpu.memory_space<vmem>>
        %dma_wait3A_317 = tpu.memref_squeeze %dma_wait3A_316 : memref<1x1x1x128xi32, #tpu.memory_space<vmem>> -> memref<128xi32, #tpu.memory_space<vmem>>
        %dma_wait3A_318 = arith.constant 0 : i32
        %dma_wait3A_319 = arith.constant 0 : i32
        %dma_wait3A_320 = tpu.memref_slice %arg3[%dma_wait3A_318, %dma_wait3A_319] : memref<100000x16xf32, #tpu.memory_space<hbm>> -> memref<100000x16xf32, #tpu.memory_space<hbm>>
        tpu.wait_indirect_dma semaphore(%arg11 : memref<!tpu.dma_semaphore, #tpu.memory_space<semaphore_mem>>) src(%dma_wait3A_320 : memref<100000x16xf32, #tpu.memory_space<hbm>>) dst(%dma_wait3A_314 : memref<128x16xf32, #tpu.memory_space<vmem>>)
        %dma_wait3A_321 = arith.constant 0 : i32
        %dma_wait3A_322 = arith.constant 4 : i32
        %dma_wait3A_323 = arith.constant 4 : i32
        %dma_wait3A_324 = arith.constant 0 : i32
        %dma_wait3A_325 = arith.constant 0 : i32
        %dma_wait3A_326 = tpu.memref_slice %arg9[%rem3A_268, %dma_wait3A_323, %dma_wait3A_324, %dma_wait3A_325] : memref<2x5x128x16xf32, #tpu.memory_space<vmem>> -> memref<1x1x128x16xf32, #tpu.memory_space<vmem>>
        %dma_wait3A_327 = tpu.memref_squeeze %dma_wait3A_326 : memref<1x1x128x16xf32, #tpu.memory_space<vmem>> -> memref<128x16xf32, #tpu.memory_space<vmem>>
        %dma_wait3A_328 = arith.constant 0 : i32
        %dma_wait3A_329 = tpu.memref_slice %arg8[%rem3A_266, %dma_wait3A_321, %dma_wait3A_322, %dma_wait3A_328] : memref<3x2x5x128xi32, #tpu.memory_space<vmem>> -> memref<1x1x1x128xi32, #tpu.memory_space<vmem>>
        %dma_wait3A_330 = tpu.memref_squeeze %dma_wait3A_329 : memref<1x1x1x128xi32, #tpu.memory_space<vmem>> -> memref<128xi32, #tpu.memory_space<vmem>>
        %dma_wait3A_331 = arith.constant 0 : i32
        %dma_wait3A_332 = arith.constant 0 : i32
        %dma_wait3A_333 = tpu.memref_slice %arg3[%dma_wait3A_331, %dma_wait3A_332] : memref<100000x16xf32, #tpu.memory_space<hbm>> -> memref<100000x16xf32, #tpu.memory_space<hbm>>
        tpu.wait_indirect_dma semaphore(%arg11 : memref<!tpu.dma_semaphore, #tpu.memory_space<semaphore_mem>>) src(%dma_wait3A_333 : memref<100000x16xf32, #tpu.memory_space<hbm>>) dst(%dma_wait3A_327 : memref<128x16xf32, #tpu.memory_space<vmem>>)
        %dma_start3A_334 = arith.constant 0 : i32
        %dma_start3A_335 = arith.constant 1 : i32
        %dma_start3A_336 = arith.constant 0 : i32
        %dma_start3A_337 = arith.constant 0 : i32
        %dma_start3A_338 = arith.constant 0 : i32
        %dma_start3A_339 = tpu.memref_slice %arg9[%rem3A_268, %dma_start3A_334, %dma_start3A_337, %dma_start3A_338] : memref<2x5x128x16xf32, #tpu.memory_space<vmem>> -> memref<1x1x128x16xf32, #tpu.memory_space<vmem>>
        %dma_start3A_340 = tpu.memref_squeeze %dma_start3A_339 : memref<1x1x128x16xf32, #tpu.memory_space<vmem>> -> memref<128x16xf32, #tpu.memory_space<vmem>>
        %dma_start3A_341 = arith.constant 0 : i32
        %dma_start3A_342 = tpu.memref_slice %arg8[%rem3A_266, %dma_start3A_335, %dma_start3A_336, %dma_start3A_341] : memref<3x2x5x128xi32, #tpu.memory_space<vmem>> -> memref<1x1x1x128xi32, #tpu.memory_space<vmem>>
        %dma_start3A_343 = tpu.memref_squeeze %dma_start3A_342 : memref<1x1x1x128xi32, #tpu.memory_space<vmem>> -> memref<128xi32, #tpu.memory_space<vmem>>
        %dma_start3A_344 = arith.constant 0 : i32
        %dma_start3A_345 = arith.constant 0 : i32
        %dma_start3A_346 = tpu.memref_slice %arg10[%dma_start3A_344, %dma_start3A_345] : memref<100096x16xf32, #tpu.memory_space<vmem_shared>> -> memref<100096x16xf32, #tpu.memory_space<vmem_shared>>
        tpu.enqueue_indirect_dma source(%dma_start3A_340 : memref<128x16xf32, #tpu.memory_space<vmem>>) target(%dma_start3A_346 : memref<100096x16xf32, #tpu.memory_space<vmem_shared>>) offsets(%dma_start3A_343 : memref<128xi32, #tpu.memory_space<vmem>>) semaphore(%arg12 : memref<!tpu.dma_semaphore, #tpu.memory_space<semaphore_mem>>) {add = true}
        %dma_start3A_347 = arith.constant 1 : i32
        %dma_start3A_348 = arith.constant 1 : i32
        %dma_start3A_349 = arith.constant 1 : i32
        %dma_start3A_350 = arith.constant 0 : i32
        %dma_start3A_351 = arith.constant 0 : i32
        %dma_start3A_352 = tpu.memref_slice %arg9[%rem3A_268, %dma_start3A_347, %dma_start3A_350, %dma_start3A_351] : memref<2x5x128x16xf32, #tpu.memory_space<vmem>> -> memref<1x1x128x16xf32, #tpu.memory_space<vmem>>
        %dma_start3A_353 = tpu.memref_squeeze %dma_start3A_352 : memref<1x1x128x16xf32, #tpu.memory_space<vmem>> -> memref<128x16xf32, #tpu.memory_space<vmem>>
        %dma_start3A_354 = arith.constant 0 : i32
        %dma_start3A_355 = tpu.memref_slice %arg8[%rem3A_266, %dma_start3A_348, %dma_start3A_349, %dma_start3A_354] : memref<3x2x5x128xi32, #tpu.memory_space<vmem>> -> memref<1x1x1x128xi32, #tpu.memory_space<vmem>>
        %dma_start3A_356 = tpu.memref_squeeze %dma_start3A_355 : memref<1x1x1x128xi32, #tpu.memory_space<vmem>> -> memref<128xi32, #tpu.memory_space<vmem>>
        %dma_start3A_357 = arith.constant 0 : i32
        %dma_start3A_358 = arith.constant 0 : i32
        %dma_start3A_359 = tpu.memref_slice %arg10[%dma_start3A_357, %dma_start3A_358] : memref<100096x16xf32, #tpu.memory_space<vmem_shared>> -> memref<100096x16xf32, #tpu.memory_space<vmem_shared>>
        tpu.enqueue_indirect_dma source(%dma_start3A_353 : memref<128x16xf32, #tpu.memory_space<vmem>>) target(%dma_start3A_359 : memref<100096x16xf32, #tpu.memory_space<vmem_shared>>) offsets(%dma_start3A_356 : memref<128xi32, #tpu.memory_space<vmem>>) semaphore(%arg12 : memref<!tpu.dma_semaphore, #tpu.memory_space<semaphore_mem>>) {add = true}
        %dma_start3A_360 = arith.constant 2 : i32
        %dma_start3A_361 = arith.constant 1 : i32
        %dma_start3A_362 = arith.constant 2 : i32
        %dma_start3A_363 = arith.constant 0 : i32
        %dma_start3A_364 = arith.constant 0 : i32
        %dma_start3A_365 = tpu.memref_slice %arg9[%rem3A_268, %dma_start3A_360, %dma_start3A_363, %dma_start3A_364] : memref<2x5x128x16xf32, #tpu.memory_space<vmem>> -> memref<1x1x128x16xf32, #tpu.memory_space<vmem>>
        %dma_start3A_366 = tpu.memref_squeeze %dma_start3A_365 : memref<1x1x128x16xf32, #tpu.memory_space<vmem>> -> memref<128x16xf32, #tpu.memory_space<vmem>>
        %dma_start3A_367 = arith.constant 0 : i32
        %dma_start3A_368 = tpu.memref_slice %arg8[%rem3A_266, %dma_start3A_361, %dma_start3A_362, %dma_start3A_367] : memref<3x2x5x128xi32, #tpu.memory_space<vmem>> -> memref<1x1x1x128xi32, #tpu.memory_space<vmem>>
        %dma_start3A_369 = tpu.memref_squeeze %dma_start3A_368 : memref<1x1x1x128xi32, #tpu.memory_space<vmem>> -> memref<128xi32, #tpu.memory_space<vmem>>
        %dma_start3A_370 = arith.constant 0 : i32
        %dma_start3A_371 = arith.constant 0 : i32
        %dma_start3A_372 = tpu.memref_slice %arg10[%dma_start3A_370, %dma_start3A_371] : memref<100096x16xf32, #tpu.memory_space<vmem_shared>> -> memref<100096x16xf32, #tpu.memory_space<vmem_shared>>
        tpu.enqueue_indirect_dma source(%dma_start3A_366 : memref<128x16xf32, #tpu.memory_space<vmem>>) target(%dma_start3A_372 : memref<100096x16xf32, #tpu.memory_space<vmem_shared>>) offsets(%dma_start3A_369 : memref<128xi32, #tpu.memory_space<vmem>>) semaphore(%arg12 : memref<!tpu.dma_semaphore, #tpu.memory_space<semaphore_mem>>) {add = true}
        %dma_start3A_373 = arith.constant 3 : i32
        %dma_start3A_374 = arith.constant 1 : i32
        %dma_start3A_375 = arith.constant 3 : i32
        %dma_start3A_376 = arith.constant 0 : i32
        %dma_start3A_377 = arith.constant 0 : i32
        %dma_start3A_378 = tpu.memref_slice %arg9[%rem3A_268, %dma_start3A_373, %dma_start3A_376, %dma_start3A_377] : memref<2x5x128x16xf32, #tpu.memory_space<vmem>> -> memref<1x1x128x16xf32, #tpu.memory_space<vmem>>
        %dma_start3A_379 = tpu.memref_squeeze %dma_start3A_378 : memref<1x1x128x16xf32, #tpu.memory_space<vmem>> -> memref<128x16xf32, #tpu.memory_space<vmem>>
        %dma_start3A_380 = arith.constant 0 : i32
        %dma_start3A_381 = tpu.memref_slice %arg8[%rem3A_266, %dma_start3A_374, %dma_start3A_375, %dma_start3A_380] : memref<3x2x5x128xi32, #tpu.memory_space<vmem>> -> memref<1x1x1x128xi32, #tpu.memory_space<vmem>>
        %dma_start3A_382 = tpu.memref_squeeze %dma_start3A_381 : memref<1x1x1x128xi32, #tpu.memory_space<vmem>> -> memref<128xi32, #tpu.memory_space<vmem>>
        %dma_start3A_383 = arith.constant 0 : i32
        %dma_start3A_384 = arith.constant 0 : i32
        %dma_start3A_385 = tpu.memref_slice %arg10[%dma_start3A_383, %dma_start3A_384] : memref<100096x16xf32, #tpu.memory_space<vmem_shared>> -> memref<100096x16xf32, #tpu.memory_space<vmem_shared>>
        tpu.enqueue_indirect_dma source(%dma_start3A_379 : memref<128x16xf32, #tpu.memory_space<vmem>>) target(%dma_start3A_385 : memref<100096x16xf32, #tpu.memory_space<vmem_shared>>) offsets(%dma_start3A_382 : memref<128xi32, #tpu.memory_space<vmem>>) semaphore(%arg12 : memref<!tpu.dma_semaphore, #tpu.memory_space<semaphore_mem>>) {add = true}
        %dma_start3A_386 = arith.constant 4 : i32
        %dma_start3A_387 = arith.constant 1 : i32
        %dma_start3A_388 = arith.constant 4 : i32
        %dma_start3A_389 = arith.constant 0 : i32
        %dma_start3A_390 = arith.constant 0 : i32
        %dma_start3A_391 = tpu.memref_slice %arg9[%rem3A_268, %dma_start3A_386, %dma_start3A_389, %dma_start3A_390] : memref<2x5x128x16xf32, #tpu.memory_space<vmem>> -> memref<1x1x128x16xf32, #tpu.memory_space<vmem>>
        %dma_start3A_392 = tpu.memref_squeeze %dma_start3A_391 : memref<1x1x128x16xf32, #tpu.memory_space<vmem>> -> memref<128x16xf32, #tpu.memory_space<vmem>>
        %dma_start3A_393 = arith.constant 0 : i32
        %dma_start3A_394 = tpu.memref_slice %arg8[%rem3A_266, %dma_start3A_387, %dma_start3A_388, %dma_start3A_393] : memref<3x2x5x128xi32, #tpu.memory_space<vmem>> -> memref<1x1x1x128xi32, #tpu.memory_space<vmem>>
        %dma_start3A_395 = tpu.memref_squeeze %dma_start3A_394 : memref<1x1x1x128xi32, #tpu.memory_space<vmem>> -> memref<128xi32, #tpu.memory_space<vmem>>
        %dma_start3A_396 = arith.constant 0 : i32
        %dma_start3A_397 = arith.constant 0 : i32
        %dma_start3A_398 = tpu.memref_slice %arg10[%dma_start3A_396, %dma_start3A_397] : memref<100096x16xf32, #tpu.memory_space<vmem_shared>> -> memref<100096x16xf32, #tpu.memory_space<vmem_shared>>
        tpu.enqueue_indirect_dma source(%dma_start3A_392 : memref<128x16xf32, #tpu.memory_space<vmem>>) target(%dma_start3A_398 : memref<100096x16xf32, #tpu.memory_space<vmem_shared>>) offsets(%dma_start3A_395 : memref<128xi32, #tpu.memory_space<vmem>>) semaphore(%arg12 : memref<!tpu.dma_semaphore, #tpu.memory_space<semaphore_mem>>) {add = true}
        %add3A_399 = arith.constant 1 : i32
        %add3A_400 = arith.addi %while3A_264, %add3A_399 : i32
        %lt3A = arith.cmpi slt, %add3A_400, %sub3A_64 : i32
        %convert_element_type3A_401 = arith.extui %lt3A : i1 to i32
        %cond3A_402 = arith.constant 0 : i32
        %cond3A_403 = arith.cmpi ne, %convert_element_type3A_401, %cond3A_402 : i32
        scf.if %cond3A_403 {
          %dma_wait3A_420 = arith.constant 0 : i32
          %dma_wait3A_421 = arith.constant 0 : i32
          %dma_wait3A_422 = arith.constant 0 : i32
          %dma_wait3A_423 = arith.constant 0 : i32
          %dma_wait3A_424 = arith.constant 0 : i32
          %dma_wait3A_425 = tpu.memref_slice %arg8[%dma_wait3A_421, %dma_wait3A_422, %dma_wait3A_423, %dma_wait3A_424] : memref<3x2x5x128xi32, #tpu.memory_space<vmem>> -> memref<1x1x5x128xi32, #tpu.memory_space<vmem>>
          %dma_wait3A_426 = tpu.memref_squeeze %dma_wait3A_425 : memref<1x1x5x128xi32, #tpu.memory_space<vmem>> -> memref<5x128xi32, #tpu.memory_space<vmem>>
          %dma_wait3A_427 = arith.constant 0 : i32
          %dma_wait3A_428 = tpu.memref_slice %arg4[%dma_wait3A_420, %mul3A_66, %dma_wait3A_427] : memref<2x50000x128xi32, #tpu.memory_space<hbm>> -> memref<1x5x128xi32, #tpu.memory_space<hbm>>
          %dma_wait3A_429 = tpu.memref_squeeze %dma_wait3A_428 : memref<1x5x128xi32, #tpu.memory_space<hbm>> -> memref<5x128xi32, #tpu.memory_space<hbm>>
          %dma_wait3A_430 = arith.constant 0 : i32
          %dma_wait3A_431 = arith.constant 0 : i32
          %dma_wait3A_432 = tpu.memref_slice %arg8[%dma_wait3A_421, %dma_wait3A_422, %dma_wait3A_430, %dma_wait3A_431] : memref<3x2x5x128xi32, #tpu.memory_space<vmem>> -> memref<1x1x5x128xi32, #tpu.memory_space<vmem>>
          %dma_wait3A_433 = tpu.memref_squeeze %dma_wait3A_432 : memref<1x1x5x128xi32, #tpu.memory_space<vmem>> -> memref<5x128xi32, #tpu.memory_space<vmem>>
          %dma_wait3A_434 = arith.constant 0 : i32
          %dma_wait3A_435 = tpu.memref_slice %arg4[%dma_wait3A_420, %mul3A_66, %dma_wait3A_434] : memref<2x50000x128xi32, #tpu.memory_space<hbm>> -> memref<1x5x128xi32, #tpu.memory_space<hbm>>
          %dma_wait3A_436 = tpu.memref_squeeze %dma_wait3A_435 : memref<1x5x128xi32, #tpu.memory_space<hbm>> -> memref<5x128xi32, #tpu.memory_space<hbm>>
          tpu.wait_dma2 semaphore(%arg13 : memref<!tpu.dma_semaphore, #tpu.memory_space<semaphore_mem>>) src(%dma_wait3A_436 : memref<5x128xi32, #tpu.memory_space<hbm>>) dst(%dma_wait3A_433 : memref<5x128xi32, #tpu.memory_space<vmem>>)
          %dma_wait3A_437 = arith.constant 1 : i32
          %dma_wait3A_438 = arith.constant 0 : i32
          %dma_wait3A_439 = arith.constant 1 : i32
          %dma_wait3A_440 = arith.constant 0 : i32
          %dma_wait3A_441 = arith.constant 0 : i32
          %dma_wait3A_442 = tpu.memref_slice %arg8[%dma_wait3A_438, %dma_wait3A_439, %dma_wait3A_440, %dma_wait3A_441] : memref<3x2x5x128xi32, #tpu.memory_space<vmem>> -> memref<1x1x5x128xi32, #tpu.memory_space<vmem>>
          %dma_wait3A_443 = tpu.memref_squeeze %dma_wait3A_442 : memref<1x1x5x128xi32, #tpu.memory_space<vmem>> -> memref<5x128xi32, #tpu.memory_space<vmem>>
          %dma_wait3A_444 = arith.constant 0 : i32
          %dma_wait3A_445 = tpu.memref_slice %arg4[%dma_wait3A_437, %mul3A_66, %dma_wait3A_444] : memref<2x50000x128xi32, #tpu.memory_space<hbm>> -> memref<1x5x128xi32, #tpu.memory_space<hbm>>
          %dma_wait3A_446 = tpu.memref_squeeze %dma_wait3A_445 : memref<1x5x128xi32, #tpu.memory_space<hbm>> -> memref<5x128xi32, #tpu.memory_space<hbm>>
          %dma_wait3A_447 = arith.constant 0 : i32
          %dma_wait3A_448 = arith.constant 0 : i32
          %dma_wait3A_449 = tpu.memref_slice %arg8[%dma_wait3A_438, %dma_wait3A_439, %dma_wait3A_447, %dma_wait3A_448] : memref<3x2x5x128xi32, #tpu.memory_space<vmem>> -> memref<1x1x5x128xi32, #tpu.memory_space<vmem>>
          %dma_wait3A_450 = tpu.memref_squeeze %dma_wait3A_449 : memref<1x1x5x128xi32, #tpu.memory_space<vmem>> -> memref<5x128xi32, #tpu.memory_space<vmem>>
          %dma_wait3A_451 = arith.constant 0 : i32
          %dma_wait3A_452 = tpu.memref_slice %arg4[%dma_wait3A_437, %mul3A_66, %dma_wait3A_451] : memref<2x50000x128xi32, #tpu.memory_space<hbm>> -> memref<1x5x128xi32, #tpu.memory_space<hbm>>
          %dma_wait3A_453 = tpu.memref_squeeze %dma_wait3A_452 : memref<1x5x128xi32, #tpu.memory_space<hbm>> -> memref<5x128xi32, #tpu.memory_space<hbm>>
          tpu.wait_dma2 semaphore(%arg13 : memref<!tpu.dma_semaphore, #tpu.memory_space<semaphore_mem>>) src(%dma_wait3A_453 : memref<5x128xi32, #tpu.memory_space<hbm>>) dst(%dma_wait3A_450 : memref<5x128xi32, #tpu.memory_space<vmem>>)
        } else {
        }
        %ge3A = arith.constant 1 : i32
        %ge3A_404 = arith.cmpi sge, %while3A_264, %ge3A : i32
        %convert_element_type3A_405 = arith.extui %ge3A_404 : i1 to i32
        %cond3A_406 = arith.constant 0 : i32
        %cond3A_407 = arith.cmpi ne, %convert_element_type3A_405, %cond3A_406 : i32
        scf.if %cond3A_407 {
          %dma_wait3A_420 = arith.constant 0 : i32
          %dma_wait3A_421 = arith.constant 0 : i32
          %dma_wait3A_422 = arith.constant 0 : i32
          %dma_wait3A_423 = arith.constant 1 : i32
          %dma_wait3A_424 = arith.constant 0 : i32
          %dma_wait3A_425 = arith.constant 0 : i32
          %dma_wait3A_426 = arith.constant 0 : i32
          %dma_wait3A_427 = tpu.memref_slice %arg9[%dma_wait3A_420, %dma_wait3A_421, %dma_wait3A_425, %dma_wait3A_426] : memref<2x5x128x16xf32, #tpu.memory_space<vmem>> -> memref<1x1x128x16xf32, #tpu.memory_space<vmem>>
          %dma_wait3A_428 = tpu.memref_squeeze %dma_wait3A_427 : memref<1x1x128x16xf32, #tpu.memory_space<vmem>> -> memref<128x16xf32, #tpu.memory_space<vmem>>
          %dma_wait3A_429 = arith.constant 0 : i32
          %dma_wait3A_430 = tpu.memref_slice %arg8[%dma_wait3A_422, %dma_wait3A_423, %dma_wait3A_424, %dma_wait3A_429] : memref<3x2x5x128xi32, #tpu.memory_space<vmem>> -> memref<1x1x1x128xi32, #tpu.memory_space<vmem>>
          %dma_wait3A_431 = tpu.memref_squeeze %dma_wait3A_430 : memref<1x1x1x128xi32, #tpu.memory_space<vmem>> -> memref<128xi32, #tpu.memory_space<vmem>>
          %dma_wait3A_432 = arith.constant 0 : i32
          %dma_wait3A_433 = arith.constant 0 : i32
          %dma_wait3A_434 = tpu.memref_slice %arg10[%dma_wait3A_432, %dma_wait3A_433] : memref<100096x16xf32, #tpu.memory_space<vmem_shared>> -> memref<100096x16xf32, #tpu.memory_space<vmem_shared>>
          tpu.wait_indirect_dma semaphore(%arg12 : memref<!tpu.dma_semaphore, #tpu.memory_space<semaphore_mem>>) src(%dma_wait3A_428 : memref<128x16xf32, #tpu.memory_space<vmem>>) dst(%dma_wait3A_434 : memref<100096x16xf32, #tpu.memory_space<vmem_shared>>)
          %dma_wait3A_435 = arith.constant 0 : i32
          %dma_wait3A_436 = arith.constant 1 : i32
          %dma_wait3A_437 = arith.constant 0 : i32
          %dma_wait3A_438 = arith.constant 1 : i32
          %dma_wait3A_439 = arith.constant 1 : i32
          %dma_wait3A_440 = arith.constant 0 : i32
          %dma_wait3A_441 = arith.constant 0 : i32
          %dma_wait3A_442 = tpu.memref_slice %arg9[%dma_wait3A_435, %dma_wait3A_436, %dma_wait3A_440, %dma_wait3A_441] : memref<2x5x128x16xf32, #tpu.memory_space<vmem>> -> memref<1x1x128x16xf32, #tpu.memory_space<vmem>>
          %dma_wait3A_443 = tpu.memref_squeeze %dma_wait3A_442 : memref<1x1x128x16xf32, #tpu.memory_space<vmem>> -> memref<128x16xf32, #tpu.memory_space<vmem>>
          %dma_wait3A_444 = arith.constant 0 : i32
          %dma_wait3A_445 = tpu.memref_slice %arg8[%dma_wait3A_437, %dma_wait3A_438, %dma_wait3A_439, %dma_wait3A_444] : memref<3x2x5x128xi32, #tpu.memory_space<vmem>> -> memref<1x1x1x128xi32, #tpu.memory_space<vmem>>
          %dma_wait3A_446 = tpu.memref_squeeze %dma_wait3A_445 : memref<1x1x1x128xi32, #tpu.memory_space<vmem>> -> memref<128xi32, #tpu.memory_space<vmem>>
          %dma_wait3A_447 = arith.constant 0 : i32
          %dma_wait3A_448 = arith.constant 0 : i32
          %dma_wait3A_449 = tpu.memref_slice %arg10[%dma_wait3A_447, %dma_wait3A_448] : memref<100096x16xf32, #tpu.memory_space<vmem_shared>> -> memref<100096x16xf32, #tpu.memory_space<vmem_shared>>
          tpu.wait_indirect_dma semaphore(%arg12 : memref<!tpu.dma_semaphore, #tpu.memory_space<semaphore_mem>>) src(%dma_wait3A_443 : memref<128x16xf32, #tpu.memory_space<vmem>>) dst(%dma_wait3A_449 : memref<100096x16xf32, #tpu.memory_space<vmem_shared>>)
          %dma_wait3A_450 = arith.constant 0 : i32
          %dma_wait3A_451 = arith.constant 2 : i32
          %dma_wait3A_452 = arith.constant 0 : i32
          %dma_wait3A_453 = arith.constant 1 : i32
          %dma_wait3A_454 = arith.constant 2 : i32
          %dma_wait3A_455 = arith.constant 0 : i32
          %dma_wait3A_456 = arith.constant 0 : i32
          %dma_wait3A_457 = tpu.memref_slice %arg9[%dma_wait3A_450, %dma_wait3A_451, %dma_wait3A_455, %dma_wait3A_456] : memref<2x5x128x16xf32, #tpu.memory_space<vmem>> -> memref<1x1x128x16xf32, #tpu.memory_space<vmem>>
          %dma_wait3A_458 = tpu.memref_squeeze %dma_wait3A_457 : memref<1x1x128x16xf32, #tpu.memory_space<vmem>> -> memref<128x16xf32, #tpu.memory_space<vmem>>
          %dma_wait3A_459 = arith.constant 0 : i32
          %dma_wait3A_460 = tpu.memref_slice %arg8[%dma_wait3A_452, %dma_wait3A_453, %dma_wait3A_454, %dma_wait3A_459] : memref<3x2x5x128xi32, #tpu.memory_space<vmem>> -> memref<1x1x1x128xi32, #tpu.memory_space<vmem>>
          %dma_wait3A_461 = tpu.memref_squeeze %dma_wait3A_460 : memref<1x1x1x128xi32, #tpu.memory_space<vmem>> -> memref<128xi32, #tpu.memory_space<vmem>>
          %dma_wait3A_462 = arith.constant 0 : i32
          %dma_wait3A_463 = arith.constant 0 : i32
          %dma_wait3A_464 = tpu.memref_slice %arg10[%dma_wait3A_462, %dma_wait3A_463] : memref<100096x16xf32, #tpu.memory_space<vmem_shared>> -> memref<100096x16xf32, #tpu.memory_space<vmem_shared>>
          tpu.wait_indirect_dma semaphore(%arg12 : memref<!tpu.dma_semaphore, #tpu.memory_space<semaphore_mem>>) src(%dma_wait3A_458 : memref<128x16xf32, #tpu.memory_space<vmem>>) dst(%dma_wait3A_464 : memref<100096x16xf32, #tpu.memory_space<vmem_shared>>)
          %dma_wait3A_465 = arith.constant 0 : i32
          %dma_wait3A_466 = arith.constant 3 : i32
          %dma_wait3A_467 = arith.constant 0 : i32
          %dma_wait3A_468 = arith.constant 1 : i32
          %dma_wait3A_469 = arith.constant 3 : i32
          %dma_wait3A_470 = arith.constant 0 : i32
          %dma_wait3A_471 = arith.constant 0 : i32
          %dma_wait3A_472 = tpu.memref_slice %arg9[%dma_wait3A_465, %dma_wait3A_466, %dma_wait3A_470, %dma_wait3A_471] : memref<2x5x128x16xf32, #tpu.memory_space<vmem>> -> memref<1x1x128x16xf32, #tpu.memory_space<vmem>>
          %dma_wait3A_473 = tpu.memref_squeeze %dma_wait3A_472 : memref<1x1x128x16xf32, #tpu.memory_space<vmem>> -> memref<128x16xf32, #tpu.memory_space<vmem>>
          %dma_wait3A_474 = arith.constant 0 : i32
          %dma_wait3A_475 = tpu.memref_slice %arg8[%dma_wait3A_467, %dma_wait3A_468, %dma_wait3A_469, %dma_wait3A_474] : memref<3x2x5x128xi32, #tpu.memory_space<vmem>> -> memref<1x1x1x128xi32, #tpu.memory_space<vmem>>
          %dma_wait3A_476 = tpu.memref_squeeze %dma_wait3A_475 : memref<1x1x1x128xi32, #tpu.memory_space<vmem>> -> memref<128xi32, #tpu.memory_space<vmem>>
          %dma_wait3A_477 = arith.constant 0 : i32
          %dma_wait3A_478 = arith.constant 0 : i32
          %dma_wait3A_479 = tpu.memref_slice %arg10[%dma_wait3A_477, %dma_wait3A_478] : memref<100096x16xf32, #tpu.memory_space<vmem_shared>> -> memref<100096x16xf32, #tpu.memory_space<vmem_shared>>
          tpu.wait_indirect_dma semaphore(%arg12 : memref<!tpu.dma_semaphore, #tpu.memory_space<semaphore_mem>>) src(%dma_wait3A_473 : memref<128x16xf32, #tpu.memory_space<vmem>>) dst(%dma_wait3A_479 : memref<100096x16xf32, #tpu.memory_space<vmem_shared>>)
          %dma_wait3A_480 = arith.constant 0 : i32
          %dma_wait3A_481 = arith.constant 4 : i32
          %dma_wait3A_482 = arith.constant 0 : i32
          %dma_wait3A_483 = arith.constant 1 : i32
          %dma_wait3A_484 = arith.constant 4 : i32
          %dma_wait3A_485 = arith.constant 0 : i32
          %dma_wait3A_486 = arith.constant 0 : i32
          %dma_wait3A_487 = tpu.memref_slice %arg9[%dma_wait3A_480, %dma_wait3A_481, %dma_wait3A_485, %dma_wait3A_486] : memref<2x5x128x16xf32, #tpu.memory_space<vmem>> -> memref<1x1x128x16xf32, #tpu.memory_space<vmem>>
          %dma_wait3A_488 = tpu.memref_squeeze %dma_wait3A_487 : memref<1x1x128x16xf32, #tpu.memory_space<vmem>> -> memref<128x16xf32, #tpu.memory_space<vmem>>
          %dma_wait3A_489 = arith.constant 0 : i32
          %dma_wait3A_490 = tpu.memref_slice %arg8[%dma_wait3A_482, %dma_wait3A_483, %dma_wait3A_484, %dma_wait3A_489] : memref<3x2x5x128xi32, #tpu.memory_space<vmem>> -> memref<1x1x1x128xi32, #tpu.memory_space<vmem>>
          %dma_wait3A_491 = tpu.memref_squeeze %dma_wait3A_490 : memref<1x1x1x128xi32, #tpu.memory_space<vmem>> -> memref<128xi32, #tpu.memory_space<vmem>>
          %dma_wait3A_492 = arith.constant 0 : i32
          %dma_wait3A_493 = arith.constant 0 : i32
          %dma_wait3A_494 = tpu.memref_slice %arg10[%dma_wait3A_492, %dma_wait3A_493] : memref<100096x16xf32, #tpu.memory_space<vmem_shared>> -> memref<100096x16xf32, #tpu.memory_space<vmem_shared>>
          tpu.wait_indirect_dma semaphore(%arg12 : memref<!tpu.dma_semaphore, #tpu.memory_space<semaphore_mem>>) src(%dma_wait3A_488 : memref<128x16xf32, #tpu.memory_space<vmem>>) dst(%dma_wait3A_494 : memref<100096x16xf32, #tpu.memory_space<vmem_shared>>)
        } else {
        }
        %add3A_408 = arith.constant 2 : i32
        %add3A_409 = arith.addi %while3A_264, %add3A_408 : i32
        %lt3A_410 = arith.cmpi slt, %add3A_409, %sub3A_64 : i32
        %convert_element_type3A_411 = arith.extui %lt3A_410 : i1 to i32
        %cond3A_412 = arith.constant 0 : i32
        %cond3A_413 = arith.cmpi ne, %convert_element_type3A_411, %cond3A_412 : i32
        scf.if %cond3A_413 {
          %add3A_420 = arith.constant 2 : i32
          %add3A_421 = arith.addi %while3A_264, %add3A_420 : i32
          %rem3A_422 = arith.constant 3 : i32
          %rem3A_423 = arith.remsi %add3A_421, %rem3A_422 : i32
          %add3A_424 = arith.addi %select_n3A, %add3A_421 : i32
          %mul3A_425 = arith.constant 5 : i32
          %mul3A_426 = arith.muli %add3A_424, %mul3A_425 : i32
          %dma_start3A_427 = arith.constant 0 : i32
          %dma_start3A_428 = arith.constant 0 : i32
          %dma_start3A_429 = arith.constant 0 : i32
          %dma_start3A_430 = arith.constant 0 : i32
          %dma_start3A_431 = tpu.memref_slice %arg8[%rem3A_423, %dma_start3A_428, %dma_start3A_429, %dma_start3A_430] : memref<3x2x5x128xi32, #tpu.memory_space<vmem>> -> memref<1x1x5x128xi32, #tpu.memory_space<vmem>>
          %dma_start3A_432 = tpu.memref_squeeze %dma_start3A_431 : memref<1x1x5x128xi32, #tpu.memory_space<vmem>> -> memref<5x128xi32, #tpu.memory_space<vmem>>
          %dma_start3A_433 = arith.constant 0 : i32
          %dma_start3A_434 = tpu.memref_slice %arg4[%dma_start3A_427, %mul3A_426, %dma_start3A_433] : memref<2x50000x128xi32, #tpu.memory_space<hbm>> -> memref<1x5x128xi32, #tpu.memory_space<hbm>>
          %dma_start3A_435 = tpu.memref_squeeze %dma_start3A_434 : memref<1x5x128xi32, #tpu.memory_space<hbm>> -> memref<5x128xi32, #tpu.memory_space<hbm>>
          %dma_start3A_436 = arith.constant 0 : i32
          %dma_start3A_437 = arith.constant 0 : i32
          %dma_start3A_438 = tpu.memref_slice %arg8[%rem3A_423, %dma_start3A_428, %dma_start3A_436, %dma_start3A_437] : memref<3x2x5x128xi32, #tpu.memory_space<vmem>> -> memref<1x1x5x128xi32, #tpu.memory_space<vmem>>
          %dma_start3A_439 = tpu.memref_squeeze %dma_start3A_438 : memref<1x1x5x128xi32, #tpu.memory_space<vmem>> -> memref<5x128xi32, #tpu.memory_space<vmem>>
          %dma_start3A_440 = arith.constant 0 : i32
          %dma_start3A_441 = tpu.memref_slice %arg4[%dma_start3A_427, %mul3A_426, %dma_start3A_440] : memref<2x50000x128xi32, #tpu.memory_space<hbm>> -> memref<1x5x128xi32, #tpu.memory_space<hbm>>
          %dma_start3A_442 = tpu.memref_squeeze %dma_start3A_441 : memref<1x5x128xi32, #tpu.memory_space<hbm>> -> memref<5x128xi32, #tpu.memory_space<hbm>>
          tpu.enqueue_dma source(%dma_start3A_442 : memref<5x128xi32, #tpu.memory_space<hbm>>) target(%dma_start3A_439 : memref<5x128xi32, #tpu.memory_space<vmem>>) target_semaphore(%arg13 : memref<!tpu.dma_semaphore, #tpu.memory_space<semaphore_mem>>)
          %dma_start3A_443 = arith.constant 1 : i32
          %dma_start3A_444 = arith.constant 1 : i32
          %dma_start3A_445 = arith.constant 0 : i32
          %dma_start3A_446 = arith.constant 0 : i32
          %dma_start3A_447 = tpu.memref_slice %arg8[%rem3A_423, %dma_start3A_444, %dma_start3A_445, %dma_start3A_446] : memref<3x2x5x128xi32, #tpu.memory_space<vmem>> -> memref<1x1x5x128xi32, #tpu.memory_space<vmem>>
          %dma_start3A_448 = tpu.memref_squeeze %dma_start3A_447 : memref<1x1x5x128xi32, #tpu.memory_space<vmem>> -> memref<5x128xi32, #tpu.memory_space<vmem>>
          %dma_start3A_449 = arith.constant 0 : i32
          %dma_start3A_450 = tpu.memref_slice %arg4[%dma_start3A_443, %mul3A_426, %dma_start3A_449] : memref<2x50000x128xi32, #tpu.memory_space<hbm>> -> memref<1x5x128xi32, #tpu.memory_space<hbm>>
          %dma_start3A_451 = tpu.memref_squeeze %dma_start3A_450 : memref<1x5x128xi32, #tpu.memory_space<hbm>> -> memref<5x128xi32, #tpu.memory_space<hbm>>
          %dma_start3A_452 = arith.constant 0 : i32
          %dma_start3A_453 = arith.constant 0 : i32
          %dma_start3A_454 = tpu.memref_slice %arg8[%rem3A_423, %dma_start3A_444, %dma_start3A_452, %dma_start3A_453] : memref<3x2x5x128xi32, #tpu.memory_space<vmem>> -> memref<1x1x5x128xi32, #tpu.memory_space<vmem>>
          %dma_start3A_455 = tpu.memref_squeeze %dma_start3A_454 : memref<1x1x5x128xi32, #tpu.memory_space<vmem>> -> memref<5x128xi32, #tpu.memory_space<vmem>>
          %dma_start3A_456 = arith.constant 0 : i32
          %dma_start3A_457 = tpu.memref_slice %arg4[%dma_start3A_443, %mul3A_426, %dma_start3A_456] : memref<2x50000x128xi32, #tpu.memory_space<hbm>> -> memref<1x5x128xi32, #tpu.memory_space<hbm>>
          %dma_start3A_458 = tpu.memref_squeeze %dma_start3A_457 : memref<1x5x128xi32, #tpu.memory_space<hbm>> -> memref<5x128xi32, #tpu.memory_space<hbm>>
          tpu.enqueue_dma source(%dma_start3A_458 : memref<5x128xi32, #tpu.memory_space<hbm>>) target(%dma_start3A_455 : memref<5x128xi32, #tpu.memory_space<vmem>>) target_semaphore(%arg13 : memref<!tpu.dma_semaphore, #tpu.memory_space<semaphore_mem>>)
        } else {
        }
        %add3A_414 = arith.constant 1 : i32
        %add3A_415 = arith.addi %while3A_264, %add3A_414 : i32
        %lt3A_416 = arith.cmpi slt, %add3A_415, %sub3A_64 : i32
        %convert_element_type3A_417 = arith.extui %lt3A_416 : i1 to i32
        %cond3A_418 = arith.constant 0 : i32
        %cond3A_419 = arith.cmpi ne, %convert_element_type3A_417, %cond3A_418 : i32
        scf.if %cond3A_419 {
          %add3A_420 = arith.constant 1 : i32
          %add3A_421 = arith.addi %while3A_264, %add3A_420 : i32
          %rem3A_422 = arith.constant 3 : i32
          %rem3A_423 = arith.remsi %add3A_421, %rem3A_422 : i32
          %rem3A_424 = arith.constant 2 : i32
          %rem3A_425 = arith.remsi %add3A_421, %rem3A_424 : i32
          %dma_start3A_426 = arith.constant 0 : i32
          %dma_start3A_427 = arith.constant 0 : i32
          %dma_start3A_428 = arith.constant 0 : i32
          %dma_start3A_429 = arith.constant 0 : i32
          %dma_start3A_430 = arith.constant 0 : i32
          %dma_start3A_431 = tpu.memref_slice %arg9[%rem3A_425, %dma_start3A_428, %dma_start3A_429, %dma_start3A_430] : memref<2x5x128x16xf32, #tpu.memory_space<vmem>> -> memref<1x1x128x16xf32, #tpu.memory_space<vmem>>
          %dma_start3A_432 = tpu.memref_squeeze %dma_start3A_431 : memref<1x1x128x16xf32, #tpu.memory_space<vmem>> -> memref<128x16xf32, #tpu.memory_space<vmem>>
          %dma_start3A_433 = arith.constant 0 : i32
          %dma_start3A_434 = tpu.memref_slice %arg8[%rem3A_423, %dma_start3A_426, %dma_start3A_427, %dma_start3A_433] : memref<3x2x5x128xi32, #tpu.memory_space<vmem>> -> memref<1x1x1x128xi32, #tpu.memory_space<vmem>>
          %dma_start3A_435 = tpu.memref_squeeze %dma_start3A_434 : memref<1x1x1x128xi32, #tpu.memory_space<vmem>> -> memref<128xi32, #tpu.memory_space<vmem>>
          %dma_start3A_436 = arith.constant 0 : i32
          %dma_start3A_437 = arith.constant 0 : i32
          %dma_start3A_438 = tpu.memref_slice %arg3[%dma_start3A_436, %dma_start3A_437] : memref<100000x16xf32, #tpu.memory_space<hbm>> -> memref<100000x16xf32, #tpu.memory_space<hbm>>
          tpu.enqueue_indirect_dma source(%dma_start3A_438 : memref<100000x16xf32, #tpu.memory_space<hbm>>) target(%dma_start3A_432 : memref<128x16xf32, #tpu.memory_space<vmem>>) offsets(%dma_start3A_435 : memref<128xi32, #tpu.memory_space<vmem>>) semaphore(%arg11 : memref<!tpu.dma_semaphore, #tpu.memory_space<semaphore_mem>>)
          %dma_start3A_439 = arith.constant 0 : i32
          %dma_start3A_440 = arith.constant 1 : i32
          %dma_start3A_441 = arith.constant 1 : i32
          %dma_start3A_442 = arith.constant 0 : i32
          %dma_start3A_443 = arith.constant 0 : i32
          %dma_start3A_444 = tpu.memref_slice %arg9[%rem3A_425, %dma_start3A_441, %dma_start3A_442, %dma_start3A_443] : memref<2x5x128x16xf32, #tpu.memory_space<vmem>> -> memref<1x1x128x16xf32, #tpu.memory_space<vmem>>
          %dma_start3A_445 = tpu.memref_squeeze %dma_start3A_444 : memref<1x1x128x16xf32, #tpu.memory_space<vmem>> -> memref<128x16xf32, #tpu.memory_space<vmem>>
          %dma_start3A_446 = arith.constant 0 : i32
          %dma_start3A_447 = tpu.memref_slice %arg8[%rem3A_423, %dma_start3A_439, %dma_start3A_440, %dma_start3A_446] : memref<3x2x5x128xi32, #tpu.memory_space<vmem>> -> memref<1x1x1x128xi32, #tpu.memory_space<vmem>>
          %dma_start3A_448 = tpu.memref_squeeze %dma_start3A_447 : memref<1x1x1x128xi32, #tpu.memory_space<vmem>> -> memref<128xi32, #tpu.memory_space<vmem>>
          %dma_start3A_449 = arith.constant 0 : i32
          %dma_start3A_450 = arith.constant 0 : i32
          %dma_start3A_451 = tpu.memref_slice %arg3[%dma_start3A_449, %dma_start3A_450] : memref<100000x16xf32, #tpu.memory_space<hbm>> -> memref<100000x16xf32, #tpu.memory_space<hbm>>
          tpu.enqueue_indirect_dma source(%dma_start3A_451 : memref<100000x16xf32, #tpu.memory_space<hbm>>) target(%dma_start3A_445 : memref<128x16xf32, #tpu.memory_space<vmem>>) offsets(%dma_start3A_448 : memref<128xi32, #tpu.memory_space<vmem>>) semaphore(%arg11 : memref<!tpu.dma_semaphore, #tpu.memory_space<semaphore_mem>>)
          %dma_start3A_452 = arith.constant 0 : i32
          %dma_start3A_453 = arith.constant 2 : i32
          %dma_start3A_454 = arith.constant 2 : i32
          %dma_start3A_455 = arith.constant 0 : i32
          %dma_start3A_456 = arith.constant 0 : i32
          %dma_start3A_457 = tpu.memref_slice %arg9[%rem3A_425, %dma_start3A_454, %dma_start3A_455, %dma_start3A_456] : memref<2x5x128x16xf32, #tpu.memory_space<vmem>> -> memref<1x1x128x16xf32, #tpu.memory_space<vmem>>
          %dma_start3A_458 = tpu.memref_squeeze %dma_start3A_457 : memref<1x1x128x16xf32, #tpu.memory_space<vmem>> -> memref<128x16xf32, #tpu.memory_space<vmem>>
          %dma_start3A_459 = arith.constant 0 : i32
          %dma_start3A_460 = tpu.memref_slice %arg8[%rem3A_423, %dma_start3A_452, %dma_start3A_453, %dma_start3A_459] : memref<3x2x5x128xi32, #tpu.memory_space<vmem>> -> memref<1x1x1x128xi32, #tpu.memory_space<vmem>>
          %dma_start3A_461 = tpu.memref_squeeze %dma_start3A_460 : memref<1x1x1x128xi32, #tpu.memory_space<vmem>> -> memref<128xi32, #tpu.memory_space<vmem>>
          %dma_start3A_462 = arith.constant 0 : i32
          %dma_start3A_463 = arith.constant 0 : i32
          %dma_start3A_464 = tpu.memref_slice %arg3[%dma_start3A_462, %dma_start3A_463] : memref<100000x16xf32, #tpu.memory_space<hbm>> -> memref<100000x16xf32, #tpu.memory_space<hbm>>
          tpu.enqueue_indirect_dma source(%dma_start3A_464 : memref<100000x16xf32, #tpu.memory_space<hbm>>) target(%dma_start3A_458 : memref<128x16xf32, #tpu.memory_space<vmem>>) offsets(%dma_start3A_461 : memref<128xi32, #tpu.memory_space<vmem>>) semaphore(%arg11 : memref<!tpu.dma_semaphore, #tpu.memory_space<semaphore_mem>>)
          %dma_start3A_465 = arith.constant 0 : i32
          %dma_start3A_466 = arith.constant 3 : i32
          %dma_start3A_467 = arith.constant 3 : i32
          %dma_start3A_468 = arith.constant 0 : i32
          %dma_start3A_469 = arith.constant 0 : i32
          %dma_start3A_470 = tpu.memref_slice %arg9[%rem3A_425, %dma_start3A_467, %dma_start3A_468, %dma_start3A_469] : memref<2x5x128x16xf32, #tpu.memory_space<vmem>> -> memref<1x1x128x16xf32, #tpu.memory_space<vmem>>
          %dma_start3A_471 = tpu.memref_squeeze %dma_start3A_470 : memref<1x1x128x16xf32, #tpu.memory_space<vmem>> -> memref<128x16xf32, #tpu.memory_space<vmem>>
          %dma_start3A_472 = arith.constant 0 : i32
          %dma_start3A_473 = tpu.memref_slice %arg8[%rem3A_423, %dma_start3A_465, %dma_start3A_466, %dma_start3A_472] : memref<3x2x5x128xi32, #tpu.memory_space<vmem>> -> memref<1x1x1x128xi32, #tpu.memory_space<vmem>>
          %dma_start3A_474 = tpu.memref_squeeze %dma_start3A_473 : memref<1x1x1x128xi32, #tpu.memory_space<vmem>> -> memref<128xi32, #tpu.memory_space<vmem>>
          %dma_start3A_475 = arith.constant 0 : i32
          %dma_start3A_476 = arith.constant 0 : i32
          %dma_start3A_477 = tpu.memref_slice %arg3[%dma_start3A_475, %dma_start3A_476] : memref<100000x16xf32, #tpu.memory_space<hbm>> -> memref<100000x16xf32, #tpu.memory_space<hbm>>
          tpu.enqueue_indirect_dma source(%dma_start3A_477 : memref<100000x16xf32, #tpu.memory_space<hbm>>) target(%dma_start3A_471 : memref<128x16xf32, #tpu.memory_space<vmem>>) offsets(%dma_start3A_474 : memref<128xi32, #tpu.memory_space<vmem>>) semaphore(%arg11 : memref<!tpu.dma_semaphore, #tpu.memory_space<semaphore_mem>>)
          %dma_start3A_478 = arith.constant 0 : i32
          %dma_start3A_479 = arith.constant 4 : i32
          %dma_start3A_480 = arith.constant 4 : i32
          %dma_start3A_481 = arith.constant 0 : i32
          %dma_start3A_482 = arith.constant 0 : i32
          %dma_start3A_483 = tpu.memref_slice %arg9[%rem3A_425, %dma_start3A_480, %dma_start3A_481, %dma_start3A_482] : memref<2x5x128x16xf32, #tpu.memory_space<vmem>> -> memref<1x1x128x16xf32, #tpu.memory_space<vmem>>
          %dma_start3A_484 = tpu.memref_squeeze %dma_start3A_483 : memref<1x1x128x16xf32, #tpu.memory_space<vmem>> -> memref<128x16xf32, #tpu.memory_space<vmem>>
          %dma_start3A_485 = arith.constant 0 : i32
          %dma_start3A_486 = tpu.memref_slice %arg8[%rem3A_423, %dma_start3A_478, %dma_start3A_479, %dma_start3A_485] : memref<3x2x5x128xi32, #tpu.memory_space<vmem>> -> memref<1x1x1x128xi32, #tpu.memory_space<vmem>>
          %dma_start3A_487 = tpu.memref_squeeze %dma_start3A_486 : memref<1x1x1x128xi32, #tpu.memory_space<vmem>> -> memref<128xi32, #tpu.memory_space<vmem>>
          %dma_start3A_488 = arith.constant 0 : i32
          %dma_start3A_489 = arith.constant 0 : i32
          %dma_start3A_490 = tpu.memref_slice %arg3[%dma_start3A_488, %dma_start3A_489] : memref<100000x16xf32, #tpu.memory_space<hbm>> -> memref<100000x16xf32, #tpu.memory_space<hbm>>
          tpu.enqueue_indirect_dma source(%dma_start3A_490 : memref<100000x16xf32, #tpu.memory_space<hbm>>) target(%dma_start3A_484 : memref<128x16xf32, #tpu.memory_space<vmem>>) offsets(%dma_start3A_487 : memref<128xi32, #tpu.memory_space<vmem>>) semaphore(%arg11 : memref<!tpu.dma_semaphore, #tpu.memory_space<semaphore_mem>>)
        } else {
        }
      }
      %while3A_189 = arith.constant 1 : i32
      scf.for %while3A_264 = %while3A_187 to %while3A_183 step %while3A_189  : i32 {
        %rem3A_265 = arith.constant 3 : i32
        %rem3A_266 = arith.remsi %while3A_264, %rem3A_265 : i32
        %rem3A_267 = arith.constant 2 : i32
        %rem3A_268 = arith.remsi %while3A_264, %rem3A_267 : i32
        %dma_wait3A_269 = arith.constant 0 : i32
        %dma_wait3A_270 = arith.constant 0 : i32
        %dma_wait3A_271 = arith.constant 0 : i32
        %dma_wait3A_272 = arith.constant 0 : i32
        %dma_wait3A_273 = arith.constant 0 : i32
        %dma_wait3A_274 = tpu.memref_slice %arg9[%rem3A_268, %dma_wait3A_271, %dma_wait3A_272, %dma_wait3A_273] : memref<2x5x128x16xf32, #tpu.memory_space<vmem>> -> memref<1x1x128x16xf32, #tpu.memory_space<vmem>>
        %dma_wait3A_275 = tpu.memref_squeeze %dma_wait3A_274 : memref<1x1x128x16xf32, #tpu.memory_space<vmem>> -> memref<128x16xf32, #tpu.memory_space<vmem>>
        %dma_wait3A_276 = arith.constant 0 : i32
        %dma_wait3A_277 = tpu.memref_slice %arg8[%rem3A_266, %dma_wait3A_269, %dma_wait3A_270, %dma_wait3A_276] : memref<3x2x5x128xi32, #tpu.memory_space<vmem>> -> memref<1x1x1x128xi32, #tpu.memory_space<vmem>>
        %dma_wait3A_278 = tpu.memref_squeeze %dma_wait3A_277 : memref<1x1x1x128xi32, #tpu.memory_space<vmem>> -> memref<128xi32, #tpu.memory_space<vmem>>
        %dma_wait3A_279 = arith.constant 0 : i32
        %dma_wait3A_280 = arith.constant 0 : i32
        %dma_wait3A_281 = tpu.memref_slice %arg3[%dma_wait3A_279, %dma_wait3A_280] : memref<100000x16xf32, #tpu.memory_space<hbm>> -> memref<100000x16xf32, #tpu.memory_space<hbm>>
        tpu.wait_indirect_dma semaphore(%arg11 : memref<!tpu.dma_semaphore, #tpu.memory_space<semaphore_mem>>) src(%dma_wait3A_281 : memref<100000x16xf32, #tpu.memory_space<hbm>>) dst(%dma_wait3A_275 : memref<128x16xf32, #tpu.memory_space<vmem>>)
        %dma_wait3A_282 = arith.constant 0 : i32
        %dma_wait3A_283 = arith.constant 1 : i32
        %dma_wait3A_284 = arith.constant 1 : i32
        %dma_wait3A_285 = arith.constant 0 : i32
        %dma_wait3A_286 = arith.constant 0 : i32
        %dma_wait3A_287 = tpu.memref_slice %arg9[%rem3A_268, %dma_wait3A_284, %dma_wait3A_285, %dma_wait3A_286] : memref<2x5x128x16xf32, #tpu.memory_space<vmem>> -> memref<1x1x128x16xf32, #tpu.memory_space<vmem>>
        %dma_wait3A_288 = tpu.memref_squeeze %dma_wait3A_287 : memref<1x1x128x16xf32, #tpu.memory_space<vmem>> -> memref<128x16xf32, #tpu.memory_space<vmem>>
        %dma_wait3A_289 = arith.constant 0 : i32
        %dma_wait3A_290 = tpu.memref_slice %arg8[%rem3A_266, %dma_wait3A_282, %dma_wait3A_283, %dma_wait3A_289] : memref<3x2x5x128xi32, #tpu.memory_space<vmem>> -> memref<1x1x1x128xi32, #tpu.memory_space<vmem>>
        %dma_wait3A_291 = tpu.memref_squeeze %dma_wait3A_290 : memref<1x1x1x128xi32, #tpu.memory_space<vmem>> -> memref<128xi32, #tpu.memory_space<vmem>>
        %dma_wait3A_292 = arith.constant 0 : i32
        %dma_wait3A_293 = arith.constant 0 : i32
        %dma_wait3A_294 = tpu.memref_slice %arg3[%dma_wait3A_292, %dma_wait3A_293] : memref<100000x16xf32, #tpu.memory_space<hbm>> -> memref<100000x16xf32, #tpu.memory_space<hbm>>
        tpu.wait_indirect_dma semaphore(%arg11 : memref<!tpu.dma_semaphore, #tpu.memory_space<semaphore_mem>>) src(%dma_wait3A_294 : memref<100000x16xf32, #tpu.memory_space<hbm>>) dst(%dma_wait3A_288 : memref<128x16xf32, #tpu.memory_space<vmem>>)
        %dma_wait3A_295 = arith.constant 0 : i32
        %dma_wait3A_296 = arith.constant 2 : i32
        %dma_wait3A_297 = arith.constant 2 : i32
        %dma_wait3A_298 = arith.constant 0 : i32
        %dma_wait3A_299 = arith.constant 0 : i32
        %dma_wait3A_300 = tpu.memref_slice %arg9[%rem3A_268, %dma_wait3A_297, %dma_wait3A_298, %dma_wait3A_299] : memref<2x5x128x16xf32, #tpu.memory_space<vmem>> -> memref<1x1x128x16xf32, #tpu.memory_space<vmem>>
        %dma_wait3A_301 = tpu.memref_squeeze %dma_wait3A_300 : memref<1x1x128x16xf32, #tpu.memory_space<vmem>> -> memref<128x16xf32, #tpu.memory_space<vmem>>
        %dma_wait3A_302 = arith.constant 0 : i32
        %dma_wait3A_303 = tpu.memref_slice %arg8[%rem3A_266, %dma_wait3A_295, %dma_wait3A_296, %dma_wait3A_302] : memref<3x2x5x128xi32, #tpu.memory_space<vmem>> -> memref<1x1x1x128xi32, #tpu.memory_space<vmem>>
        %dma_wait3A_304 = tpu.memref_squeeze %dma_wait3A_303 : memref<1x1x1x128xi32, #tpu.memory_space<vmem>> -> memref<128xi32, #tpu.memory_space<vmem>>
        %dma_wait3A_305 = arith.constant 0 : i32
        %dma_wait3A_306 = arith.constant 0 : i32
        %dma_wait3A_307 = tpu.memref_slice %arg3[%dma_wait3A_305, %dma_wait3A_306] : memref<100000x16xf32, #tpu.memory_space<hbm>> -> memref<100000x16xf32, #tpu.memory_space<hbm>>
        tpu.wait_indirect_dma semaphore(%arg11 : memref<!tpu.dma_semaphore, #tpu.memory_space<semaphore_mem>>) src(%dma_wait3A_307 : memref<100000x16xf32, #tpu.memory_space<hbm>>) dst(%dma_wait3A_301 : memref<128x16xf32, #tpu.memory_space<vmem>>)
        %dma_wait3A_308 = arith.constant 0 : i32
        %dma_wait3A_309 = arith.constant 3 : i32
        %dma_wait3A_310 = arith.constant 3 : i32
        %dma_wait3A_311 = arith.constant 0 : i32
        %dma_wait3A_312 = arith.constant 0 : i32
        %dma_wait3A_313 = tpu.memref_slice %arg9[%rem3A_268, %dma_wait3A_310, %dma_wait3A_311, %dma_wait3A_312] : memref<2x5x128x16xf32, #tpu.memory_space<vmem>> -> memref<1x1x128x16xf32, #tpu.memory_space<vmem>>
        %dma_wait3A_314 = tpu.memref_squeeze %dma_wait3A_313 : memref<1x1x128x16xf32, #tpu.memory_space<vmem>> -> memref<128x16xf32, #tpu.memory_space<vmem>>
        %dma_wait3A_315 = arith.constant 0 : i32
        %dma_wait3A_316 = tpu.memref_slice %arg8[%rem3A_266, %dma_wait3A_308, %dma_wait3A_309, %dma_wait3A_315] : memref<3x2x5x128xi32, #tpu.memory_space<vmem>> -> memref<1x1x1x128xi32, #tpu.memory_space<vmem>>
        %dma_wait3A_317 = tpu.memref_squeeze %dma_wait3A_316 : memref<1x1x1x128xi32, #tpu.memory_space<vmem>> -> memref<128xi32, #tpu.memory_space<vmem>>
        %dma_wait3A_318 = arith.constant 0 : i32
        %dma_wait3A_319 = arith.constant 0 : i32
        %dma_wait3A_320 = tpu.memref_slice %arg3[%dma_wait3A_318, %dma_wait3A_319] : memref<100000x16xf32, #tpu.memory_space<hbm>> -> memref<100000x16xf32, #tpu.memory_space<hbm>>
        tpu.wait_indirect_dma semaphore(%arg11 : memref<!tpu.dma_semaphore, #tpu.memory_space<semaphore_mem>>) src(%dma_wait3A_320 : memref<100000x16xf32, #tpu.memory_space<hbm>>) dst(%dma_wait3A_314 : memref<128x16xf32, #tpu.memory_space<vmem>>)
        %dma_wait3A_321 = arith.constant 0 : i32
        %dma_wait3A_322 = arith.constant 4 : i32
        %dma_wait3A_323 = arith.constant 4 : i32
        %dma_wait3A_324 = arith.constant 0 : i32
        %dma_wait3A_325 = arith.constant 0 : i32
        %dma_wait3A_326 = tpu.memref_slice %arg9[%rem3A_268, %dma_wait3A_323, %dma_wait3A_324, %dma_wait3A_325] : memref<2x5x128x16xf32, #tpu.memory_space<vmem>> -> memref<1x1x128x16xf32, #tpu.memory_space<vmem>>
        %dma_wait3A_327 = tpu.memref_squeeze %dma_wait3A_326 : memref<1x1x128x16xf32, #tpu.memory_space<vmem>> -> memref<128x16xf32, #tpu.memory_space<vmem>>
        %dma_wait3A_328 = arith.constant 0 : i32
        %dma_wait3A_329 = tpu.memref_slice %arg8[%rem3A_266, %dma_wait3A_321, %dma_wait3A_322, %dma_wait3A_328] : memref<3x2x5x128xi32, #tpu.memory_space<vmem>> -> memref<1x1x1x128xi32, #tpu.memory_space<vmem>>
        %dma_wait3A_330 = tpu.memref_squeeze %dma_wait3A_329 : memref<1x1x1x128xi32, #tpu.memory_space<vmem>> -> memref<128xi32, #tpu.memory_space<vmem>>
        %dma_wait3A_331 = arith.constant 0 : i32
        %dma_wait3A_332 = arith.constant 0 : i32
        %dma_wait3A_333 = tpu.memref_slice %arg3[%dma_wait3A_331, %dma_wait3A_332] : memref<100000x16xf32, #tpu.memory_space<hbm>> -> memref<100000x16xf32, #tpu.memory_space<hbm>>
        tpu.wait_indirect_dma semaphore(%arg11 : memref<!tpu.dma_semaphore, #tpu.memory_space<semaphore_mem>>) src(%dma_wait3A_333 : memref<100000x16xf32, #tpu.memory_space<hbm>>) dst(%dma_wait3A_327 : memref<128x16xf32, #tpu.memory_space<vmem>>)
        %dma_start3A_334 = arith.constant 0 : i32
        %dma_start3A_335 = arith.constant 1 : i32
        %dma_start3A_336 = arith.constant 0 : i32
        %dma_start3A_337 = arith.constant 0 : i32
        %dma_start3A_338 = arith.constant 0 : i32
        %dma_start3A_339 = tpu.memref_slice %arg9[%rem3A_268, %dma_start3A_334, %dma_start3A_337, %dma_start3A_338] : memref<2x5x128x16xf32, #tpu.memory_space<vmem>> -> memref<1x1x128x16xf32, #tpu.memory_space<vmem>>
        %dma_start3A_340 = tpu.memref_squeeze %dma_start3A_339 : memref<1x1x128x16xf32, #tpu.memory_space<vmem>> -> memref<128x16xf32, #tpu.memory_space<vmem>>
        %dma_start3A_341 = arith.constant 0 : i32
        %dma_start3A_342 = tpu.memref_slice %arg8[%rem3A_266, %dma_start3A_335, %dma_start3A_336, %dma_start3A_341] : memref<3x2x5x128xi32, #tpu.memory_space<vmem>> -> memref<1x1x1x128xi32, #tpu.memory_space<vmem>>
        %dma_start3A_343 = tpu.memref_squeeze %dma_start3A_342 : memref<1x1x1x128xi32, #tpu.memory_space<vmem>> -> memref<128xi32, #tpu.memory_space<vmem>>
        %dma_start3A_344 = arith.constant 0 : i32
        %dma_start3A_345 = arith.constant 0 : i32
        %dma_start3A_346 = tpu.memref_slice %arg10[%dma_start3A_344, %dma_start3A_345] : memref<100096x16xf32, #tpu.memory_space<vmem_shared>> -> memref<100096x16xf32, #tpu.memory_space<vmem_shared>>
        tpu.enqueue_indirect_dma source(%dma_start3A_340 : memref<128x16xf32, #tpu.memory_space<vmem>>) target(%dma_start3A_346 : memref<100096x16xf32, #tpu.memory_space<vmem_shared>>) offsets(%dma_start3A_343 : memref<128xi32, #tpu.memory_space<vmem>>) semaphore(%arg12 : memref<!tpu.dma_semaphore, #tpu.memory_space<semaphore_mem>>) {add = true}
        %dma_start3A_347 = arith.constant 1 : i32
        %dma_start3A_348 = arith.constant 1 : i32
        %dma_start3A_349 = arith.constant 1 : i32
        %dma_start3A_350 = arith.constant 0 : i32
        %dma_start3A_351 = arith.constant 0 : i32
        %dma_start3A_352 = tpu.memref_slice %arg9[%rem3A_268, %dma_start3A_347, %dma_start3A_350, %dma_start3A_351] : memref<2x5x128x16xf32, #tpu.memory_space<vmem>> -> memref<1x1x128x16xf32, #tpu.memory_space<vmem>>
        %dma_start3A_353 = tpu.memref_squeeze %dma_start3A_352 : memref<1x1x128x16xf32, #tpu.memory_space<vmem>> -> memref<128x16xf32, #tpu.memory_space<vmem>>
        %dma_start3A_354 = arith.constant 0 : i32
        %dma_start3A_355 = tpu.memref_slice %arg8[%rem3A_266, %dma_start3A_348, %dma_start3A_349, %dma_start3A_354] : memref<3x2x5x128xi32, #tpu.memory_space<vmem>> -> memref<1x1x1x128xi32, #tpu.memory_space<vmem>>
        %dma_start3A_356 = tpu.memref_squeeze %dma_start3A_355 : memref<1x1x1x128xi32, #tpu.memory_space<vmem>> -> memref<128xi32, #tpu.memory_space<vmem>>
        %dma_start3A_357 = arith.constant 0 : i32
        %dma_start3A_358 = arith.constant 0 : i32
        %dma_start3A_359 = tpu.memref_slice %arg10[%dma_start3A_357, %dma_start3A_358] : memref<100096x16xf32, #tpu.memory_space<vmem_shared>> -> memref<100096x16xf32, #tpu.memory_space<vmem_shared>>
        tpu.enqueue_indirect_dma source(%dma_start3A_353 : memref<128x16xf32, #tpu.memory_space<vmem>>) target(%dma_start3A_359 : memref<100096x16xf32, #tpu.memory_space<vmem_shared>>) offsets(%dma_start3A_356 : memref<128xi32, #tpu.memory_space<vmem>>) semaphore(%arg12 : memref<!tpu.dma_semaphore, #tpu.memory_space<semaphore_mem>>) {add = true}
        %dma_start3A_360 = arith.constant 2 : i32
        %dma_start3A_361 = arith.constant 1 : i32
        %dma_start3A_362 = arith.constant 2 : i32
        %dma_start3A_363 = arith.constant 0 : i32
        %dma_start3A_364 = arith.constant 0 : i32
        %dma_start3A_365 = tpu.memref_slice %arg9[%rem3A_268, %dma_start3A_360, %dma_start3A_363, %dma_start3A_364] : memref<2x5x128x16xf32, #tpu.memory_space<vmem>> -> memref<1x1x128x16xf32, #tpu.memory_space<vmem>>
        %dma_start3A_366 = tpu.memref_squeeze %dma_start3A_365 : memref<1x1x128x16xf32, #tpu.memory_space<vmem>> -> memref<128x16xf32, #tpu.memory_space<vmem>>
        %dma_start3A_367 = arith.constant 0 : i32
        %dma_start3A_368 = tpu.memref_slice %arg8[%rem3A_266, %dma_start3A_361, %dma_start3A_362, %dma_start3A_367] : memref<3x2x5x128xi32, #tpu.memory_space<vmem>> -> memref<1x1x1x128xi32, #tpu.memory_space<vmem>>
        %dma_start3A_369 = tpu.memref_squeeze %dma_start3A_368 : memref<1x1x1x128xi32, #tpu.memory_space<vmem>> -> memref<128xi32, #tpu.memory_space<vmem>>
        %dma_start3A_370 = arith.constant 0 : i32
        %dma_start3A_371 = arith.constant 0 : i32
        %dma_start3A_372 = tpu.memref_slice %arg10[%dma_start3A_370, %dma_start3A_371] : memref<100096x16xf32, #tpu.memory_space<vmem_shared>> -> memref<100096x16xf32, #tpu.memory_space<vmem_shared>>
        tpu.enqueue_indirect_dma source(%dma_start3A_366 : memref<128x16xf32, #tpu.memory_space<vmem>>) target(%dma_start3A_372 : memref<100096x16xf32, #tpu.memory_space<vmem_shared>>) offsets(%dma_start3A_369 : memref<128xi32, #tpu.memory_space<vmem>>) semaphore(%arg12 : memref<!tpu.dma_semaphore, #tpu.memory_space<semaphore_mem>>) {add = true}
        %dma_start3A_373 = arith.constant 3 : i32
        %dma_start3A_374 = arith.constant 1 : i32
        %dma_start3A_375 = arith.constant 3 : i32
        %dma_start3A_376 = arith.constant 0 : i32
        %dma_start3A_377 = arith.constant 0 : i32
        %dma_start3A_378 = tpu.memref_slice %arg9[%rem3A_268, %dma_start3A_373, %dma_start3A_376, %dma_start3A_377] : memref<2x5x128x16xf32, #tpu.memory_space<vmem>> -> memref<1x1x128x16xf32, #tpu.memory_space<vmem>>
        %dma_start3A_379 = tpu.memref_squeeze %dma_start3A_378 : memref<1x1x128x16xf32, #tpu.memory_space<vmem>> -> memref<128x16xf32, #tpu.memory_space<vmem>>
        %dma_start3A_380 = arith.constant 0 : i32
        %dma_start3A_381 = tpu.memref_slice %arg8[%rem3A_266, %dma_start3A_374, %dma_start3A_375, %dma_start3A_380] : memref<3x2x5x128xi32, #tpu.memory_space<vmem>> -> memref<1x1x1x128xi32, #tpu.memory_space<vmem>>
        %dma_start3A_382 = tpu.memref_squeeze %dma_start3A_381 : memref<1x1x1x128xi32, #tpu.memory_space<vmem>> -> memref<128xi32, #tpu.memory_space<vmem>>
        %dma_start3A_383 = arith.constant 0 : i32
        %dma_start3A_384 = arith.constant 0 : i32
        %dma_start3A_385 = tpu.memref_slice %arg10[%dma_start3A_383, %dma_start3A_384] : memref<100096x16xf32, #tpu.memory_space<vmem_shared>> -> memref<100096x16xf32, #tpu.memory_space<vmem_shared>>
        tpu.enqueue_indirect_dma source(%dma_start3A_379 : memref<128x16xf32, #tpu.memory_space<vmem>>) target(%dma_start3A_385 : memref<100096x16xf32, #tpu.memory_space<vmem_shared>>) offsets(%dma_start3A_382 : memref<128xi32, #tpu.memory_space<vmem>>) semaphore(%arg12 : memref<!tpu.dma_semaphore, #tpu.memory_space<semaphore_mem>>) {add = true}
        %dma_start3A_386 = arith.constant 4 : i32
        %dma_start3A_387 = arith.constant 1 : i32
        %dma_start3A_388 = arith.constant 4 : i32
        %dma_start3A_389 = arith.constant 0 : i32
        %dma_start3A_390 = arith.constant 0 : i32
        %dma_start3A_391 = tpu.memref_slice %arg9[%rem3A_268, %dma_start3A_386, %dma_start3A_389, %dma_start3A_390] : memref<2x5x128x16xf32, #tpu.memory_space<vmem>> -> memref<1x1x128x16xf32, #tpu.memory_space<vmem>>
        %dma_start3A_392 = tpu.memref_squeeze %dma_start3A_391 : memref<1x1x128x16xf32, #tpu.memory_space<vmem>> -> memref<128x16xf32, #tpu.memory_space<vmem>>
        %dma_start3A_393 = arith.constant 0 : i32
        %dma_start3A_394 = tpu.memref_slice %arg8[%rem3A_266, %dma_start3A_387, %dma_start3A_388, %dma_start3A_393] : memref<3x2x5x128xi32, #tpu.memory_space<vmem>> -> memref<1x1x1x128xi32, #tpu.memory_space<vmem>>
        %dma_start3A_395 = tpu.memref_squeeze %dma_start3A_394 : memref<1x1x1x128xi32, #tpu.memory_space<vmem>> -> memref<128xi32, #tpu.memory_space<vmem>>
        %dma_start3A_396 = arith.constant 0 : i32
        %dma_start3A_397 = arith.constant 0 : i32
        %dma_start3A_398 = tpu.memref_slice %arg10[%dma_start3A_396, %dma_start3A_397] : memref<100096x16xf32, #tpu.memory_space<vmem_shared>> -> memref<100096x16xf32, #tpu.memory_space<vmem_shared>>
        tpu.enqueue_indirect_dma source(%dma_start3A_392 : memref<128x16xf32, #tpu.memory_space<vmem>>) target(%dma_start3A_398 : memref<100096x16xf32, #tpu.memory_space<vmem_shared>>) offsets(%dma_start3A_395 : memref<128xi32, #tpu.memory_space<vmem>>) semaphore(%arg12 : memref<!tpu.dma_semaphore, #tpu.memory_space<semaphore_mem>>) {add = true}
        %add3A_399 = arith.constant 1 : i32
        %add3A_400 = arith.addi %while3A_264, %add3A_399 : i32
        %lt3A = arith.cmpi slt, %add3A_400, %sub3A_64 : i32
        %convert_element_type3A_401 = arith.extui %lt3A : i1 to i32
        %cond3A_402 = arith.constant 0 : i32
        %cond3A_403 = arith.cmpi ne, %convert_element_type3A_401, %cond3A_402 : i32
        scf.if %cond3A_403 {
          %dma_wait3A_420 = arith.constant 0 : i32
          %dma_wait3A_421 = arith.constant 0 : i32
          %dma_wait3A_422 = arith.constant 0 : i32
          %dma_wait3A_423 = arith.constant 0 : i32
          %dma_wait3A_424 = arith.constant 0 : i32
          %dma_wait3A_425 = tpu.memref_slice %arg8[%dma_wait3A_421, %dma_wait3A_422, %dma_wait3A_423, %dma_wait3A_424] : memref<3x2x5x128xi32, #tpu.memory_space<vmem>> -> memref<1x1x5x128xi32, #tpu.memory_space<vmem>>
          %dma_wait3A_426 = tpu.memref_squeeze %dma_wait3A_425 : memref<1x1x5x128xi32, #tpu.memory_space<vmem>> -> memref<5x128xi32, #tpu.memory_space<vmem>>
          %dma_wait3A_427 = arith.constant 0 : i32
          %dma_wait3A_428 = tpu.memref_slice %arg4[%dma_wait3A_420, %mul3A_66, %dma_wait3A_427] : memref<2x50000x128xi32, #tpu.memory_space<hbm>> -> memref<1x5x128xi32, #tpu.memory_space<hbm>>
          %dma_wait3A_429 = tpu.memref_squeeze %dma_wait3A_428 : memref<1x5x128xi32, #tpu.memory_space<hbm>> -> memref<5x128xi32, #tpu.memory_space<hbm>>
          %dma_wait3A_430 = arith.constant 0 : i32
          %dma_wait3A_431 = arith.constant 0 : i32
          %dma_wait3A_432 = tpu.memref_slice %arg8[%dma_wait3A_421, %dma_wait3A_422, %dma_wait3A_430, %dma_wait3A_431] : memref<3x2x5x128xi32, #tpu.memory_space<vmem>> -> memref<1x1x5x128xi32, #tpu.memory_space<vmem>>
          %dma_wait3A_433 = tpu.memref_squeeze %dma_wait3A_432 : memref<1x1x5x128xi32, #tpu.memory_space<vmem>> -> memref<5x128xi32, #tpu.memory_space<vmem>>
          %dma_wait3A_434 = arith.constant 0 : i32
          %dma_wait3A_435 = tpu.memref_slice %arg4[%dma_wait3A_420, %mul3A_66, %dma_wait3A_434] : memref<2x50000x128xi32, #tpu.memory_space<hbm>> -> memref<1x5x128xi32, #tpu.memory_space<hbm>>
          %dma_wait3A_436 = tpu.memref_squeeze %dma_wait3A_435 : memref<1x5x128xi32, #tpu.memory_space<hbm>> -> memref<5x128xi32, #tpu.memory_space<hbm>>
          tpu.wait_dma2 semaphore(%arg13 : memref<!tpu.dma_semaphore, #tpu.memory_space<semaphore_mem>>) src(%dma_wait3A_436 : memref<5x128xi32, #tpu.memory_space<hbm>>) dst(%dma_wait3A_433 : memref<5x128xi32, #tpu.memory_space<vmem>>)
          %dma_wait3A_437 = arith.constant 1 : i32
          %dma_wait3A_438 = arith.constant 0 : i32
          %dma_wait3A_439 = arith.constant 1 : i32
          %dma_wait3A_440 = arith.constant 0 : i32
          %dma_wait3A_441 = arith.constant 0 : i32
          %dma_wait3A_442 = tpu.memref_slice %arg8[%dma_wait3A_438, %dma_wait3A_439, %dma_wait3A_440, %dma_wait3A_441] : memref<3x2x5x128xi32, #tpu.memory_space<vmem>> -> memref<1x1x5x128xi32, #tpu.memory_space<vmem>>
          %dma_wait3A_443 = tpu.memref_squeeze %dma_wait3A_442 : memref<1x1x5x128xi32, #tpu.memory_space<vmem>> -> memref<5x128xi32, #tpu.memory_space<vmem>>
          %dma_wait3A_444 = arith.constant 0 : i32
          %dma_wait3A_445 = tpu.memref_slice %arg4[%dma_wait3A_437, %mul3A_66, %dma_wait3A_444] : memref<2x50000x128xi32, #tpu.memory_space<hbm>> -> memref<1x5x128xi32, #tpu.memory_space<hbm>>
          %dma_wait3A_446 = tpu.memref_squeeze %dma_wait3A_445 : memref<1x5x128xi32, #tpu.memory_space<hbm>> -> memref<5x128xi32, #tpu.memory_space<hbm>>
          %dma_wait3A_447 = arith.constant 0 : i32
          %dma_wait3A_448 = arith.constant 0 : i32
          %dma_wait3A_449 = tpu.memref_slice %arg8[%dma_wait3A_438, %dma_wait3A_439, %dma_wait3A_447, %dma_wait3A_448] : memref<3x2x5x128xi32, #tpu.memory_space<vmem>> -> memref<1x1x5x128xi32, #tpu.memory_space<vmem>>
          %dma_wait3A_450 = tpu.memref_squeeze %dma_wait3A_449 : memref<1x1x5x128xi32, #tpu.memory_space<vmem>> -> memref<5x128xi32, #tpu.memory_space<vmem>>
          %dma_wait3A_451 = arith.constant 0 : i32
          %dma_wait3A_452 = tpu.memref_slice %arg4[%dma_wait3A_437, %mul3A_66, %dma_wait3A_451] : memref<2x50000x128xi32, #tpu.memory_space<hbm>> -> memref<1x5x128xi32, #tpu.memory_space<hbm>>
          %dma_wait3A_453 = tpu.memref_squeeze %dma_wait3A_452 : memref<1x5x128xi32, #tpu.memory_space<hbm>> -> memref<5x128xi32, #tpu.memory_space<hbm>>
          tpu.wait_dma2 semaphore(%arg13 : memref<!tpu.dma_semaphore, #tpu.memory_space<semaphore_mem>>) src(%dma_wait3A_453 : memref<5x128xi32, #tpu.memory_space<hbm>>) dst(%dma_wait3A_450 : memref<5x128xi32, #tpu.memory_space<vmem>>)
        } else {
        }
        %ge3A = arith.constant 1 : i32
        %ge3A_404 = arith.cmpi sge, %while3A_264, %ge3A : i32
        %convert_element_type3A_405 = arith.extui %ge3A_404 : i1 to i32
        %cond3A_406 = arith.constant 0 : i32
        %cond3A_407 = arith.cmpi ne, %convert_element_type3A_405, %cond3A_406 : i32
        scf.if %cond3A_407 {
          %dma_wait3A_420 = arith.constant 0 : i32
          %dma_wait3A_421 = arith.constant 0 : i32
          %dma_wait3A_422 = arith.constant 0 : i32
          %dma_wait3A_423 = arith.constant 1 : i32
          %dma_wait3A_424 = arith.constant 0 : i32
          %dma_wait3A_425 = arith.constant 0 : i32
          %dma_wait3A_426 = arith.constant 0 : i32
          %dma_wait3A_427 = tpu.memref_slice %arg9[%dma_wait3A_420, %dma_wait3A_421, %dma_wait3A_425, %dma_wait3A_426] : memref<2x5x128x16xf32, #tpu.memory_space<vmem>> -> memref<1x1x128x16xf32, #tpu.memory_space<vmem>>
          %dma_wait3A_428 = tpu.memref_squeeze %dma_wait3A_427 : memref<1x1x128x16xf32, #tpu.memory_space<vmem>> -> memref<128x16xf32, #tpu.memory_space<vmem>>
          %dma_wait3A_429 = arith.constant 0 : i32
          %dma_wait3A_430 = tpu.memref_slice %arg8[%dma_wait3A_422, %dma_wait3A_423, %dma_wait3A_424, %dma_wait3A_429] : memref<3x2x5x128xi32, #tpu.memory_space<vmem>> -> memref<1x1x1x128xi32, #tpu.memory_space<vmem>>
          %dma_wait3A_431 = tpu.memref_squeeze %dma_wait3A_430 : memref<1x1x1x128xi32, #tpu.memory_space<vmem>> -> memref<128xi32, #tpu.memory_space<vmem>>
          %dma_wait3A_432 = arith.constant 0 : i32
          %dma_wait3A_433 = arith.constant 0 : i32
          %dma_wait3A_434 = tpu.memref_slice %arg10[%dma_wait3A_432, %dma_wait3A_433] : memref<100096x16xf32, #tpu.memory_space<vmem_shared>> -> memref<100096x16xf32, #tpu.memory_space<vmem_shared>>
          tpu.wait_indirect_dma semaphore(%arg12 : memref<!tpu.dma_semaphore, #tpu.memory_space<semaphore_mem>>) src(%dma_wait3A_428 : memref<128x16xf32, #tpu.memory_space<vmem>>) dst(%dma_wait3A_434 : memref<100096x16xf32, #tpu.memory_space<vmem_shared>>)
          %dma_wait3A_435 = arith.constant 0 : i32
          %dma_wait3A_436 = arith.constant 1 : i32
          %dma_wait3A_437 = arith.constant 0 : i32
          %dma_wait3A_438 = arith.constant 1 : i32
          %dma_wait3A_439 = arith.constant 1 : i32
          %dma_wait3A_440 = arith.constant 0 : i32
          %dma_wait3A_441 = arith.constant 0 : i32
          %dma_wait3A_442 = tpu.memref_slice %arg9[%dma_wait3A_435, %dma_wait3A_436, %dma_wait3A_440, %dma_wait3A_441] : memref<2x5x128x16xf32, #tpu.memory_space<vmem>> -> memref<1x1x128x16xf32, #tpu.memory_space<vmem>>
          %dma_wait3A_443 = tpu.memref_squeeze %dma_wait3A_442 : memref<1x1x128x16xf32, #tpu.memory_space<vmem>> -> memref<128x16xf32, #tpu.memory_space<vmem>>
          %dma_wait3A_444 = arith.constant 0 : i32
          %dma_wait3A_445 = tpu.memref_slice %arg8[%dma_wait3A_437, %dma_wait3A_438, %dma_wait3A_439, %dma_wait3A_444] : memref<3x2x5x128xi32, #tpu.memory_space<vmem>> -> memref<1x1x1x128xi32, #tpu.memory_space<vmem>>
          %dma_wait3A_446 = tpu.memref_squeeze %dma_wait3A_445 : memref<1x1x1x128xi32, #tpu.memory_space<vmem>> -> memref<128xi32, #tpu.memory_space<vmem>>
          %dma_wait3A_447 = arith.constant 0 : i32
          %dma_wait3A_448 = arith.constant 0 : i32
          %dma_wait3A_449 = tpu.memref_slice %arg10[%dma_wait3A_447, %dma_wait3A_448] : memref<100096x16xf32, #tpu.memory_space<vmem_shared>> -> memref<100096x16xf32, #tpu.memory_space<vmem_shared>>
          tpu.wait_indirect_dma semaphore(%arg12 : memref<!tpu.dma_semaphore, #tpu.memory_space<semaphore_mem>>) src(%dma_wait3A_443 : memref<128x16xf32, #tpu.memory_space<vmem>>) dst(%dma_wait3A_449 : memref<100096x16xf32, #tpu.memory_space<vmem_shared>>)
          %dma_wait3A_450 = arith.constant 0 : i32
          %dma_wait3A_451 = arith.constant 2 : i32
          %dma_wait3A_452 = arith.constant 0 : i32
          %dma_wait3A_453 = arith.constant 1 : i32
          %dma_wait3A_454 = arith.constant 2 : i32
          %dma_wait3A_455 = arith.constant 0 : i32
          %dma_wait3A_456 = arith.constant 0 : i32
          %dma_wait3A_457 = tpu.memref_slice %arg9[%dma_wait3A_450, %dma_wait3A_451, %dma_wait3A_455, %dma_wait3A_456] : memref<2x5x128x16xf32, #tpu.memory_space<vmem>> -> memref<1x1x128x16xf32, #tpu.memory_space<vmem>>
          %dma_wait3A_458 = tpu.memref_squeeze %dma_wait3A_457 : memref<1x1x128x16xf32, #tpu.memory_space<vmem>> -> memref<128x16xf32, #tpu.memory_space<vmem>>
          %dma_wait3A_459 = arith.constant 0 : i32
          %dma_wait3A_460 = tpu.memref_slice %arg8[%dma_wait3A_452, %dma_wait3A_453, %dma_wait3A_454, %dma_wait3A_459] : memref<3x2x5x128xi32, #tpu.memory_space<vmem>> -> memref<1x1x1x128xi32, #tpu.memory_space<vmem>>
          %dma_wait3A_461 = tpu.memref_squeeze %dma_wait3A_460 : memref<1x1x1x128xi32, #tpu.memory_space<vmem>> -> memref<128xi32, #tpu.memory_space<vmem>>
          %dma_wait3A_462 = arith.constant 0 : i32
          %dma_wait3A_463 = arith.constant 0 : i32
          %dma_wait3A_464 = tpu.memref_slice %arg10[%dma_wait3A_462, %dma_wait3A_463] : memref<100096x16xf32, #tpu.memory_space<vmem_shared>> -> memref<100096x16xf32, #tpu.memory_space<vmem_shared>>
          tpu.wait_indirect_dma semaphore(%arg12 : memref<!tpu.dma_semaphore, #tpu.memory_space<semaphore_mem>>) src(%dma_wait3A_458 : memref<128x16xf32, #tpu.memory_space<vmem>>) dst(%dma_wait3A_464 : memref<100096x16xf32, #tpu.memory_space<vmem_shared>>)
          %dma_wait3A_465 = arith.constant 0 : i32
          %dma_wait3A_466 = arith.constant 3 : i32
          %dma_wait3A_467 = arith.constant 0 : i32
          %dma_wait3A_468 = arith.constant 1 : i32
          %dma_wait3A_469 = arith.constant 3 : i32
          %dma_wait3A_470 = arith.constant 0 : i32
          %dma_wait3A_471 = arith.constant 0 : i32
          %dma_wait3A_472 = tpu.memref_slice %arg9[%dma_wait3A_465, %dma_wait3A_466, %dma_wait3A_470, %dma_wait3A_471] : memref<2x5x128x16xf32, #tpu.memory_space<vmem>> -> memref<1x1x128x16xf32, #tpu.memory_space<vmem>>
          %dma_wait3A_473 = tpu.memref_squeeze %dma_wait3A_472 : memref<1x1x128x16xf32, #tpu.memory_space<vmem>> -> memref<128x16xf32, #tpu.memory_space<vmem>>
          %dma_wait3A_474 = arith.constant 0 : i32
          %dma_wait3A_475 = tpu.memref_slice %arg8[%dma_wait3A_467, %dma_wait3A_468, %dma_wait3A_469, %dma_wait3A_474] : memref<3x2x5x128xi32, #tpu.memory_space<vmem>> -> memref<1x1x1x128xi32, #tpu.memory_space<vmem>>
          %dma_wait3A_476 = tpu.memref_squeeze %dma_wait3A_475 : memref<1x1x1x128xi32, #tpu.memory_space<vmem>> -> memref<128xi32, #tpu.memory_space<vmem>>
          %dma_wait3A_477 = arith.constant 0 : i32
          %dma_wait3A_478 = arith.constant 0 : i32
          %dma_wait3A_479 = tpu.memref_slice %arg10[%dma_wait3A_477, %dma_wait3A_478] : memref<100096x16xf32, #tpu.memory_space<vmem_shared>> -> memref<100096x16xf32, #tpu.memory_space<vmem_shared>>
          tpu.wait_indirect_dma semaphore(%arg12 : memref<!tpu.dma_semaphore, #tpu.memory_space<semaphore_mem>>) src(%dma_wait3A_473 : memref<128x16xf32, #tpu.memory_space<vmem>>) dst(%dma_wait3A_479 : memref<100096x16xf32, #tpu.memory_space<vmem_shared>>)
          %dma_wait3A_480 = arith.constant 0 : i32
          %dma_wait3A_481 = arith.constant 4 : i32
          %dma_wait3A_482 = arith.constant 0 : i32
          %dma_wait3A_483 = arith.constant 1 : i32
          %dma_wait3A_484 = arith.constant 4 : i32
          %dma_wait3A_485 = arith.constant 0 : i32
          %dma_wait3A_486 = arith.constant 0 : i32
          %dma_wait3A_487 = tpu.memref_slice %arg9[%dma_wait3A_480, %dma_wait3A_481, %dma_wait3A_485, %dma_wait3A_486] : memref<2x5x128x16xf32, #tpu.memory_space<vmem>> -> memref<1x1x128x16xf32, #tpu.memory_space<vmem>>
          %dma_wait3A_488 = tpu.memref_squeeze %dma_wait3A_487 : memref<1x1x128x16xf32, #tpu.memory_space<vmem>> -> memref<128x16xf32, #tpu.memory_space<vmem>>
          %dma_wait3A_489 = arith.constant 0 : i32
          %dma_wait3A_490 = tpu.memref_slice %arg8[%dma_wait3A_482, %dma_wait3A_483, %dma_wait3A_484, %dma_wait3A_489] : memref<3x2x5x128xi32, #tpu.memory_space<vmem>> -> memref<1x1x1x128xi32, #tpu.memory_space<vmem>>
          %dma_wait3A_491 = tpu.memref_squeeze %dma_wait3A_490 : memref<1x1x1x128xi32, #tpu.memory_space<vmem>> -> memref<128xi32, #tpu.memory_space<vmem>>
          %dma_wait3A_492 = arith.constant 0 : i32
          %dma_wait3A_493 = arith.constant 0 : i32
          %dma_wait3A_494 = tpu.memref_slice %arg10[%dma_wait3A_492, %dma_wait3A_493] : memref<100096x16xf32, #tpu.memory_space<vmem_shared>> -> memref<100096x16xf32, #tpu.memory_space<vmem_shared>>
          tpu.wait_indirect_dma semaphore(%arg12 : memref<!tpu.dma_semaphore, #tpu.memory_space<semaphore_mem>>) src(%dma_wait3A_488 : memref<128x16xf32, #tpu.memory_space<vmem>>) dst(%dma_wait3A_494 : memref<100096x16xf32, #tpu.memory_space<vmem_shared>>)
        } else {
        }
        %add3A_408 = arith.constant 2 : i32
        %add3A_409 = arith.addi %while3A_264, %add3A_408 : i32
        %lt3A_410 = arith.cmpi slt, %add3A_409, %sub3A_64 : i32
        %convert_element_type3A_411 = arith.extui %lt3A_410 : i1 to i32
        %cond3A_412 = arith.constant 0 : i32
        %cond3A_413 = arith.cmpi ne, %convert_element_type3A_411, %cond3A_412 : i32
        scf.if %cond3A_413 {
          %add3A_420 = arith.constant 2 : i32
          %add3A_421 = arith.addi %while3A_264, %add3A_420 : i32
          %rem3A_422 = arith.constant 3 : i32
          %rem3A_423 = arith.remsi %add3A_421, %rem3A_422 : i32
          %add3A_424 = arith.addi %select_n3A, %add3A_421 : i32
          %mul3A_425 = arith.constant 5 : i32
          %mul3A_426 = arith.muli %add3A_424, %mul3A_425 : i32
          %dma_start3A_427 = arith.constant 0 : i32
          %dma_start3A_428 = arith.constant 0 : i32
          %dma_start3A_429 = arith.constant 0 : i32
          %dma_start3A_430 = arith.constant 0 : i32
          %dma_start3A_431 = tpu.memref_slice %arg8[%rem3A_423, %dma_start3A_428, %dma_start3A_429, %dma_start3A_430] : memref<3x2x5x128xi32, #tpu.memory_space<vmem>> -> memref<1x1x5x128xi32, #tpu.memory_space<vmem>>
          %dma_start3A_432 = tpu.memref_squeeze %dma_start3A_431 : memref<1x1x5x128xi32, #tpu.memory_space<vmem>> -> memref<5x128xi32, #tpu.memory_space<vmem>>
          %dma_start3A_433 = arith.constant 0 : i32
          %dma_start3A_434 = tpu.memref_slice %arg4[%dma_start3A_427, %mul3A_426, %dma_start3A_433] : memref<2x50000x128xi32, #tpu.memory_space<hbm>> -> memref<1x5x128xi32, #tpu.memory_space<hbm>>
          %dma_start3A_435 = tpu.memref_squeeze %dma_start3A_434 : memref<1x5x128xi32, #tpu.memory_space<hbm>> -> memref<5x128xi32, #tpu.memory_space<hbm>>
          %dma_start3A_436 = arith.constant 0 : i32
          %dma_start3A_437 = arith.constant 0 : i32
          %dma_start3A_438 = tpu.memref_slice %arg8[%rem3A_423, %dma_start3A_428, %dma_start3A_436, %dma_start3A_437] : memref<3x2x5x128xi32, #tpu.memory_space<vmem>> -> memref<1x1x5x128xi32, #tpu.memory_space<vmem>>
          %dma_start3A_439 = tpu.memref_squeeze %dma_start3A_438 : memref<1x1x5x128xi32, #tpu.memory_space<vmem>> -> memref<5x128xi32, #tpu.memory_space<vmem>>
          %dma_start3A_440 = arith.constant 0 : i32
          %dma_start3A_441 = tpu.memref_slice %arg4[%dma_start3A_427, %mul3A_426, %dma_start3A_440] : memref<2x50000x128xi32, #tpu.memory_space<hbm>> -> memref<1x5x128xi32, #tpu.memory_space<hbm>>
          %dma_start3A_442 = tpu.memref_squeeze %dma_start3A_441 : memref<1x5x128xi32, #tpu.memory_space<hbm>> -> memref<5x128xi32, #tpu.memory_space<hbm>>
          tpu.enqueue_dma source(%dma_start3A_442 : memref<5x128xi32, #tpu.memory_space<hbm>>) target(%dma_start3A_439 : memref<5x128xi32, #tpu.memory_space<vmem>>) target_semaphore(%arg13 : memref<!tpu.dma_semaphore, #tpu.memory_space<semaphore_mem>>)
          %dma_start3A_443 = arith.constant 1 : i32
          %dma_start3A_444 = arith.constant 1 : i32
          %dma_start3A_445 = arith.constant 0 : i32
          %dma_start3A_446 = arith.constant 0 : i32
          %dma_start3A_447 = tpu.memref_slice %arg8[%rem3A_423, %dma_start3A_444, %dma_start3A_445, %dma_start3A_446] : memref<3x2x5x128xi32, #tpu.memory_space<vmem>> -> memref<1x1x5x128xi32, #tpu.memory_space<vmem>>
          %dma_start3A_448 = tpu.memref_squeeze %dma_start3A_447 : memref<1x1x5x128xi32, #tpu.memory_space<vmem>> -> memref<5x128xi32, #tpu.memory_space<vmem>>
          %dma_start3A_449 = arith.constant 0 : i32
          %dma_start3A_450 = tpu.memref_slice %arg4[%dma_start3A_443, %mul3A_426, %dma_start3A_449] : memref<2x50000x128xi32, #tpu.memory_space<hbm>> -> memref<1x5x128xi32, #tpu.memory_space<hbm>>
          %dma_start3A_451 = tpu.memref_squeeze %dma_start3A_450 : memref<1x5x128xi32, #tpu.memory_space<hbm>> -> memref<5x128xi32, #tpu.memory_space<hbm>>
          %dma_start3A_452 = arith.constant 0 : i32
          %dma_start3A_453 = arith.constant 0 : i32
          %dma_start3A_454 = tpu.memref_slice %arg8[%rem3A_423, %dma_start3A_444, %dma_start3A_452, %dma_start3A_453] : memref<3x2x5x128xi32, #tpu.memory_space<vmem>> -> memref<1x1x5x128xi32, #tpu.memory_space<vmem>>
          %dma_start3A_455 = tpu.memref_squeeze %dma_start3A_454 : memref<1x1x5x128xi32, #tpu.memory_space<vmem>> -> memref<5x128xi32, #tpu.memory_space<vmem>>
          %dma_start3A_456 = arith.constant 0 : i32
          %dma_start3A_457 = tpu.memref_slice %arg4[%dma_start3A_443, %mul3A_426, %dma_start3A_456] : memref<2x50000x128xi32, #tpu.memory_space<hbm>> -> memref<1x5x128xi32, #tpu.memory_space<hbm>>
          %dma_start3A_458 = tpu.memref_squeeze %dma_start3A_457 : memref<1x5x128xi32, #tpu.memory_space<hbm>> -> memref<5x128xi32, #tpu.memory_space<hbm>>
          tpu.enqueue_dma source(%dma_start3A_458 : memref<5x128xi32, #tpu.memory_space<hbm>>) target(%dma_start3A_455 : memref<5x128xi32, #tpu.memory_space<vmem>>) target_semaphore(%arg13 : memref<!tpu.dma_semaphore, #tpu.memory_space<semaphore_mem>>)
        } else {
        }
        %add3A_414 = arith.constant 1 : i32
        %add3A_415 = arith.addi %while3A_264, %add3A_414 : i32
        %lt3A_416 = arith.cmpi slt, %add3A_415, %sub3A_64 : i32
        %convert_element_type3A_417 = arith.extui %lt3A_416 : i1 to i32
        %cond3A_418 = arith.constant 0 : i32
        %cond3A_419 = arith.cmpi ne, %convert_element_type3A_417, %cond3A_418 : i32
        scf.if %cond3A_419 {
          %add3A_420 = arith.constant 1 : i32
          %add3A_421 = arith.addi %while3A_264, %add3A_420 : i32
          %rem3A_422 = arith.constant 3 : i32
          %rem3A_423 = arith.remsi %add3A_421, %rem3A_422 : i32
          %rem3A_424 = arith.constant 2 : i32
          %rem3A_425 = arith.remsi %add3A_421, %rem3A_424 : i32
          %dma_start3A_426 = arith.constant 0 : i32
          %dma_start3A_427 = arith.constant 0 : i32
          %dma_start3A_428 = arith.constant 0 : i32
          %dma_start3A_429 = arith.constant 0 : i32
          %dma_start3A_430 = arith.constant 0 : i32
          %dma_start3A_431 = tpu.memref_slice %arg9[%rem3A_425, %dma_start3A_428, %dma_start3A_429, %dma_start3A_430] : memref<2x5x128x16xf32, #tpu.memory_space<vmem>> -> memref<1x1x128x16xf32, #tpu.memory_space<vmem>>
          %dma_start3A_432 = tpu.memref_squeeze %dma_start3A_431 : memref<1x1x128x16xf32, #tpu.memory_space<vmem>> -> memref<128x16xf32, #tpu.memory_space<vmem>>
          %dma_start3A_433 = arith.constant 0 : i32
          %dma_start3A_434 = tpu.memref_slice %arg8[%rem3A_423, %dma_start3A_426, %dma_start3A_427, %dma_start3A_433] : memref<3x2x5x128xi32, #tpu.memory_space<vmem>> -> memref<1x1x1x128xi32, #tpu.memory_space<vmem>>
          %dma_start3A_435 = tpu.memref_squeeze %dma_start3A_434 : memref<1x1x1x128xi32, #tpu.memory_space<vmem>> -> memref<128xi32, #tpu.memory_space<vmem>>
          %dma_start3A_436 = arith.constant 0 : i32
          %dma_start3A_437 = arith.constant 0 : i32
          %dma_start3A_438 = tpu.memref_slice %arg3[%dma_start3A_436, %dma_start3A_437] : memref<100000x16xf32, #tpu.memory_space<hbm>> -> memref<100000x16xf32, #tpu.memory_space<hbm>>
          tpu.enqueue_indirect_dma source(%dma_start3A_438 : memref<100000x16xf32, #tpu.memory_space<hbm>>) target(%dma_start3A_432 : memref<128x16xf32, #tpu.memory_space<vmem>>) offsets(%dma_start3A_435 : memref<128xi32, #tpu.memory_space<vmem>>) semaphore(%arg11 : memref<!tpu.dma_semaphore, #tpu.memory_space<semaphore_mem>>)
          %dma_start3A_439 = arith.constant 0 : i32
          %dma_start3A_440 = arith.constant 1 : i32
          %dma_start3A_441 = arith.constant 1 : i32
          %dma_start3A_442 = arith.constant 0 : i32
          %dma_start3A_443 = arith.constant 0 : i32
          %dma_start3A_444 = tpu.memref_slice %arg9[%rem3A_425, %dma_start3A_441, %dma_start3A_442, %dma_start3A_443] : memref<2x5x128x16xf32, #tpu.memory_space<vmem>> -> memref<1x1x128x16xf32, #tpu.memory_space<vmem>>
          %dma_start3A_445 = tpu.memref_squeeze %dma_start3A_444 : memref<1x1x128x16xf32, #tpu.memory_space<vmem>> -> memref<128x16xf32, #tpu.memory_space<vmem>>
          %dma_start3A_446 = arith.constant 0 : i32
          %dma_start3A_447 = tpu.memref_slice %arg8[%rem3A_423, %dma_start3A_439, %dma_start3A_440, %dma_start3A_446] : memref<3x2x5x128xi32, #tpu.memory_space<vmem>> -> memref<1x1x1x128xi32, #tpu.memory_space<vmem>>
          %dma_start3A_448 = tpu.memref_squeeze %dma_start3A_447 : memref<1x1x1x128xi32, #tpu.memory_space<vmem>> -> memref<128xi32, #tpu.memory_space<vmem>>
          %dma_start3A_449 = arith.constant 0 : i32
          %dma_start3A_450 = arith.constant 0 : i32
          %dma_start3A_451 = tpu.memref_slice %arg3[%dma_start3A_449, %dma_start3A_450] : memref<100000x16xf32, #tpu.memory_space<hbm>> -> memref<100000x16xf32, #tpu.memory_space<hbm>>
          tpu.enqueue_indirect_dma source(%dma_start3A_451 : memref<100000x16xf32, #tpu.memory_space<hbm>>) target(%dma_start3A_445 : memref<128x16xf32, #tpu.memory_space<vmem>>) offsets(%dma_start3A_448 : memref<128xi32, #tpu.memory_space<vmem>>) semaphore(%arg11 : memref<!tpu.dma_semaphore, #tpu.memory_space<semaphore_mem>>)
          %dma_start3A_452 = arith.constant 0 : i32
          %dma_start3A_453 = arith.constant 2 : i32
          %dma_start3A_454 = arith.constant 2 : i32
          %dma_start3A_455 = arith.constant 0 : i32
          %dma_start3A_456 = arith.constant 0 : i32
          %dma_start3A_457 = tpu.memref_slice %arg9[%rem3A_425, %dma_start3A_454, %dma_start3A_455, %dma_start3A_456] : memref<2x5x128x16xf32, #tpu.memory_space<vmem>> -> memref<1x1x128x16xf32, #tpu.memory_space<vmem>>
          %dma_start3A_458 = tpu.memref_squeeze %dma_start3A_457 : memref<1x1x128x16xf32, #tpu.memory_space<vmem>> -> memref<128x16xf32, #tpu.memory_space<vmem>>
          %dma_start3A_459 = arith.constant 0 : i32
          %dma_start3A_460 = tpu.memref_slice %arg8[%rem3A_423, %dma_start3A_452, %dma_start3A_453, %dma_start3A_459] : memref<3x2x5x128xi32, #tpu.memory_space<vmem>> -> memref<1x1x1x128xi32, #tpu.memory_space<vmem>>
          %dma_start3A_461 = tpu.memref_squeeze %dma_start3A_460 : memref<1x1x1x128xi32, #tpu.memory_space<vmem>> -> memref<128xi32, #tpu.memory_space<vmem>>
          %dma_start3A_462 = arith.constant 0 : i32
          %dma_start3A_463 = arith.constant 0 : i32
          %dma_start3A_464 = tpu.memref_slice %arg3[%dma_start3A_462, %dma_start3A_463] : memref<100000x16xf32, #tpu.memory_space<hbm>> -> memref<100000x16xf32, #tpu.memory_space<hbm>>
          tpu.enqueue_indirect_dma source(%dma_start3A_464 : memref<100000x16xf32, #tpu.memory_space<hbm>>) target(%dma_start3A_458 : memref<128x16xf32, #tpu.memory_space<vmem>>) offsets(%dma_start3A_461 : memref<128xi32, #tpu.memory_space<vmem>>) semaphore(%arg11 : memref<!tpu.dma_semaphore, #tpu.memory_space<semaphore_mem>>)
          %dma_start3A_465 = arith.constant 0 : i32
          %dma_start3A_466 = arith.constant 3 : i32
          %dma_start3A_467 = arith.constant 3 : i32
          %dma_start3A_468 = arith.constant 0 : i32
          %dma_start3A_469 = arith.constant 0 : i32
          %dma_start3A_470 = tpu.memref_slice %arg9[%rem3A_425, %dma_start3A_467, %dma_start3A_468, %dma_start3A_469] : memref<2x5x128x16xf32, #tpu.memory_space<vmem>> -> memref<1x1x128x16xf32, #tpu.memory_space<vmem>>
          %dma_start3A_471 = tpu.memref_squeeze %dma_start3A_470 : memref<1x1x128x16xf32, #tpu.memory_space<vmem>> -> memref<128x16xf32, #tpu.memory_space<vmem>>
          %dma_start3A_472 = arith.constant 0 : i32
          %dma_start3A_473 = tpu.memref_slice %arg8[%rem3A_423, %dma_start3A_465, %dma_start3A_466, %dma_start3A_472] : memref<3x2x5x128xi32, #tpu.memory_space<vmem>> -> memref<1x1x1x128xi32, #tpu.memory_space<vmem>>
          %dma_start3A_474 = tpu.memref_squeeze %dma_start3A_473 : memref<1x1x1x128xi32, #tpu.memory_space<vmem>> -> memref<128xi32, #tpu.memory_space<vmem>>
          %dma_start3A_475 = arith.constant 0 : i32
          %dma_start3A_476 = arith.constant 0 : i32
          %dma_start3A_477 = tpu.memref_slice %arg3[%dma_start3A_475, %dma_start3A_476] : memref<100000x16xf32, #tpu.memory_space<hbm>> -> memref<100000x16xf32, #tpu.memory_space<hbm>>
          tpu.enqueue_indirect_dma source(%dma_start3A_477 : memref<100000x16xf32, #tpu.memory_space<hbm>>) target(%dma_start3A_471 : memref<128x16xf32, #tpu.memory_space<vmem>>) offsets(%dma_start3A_474 : memref<128xi32, #tpu.memory_space<vmem>>) semaphore(%arg11 : memref<!tpu.dma_semaphore, #tpu.memory_space<semaphore_mem>>)
          %dma_start3A_478 = arith.constant 0 : i32
          %dma_start3A_479 = arith.constant 4 : i32
          %dma_start3A_480 = arith.constant 4 : i32
          %dma_start3A_481 = arith.constant 0 : i32
          %dma_start3A_482 = arith.constant 0 : i32
          %dma_start3A_483 = tpu.memref_slice %arg9[%rem3A_425, %dma_start3A_480, %dma_start3A_481, %dma_start3A_482] : memref<2x5x128x16xf32, #tpu.memory_space<vmem>> -> memref<1x1x128x16xf32, #tpu.memory_space<vmem>>
          %dma_start3A_484 = tpu.memref_squeeze %dma_start3A_483 : memref<1x1x128x16xf32, #tpu.memory_space<vmem>> -> memref<128x16xf32, #tpu.memory_space<vmem>>
          %dma_start3A_485 = arith.constant 0 : i32
          %dma_start3A_486 = tpu.memref_slice %arg8[%rem3A_423, %dma_start3A_478, %dma_start3A_479, %dma_start3A_485] : memref<3x2x5x128xi32, #tpu.memory_space<vmem>> -> memref<1x1x1x128xi32, #tpu.memory_space<vmem>>
          %dma_start3A_487 = tpu.memref_squeeze %dma_start3A_486 : memref<1x1x1x128xi32, #tpu.memory_space<vmem>> -> memref<128xi32, #tpu.memory_space<vmem>>
          %dma_start3A_488 = arith.constant 0 : i32
          %dma_start3A_489 = arith.constant 0 : i32
          %dma_start3A_490 = tpu.memref_slice %arg3[%dma_start3A_488, %dma_start3A_489] : memref<100000x16xf32, #tpu.memory_space<hbm>> -> memref<100000x16xf32, #tpu.memory_space<hbm>>
          tpu.enqueue_indirect_dma source(%dma_start3A_490 : memref<100000x16xf32, #tpu.memory_space<hbm>>) target(%dma_start3A_484 : memref<128x16xf32, #tpu.memory_space<vmem>>) offsets(%dma_start3A_487 : memref<128xi32, #tpu.memory_space<vmem>>) semaphore(%arg11 : memref<!tpu.dma_semaphore, #tpu.memory_space<semaphore_mem>>)
        } else {
        }
      }
      %dma_wait3A = arith.constant 0 : i32
      %dma_wait3A_190 = arith.constant 0 : i32
      %dma_wait3A_191 = arith.constant 0 : i32
      %dma_wait3A_192 = arith.constant 1 : i32
      %dma_wait3A_193 = arith.constant 0 : i32
      %dma_wait3A_194 = arith.constant 0 : i32
      %dma_wait3A_195 = arith.constant 0 : i32
      %dma_wait3A_196 = tpu.memref_slice %arg9[%dma_wait3A, %dma_wait3A_190, %dma_wait3A_194, %dma_wait3A_195] : memref<2x5x128x16xf32, #tpu.memory_space<vmem>> -> memref<1x1x128x16xf32, #tpu.memory_space<vmem>>
      %dma_wait3A_197 = tpu.memref_squeeze %dma_wait3A_196 : memref<1x1x128x16xf32, #tpu.memory_space<vmem>> -> memref<128x16xf32, #tpu.memory_space<vmem>>
      %dma_wait3A_198 = arith.constant 0 : i32
      %dma_wait3A_199 = tpu.memref_slice %arg8[%dma_wait3A_191, %dma_wait3A_192, %dma_wait3A_193, %dma_wait3A_198] : memref<3x2x5x128xi32, #tpu.memory_space<vmem>> -> memref<1x1x1x128xi32, #tpu.memory_space<vmem>>
      %dma_wait3A_200 = tpu.memref_squeeze %dma_wait3A_199 : memref<1x1x1x128xi32, #tpu.memory_space<vmem>> -> memref<128xi32, #tpu.memory_space<vmem>>
      %dma_wait3A_201 = arith.constant 0 : i32
      %dma_wait3A_202 = arith.constant 0 : i32
      %dma_wait3A_203 = tpu.memref_slice %arg10[%dma_wait3A_201, %dma_wait3A_202] : memref<100096x16xf32, #tpu.memory_space<vmem_shared>> -> memref<100096x16xf32, #tpu.memory_space<vmem_shared>>
      tpu.wait_indirect_dma semaphore(%arg12 : memref<!tpu.dma_semaphore, #tpu.memory_space<semaphore_mem>>) src(%dma_wait3A_197 : memref<128x16xf32, #tpu.memory_space<vmem>>) dst(%dma_wait3A_203 : memref<100096x16xf32, #tpu.memory_space<vmem_shared>>)
      %dma_wait3A_204 = arith.constant 0 : i32
      %dma_wait3A_205 = arith.constant 1 : i32
      %dma_wait3A_206 = arith.constant 0 : i32
      %dma_wait3A_207 = arith.constant 1 : i32
      %dma_wait3A_208 = arith.constant 1 : i32
      %dma_wait3A_209 = arith.constant 0 : i32
      %dma_wait3A_210 = arith.constant 0 : i32
      %dma_wait3A_211 = tpu.memref_slice %arg9[%dma_wait3A_204, %dma_wait3A_205, %dma_wait3A_209, %dma_wait3A_210] : memref<2x5x128x16xf32, #tpu.memory_space<vmem>> -> memref<1x1x128x16xf32, #tpu.memory_space<vmem>>
      %dma_wait3A_212 = tpu.memref_squeeze %dma_wait3A_211 : memref<1x1x128x16xf32, #tpu.memory_space<vmem>> -> memref<128x16xf32, #tpu.memory_space<vmem>>
      %dma_wait3A_213 = arith.constant 0 : i32
      %dma_wait3A_214 = tpu.memref_slice %arg8[%dma_wait3A_206, %dma_wait3A_207, %dma_wait3A_208, %dma_wait3A_213] : memref<3x2x5x128xi32, #tpu.memory_space<vmem>> -> memref<1x1x1x128xi32, #tpu.memory_space<vmem>>
      %dma_wait3A_215 = tpu.memref_squeeze %dma_wait3A_214 : memref<1x1x1x128xi32, #tpu.memory_space<vmem>> -> memref<128xi32, #tpu.memory_space<vmem>>
      %dma_wait3A_216 = arith.constant 0 : i32
      %dma_wait3A_217 = arith.constant 0 : i32
      %dma_wait3A_218 = tpu.memref_slice %arg10[%dma_wait3A_216, %dma_wait3A_217] : memref<100096x16xf32, #tpu.memory_space<vmem_shared>> -> memref<100096x16xf32, #tpu.memory_space<vmem_shared>>
      tpu.wait_indirect_dma semaphore(%arg12 : memref<!tpu.dma_semaphore, #tpu.memory_space<semaphore_mem>>) src(%dma_wait3A_212 : memref<128x16xf32, #tpu.memory_space<vmem>>) dst(%dma_wait3A_218 : memref<100096x16xf32, #tpu.memory_space<vmem_shared>>)
      %dma_wait3A_219 = arith.constant 0 : i32
      %dma_wait3A_220 = arith.constant 2 : i32
      %dma_wait3A_221 = arith.constant 0 : i32
      %dma_wait3A_222 = arith.constant 1 : i32
      %dma_wait3A_223 = arith.constant 2 : i32
      %dma_wait3A_224 = arith.constant 0 : i32
      %dma_wait3A_225 = arith.constant 0 : i32
      %dma_wait3A_226 = tpu.memref_slice %arg9[%dma_wait3A_219, %dma_wait3A_220, %dma_wait3A_224, %dma_wait3A_225] : memref<2x5x128x16xf32, #tpu.memory_space<vmem>> -> memref<1x1x128x16xf32, #tpu.memory_space<vmem>>
      %dma_wait3A_227 = tpu.memref_squeeze %dma_wait3A_226 : memref<1x1x128x16xf32, #tpu.memory_space<vmem>> -> memref<128x16xf32, #tpu.memory_space<vmem>>
      %dma_wait3A_228 = arith.constant 0 : i32
      %dma_wait3A_229 = tpu.memref_slice %arg8[%dma_wait3A_221, %dma_wait3A_222, %dma_wait3A_223, %dma_wait3A_228] : memref<3x2x5x128xi32, #tpu.memory_space<vmem>> -> memref<1x1x1x128xi32, #tpu.memory_space<vmem>>
      %dma_wait3A_230 = tpu.memref_squeeze %dma_wait3A_229 : memref<1x1x1x128xi32, #tpu.memory_space<vmem>> -> memref<128xi32, #tpu.memory_space<vmem>>
      %dma_wait3A_231 = arith.constant 0 : i32
      %dma_wait3A_232 = arith.constant 0 : i32
      %dma_wait3A_233 = tpu.memref_slice %arg10[%dma_wait3A_231, %dma_wait3A_232] : memref<100096x16xf32, #tpu.memory_space<vmem_shared>> -> memref<100096x16xf32, #tpu.memory_space<vmem_shared>>
      tpu.wait_indirect_dma semaphore(%arg12 : memref<!tpu.dma_semaphore, #tpu.memory_space<semaphore_mem>>) src(%dma_wait3A_227 : memref<128x16xf32, #tpu.memory_space<vmem>>) dst(%dma_wait3A_233 : memref<100096x16xf32, #tpu.memory_space<vmem_shared>>)
      %dma_wait3A_234 = arith.constant 0 : i32
      %dma_wait3A_235 = arith.constant 3 : i32
      %dma_wait3A_236 = arith.constant 0 : i32
      %dma_wait3A_237 = arith.constant 1 : i32
      %dma_wait3A_238 = arith.constant 3 : i32
      %dma_wait3A_239 = arith.constant 0 : i32
      %dma_wait3A_240 = arith.constant 0 : i32
      %dma_wait3A_241 = tpu.memref_slice %arg9[%dma_wait3A_234, %dma_wait3A_235, %dma_wait3A_239, %dma_wait3A_240] : memref<2x5x128x16xf32, #tpu.memory_space<vmem>> -> memref<1x1x128x16xf32, #tpu.memory_space<vmem>>
      %dma_wait3A_242 = tpu.memref_squeeze %dma_wait3A_241 : memref<1x1x128x16xf32, #tpu.memory_space<vmem>> -> memref<128x16xf32, #tpu.memory_space<vmem>>
      %dma_wait3A_243 = arith.constant 0 : i32
      %dma_wait3A_244 = tpu.memref_slice %arg8[%dma_wait3A_236, %dma_wait3A_237, %dma_wait3A_238, %dma_wait3A_243] : memref<3x2x5x128xi32, #tpu.memory_space<vmem>> -> memref<1x1x1x128xi32, #tpu.memory_space<vmem>>
      %dma_wait3A_245 = tpu.memref_squeeze %dma_wait3A_244 : memref<1x1x1x128xi32, #tpu.memory_space<vmem>> -> memref<128xi32, #tpu.memory_space<vmem>>
      %dma_wait3A_246 = arith.constant 0 : i32
      %dma_wait3A_247 = arith.constant 0 : i32
      %dma_wait3A_248 = tpu.memref_slice %arg10[%dma_wait3A_246, %dma_wait3A_247] : memref<100096x16xf32, #tpu.memory_space<vmem_shared>> -> memref<100096x16xf32, #tpu.memory_space<vmem_shared>>
      tpu.wait_indirect_dma semaphore(%arg12 : memref<!tpu.dma_semaphore, #tpu.memory_space<semaphore_mem>>) src(%dma_wait3A_242 : memref<128x16xf32, #tpu.memory_space<vmem>>) dst(%dma_wait3A_248 : memref<100096x16xf32, #tpu.memory_space<vmem_shared>>)
      %dma_wait3A_249 = arith.constant 0 : i32
      %dma_wait3A_250 = arith.constant 4 : i32
      %dma_wait3A_251 = arith.constant 0 : i32
      %dma_wait3A_252 = arith.constant 1 : i32
      %dma_wait3A_253 = arith.constant 4 : i32
      %dma_wait3A_254 = arith.constant 0 : i32
      %dma_wait3A_255 = arith.constant 0 : i32
      %dma_wait3A_256 = tpu.memref_slice %arg9[%dma_wait3A_249, %dma_wait3A_250, %dma_wait3A_254, %dma_wait3A_255] : memref<2x5x128x16xf32, #tpu.memory_space<vmem>> -> memref<1x1x128x16xf32, #tpu.memory_space<vmem>>
      %dma_wait3A_257 = tpu.memref_squeeze %dma_wait3A_256 : memref<1x1x128x16xf32, #tpu.memory_space<vmem>> -> memref<128x16xf32, #tpu.memory_space<vmem>>
      %dma_wait3A_258 = arith.constant 0 : i32
      %dma_wait3A_259 = tpu.memref_slice %arg8[%dma_wait3A_251, %dma_wait3A_252, %dma_wait3A_253, %dma_wait3A_258] : memref<3x2x5x128xi32, #tpu.memory_space<vmem>> -> memref<1x1x1x128xi32, #tpu.memory_space<vmem>>
      %dma_wait3A_260 = tpu.memref_squeeze %dma_wait3A_259 : memref<1x1x1x128xi32, #tpu.memory_space<vmem>> -> memref<128xi32, #tpu.memory_space<vmem>>
      %dma_wait3A_261 = arith.constant 0 : i32
      %dma_wait3A_262 = arith.constant 0 : i32
      %dma_wait3A_263 = tpu.memref_slice %arg10[%dma_wait3A_261, %dma_wait3A_262] : memref<100096x16xf32, #tpu.memory_space<vmem_shared>> -> memref<100096x16xf32, #tpu.memory_space<vmem_shared>>
      tpu.wait_indirect_dma semaphore(%arg12 : memref<!tpu.dma_semaphore, #tpu.memory_space<semaphore_mem>>) src(%dma_wait3A_257 : memref<128x16xf32, #tpu.memory_space<vmem>>) dst(%dma_wait3A_263 : memref<100096x16xf32, #tpu.memory_space<vmem_shared>>)
    } else {
    }
    %barrier3A_53 = arith.constant 0 : index
    tpu.barrier barrier_id(%barrier3A_53)
    %eq3A_54 = arith.constant 0 : i32
    %eq3A_55 = arith.cmpi eq, %arg0, %eq3A_54 : i32
    %convert_element_type3A_56 = arith.extui %eq3A_55 : i1 to i32
    %cond3A_57 = arith.constant 0 : i32
    %cond3A_58 = arith.cmpi ne, %convert_element_type3A_56, %cond3A_57 : i32
    scf.if %cond3A_58 {
      %mul3A_64 = arith.constant 6256 : i32
      %mul3A_65 = arith.muli %arg1, %mul3A_64 : i32
      %mul3A_66 = arith.constant 6256 : i32
      %mul3A_67 = arith.muli %arg1, %mul3A_66 : i32
      "tpu.region"() ({
        %run_scoped3A = tpu.sem_alloc : memref<!tpu.dma_semaphore, #tpu.memory_space<semaphore_mem>>
        %dma_start3A = arith.constant 0 : i32
        %dma_start3A_68 = tpu.memref_slice %arg6[%mul3A_67, %dma_start3A] : memref<100096x16xf32, #tpu.memory_space<hbm>> -> memref<6256x16xf32, #tpu.memory_space<hbm>>
        %dma_start3A_69 = arith.constant 0 : i32
        %dma_start3A_70 = tpu.memref_slice %arg10[%mul3A_65, %dma_start3A_69] : memref<100096x16xf32, #tpu.memory_space<vmem_shared>> -> memref<6256x16xf32, #tpu.memory_space<vmem_shared>>
        tpu.enqueue_dma source(%dma_start3A_70 : memref<6256x16xf32, #tpu.memory_space<vmem_shared>>) target(%dma_start3A_68 : memref<6256x16xf32, #tpu.memory_space<hbm>>) target_semaphore(%run_scoped3A : memref<!tpu.dma_semaphore, #tpu.memory_space<semaphore_mem>>)
        %dma_wait3A = arith.constant 0 : i32
        %dma_wait3A_71 = tpu.memref_slice %arg6[%mul3A_67, %dma_wait3A] : memref<100096x16xf32, #tpu.memory_space<hbm>> -> memref<6256x16xf32, #tpu.memory_space<hbm>>
        %dma_wait3A_72 = arith.constant 0 : i32
        %dma_wait3A_73 = tpu.memref_slice %arg10[%mul3A_65, %dma_wait3A_72] : memref<100096x16xf32, #tpu.memory_space<vmem_shared>> -> memref<6256x16xf32, #tpu.memory_space<vmem_shared>>
        tpu.wait_dma2 semaphore(%run_scoped3A : memref<!tpu.dma_semaphore, #tpu.memory_space<semaphore_mem>>) src(%dma_wait3A_73 : memref<6256x16xf32, #tpu.memory_space<vmem_shared>>) dst(%dma_wait3A_71 : memref<6256x16xf32, #tpu.memory_space<hbm>>)
        tpu.yield
      }) : () -> ()
    } else {
    }
    %eq3A_59 = arith.constant 1 : i32
    %eq3A_60 = arith.cmpi eq, %arg0, %eq3A_59 : i32
    %convert_element_type3A_61 = arith.extui %eq3A_60 : i1 to i32
    %cond3A_62 = arith.constant 0 : i32
    %cond3A_63 = arith.cmpi ne, %convert_element_type3A_61, %cond3A_62 : i32
    scf.if %cond3A_63 {
      %mul3A_64 = arith.constant 6256 : i32
      %mul3A_65 = arith.muli %arg1, %mul3A_64 : i32
      %mul3A_66 = arith.constant 6256 : i32
      %mul3A_67 = arith.muli %arg1, %mul3A_66 : i32
      "tpu.region"() ({
        %run_scoped3A = tpu.sem_alloc : memref<!tpu.dma_semaphore, #tpu.memory_space<semaphore_mem>>
        %dma_start3A = arith.constant 0 : i32
        %dma_start3A_68 = tpu.memref_slice %arg7[%mul3A_67, %dma_start3A] : memref<100096x16xf32, #tpu.memory_space<hbm>> -> memref<6256x16xf32, #tpu.memory_space<hbm>>
        %dma_start3A_69 = arith.constant 0 : i32
        %dma_start3A_70 = tpu.memref_slice %arg10[%mul3A_65, %dma_start3A_69] : memref<100096x16xf32, #tpu.memory_space<vmem_shared>> -> memref<6256x16xf32, #tpu.memory_space<vmem_shared>>
        tpu.enqueue_dma source(%dma_start3A_70 : memref<6256x16xf32, #tpu.memory_space<vmem_shared>>) target(%dma_start3A_68 : memref<6256x16xf32, #tpu.memory_space<hbm>>) target_semaphore(%run_scoped3A : memref<!tpu.dma_semaphore, #tpu.memory_space<semaphore_mem>>)
        %dma_wait3A = arith.constant 0 : i32
        %dma_wait3A_71 = tpu.memref_slice %arg7[%mul3A_67, %dma_wait3A] : memref<100096x16xf32, #tpu.memory_space<hbm>> -> memref<6256x16xf32, #tpu.memory_space<hbm>>
        %dma_wait3A_72 = arith.constant 0 : i32
        %dma_wait3A_73 = tpu.memref_slice %arg10[%mul3A_65, %dma_wait3A_72] : memref<100096x16xf32, #tpu.memory_space<vmem_shared>> -> memref<6256x16xf32, #tpu.memory_space<vmem_shared>>
        tpu.wait_dma2 semaphore(%run_scoped3A : memref<!tpu.dma_semaphore, #tpu.memory_space<semaphore_mem>>) src(%dma_wait3A_73 : memref<6256x16xf32, #tpu.memory_space<vmem_shared>>) dst(%dma_wait3A_71 : memref<6256x16xf32, #tpu.memory_space<hbm>>)
        tpu.yield
      }) : () -> ()
    } else {
    }
    return
  }
}

module attributes {stable_mosaic.version = 14 : i64} {
  func.func @_tc1_body(%arg0: i32, %arg1: i32, %arg2: memref<2000x16xf32, #tpu.memory_space<vmem>>, %arg3: memref<2000x16xf32, #tpu.memory_space<vmem>>, %arg4: memref<2000x16xf32, #tpu.memory_space<vmem>>, %arg5: memref<16x32xf32, #tpu.memory_space<vmem>>, %arg6: memref<16x32xf32, #tpu.memory_space<vmem>>, %arg7: memref<1x32xf32, #tpu.memory_space<vmem>>, %arg8: memref<1x32xf32, #tpu.memory_space<vmem>>, %arg9: memref<1x32xf32, #tpu.memory_space<vmem>>, %arg10: memref<2000x16xf32, #tpu.memory_space<vmem>>, %arg11: memref<2000x16xf32, #tpu.memory_space<vmem>>, %arg12: memref<2000x1xf32, #tpu.memory_space<vmem>>, %arg13: memref<1x32xf32, #tpu.memory_space<vmem>>, %arg14: memref<1x32xf32, #tpu.memory_space<vmem>>) attributes {dimension_semantics = [#tpu.dimension_semantics<arbitrary>, #tpu.dimension_semantics<arbitrary>], iteration_bounds = array<i64: 2, 50>, scalar_prefetch = 0 : i64, scratch_operands = 2 : i64, tpu.core_type = #tpu.core_type<tc>, window_params = [{transform_indices = @transform_0, window_bounds = array<i64: 2000, 16>}, {transform_indices = @transform_1, window_bounds = array<i64: 2000, 16>}, {transform_indices = @transform_2, window_bounds = array<i64: 2000, 16>}, {pipeline_mode = #tpu.pipeline_mode<synchronous>, transform_indices = @transform_3, window_bounds = array<i64: 16, 32>}, {pipeline_mode = #tpu.pipeline_mode<synchronous>, transform_indices = @transform_4, window_bounds = array<i64: 16, 32>}, {pipeline_mode = #tpu.pipeline_mode<synchronous>, transform_indices = @transform_5, window_bounds = array<i64: 1, 32>}, {pipeline_mode = #tpu.pipeline_mode<synchronous>, transform_indices = @transform_6, window_bounds = array<i64: 1, 32>}, {pipeline_mode = #tpu.pipeline_mode<synchronous>, transform_indices = @transform_7, window_bounds = array<i64: 1, 32>}, {transform_indices = @transform_8, window_bounds = array<i64: 2000, 16>}, {transform_indices = @transform_9, window_bounds = array<i64: 2000, 16>}, {transform_indices = @transform_10, window_bounds = array<i64: 2000, 1>}]} {
    %get3A = arith.constant 0 : index
    %get3A_0 = arith.constant 15 : index
    %get3A_1 = vector.load %arg2[%get3A, %get3A_0] : memref<2000x16xf32, #tpu.memory_space<vmem>>, vector<2000x1xf32>
    %get3A_2 = arith.constant 0 : index
    %get3A_3 = arith.constant 15 : index
    %get3A_4 = vector.load %arg3[%get3A_2, %get3A_3] : memref<2000x16xf32, #tpu.memory_space<vmem>>, vector<2000x1xf32>
    %add3A = arith.addf %get3A_1, %get3A_4 : vector<2000x1xf32>
    %max3A = arith.constant 1.000000e+00 : f32
    %max3A_5 = vector.broadcast %max3A : f32 to vector<2000x1xf32>
    %max3A_6 = arith.maximumf %add3A, %max3A_5 : vector<2000x1xf32>
    %div3A = arith.constant 1.000000e+00 : f32
    %div3A_7 = vector.broadcast %div3A : f32 to vector<2000x1xf32>
    %div3A_8 = arith.divf %div3A_7, %max3A_6 : vector<2000x1xf32>
    %get3A_9 = arith.constant 0 : index
    %get3A_10 = arith.constant 0 : index
    %get3A_11 = vector.load %arg2[%get3A_9, %get3A_10] : memref<2000x16xf32, #tpu.memory_space<vmem>>, vector<2000x16xf32>
    %get3A_12 = arith.constant 0 : index
    %get3A_13 = arith.constant 0 : index
    %get3A_14 = vector.load %arg3[%get3A_12, %get3A_13] : memref<2000x16xf32, #tpu.memory_space<vmem>>, vector<2000x16xf32>
    %add3A_15 = arith.addf %get3A_11, %get3A_14 : vector<2000x16xf32>
    %mul3A = vector.broadcast %div3A_8 : vector<2000x1xf32> to vector<2000x16xf32>
    %mul3A_16 = arith.mulf %add3A_15, %mul3A : vector<2000x16xf32>
    %get3A_17 = arith.constant 0 : index
    %get3A_18 = arith.constant 0 : index
    %get3A_19 = vector.load %arg5[%get3A_17, %get3A_18] : memref<16x32xf32, #tpu.memory_space<vmem>>, vector<16x32xf32>
    %dot_general3A = arith.constant dense<0.000000e+00> : vector<2000x32xf32>
    %dot_general3A_20 = tpu.matmul %mul3A_16, %get3A_19, %dot_general3A {dimension_numbers = #tpu.dot_dimension_numbers<[1], [0], [0], [1], [0, 0, 1, 1], [], []>, transpose_lhs_hint = false} : vector<2000x16xf32>, vector<16x32xf32>, vector<2000x32xf32> -> vector<2000x32xf32>
    %get3A_21 = arith.constant 0 : index
    %get3A_22 = arith.constant 0 : index
    %get3A_23 = vector.load %arg4[%get3A_21, %get3A_22] : memref<2000x16xf32, #tpu.memory_space<vmem>>, vector<2000x16xf32>
    %get3A_24 = arith.constant 0 : index
    %get3A_25 = arith.constant 0 : index
    %get3A_26 = vector.load %arg6[%get3A_24, %get3A_25] : memref<16x32xf32, #tpu.memory_space<vmem>>, vector<16x32xf32>
    %dot_general3A_27 = arith.constant dense<0.000000e+00> : vector<2000x32xf32>
    %dot_general3A_28 = tpu.matmul %get3A_23, %get3A_26, %dot_general3A_27 {dimension_numbers = #tpu.dot_dimension_numbers<[1], [0], [0], [1], [0, 0, 1, 1], [], []>, transpose_lhs_hint = false} : vector<2000x16xf32>, vector<16x32xf32>, vector<2000x32xf32> -> vector<2000x32xf32>
    %add3A_29 = arith.addf %dot_general3A_20, %dot_general3A_28 : vector<2000x32xf32>
    %get3A_30 = arith.constant 0 : index
    %get3A_31 = arith.constant 0 : index
    %get3A_32 = vector.load %arg7[%get3A_30, %get3A_31] : memref<1x32xf32, #tpu.memory_space<vmem>>, vector<1x32xf32>
    %add3A_33 = vector.broadcast %get3A_32 : vector<1x32xf32> to vector<2000x32xf32>
    %add3A_34 = arith.addf %add3A_29, %add3A_33 : vector<2000x32xf32>
    %eq3A = arith.constant 0 : i32
    %eq3A_35 = arith.cmpi eq, %arg0, %eq3A : i32
    %eq3A_36 = arith.constant 0 : i32
    %eq3A_37 = arith.cmpi eq, %arg1, %eq3A_36 : i32
    %and3A = arith.andi %eq3A_35, %eq3A_37 : i1
    %convert_element_type3A = arith.extui %and3A : i1 to i32
    %cond3A = arith.constant 0 : i32
    %cond3A_38 = arith.cmpi ne, %convert_element_type3A, %cond3A : i32
    scf.if %cond3A_38 {
      %broadcast_in_dim3A = arith.constant 0.000000e+00 : f32
      %broadcast_in_dim3A_86 = vector.broadcast %broadcast_in_dim3A : f32 to vector<1x32xf32>
      %swap3A_87 = arith.constant 0 : index
      %swap3A_88 = arith.constant 0 : index
      %swap3A_89 = vector.load %arg13[%swap3A_87, %swap3A_88] : memref<1x32xf32, #tpu.memory_space<vmem>>, vector<1x32xf32>
      tpu.vector_store %arg13[%swap3A_87, %swap3A_88], %broadcast_in_dim3A_86 {strides = array<i32>} : memref<1x32xf32, #tpu.memory_space<vmem>>, vector<1x32xf32>,
      %broadcast_in_dim3A_90 = arith.constant 0.000000e+00 : f32
      %broadcast_in_dim3A_91 = vector.broadcast %broadcast_in_dim3A_90 : f32 to vector<1x32xf32>
      %swap3A_92 = arith.constant 0 : index
      %swap3A_93 = arith.constant 0 : index
      %swap3A_94 = vector.load %arg14[%swap3A_92, %swap3A_93] : memref<1x32xf32, #tpu.memory_space<vmem>>, vector<1x32xf32>
      tpu.vector_store %arg14[%swap3A_92, %swap3A_93], %broadcast_in_dim3A_91 {strides = array<i32>} : memref<1x32xf32, #tpu.memory_space<vmem>>, vector<1x32xf32>,
    } else {
    }
    %eq3A_39 = arith.constant 0 : i32
    %eq3A_40 = arith.cmpi eq, %arg0, %eq3A_39 : i32
    %convert_element_type3A_41 = arith.extui %eq3A_40 : i1 to i32
    %cond3A_42 = arith.constant 0 : i32
    %cond3A_43 = arith.cmpi ne, %convert_element_type3A_41, %cond3A_42 : i32
    scf.if %cond3A_43 {
      %get3A_86 = arith.constant 0 : index
      %get3A_87 = arith.constant 0 : index
      %get3A_88 = vector.load %arg13[%get3A_86, %get3A_87] : memref<1x32xf32, #tpu.memory_space<vmem>>, vector<1x32xf32>
      %reduce_sum3A = arith.constant dense<0.000000e+00> : vector<32xf32>
      %reduce_sum3A_89 = vector.multi_reduction <add>, %add3A_34, %reduce_sum3A [0] : vector<2000x32xf32> to vector<32xf32>
      %broadcast_in_dim3A = vector.shape_cast %reduce_sum3A_89 : vector<32xf32> to vector<1x32xf32>
      %add3A_90 = arith.addf %get3A_88, %broadcast_in_dim3A : vector<1x32xf32>
      %swap3A_91 = arith.constant 0 : index
      %swap3A_92 = arith.constant 0 : index
      %swap3A_93 = vector.load %arg13[%swap3A_91, %swap3A_92] : memref<1x32xf32, #tpu.memory_space<vmem>>, vector<1x32xf32>
      tpu.vector_store %arg13[%swap3A_91, %swap3A_92], %add3A_90 {strides = array<i32>} : memref<1x32xf32, #tpu.memory_space<vmem>>, vector<1x32xf32>,
      %get3A_94 = arith.constant 0 : index
      %get3A_95 = arith.constant 0 : index
      %get3A_96 = vector.load %arg14[%get3A_94, %get3A_95] : memref<1x32xf32, #tpu.memory_space<vmem>>, vector<1x32xf32>
      %mul3A_97 = arith.mulf %add3A_34, %add3A_34 : vector<2000x32xf32>
      %reduce_sum3A_98 = arith.constant dense<0.000000e+00> : vector<32xf32>
      %reduce_sum3A_99 = vector.multi_reduction <add>, %mul3A_97, %reduce_sum3A_98 [0] : vector<2000x32xf32> to vector<32xf32>
      %broadcast_in_dim3A_100 = vector.shape_cast %reduce_sum3A_99 : vector<32xf32> to vector<1x32xf32>
      %add3A_101 = arith.addf %get3A_96, %broadcast_in_dim3A_100 : vector<1x32xf32>
      %swap3A_102 = arith.constant 0 : index
      %swap3A_103 = arith.constant 0 : index
      %swap3A_104 = vector.load %arg14[%swap3A_102, %swap3A_103] : memref<1x32xf32, #tpu.memory_space<vmem>>, vector<1x32xf32>
      tpu.vector_store %arg14[%swap3A_102, %swap3A_103], %add3A_101 {strides = array<i32>} : memref<1x32xf32, #tpu.memory_space<vmem>>, vector<1x32xf32>,
    } else {
    }
    %get3A_44 = arith.constant 0 : index
    %get3A_45 = arith.constant 0 : index
    %get3A_46 = vector.load %arg13[%get3A_44, %get3A_45] : memref<1x32xf32, #tpu.memory_space<vmem>>, vector<1x32xf32>
    %mul3A_47 = arith.constant 9.99999974E-6 : f32
    %mul3A_48 = vector.broadcast %mul3A_47 : f32 to vector<1x32xf32>
    %mul3A_49 = arith.mulf %get3A_46, %mul3A_48 : vector<1x32xf32>
    %get3A_50 = arith.constant 0 : index
    %get3A_51 = arith.constant 0 : index
    %get3A_52 = vector.load %arg14[%get3A_50, %get3A_51] : memref<1x32xf32, #tpu.memory_space<vmem>>, vector<1x32xf32>
    %mul3A_53 = arith.constant 9.99999974E-6 : f32
    %mul3A_54 = vector.broadcast %mul3A_53 : f32 to vector<1x32xf32>
    %mul3A_55 = arith.mulf %get3A_52, %mul3A_54 : vector<1x32xf32>
    %mul3A_56 = arith.mulf %mul3A_49, %mul3A_49 : vector<1x32xf32>
    %sub3A = arith.subf %mul3A_55, %mul3A_56 : vector<1x32xf32>
    %add3A_57 = arith.constant 9.99999974E-6 : f32
    %add3A_58 = vector.broadcast %add3A_57 : f32 to vector<1x32xf32>
    %add3A_59 = arith.addf %sub3A, %add3A_58 : vector<1x32xf32>
    %rsqrt3A = math.rsqrt %add3A_59 : vector<1x32xf32>
    %sub3A_60 = vector.broadcast %mul3A_49 : vector<1x32xf32> to vector<2000x32xf32>
    %sub3A_61 = arith.subf %add3A_34, %sub3A_60 : vector<2000x32xf32>
    %mul3A_62 = vector.broadcast %rsqrt3A : vector<1x32xf32> to vector<2000x32xf32>
    %mul3A_63 = arith.mulf %sub3A_61, %mul3A_62 : vector<2000x32xf32>
    %get3A_64 = arith.constant 0 : index
    %get3A_65 = arith.constant 0 : index
    %get3A_66 = vector.load %arg8[%get3A_64, %get3A_65] : memref<1x32xf32, #tpu.memory_space<vmem>>, vector<1x32xf32>
    %mul3A_67 = vector.broadcast %get3A_66 : vector<1x32xf32> to vector<2000x32xf32>
    %mul3A_68 = arith.mulf %mul3A_63, %mul3A_67 : vector<2000x32xf32>
    %get3A_69 = arith.constant 0 : index
    %get3A_70 = arith.constant 0 : index
    %get3A_71 = vector.load %arg9[%get3A_69, %get3A_70] : memref<1x32xf32, #tpu.memory_space<vmem>>, vector<1x32xf32>
    %add3A_72 = vector.broadcast %get3A_71 : vector<1x32xf32> to vector<2000x32xf32>
    %add3A_73 = arith.addf %mul3A_68, %add3A_72 : vector<2000x32xf32>
    %max3A_74 = arith.constant 0.000000e+00 : f32
    %max3A_75 = vector.broadcast %max3A_74 : f32 to vector<2000x32xf32>
    %max3A_76 = arith.maximumf %add3A_73, %max3A_75 : vector<2000x32xf32>
    %slice3A = vector.extract_strided_slice %max3A_76 {offsets = [0, 0], sizes = [2000, 16], strides = [1, 1]} : vector<2000x32xf32> to vector<2000x16xf32>
    %swap3A = arith.constant 0 : index
    %swap3A_77 = arith.constant 0 : index
    %swap3A_78 = vector.load %arg10[%swap3A, %swap3A_77] : memref<2000x16xf32, #tpu.memory_space<vmem>>, vector<2000x16xf32>
    tpu.vector_store %arg10[%swap3A, %swap3A_77], %slice3A {strides = array<i32>} : memref<2000x16xf32, #tpu.memory_space<vmem>>, vector<2000x16xf32>,
    %slice3A_79 = vector.extract_strided_slice %max3A_76 {offsets = [0, 16], sizes = [2000, 16], strides = [1, 1]} : vector<2000x32xf32> to vector<2000x16xf32>
    %swap3A_80 = arith.constant 0 : index
    %swap3A_81 = arith.constant 0 : index
    %swap3A_82 = vector.load %arg11[%swap3A_80, %swap3A_81] : memref<2000x16xf32, #tpu.memory_space<vmem>>, vector<2000x16xf32>
    tpu.vector_store %arg11[%swap3A_80, %swap3A_81], %slice3A_79 {strides = array<i32>} : memref<2000x16xf32, #tpu.memory_space<vmem>>, vector<2000x16xf32>,
    %swap3A_83 = arith.constant 0 : index
    %swap3A_84 = arith.constant 0 : index
    %swap3A_85 = vector.load %arg12[%swap3A_83, %swap3A_84] : memref<2000x1xf32, #tpu.memory_space<vmem>>, vector<2000x1xf32>
    tpu.vector_store %arg12[%swap3A_83, %swap3A_84], %div3A_8 {strides = array<i32>} : memref<2000x1xf32, #tpu.memory_space<vmem>>, vector<2000x1xf32>,
    return
  }
  func.func @transform_0(%arg0: i32, %arg1: i32) -> (i32, i32) {
    %c0_i32 = arith.constant 0 : i32
    %c0_i32_0 = arith.constant 0 : i32
    return %arg1, %c0_i32 : i32, i32
  }
  func.func @transform_1(%arg0: i32, %arg1: i32) -> (i32, i32) {
    %c0_i32 = arith.constant 0 : i32
    %c0_i32_0 = arith.constant 0 : i32
    return %arg1, %c0_i32 : i32, i32
  }
  func.func @transform_2(%arg0: i32, %arg1: i32) -> (i32, i32) {
    %c0_i32 = arith.constant 0 : i32
    %c0_i32_0 = arith.constant 0 : i32
    return %arg1, %c0_i32 : i32, i32
  }
  func.func @transform_3(%arg0: i32, %arg1: i32) -> (i32, i32) {
    %c0_i32 = arith.constant 0 : i32
    %c0_i32_0 = arith.constant 0 : i32
    %c0_i32_1 = arith.constant 0 : i32
    return %c0_i32, %c0_i32_0 : i32, i32
  }
  func.func @transform_4(%arg0: i32, %arg1: i32) -> (i32, i32) {
    %c0_i32 = arith.constant 0 : i32
    %c0_i32_0 = arith.constant 0 : i32
    %c0_i32_1 = arith.constant 0 : i32
    return %c0_i32, %c0_i32_0 : i32, i32
  }
  func.func @transform_5(%arg0: i32, %arg1: i32) -> (i32, i32) {
    %c0_i32 = arith.constant 0 : i32
    %c0_i32_0 = arith.constant 0 : i32
    %c0_i32_1 = arith.constant 0 : i32
    return %c0_i32, %c0_i32_0 : i32, i32
  }
  func.func @transform_6(%arg0: i32, %arg1: i32) -> (i32, i32) {
    %c0_i32 = arith.constant 0 : i32
    %c0_i32_0 = arith.constant 0 : i32
    %c0_i32_1 = arith.constant 0 : i32
    return %c0_i32, %c0_i32_0 : i32, i32
  }
  func.func @transform_7(%arg0: i32, %arg1: i32) -> (i32, i32) {
    %c0_i32 = arith.constant 0 : i32
    %c0_i32_0 = arith.constant 0 : i32
    %c0_i32_1 = arith.constant 0 : i32
    return %c0_i32, %c0_i32_0 : i32, i32
  }
  func.func @transform_8(%arg0: i32, %arg1: i32) -> (i32, i32) {
    %c0_i32 = arith.constant 0 : i32
    %c0_i32_0 = arith.constant 0 : i32
    return %arg1, %c0_i32 : i32, i32
  }
  func.func @transform_9(%arg0: i32, %arg1: i32) -> (i32, i32) {
    %c0_i32 = arith.constant 0 : i32
    %c0_i32_0 = arith.constant 0 : i32
    return %arg1, %c0_i32 : i32, i32
  }
  func.func @transform_10(%arg0: i32, %arg1: i32) -> (i32, i32) {
    %c0_i32 = arith.constant 0 : i32
    %c0_i32_0 = arith.constant 0 : i32
    return %arg1, %c0_i32 : i32, i32
  }
}

module attributes {stable_mosaic.version = 14 : i64} {
  func.func @_tc2_body(%arg0: i32, %arg1: i32, %arg2: memref<2000x16xf32, #tpu.memory_space<vmem>>, %arg3: memref<2000x16xf32, #tpu.memory_space<vmem>>, %arg4: memref<2000x16xf32, #tpu.memory_space<vmem>>, %arg5: memref<2000x16xf32, #tpu.memory_space<vmem>>, %arg6: memref<2000x1xf32, #tpu.memory_space<vmem>>, %arg7: memref<32x32xf32, #tpu.memory_space<vmem>>, %arg8: memref<32x32xf32, #tpu.memory_space<vmem>>, %arg9: memref<1x32xf32, #tpu.memory_space<vmem>>, %arg10: memref<1x32xf32, #tpu.memory_space<vmem>>, %arg11: memref<1x32xf32, #tpu.memory_space<vmem>>, %arg12: memref<32x64xf32, #tpu.memory_space<vmem>>, %arg13: memref<1x64xf32, #tpu.memory_space<vmem>>, %arg14: memref<64x1xf32, #tpu.memory_space<vmem>>, %arg15: memref<1x1xf32, #tpu.memory_space<vmem>>, %arg16: memref<2000x1xf32, #tpu.memory_space<vmem>>, %arg17: memref<1x32xf32, #tpu.memory_space<vmem>>, %arg18: memref<1x32xf32, #tpu.memory_space<vmem>>) attributes {dimension_semantics = [#tpu.dimension_semantics<arbitrary>, #tpu.dimension_semantics<arbitrary>], iteration_bounds = array<i64: 2, 50>, scalar_prefetch = 0 : i64, scratch_operands = 2 : i64, tpu.core_type = #tpu.core_type<tc>, window_params = [{transform_indices = @transform_0, window_bounds = array<i64: 2000, 16>}, {transform_indices = @transform_1, window_bounds = array<i64: 2000, 16>}, {transform_indices = @transform_2, window_bounds = array<i64: 2000, 16>}, {transform_indices = @transform_3, window_bounds = array<i64: 2000, 16>}, {transform_indices = @transform_4, window_bounds = array<i64: 2000, 1>}, {pipeline_mode = #tpu.pipeline_mode<synchronous>, transform_indices = @transform_5, window_bounds = array<i64: 32, 32>}, {pipeline_mode = #tpu.pipeline_mode<synchronous>, transform_indices = @transform_6, window_bounds = array<i64: 32, 32>}, {pipeline_mode = #tpu.pipeline_mode<synchronous>, transform_indices = @transform_7, window_bounds = array<i64: 1, 32>}, {pipeline_mode = #tpu.pipeline_mode<synchronous>, transform_indices = @transform_8, window_bounds = array<i64: 1, 32>}, {pipeline_mode = #tpu.pipeline_mode<synchronous>, transform_indices = @transform_9, window_bounds = array<i64: 1, 32>}, {pipeline_mode = #tpu.pipeline_mode<synchronous>, transform_indices = @transform_10, window_bounds = array<i64: 32, 64>}, {pipeline_mode = #tpu.pipeline_mode<synchronous>, transform_indices = @transform_11, window_bounds = array<i64: 1, 64>}, {pipeline_mode = #tpu.pipeline_mode<synchronous>, transform_indices = @transform_12, window_bounds = array<i64: 64, 1>}, {pipeline_mode = #tpu.pipeline_mode<synchronous>, transform_indices = @transform_13, window_bounds = array<i64: 1, 1>}, {transform_indices = @transform_14, window_bounds = array<i64: 2000, 1>}]} {
    %get3A = arith.constant 0 : index
    %get3A_0 = arith.constant 0 : index
    %get3A_1 = vector.load %arg6[%get3A, %get3A_0] : memref<2000x1xf32, #tpu.memory_space<vmem>>, vector<2000x1xf32>
    %get3A_2 = arith.constant 0 : index
    %get3A_3 = arith.constant 0 : index
    %get3A_4 = vector.load %arg2[%get3A_2, %get3A_3] : memref<2000x16xf32, #tpu.memory_space<vmem>>, vector<2000x16xf32>
    %mul3A = vector.broadcast %get3A_1 : vector<2000x1xf32> to vector<2000x16xf32>
    %mul3A_5 = arith.mulf %get3A_4, %mul3A : vector<2000x16xf32>
    %get3A_6 = arith.constant 0 : index
    %get3A_7 = arith.constant 0 : index
    %get3A_8 = vector.load %arg7[%get3A_6, %get3A_7] : memref<32x32xf32, #tpu.memory_space<vmem>>, vector<16x32xf32>
    %dot_general3A = arith.constant dense<0.000000e+00> : vector<2000x32xf32>
    %dot_general3A_9 = tpu.matmul %mul3A_5, %get3A_8, %dot_general3A {dimension_numbers = #tpu.dot_dimension_numbers<[1], [0], [0], [1], [0, 0, 1, 1], [], []>, transpose_lhs_hint = false} : vector<2000x16xf32>, vector<16x32xf32>, vector<2000x32xf32> -> vector<2000x32xf32>
    %get3A_10 = arith.constant 0 : index
    %get3A_11 = arith.constant 0 : index
    %get3A_12 = vector.load %arg3[%get3A_10, %get3A_11] : memref<2000x16xf32, #tpu.memory_space<vmem>>, vector<2000x16xf32>
    %mul3A_13 = vector.broadcast %get3A_1 : vector<2000x1xf32> to vector<2000x16xf32>
    %mul3A_14 = arith.mulf %get3A_12, %mul3A_13 : vector<2000x16xf32>
    %get3A_15 = arith.constant 16 : index
    %get3A_16 = arith.constant 0 : index
    %get3A_17 = vector.load %arg7[%get3A_15, %get3A_16] : memref<32x32xf32, #tpu.memory_space<vmem>>, vector<16x32xf32>
    %dot_general3A_18 = arith.constant dense<0.000000e+00> : vector<2000x32xf32>
    %dot_general3A_19 = tpu.matmul %mul3A_14, %get3A_17, %dot_general3A_18 {dimension_numbers = #tpu.dot_dimension_numbers<[1], [0], [0], [1], [0, 0, 1, 1], [], []>, transpose_lhs_hint = false} : vector<2000x16xf32>, vector<16x32xf32>, vector<2000x32xf32> -> vector<2000x32xf32>
    %add3A = arith.addf %dot_general3A_9, %dot_general3A_19 : vector<2000x32xf32>
    %get3A_20 = arith.constant 0 : index
    %get3A_21 = arith.constant 0 : index
    %get3A_22 = vector.load %arg4[%get3A_20, %get3A_21] : memref<2000x16xf32, #tpu.memory_space<vmem>>, vector<2000x16xf32>
    %get3A_23 = arith.constant 0 : index
    %get3A_24 = arith.constant 0 : index
    %get3A_25 = vector.load %arg8[%get3A_23, %get3A_24] : memref<32x32xf32, #tpu.memory_space<vmem>>, vector<16x32xf32>
    %dot_general3A_26 = arith.constant dense<0.000000e+00> : vector<2000x32xf32>
    %dot_general3A_27 = tpu.matmul %get3A_22, %get3A_25, %dot_general3A_26 {dimension_numbers = #tpu.dot_dimension_numbers<[1], [0], [0], [1], [0, 0, 1, 1], [], []>, transpose_lhs_hint = false} : vector<2000x16xf32>, vector<16x32xf32>, vector<2000x32xf32> -> vector<2000x32xf32>
    %add3A_28 = arith.addf %add3A, %dot_general3A_27 : vector<2000x32xf32>
    %get3A_29 = arith.constant 0 : index
    %get3A_30 = arith.constant 0 : index
    %get3A_31 = vector.load %arg5[%get3A_29, %get3A_30] : memref<2000x16xf32, #tpu.memory_space<vmem>>, vector<2000x16xf32>
    %get3A_32 = arith.constant 16 : index
    %get3A_33 = arith.constant 0 : index
    %get3A_34 = vector.load %arg8[%get3A_32, %get3A_33] : memref<32x32xf32, #tpu.memory_space<vmem>>, vector<16x32xf32>
    %dot_general3A_35 = arith.constant dense<0.000000e+00> : vector<2000x32xf32>
    %dot_general3A_36 = tpu.matmul %get3A_31, %get3A_34, %dot_general3A_35 {dimension_numbers = #tpu.dot_dimension_numbers<[1], [0], [0], [1], [0, 0, 1, 1], [], []>, transpose_lhs_hint = false} : vector<2000x16xf32>, vector<16x32xf32>, vector<2000x32xf32> -> vector<2000x32xf32>
    %add3A_37 = arith.addf %add3A_28, %dot_general3A_36 : vector<2000x32xf32>
    %get3A_38 = arith.constant 0 : index
    %get3A_39 = arith.constant 0 : index
    %get3A_40 = vector.load %arg9[%get3A_38, %get3A_39] : memref<1x32xf32, #tpu.memory_space<vmem>>, vector<1x32xf32>
    %add3A_41 = vector.broadcast %get3A_40 : vector<1x32xf32> to vector<2000x32xf32>
    %add3A_42 = arith.addf %add3A_37, %add3A_41 : vector<2000x32xf32>
    %eq3A = arith.constant 0 : i32
    %eq3A_43 = arith.cmpi eq, %arg0, %eq3A : i32
    %eq3A_44 = arith.constant 0 : i32
    %eq3A_45 = arith.cmpi eq, %arg1, %eq3A_44 : i32
    %and3A = arith.andi %eq3A_43, %eq3A_45 : i1
    %convert_element_type3A = arith.extui %and3A : i1 to i32
    %cond3A = arith.constant 0 : i32
    %cond3A_46 = arith.cmpi ne, %convert_element_type3A, %cond3A : i32
    scf.if %cond3A_46 {
      %broadcast_in_dim3A = arith.constant 0.000000e+00 : f32
      %broadcast_in_dim3A_109 = vector.broadcast %broadcast_in_dim3A : f32 to vector<1x32xf32>
      %swap3A_110 = arith.constant 0 : index
      %swap3A_111 = arith.constant 0 : index
      %swap3A_112 = vector.load %arg17[%swap3A_110, %swap3A_111] : memref<1x32xf32, #tpu.memory_space<vmem>>, vector<1x32xf32>
      tpu.vector_store %arg17[%swap3A_110, %swap3A_111], %broadcast_in_dim3A_109 {strides = array<i32>} : memref<1x32xf32, #tpu.memory_space<vmem>>, vector<1x32xf32>,
      %broadcast_in_dim3A_113 = arith.constant 0.000000e+00 : f32
      %broadcast_in_dim3A_114 = vector.broadcast %broadcast_in_dim3A_113 : f32 to vector<1x32xf32>
      %swap3A_115 = arith.constant 0 : index
      %swap3A_116 = arith.constant 0 : index
      %swap3A_117 = vector.load %arg18[%swap3A_115, %swap3A_116] : memref<1x32xf32, #tpu.memory_space<vmem>>, vector<1x32xf32>
      tpu.vector_store %arg18[%swap3A_115, %swap3A_116], %broadcast_in_dim3A_114 {strides = array<i32>} : memref<1x32xf32, #tpu.memory_space<vmem>>, vector<1x32xf32>,
    } else {
    }
    %eq3A_47 = arith.constant 0 : i32
    %eq3A_48 = arith.cmpi eq, %arg0, %eq3A_47 : i32
    %convert_element_type3A_49 = arith.extui %eq3A_48 : i1 to i32
    %cond3A_50 = arith.constant 0 : i32
    %cond3A_51 = arith.cmpi ne, %convert_element_type3A_49, %cond3A_50 : i32
    scf.if %cond3A_51 {
      %get3A_109 = arith.constant 0 : index
      %get3A_110 = arith.constant 0 : index
      %get3A_111 = vector.load %arg17[%get3A_109, %get3A_110] : memref<1x32xf32, #tpu.memory_space<vmem>>, vector<1x32xf32>
      %reduce_sum3A = arith.constant dense<0.000000e+00> : vector<32xf32>
      %reduce_sum3A_112 = vector.multi_reduction <add>, %add3A_42, %reduce_sum3A [0] : vector<2000x32xf32> to vector<32xf32>
      %broadcast_in_dim3A = vector.shape_cast %reduce_sum3A_112 : vector<32xf32> to vector<1x32xf32>
      %add3A_113 = arith.addf %get3A_111, %broadcast_in_dim3A : vector<1x32xf32>
      %swap3A_114 = arith.constant 0 : index
      %swap3A_115 = arith.constant 0 : index
      %swap3A_116 = vector.load %arg17[%swap3A_114, %swap3A_115] : memref<1x32xf32, #tpu.memory_space<vmem>>, vector<1x32xf32>
      tpu.vector_store %arg17[%swap3A_114, %swap3A_115], %add3A_113 {strides = array<i32>} : memref<1x32xf32, #tpu.memory_space<vmem>>, vector<1x32xf32>,
      %get3A_117 = arith.constant 0 : index
      %get3A_118 = arith.constant 0 : index
      %get3A_119 = vector.load %arg18[%get3A_117, %get3A_118] : memref<1x32xf32, #tpu.memory_space<vmem>>, vector<1x32xf32>
      %mul3A_120 = arith.mulf %add3A_42, %add3A_42 : vector<2000x32xf32>
      %reduce_sum3A_121 = arith.constant dense<0.000000e+00> : vector<32xf32>
      %reduce_sum3A_122 = vector.multi_reduction <add>, %mul3A_120, %reduce_sum3A_121 [0] : vector<2000x32xf32> to vector<32xf32>
      %broadcast_in_dim3A_123 = vector.shape_cast %reduce_sum3A_122 : vector<32xf32> to vector<1x32xf32>
      %add3A_124 = arith.addf %get3A_119, %broadcast_in_dim3A_123 : vector<1x32xf32>
      %swap3A_125 = arith.constant 0 : index
      %swap3A_126 = arith.constant 0 : index
      %swap3A_127 = vector.load %arg18[%swap3A_125, %swap3A_126] : memref<1x32xf32, #tpu.memory_space<vmem>>, vector<1x32xf32>
      tpu.vector_store %arg18[%swap3A_125, %swap3A_126], %add3A_124 {strides = array<i32>} : memref<1x32xf32, #tpu.memory_space<vmem>>, vector<1x32xf32>,
    } else {
    }
    %get3A_52 = arith.constant 0 : index
    %get3A_53 = arith.constant 0 : index
    %get3A_54 = vector.load %arg17[%get3A_52, %get3A_53] : memref<1x32xf32, #tpu.memory_space<vmem>>, vector<1x32xf32>
    %mul3A_55 = arith.constant 9.99999974E-6 : f32
    %mul3A_56 = vector.broadcast %mul3A_55 : f32 to vector<1x32xf32>
    %mul3A_57 = arith.mulf %get3A_54, %mul3A_56 : vector<1x32xf32>
    %get3A_58 = arith.constant 0 : index
    %get3A_59 = arith.constant 0 : index
    %get3A_60 = vector.load %arg18[%get3A_58, %get3A_59] : memref<1x32xf32, #tpu.memory_space<vmem>>, vector<1x32xf32>
    %mul3A_61 = arith.constant 9.99999974E-6 : f32
    %mul3A_62 = vector.broadcast %mul3A_61 : f32 to vector<1x32xf32>
    %mul3A_63 = arith.mulf %get3A_60, %mul3A_62 : vector<1x32xf32>
    %mul3A_64 = arith.mulf %mul3A_57, %mul3A_57 : vector<1x32xf32>
    %sub3A = arith.subf %mul3A_63, %mul3A_64 : vector<1x32xf32>
    %add3A_65 = arith.constant 9.99999974E-6 : f32
    %add3A_66 = vector.broadcast %add3A_65 : f32 to vector<1x32xf32>
    %add3A_67 = arith.addf %sub3A, %add3A_66 : vector<1x32xf32>
    %rsqrt3A = math.rsqrt %add3A_67 : vector<1x32xf32>
    %sub3A_68 = vector.broadcast %mul3A_57 : vector<1x32xf32> to vector<2000x32xf32>
    %sub3A_69 = arith.subf %add3A_42, %sub3A_68 : vector<2000x32xf32>
    %mul3A_70 = vector.broadcast %rsqrt3A : vector<1x32xf32> to vector<2000x32xf32>
    %mul3A_71 = arith.mulf %sub3A_69, %mul3A_70 : vector<2000x32xf32>
    %get3A_72 = arith.constant 0 : index
    %get3A_73 = arith.constant 0 : index
    %get3A_74 = vector.load %arg10[%get3A_72, %get3A_73] : memref<1x32xf32, #tpu.memory_space<vmem>>, vector<1x32xf32>
    %mul3A_75 = vector.broadcast %get3A_74 : vector<1x32xf32> to vector<2000x32xf32>
    %mul3A_76 = arith.mulf %mul3A_71, %mul3A_75 : vector<2000x32xf32>
    %get3A_77 = arith.constant 0 : index
    %get3A_78 = arith.constant 0 : index
    %get3A_79 = vector.load %arg11[%get3A_77, %get3A_78] : memref<1x32xf32, #tpu.memory_space<vmem>>, vector<1x32xf32>
    %add3A_80 = vector.broadcast %get3A_79 : vector<1x32xf32> to vector<2000x32xf32>
    %add3A_81 = arith.addf %mul3A_76, %add3A_80 : vector<2000x32xf32>
    %max3A = arith.constant 0.000000e+00 : f32
    %max3A_82 = vector.broadcast %max3A : f32 to vector<2000x32xf32>
    %max3A_83 = arith.maximumf %add3A_81, %max3A_82 : vector<2000x32xf32>
    %get3A_84 = arith.constant 0 : index
    %get3A_85 = arith.constant 0 : index
    %get3A_86 = vector.load %arg12[%get3A_84, %get3A_85] : memref<32x64xf32, #tpu.memory_space<vmem>>, vector<32x64xf32>
    %dot_general3A_87 = arith.constant dense<0.000000e+00> : vector<2000x64xf32>
    %dot_general3A_88 = tpu.matmul %max3A_83, %get3A_86, %dot_general3A_87 {dimension_numbers = #tpu.dot_dimension_numbers<[1], [0], [0], [1], [0, 0, 1, 1], [], []>, transpose_lhs_hint = false} : vector<2000x32xf32>, vector<32x64xf32>, vector<2000x64xf32> -> vector<2000x64xf32>
    %get3A_89 = arith.constant 0 : index
    %get3A_90 = arith.constant 0 : index
    %get3A_91 = vector.load %arg13[%get3A_89, %get3A_90] : memref<1x64xf32, #tpu.memory_space<vmem>>, vector<1x64xf32>
    %add3A_92 = vector.broadcast %get3A_91 : vector<1x64xf32> to vector<2000x64xf32>
    %add3A_93 = arith.addf %dot_general3A_88, %add3A_92 : vector<2000x64xf32>
    %max3A_94 = arith.constant 0.000000e+00 : f32
    %max3A_95 = vector.broadcast %max3A_94 : f32 to vector<2000x64xf32>
    %max3A_96 = arith.maximumf %add3A_93, %max3A_95 : vector<2000x64xf32>
    %get3A_97 = arith.constant 0 : index
    %get3A_98 = arith.constant 0 : index
    %get3A_99 = vector.load %arg14[%get3A_97, %get3A_98] : memref<64x1xf32, #tpu.memory_space<vmem>>, vector<64x1xf32>
    %dot_general3A_100 = arith.constant dense<0.000000e+00> : vector<2000x1xf32>
    %dot_general3A_101 = tpu.matmul %max3A_96, %get3A_99, %dot_general3A_100 {dimension_numbers = #tpu.dot_dimension_numbers<[1], [0], [0], [1], [0, 0, 1, 1], [], []>, transpose_lhs_hint = false} : vector<2000x64xf32>, vector<64x1xf32>, vector<2000x1xf32> -> vector<2000x1xf32>
    %get3A_102 = arith.constant 0 : index
    %get3A_103 = arith.constant 0 : index
    %get3A_104 = vector.load %arg15[%get3A_102, %get3A_103] : memref<1x1xf32, #tpu.memory_space<vmem>>, vector<1x1xf32>
    %add3A_105 = vector.broadcast %get3A_104 : vector<1x1xf32> to vector<2000x1xf32>
    %add3A_106 = arith.addf %dot_general3A_101, %add3A_105 : vector<2000x1xf32>
    %swap3A = arith.constant 0 : index
    %swap3A_107 = arith.constant 0 : index
    %swap3A_108 = vector.load %arg16[%swap3A, %swap3A_107] : memref<2000x1xf32, #tpu.memory_space<vmem>>, vector<2000x1xf32>
    tpu.vector_store %arg16[%swap3A, %swap3A_107], %add3A_106 {strides = array<i32>} : memref<2000x1xf32, #tpu.memory_space<vmem>>, vector<2000x1xf32>,
    return
  }
  func.func @transform_0(%arg0: i32, %arg1: i32) -> (i32, i32) {
    %c0_i32 = arith.constant 0 : i32
    %c0_i32_0 = arith.constant 0 : i32
    return %arg1, %c0_i32 : i32, i32
  }
  func.func @transform_1(%arg0: i32, %arg1: i32) -> (i32, i32) {
    %c0_i32 = arith.constant 0 : i32
    %c0_i32_0 = arith.constant 0 : i32
    return %arg1, %c0_i32 : i32, i32
  }
  func.func @transform_2(%arg0: i32, %arg1: i32) -> (i32, i32) {
    %c0_i32 = arith.constant 0 : i32
    %c0_i32_0 = arith.constant 0 : i32
    return %arg1, %c0_i32 : i32, i32
  }
  func.func @transform_3(%arg0: i32, %arg1: i32) -> (i32, i32) {
    %c0_i32 = arith.constant 0 : i32
    %c0_i32_0 = arith.constant 0 : i32
    return %arg1, %c0_i32 : i32, i32
  }
  func.func @transform_4(%arg0: i32, %arg1: i32) -> (i32, i32) {
    %c0_i32 = arith.constant 0 : i32
    %c0_i32_0 = arith.constant 0 : i32
    return %arg1, %c0_i32 : i32, i32
  }
  func.func @transform_5(%arg0: i32, %arg1: i32) -> (i32, i32) {
    %c0_i32 = arith.constant 0 : i32
    %c0_i32_0 = arith.constant 0 : i32
    %c0_i32_1 = arith.constant 0 : i32
    return %c0_i32, %c0_i32_0 : i32, i32
  }
  func.func @transform_6(%arg0: i32, %arg1: i32) -> (i32, i32) {
    %c0_i32 = arith.constant 0 : i32
    %c0_i32_0 = arith.constant 0 : i32
    %c0_i32_1 = arith.constant 0 : i32
    return %c0_i32, %c0_i32_0 : i32, i32
  }
  func.func @transform_7(%arg0: i32, %arg1: i32) -> (i32, i32) {
    %c0_i32 = arith.constant 0 : i32
    %c0_i32_0 = arith.constant 0 : i32
    %c0_i32_1 = arith.constant 0 : i32
    return %c0_i32, %c0_i32_0 : i32, i32
  }
  func.func @transform_8(%arg0: i32, %arg1: i32) -> (i32, i32) {
    %c0_i32 = arith.constant 0 : i32
    %c0_i32_0 = arith.constant 0 : i32
    %c0_i32_1 = arith.constant 0 : i32
    return %c0_i32, %c0_i32_0 : i32, i32
  }
  func.func @transform_9(%arg0: i32, %arg1: i32) -> (i32, i32) {
    %c0_i32 = arith.constant 0 : i32
    %c0_i32_0 = arith.constant 0 : i32
    %c0_i32_1 = arith.constant 0 : i32
    return %c0_i32, %c0_i32_0 : i32, i32
  }
  func.func @transform_10(%arg0: i32, %arg1: i32) -> (i32, i32) {
    %c0_i32 = arith.constant 0 : i32
    %c0_i32_0 = arith.constant 0 : i32
    %c0_i32_1 = arith.constant 0 : i32
    return %c0_i32, %c0_i32_0 : i32, i32
  }
  func.func @transform_11(%arg0: i32, %arg1: i32) -> (i32, i32) {
    %c0_i32 = arith.constant 0 : i32
    %c0_i32_0 = arith.constant 0 : i32
    %c0_i32_1 = arith.constant 0 : i32
    return %c0_i32, %c0_i32_0 : i32, i32
  }
  func.func @transform_12(%arg0: i32, %arg1: i32) -> (i32, i32) {
    %c0_i32 = arith.constant 0 : i32
    %c0_i32_0 = arith.constant 0 : i32
    %c0_i32_1 = arith.constant 0 : i32
    return %c0_i32, %c0_i32_0 : i32, i32
  }
  func.func @transform_13(%arg0: i32, %arg1: i32) -> (i32, i32) {
    %c0_i32 = arith.constant 0 : i32
    %c0_i32_0 = arith.constant 0 : i32
    %c0_i32_1 = arith.constant 0 : i32
    return %c0_i32, %c0_i32_0 : i32, i32
  }
  func.func @transform_14(%arg0: i32, %arg1: i32) -> (i32, i32) {
    %c0_i32 = arith.constant 0 : i32
    %c0_i32_0 = arith.constant 0 : i32
    return %arg1, %c0_i32 : i32, i32
  }
}

</mosaic_0001>

<sc_bundles>
// kernel: kernel.6.cloned.1.call-start
scs
__scs_entry_jumppad:
0x0: {  	(pc) =	sbr.rel $0x88, $3  }
0x1: {  	(tag) =	ssettag $0x0;
	lr =	simm.s32 $0x1  }
0x2: {  	[smem:$0x3F91] =	sst lr;
	_ =	strace $0xD0000000  }
0x3: {  	_ = 	snop  }
0x4: {  	_ = 	snop  }
0x5: {  	_ = 	snop  }
0x6: {  	_ = 	snop  }
0x7: {  	_ = 	snop  }
__scs_overlays_trampoline_lowered:
0x8: {  	[smem:$0x3FA0] =	sst s0  }
0x9: {  	[smem:$0x3FA1] =	sst s1  }
0xa: {  	[smem:$0x3FA2] =	sst s2  }
0xb: {  	[smem:$0x3FA3] =	sst s3  }
0xc: {  	[smem:$0x3FA4] =	sst s4  }
0xd: {  	[smem:$0x3FA5] =	sst s5  }
0xe: {  	[smem:$0x3FA6] =	sst s6  }
0xf: {  	[smem:$0x3FA7] =	sst s7  }
0x10: {  	[smem:$0x3FA8] =	sst s8  }
0x11: {  	[smem:$0x3FA9] =	sst s9;
	s0 =	simm.s32 @!p0 $0x0  }
0x12: {  	s1 =	sld [smem:$0x3F8F];
	s0 =	simm.s32 @p0 $0x1  }
0x13: {  	[smem:$0x3FAA] =	sst s0;
	s0 =	simm.s32 @!p1 $0x0  }
0x14: {  	s2 =	sld [smem:$0x3F8E];
	s0 =	simm.s32 @p1 $0x1  }
0x15: {  	[smem:$0x3FAB] =	sst s0;
	s0 =	simm.s32 @!p2 $0x0  }
0x16: {  	s3 =	sld [smem:$0x3FDB];
	s0 =	simm.s32 @p2 $0x1  }
0x17: {  	s4 =	simm.s32 $0x1BF5;
	[smem:$0x3FAD] =	sst s0  }
0x18: {  	s0 =	sld [smem:$0x3F90];
	_ =	swait.ge [sflag:s4], $0x0  }
0x19: {  	s7 =	sld [smem:$0x3F91]  }
0x1a: {  	s8 =	sadd.s32 $0xFFFFE003, lr  }
0x1b: {  	s9 =	sadd.s32 $0xFFFFFEF7, lr;
	s5 =	simm.s32 $0xFFFFFFFF;
	p2 =	slt.u32 s8, $0xFFFFF086  }
0x1c: {  	p1 =	slt.u32 s9, $0xF7A;
	s5 =	simm.s32 @!p2 $0x0  }
0x1d: {  	s5 =	simm.s32 @p1 $0x1;
	p0 =	seq.s32 s7, s2  }
0x1e: {  	s7 =	smul.u32 @!p0 $0xF7A, s2;
	p2 =	seq.s32 @!p0 s5, $0x0  }
0x1f: {  	s9 =	smul.u32 $0xF7A, s1;
	s8 =	simm.s32 @!p0 $0x1BF5;
	p2 =	por !p2, p0  }
0x20: {  	[sflag:s8] =	ssyncset.s32 @!p0 $0xFFFFF086;
	s6 =	sadd.s32 @!p0 s3, s7;
	s7 =	simm.s32 @!p0 $0x108  }
0x21: {  	s3 =	sadd.s32 s3, s9;
	s6 =	sadd.s32 @!p0 $0x88, s6;
	s7 =	simm.s32 @p2 $0x1082  }
0x22: {  	[simem:s7], [sflag:s8] =	dma.local @!p0 [hbm:s6], $0xF7A  }
0x23: {  	s9 =	sor.u32 $0xD0000000, s2;
	s6 =	simm.s32 $0x108;
	_ =	swait.ge @!p0 [sflag:s8], $0x0  }
0x24: {  	s3 =	sadd.s32 $0x88, s3;
	s6 =	simm.s32 @!p1 $0x1082;
	[sflag:s4] =	ssyncset.s32 $0xFFFFF086  }
0x25: {  	[simem:s6], [sflag:s4] =	dma.local [hbm:s3], $0xF7A  }
0x26: {  	[smem:$0x3F91] =	sst s1;
	(tag) =	ssettag s2;
	_ =	strace s9  }
0x27: {  	s1 =	sld [smem:$0x3FA1]  }
0x28: {  	s2 =	sld [smem:$0x3FA2]  }
0x29: {  	s4 =	sld [smem:$0x3FA4]  }
0x2a: {  	p0 =	seq.s32 s5, $0x0;
	s5 =	sld [smem:$0x3FA5]  }
0x2b: {  	s6 =	sld [smem:$0x3FA6]  }
0x2c: {  	s7 =	sld [smem:$0x3FA7]  }
0x2d: {  	s3 =	simm.s32 $0x108;
	s8 =	sld [smem:$0x3FA8]  }
0x2e: {  	s3 =	simm.s32 @!p0 $0x1082;
	s9 =	sld [smem:$0x3FA9]  }
0x2f: {  	lr =	sadd.s32 s0, s3;
	s0 =	sld [smem:$0x3FA0]  }
0x30: {  	s3 =	sld [smem:$0x3FA3]  }
0x31: {  	[smem:$0x3FAC] =	sst s10  }
0x32: {  	s10 =	sld [smem:$0x3FAA];
	_ =	sdelay $0x3  }
0x33: {  	p0 =	seq.s32 s10, $0x1;
	s10 =	sld [smem:$0x3FAC];
	_ =	sdelay $0x3  }
0x34: {  	[smem:$0x3FAC] =	sst s10  }
0x35: {  	s10 =	sld [smem:$0x3FAB];
	_ =	sdelay $0x3  }
0x36: {  	p1 =	seq.s32 s10, $0x1;
	s10 =	sld [smem:$0x3FAC];
	_ =	sdelay $0x3  }
0x37: {  	[smem:$0x3FAC] =	sst s10  }
0x38: {  	s10 =	sld [smem:$0x3FAD]  }
0x39: {  	_ = 	snop;
	(pc) =	sbr.ind lr, $3  }
0x3a: {  	_ = 	snop  }
0x3b: {  	_ = 	snop  }
0x3c: {  	p2 =	seq.s32 s10, $0x1;
	s10 =	sld [smem:$0x3FAC]  }
0x3d: {  	_ =	shalt  }
0x3e: {  	_ =	shalt  }
0x3f: {  	_ =	shalt  }
0x40: {  	_ =	shalt  }
0x41: {  	_ =	shalt  }
0x42: {  	_ =	shalt  }
0x43: {  	_ =	shalt  }
0x44: {  	_ =	shalt  }
0x45: {  	_ =	shalt  }
0x46: {  	_ =	shalt  }
0x47: {  	_ =	shalt  }
0x48: {  	_ =	shalt  }
0x49: {  	_ =	shalt  }
0x4a: {  	_ =	shalt  }
0x4b: {  	_ =	shalt  }
0x4c: {  	_ =	shalt  }
0x4d: {  	_ =	shalt  }
0x4e: {  	_ =	shalt  }
0x4f: {  	_ =	shalt  }
0x50: {  	_ =	shalt  }
0x51: {  	_ =	shalt  }
0x52: {  	_ =	shalt  }
0x53: {  	_ =	shalt  }
0x54: {  	_ =	shalt  }
0x55: {  	_ =	shalt  }
0x56: {  	_ =	shalt  }
0x57: {  	_ =	shalt  }
0x58: {  	_ =	shalt  }
0x59: {  	_ =	shalt  }
0x5a: {  	_ =	shalt  }
0x5b: {  	_ =	shalt  }
0x5c: {  	_ =	shalt  }
0x5d: {  	_ =	shalt  }
0x5e: {  	_ =	shalt  }
0x5f: {  	_ =	shalt  }
0x60: {  	_ =	shalt  }
0x61: {  	_ =	shalt  }
0x62: {  	_ =	shalt  }
0x63: {  	_ =	shalt  }
0x64: {  	_ =	shalt  }
0x65: {  	_ =	shalt  }
0x66: {  	_ =	shalt  }
0x67: {  	_ =	shalt  }
0x68: {  	_ =	shalt  }
0x69: {  	_ =	shalt  }
0x6a: {  	_ =	shalt  }
0x6b: {  	_ =	shalt  }
0x6c: {  	_ =	shalt  }
0x6d: {  	_ =	shalt  }
0x6e: {  	_ =	shalt  }
0x6f: {  	_ =	shalt  }
0x70: {  	_ =	shalt  }
0x71: {  	_ =	shalt  }
0x72: {  	_ =	shalt  }
0x73: {  	_ =	shalt  }
0x74: {  	_ =	shalt  }
0x75: {  	_ =	shalt  }
0x76: {  	_ =	shalt  }
0x77: {  	_ =	shalt  }
0x78: {  	_ =	shalt  }
0x79: {  	_ =	shalt  }
0x7a: {  	_ =	shalt  }
0x7b: {  	_ =	shalt  }
0x7c: {  	_ =	shalt  }
0x7d: {  	_ =	shalt  }
0x7e: {  	_ =	shalt  }
0x7f: {  	_ =	shalt  }
0x80: {  	_ =	shalt  }
0x81: {  	_ =	shalt  }
0x82: {  	_ =	shalt  }
0x83: {  	_ =	shalt  }
0x84: {  	_ =	shalt  }
0x85: {  	_ =	shalt  }
0x86: {  	_ =	shalt  }
0x87: {  	_ =	shalt  }
.Lfunc_end0:
.L_simem_size_0:
called_computation.1_lowered:
.L_overlay_start_0:
0x88: {  	s2 =	sld [smem:$0x3FD9]  }
0x89: {  	s3 =	sld [smem:$0x3FFE];
	_ =	sdelay $0x1  }
0x8a: {  	s1 =	srdreg.scid  }
0x8b: {  	s0 =	sand.u32 $0x1, s1  }
0x8c: {  	s17 =	sshll.u32 s0, $0xA;
	s2 =	sadd.s32 s3, s2  }
0x8d: {  	s2 =	sadd.s32 s2, s17  }
0x8e: {  	[smem:$0x3FB8] =	sst s2  }
0x8f: {  	_ = 	snop  }
0x90: {  	s2 =	sld [smem:$0x3FD0];
	(tm) =	ssettm $0x1  }
0x91: {  	s18 =	sld [smem:$0x3FFB];
	_ =	sdelay $0x3  }
0x92: {  	_ =	strace s18  }
0x93: {  	s3 =	sld [smem:$0x3FFC];
	_ =	sdelay $0x3  }
0x94: {  	_ =	strace s3  }
0x95: {  	s3 =	sld [smem:$0x3FFD];
	_ =	sdelay $0x3  }
0x96: {  	_ =	strace s3  }
0x97: {  	_ =	strace $0x8FFFFFFF  }
0x98: {  	s19 =	sld [smem:$0x3FDB];
	_ =	sdelay $0x1  }
0x99: {  	s4 =	simm.s32 $_scs_section_size  }
0x9a: {  	s5 =	simm.s32 $_size__tile_overlayer_lowered;
	s6 =	simm.s32 $_tile_overlayer_lowered  }
0x9b: {  	s22 =	simm.s32 $0x1BFF;
	s21 =	sshll.u32 s6, $0x1;
	s3 =	sadd.s32 s4, s19  }
0x9c: {  	s7 =	simm.s32 $0x0;
	s20 =	sshll.u32 s5, $0x1;
	s5 =	sadd.s32 s21, s3  }
0x9d: {  	[timem:s7], [sflag:s22] =	dma.local [hbm:s5], s20  }
0x9e: {  	_ =	swait.ge [sflag:s22], s20  }
0x9f: {  	s4 =	ssub.s32 $0x0, s20;
	[sflag:s22] =	ssyncset.done $0x0  }
0xa0: {  	[sflag:s22] =	ssyncadd.s32 s4;
	_ =	sdelay $0x1  }
0xa1: {  	s23 =	simm.s32 $0x1B8B  }
0xa2: {  	_ =	swait.ge [sflag:s23], $0x1  }
0xa3: {  	[sflag:s23] =	ssyncset.done $0x0  }
0xa4: {  	s25 =	simm.s32 $0x1B8E;
	s24 =	sld [smem:$0x3FFE];
	[sflag:s23] =	ssyncadd.s32 $0xFFFFFFFF  }
0xa5: {  	s26 =	simm.s32 $execute0_lowered;
	[smem:$0x3FD2] =	sst s25  }
0xa6: {  	s5 =	sshll.u32 s26, $0x1;
	_ =	strace $0x80000049;
	[dreg:$0x1] =	wrdreg $0xFFFFFFFF  }
0xa7: {  	s28 =	simm.s32 $_size_execute0_lowered;
	s3 =	sadd.s32 s3, s5;
	[dreg:$0x0] =	wrdreg $0x0  }
0xa8: {  	s5 =	sshll.u32 s28, $0x1;
	[dreg:$0x2] =	wrdreg s3  }
0xa9: {  	[dreg:$0x3] =	wrdreg s5  }
0xaa: {  	[dreg:$0x4] =	wrdreg $0xC0  }
0xab: {  	_ =	task [dreg:s7], $0x5FFFF  }
0xac: {  	[dreg:$0x1] =	wrdreg $0xFFFFFFFF  }
0xad: {  	[dreg:$0x0] =	wrdreg $0x60  }
0xae: {  	[dreg:$0x2] =	wrdreg s24  }
0xaf: {  	[dreg:$0x3] =	wrdreg s2  }
0xb0: {  	[dreg:$0x4] =	wrdreg $0x5F000  }
0xb1: {  	[dreg:$0x5] =	wrdreg $0x9  }
0xb2: {  	_ =	task.clear_ibuf [dreg:s7], $0x6FFFF;
	_ =	strace $0x90000049  }
0xb3: {  	s29 =	simm.s32 $0x9;
	_ =	strace $0x8000004B  }
0xb4: {  	_ =	swait.ge [sflag:s29], $0x1  }
0xb5: {  	[sflag:s29] =	ssyncadd.s32 $0xFFFFFFFF  }
0xb6: {  	_ =	strace $0x9000004B  }
0xb7: {  	_ =	sfence  }
0xb8: {  	s30 =	sld [smem:$0x0];
	_ =	sdelay $0x2  }
0xb9: {  	s31 =	sshll.u32 s1, $0xD;
	s1 =	sshrl.u32 s1, $0x2  }
0xba: {  	s3 =	sand.u32 $0x4000, s31;
	s1 =	sadd.s32 s1, s30  }
0xbb: {  	s0 =	sor.u32 s3, s0;
	s1 =	sshll.u32 s1, $0x11  }
0xbc: {  	s0 =	sor.u32 s1, s0  }
0xbd: {  	s0 =	sadd.s32 $0x8F2B, s0  }
0xbe: {  	[sflag:s0] =	ssyncadd.remote.s32 $0x1  }
0xbf: {  	_ =	sfence.sel $0xFFFF  }
0xc0: {  	[dreg:$0x0] =	wrdreg $0xFFFFFFFF;
	(pc) =	sbr.abs _section_cstart, $3  }
0xc1: {  	[dreg:$0x1] =	wrdreg $0xFFFFFFFF  }
0xc2: {  	_ =	task.clear_ibuf [dreg:s7], $0x2FFFF;
	_ =	strace $0x9FFFFFFF  }
0xc3: {  	(tm) =	ssettm $0x7FFFFFFF  }
tec
execute0_lowered:
.L_overlay_start_1:
0x0: {  	(tag) =	ssettag $0x1  }
0x1: {  	s0 =	rddreg [dreg:$0x0]  }
0x2: {  	s3 =	rddreg [dreg:$0x2];
	s1 =	srdreg.scid  }
0x3: {  	s13 =	stileid.u32;
	s4 =	simm.s32 $0x0;
	s14 =	simm.s32 $0x341400  }
0x4: {  	s17 =	simm.s32 $0x4;
	s19 =	simm.s32 $0x80;
	s30 =	simm.s32 $0x2800  }
0x5: {  	s31 =	simm.s32 $0x1;
	s1 =	sand.u32 $0x1, s1;
	s2 =	smul.u32 $0x1388, s13  }
0x6: {  	[smem:$0x7FF] =	sst s4;
	s10 =	smul.u32 $0x18700, s13;
	s11 =	sadd.s32 $0x3200, s0  }
0x7: {  	s21 =	sshll.u32 s13, $0x6;
	s5 =	smul.u32 $0x1388, s1;
	_ =	strace $0x8000004A  }
0x8: {  	s6 =	ssub.s32 $0x2, s1;
	s23 =	smul.u32 $0x30D400, s1;
	p0 =	seq.s32 s1, $0x1  }
0x9: {  	s1 =	smul.u32 $0x61A80, s1;
	[dreg:$0x4] =	wrdreg s30;
	s9 =	sshrl.u32 s2, $0x4  }
0xa: {  	s8 =	sshrl.u32 s6, $0x1;
	s16 =	sadd.s32 s10, s3;
	s2 =	sadd.s32 $0x1388, s2  }
0xb: {  	s10 =	sshrl.u32 s10, $0x3;
	s14 =	simm.s32 @!p0 $0x372200;
	s7 =	sadd.s32 s5, s9  }
0xc: {  	s5 =	sadd.s32 $0x310600, s0;
	s12 =	ssub.s32 s6, s8;
	s6 =	sor.u32 $0x1C04, s21  }
0xd: {  	s2 =	sshrl.u32 s2, $0x4;
	s25 =	smul.u32 $0x280, s9;
	s0 =	sadd.s32 s14, s0  }
0xe: {  	s1 =	sadd.s32 s1, s11;
	s16 =	sshrl.u32 s16, $0x3;
	s7 =	smul.u32 $0x280, s7  }
0xf: {  	s8 =	ssub.s32 s2, s9;
	s26 =	smax.u32 s12, $0x1;
	s9 =	smul.u32 $0x50, s9  }
0x10: {  	s0 =	sadd.s32 s0, s10;
	[dreg:$0x9] =	wrdreg s26;
	s7 =	sshrl.u32 s7, $0x3  }
0x11: {  	[dreg:$0xa] =	wrdreg s0;
	s29 =	sadd.s32 s9, s1;
	s7 =	sadd.s32 s11, s7  }
0x12: {  	s2 =	sadd.s32 s25, s23;
	s0 =	sadd.s32 $0xA0, s29;
	[dreg:$0x5] =	wrdreg s7  }
.Ltmp0:
0x13: {  	s22 =	sadd.s32 $0xC3500, s7;
	[dreg:$0xc] =	wrdreg s0;
	(pc) =	sbr.rel .LBB2_1-.Ltmp0, $4  }
0x14: {  	s2 =	sadd.s32 $0x61AD00, s2;
	s24 =	sadd.s32 $0x50, s7;
	[dreg:$0x6] =	wrdreg s22  }
0x15: {  	s2 =	sshrl.u32 s2, $0x3;
	s7 =	sadd.s32 $0xC3550, s7;
	[dreg:$0x7] =	wrdreg s24  }
0x16: {  	p0 =	slt.s32 s8, $0x1;
	s28 =	sadd.s32 s2, s11;
	[dreg:$0x8] =	wrdreg s7  }
0x17: {  	s1 =	simm.s32 $0x0;
	s0 =	simm.s32 $0x2;
	[dreg:$0xb] =	wrdreg s28  }
.LBB2_4:
0x18: {  	[tilespmem:s28], [sflag:$0x1] =	stream.indirect.gather @!p1 [hbm4b:s5+s25], $0x10, s26, s25, $0xb8;
	[tilespmem:$0x1E600] =	vst v63  }
.LBB2_5:
0x19: {  	_ =	swait.ge [sflag:s0], $0x800  }
0x1a: {  	[sflag:s0] =	ssyncset.done $0x0  }
0x1b: {  	[sflag:s0] =	ssyncadd.s32 $0xFFFFF800  }
0x1c: {  	_ =	swait.ge [sflag:s0], $0x800  }
0x1d: {  	[sflag:s0] =	ssyncset.done $0x0  }
0x1e: {  	[sflag:s0] =	ssyncadd.s32 $0xFFFFF800  }
0x1f: {  	_ =	swait.ge [sflag:s0], $0x800  }
0x20: {  	[sflag:s0] =	ssyncset.done $0x0  }
0x21: {  	[sflag:s0] =	ssyncadd.s32 $0xFFFFF800  }
0x22: {  	_ =	swait.ge [sflag:s0], $0x800  }
0x23: {  	[sflag:s0] =	ssyncset.done $0x0  }
0x24: {  	[sflag:s0] =	ssyncadd.s32 $0xFFFFF800  }
0x25: {  	_ =	swait.ge [sflag:s0], $0x800  }
0x26: {  	[sflag:s0] =	ssyncset.done $0x0  }
0x27: {  	[sflag:s0] =	ssyncadd.s32 $0xFFFFF800  }
0x28: {  	[bflag:$0x0] =	sbarrier.arrive $0xFFFF  }
0x29: {  	s2 =	rddreg [dreg:$0xa]  }
0x2a: {  	[hbm:s2], [sflag:s6] =	dma.local [spmem:s16], $0x30E0  }
0x2b: {  	_ =	swait.ge [sflag:s17], $0x30E0  }
0x2c: {  	s1 =	sadd.s32 $0x1, s1;
	s30 =	rddreg [dreg:$0x9]  }
0x2d: {  	p1 =	sne.s32 s1, s30  }
.Ltmp1:
0x2e: {  	_ = 	snop;
	(pc) =	sbr.rel @!p1 .LBB2_6-.Ltmp1, $3  }
0x2f: {  	_ =	sdelay $0x1  }
0x30: {  	[sflag:s17] =	ssyncset.done $0x0  }
0x31: {  	[sflag:s17] =	ssyncadd.s32 $0xFFFFCF20  }
.LBB2_1:
0x32: {  	s2 =	rddreg [dreg:$0x1]  }
0x33: {  	[spmem:s16], [sflag:s6] =	dma.local [hbm:s2], $0x30E0  }
0x34: {  	_ =	swait.ge [sflag:s17], $0x30E0  }
0x35: {  	[sflag:s17] =	ssyncset.done $0x0  }
0x36: {  	[sflag:s17] =	ssyncadd.s32 $0xFFFFCF20  }
0x37: {  	[bflag:$0x0] =	sbarrier.arrive $0xFFFF  }
0x38: {  	s13 =	rddreg [dreg:$0x5]  }
0x39: {  	[tilespmem:s4], [sflag:$0x4] =	stream.linear.gather [hbm4b:s13+s4], $0x280, $0x38;
	[tilespmem:$0x1E600] =	vst v63  }
0x3a: {  	_ =	swait.ge [sflag:s17], $0x280  }
0x3b: {  	[sflag:s17] =	ssyncset.done $0x0  }
0x3c: {  	s7 =	simm.s32 $0x280;
	s14 =	rddreg [dreg:$0x6];
	[sflag:s17] =	ssyncadd.s32 $0xFFFFFD80  }
0x3d: {  	[tilespmem:s7], [sflag:$0x4] =	stream.linear.gather [hbm4b:s14+s4], $0x280, $0x38;
	[tilespmem:$0x1E600] =	vst v63  }
0x3e: {  	_ =	swait.ge [sflag:s17], $0x280  }
0x3f: {  	[sflag:s17] =	ssyncset.done $0x0  }
0x40: {  	s15 =	simm.s32 $0xF00;
	[sflag:s17] =	ssyncadd.s32 $0xFFFFFD80  }
0x41: {  	[tilespmem:s15], [sflag:$0x1] =	stream.indirect.gather [hbm4b:s5+s19], $0x10, s4, s19, $0xb8;
	[tilespmem:$0x1E600] =	vst v63  }
0x42: {  	s18 =	simm.s32 $0x1700  }
0x43: {  	[tilespmem:s18], [sflag:$0x1] =	stream.indirect.gather [hbm4b:s5+s19], $0x10, s19, s19, $0xb8;
	[tilespmem:$0x1E600] =	vst v63  }
0x44: {  	s20 =	simm.s32 $0x100;
	s21 =	simm.s32 $0x1F00  }
0x45: {  	[tilespmem:s21], [sflag:$0x1] =	stream.indirect.gather [hbm4b:s5+s19], $0x10, s20, s19, $0xb8;
	[tilespmem:$0x1E600] =	vst v63  }
0x46: {  	s22 =	simm.s32 $0x180;
	s23 =	simm.s32 $0x2700  }
0x47: {  	[tilespmem:s23], [sflag:$0x1] =	stream.indirect.gather [hbm4b:s5+s19], $0x10, s22, s19, $0xb8;
	[tilespmem:$0x1E600] =	vst v63  }
0x48: {  	s24 =	simm.s32 $0x200;
	s25 =	simm.s32 $0x2F00  }
0x49: {  	[tilespmem:s25], [sflag:$0x1] =	stream.indirect.gather [hbm4b:s5+s19], $0x10, s24, s19, $0xb8;
	[tilespmem:$0x1E600] =	vst v63  }
.Ltmp2:
0x4a: {  	_ = 	snop;
	(pc) =	sbr.rel @p0 .LBB2_5-.Ltmp2, $4  }
0x4b: {  	s28 =	simm.s32 $0x500;
	s26 =	rddreg [dreg:$0x7]  }
0x4c: {  	[tilespmem:s28], [sflag:$0x3] =	stream.linear.gather [hbm4b:s26+s4], $0x280, $0x38;
	[tilespmem:$0x1E600] =	vst v63  }
0x4d: {  	s30 =	simm.s32 $0x780;
	s29 =	rddreg [dreg:$0x8]  }
0x4e: {  	[tilespmem:s30], [sflag:$0x3] =	stream.linear.gather [hbm4b:s29+s4], $0x280, $0x38;
	[tilespmem:$0x1E600] =	vst v63  }
0x4f: {  	s2 =	rddreg [dreg:$0x4];
	_ =	swait.ge [sflag:s31], $0x800  }
0x50: {  	[sflag:s31] =	ssyncset.done $0x0  }
0x51: {  	[sflag:s31] =	ssyncadd.s32 $0xFFFFF800  }
0x52: {  	_ =	swait.ge [sflag:s31], $0x800  }
0x53: {  	[sflag:s31] =	ssyncset.done $0x0  }
0x54: {  	[sflag:s31] =	ssyncadd.s32 $0xFFFFF800  }
0x55: {  	_ =	swait.ge [sflag:s31], $0x800  }
0x56: {  	s9 =	smulhi.u32 $0xAAAAAAAB, s4;
	[sflag:s31] =	ssyncset.done $0x0  }
0x57: {  	[sflag:s31] =	ssyncadd.s32 $0xFFFFF800  }
0x58: {  	s10 =	sand.u32 $0x1, s4;
	s9 =	sshrl.u32 s9, $0x1;
	_ =	swait.ge [sflag:s31], $0x800  }
0x59: {  	p1 =	seq.s32 s10, $0x1;
	s12 =	smul.u32 $0xFFFFC400, s9;
	[sflag:s31] =	ssyncset.done $0x0  }
0x5a: {  	s2 =	simm.s32 @!p1 $0x0;
	s9 =	smul.u32 $0x3C00, s9;
	[sflag:s31] =	ssyncadd.s32 $0xFFFFF800  }
0x5b: {  	s11 =	sadd.s32 $0xF00, s2;
	s10 =	sshra.s32 s12, $0x2;
	_ =	swait.ge [sflag:s31], $0x800  }
0x5c: {  	s9 =	ssub.s32 $0x0, s9;
	s10 =	sadd.s32 $0x0, s10;
	[sflag:s31] =	ssyncset.done $0x0  }
0x5d: {  	s20 =	sadd.s32 $0xC00, s9;
	s18 =	sadd.s32 $0x280, s10;
	[sflag:s31] =	ssyncadd.s32 $0xFFFFF800  }
0x5e: {  	[spmem:s3] =	stream.indirect.scatter.add.f32 [tilespmem:s11], [sflag:$0x2], $0x10, s18, s19, $0xb8;
	[tilespmem:$0x1E600] =	vst v63  }
0x5f: {  	s13 =	sor.u32 $0x1700, s2;
	s15 =	sadd.s32 $0xE00, s9;
	s14 =	sshra.s32 s20, $0x2  }
0x60: {  	[spmem:s3] =	stream.indirect.scatter.add.f32 [tilespmem:s13], [sflag:$0x2], $0x10, s14, s19, $0xb8;
	[tilespmem:$0x1E600] =	vst v63  }
0x61: {  	s21 =	sadd.s32 $0x1F00, s2;
	s9 =	sadd.s32 $0x1000, s9;
	s22 =	sshra.s32 s15, $0x2  }
0x62: {  	[spmem:s3] =	stream.indirect.scatter.add.f32 [tilespmem:s21], [sflag:$0x2], $0x10, s22, s19, $0xb8;
	[tilespmem:$0x1E600] =	vst v63  }
0x63: {  	s23 =	sadd.s32 $0x2700, s2;
	s9 =	sshra.s32 s9, $0x2  }
0x64: {  	[spmem:s3] =	stream.indirect.scatter.add.f32 [tilespmem:s23], [sflag:$0x2], $0x10, s9, s19, $0xb8;
	[tilespmem:$0x1E600] =	vst v63  }
0x65: {  	p1 =	sle.s32 s8, $0x1;
	s2 =	sadd.s32 $0x2F00, s2;
	s24 =	sadd.s32 $0x480, s10  }
0x66: {  	[spmem:s3] =	stream.indirect.scatter.add.f32 [tilespmem:s2], [sflag:$0x2], $0x10, s24, s19, $0xb8;
	[tilespmem:$0x1E600] =	vst v63  }
0x67: {  	s2 =	simm.s32 @!p1 $0x3  }
0x68: {  	_ =	swait.ge @!p1 [sflag:s2], $0x280  }
0x69: {  	[sflag:s2] =	ssyncset.done @!p1 $0x0  }
0x6a: {  	[sflag:s2] =	ssyncadd.s32 @!p1 $0xFFFFFD80  }
0x6b: {  	_ =	swait.ge @!p1 [sflag:s2], $0x280  }
0x6c: {  	p3 =	por $0x1, $0x1;
	[sflag:s2] =	ssyncset.done @!p1 $0x0  }
0x6d: {  	s9 =	simm.s32 @!p3 $0x2;
	[sflag:s2] =	ssyncadd.s32 @!p1 $0xFFFFFD80  }
0x6e: {  	_ =	swait.ge @!p3 [sflag:s9], $0x800  }
0x6f: {  	s25 =	smulhi.u32 $0xAAAAAAAB, s31;
	[sflag:s9] =	ssyncset.done @!p3 $0x0  }
0x70: {  	[sflag:s9] =	ssyncadd.s32 @!p3 $0xFFFFF800  }
0x71: {  	s26 =	sshrl.u32 s25, $0x1;
	_ =	swait.ge @!p3 [sflag:s9], $0x800  }
0x72: {  	s29 =	smul.u32 $0x3C00, s26;
	[sflag:s9] =	ssyncset.done @!p3 $0x0  }
0x73: {  	p2 =	sne.s32 s8, $0x1;
	s10 =	smul.u32 $0xFFFFC400, s26;
	[sflag:s9] =	ssyncadd.s32 @!p3 $0xFFFFF800  }
0x74: {  	s30 =	smulhi.u32 $0xAAAAAAAB, s0;
	s25 =	simm.s32 @!p1 $0x80;
	_ =	swait.ge @!p3 [sflag:s9], $0x800  }
0x75: {  	s20 =	ssub.s32 $0x1A00, s29;
	s10 =	sshra.s32 s10, $0x2;
	[sflag:s9] =	ssyncset.done @!p3 $0x0  }
0x76: {  	s20 =	sadd.s32 @!p1 $0x0, s20;
	s10 =	sadd.s32 @!p1 $0x0, s10;
	[sflag:s9] =	ssyncadd.s32 @!p3 $0xFFFFF800  }
0x77: {  	s26 =	sadd.s32 @!p1 $0x700, s10;
	s18 =	sshrl.u32 s30, $0x1;
	_ =	swait.ge @!p3 [sflag:s9], $0x800  }
0x78: {  	s11 =	ssub.s32 $0x1600, s29;
	s18 =	smul.u32 $0xFFFFC400, s18;
	[sflag:s9] =	ssyncset.done @!p3 $0x0  }
0x79: {  	s11 =	sadd.s32 @!p1 $0x0, s11;
	s2 =	simm.s32 $0x1;
	[sflag:s9] =	ssyncadd.s32 @!p3 $0xFFFFF800  }
0x7a: {  	s11 =	sshra.s32 @!p1 s11, $0x2;
	s22 =	sand.u32 @!p1 $0x1, s2;
	_ =	swait.ge @!p3 [sflag:s9], $0x800  }
0x7b: {  	s21 =	ssub.s32 $0x1800, s29;
	p4 =	seq.s32 @!p1 s22, $0x1;
	[sflag:s9] =	ssyncset.done @!p3 $0x0  }
0x7c: {  	[sflag:s9] =	ssyncadd.s32 @!p3 $0xFFFFF800;
	p3 =	sle.s32 s8, $0x2;
	s9 =	sshra.s32 s18, $0x2  }
0x7d: {  	p4 =	por !p4, p1;
	s12 =	rddreg [dreg:$0xc];
	s9 =	sadd.s32 @!p3 $0x0, s9  }
0x7e: {  	s18 =	simm.s32 @!p1 $0x2800;
	s23 =	simm.s32 @!p3 $0x0;
	s22 =	sadd.s32 @!p3 $0xA00, s9  }
0x7f: {  	[tilespmem:s22], [sflag:$0x3] =	stream.linear.gather @!p3 [hbm4b:s12+s23], $0x280, $0x38;
	[tilespmem:$0x1E600] =	vst v63  }
0x80: {  	s7 =	rddreg [dreg:$0xb];
	s18 =	simm.s32 @p4 $0x0;
	s9 =	sadd.s32 @!p3 $0xC80, s9  }
0x81: {  	[tilespmem:s9], [sflag:$0x3] =	stream.linear.gather @!p3 [hbm4b:s7+s23], $0x280, $0x38;
	[tilespmem:$0x1E600] =	vst v63  }
0x82: {  	s21 =	sadd.s32 @!p1 $0x0, s21;
	s22 =	sadd.s32 @!p1 $0x500, s10;
	s9 =	sadd.s32 @!p1 $0xF00, s18  }
0x83: {  	[tilespmem:s9], [sflag:$0x1] =	stream.indirect.gather @!p1 [hbm4b:s5+s25], $0x10, s22, s25, $0xb8;
	[tilespmem:$0x1E600] =	vst v63  }
0x84: {  	s28 =	sadd.s32 @!p1 $0x2F00, s18;
	s23 =	simm.s32 $0x2;
	s9 =	sor.u32 @!p1 $0x1700, s18  }
0x85: {  	[tilespmem:s9], [sflag:$0x1] =	stream.indirect.gather @!p1 [hbm4b:s5+s25], $0x10, s11, s25, $0xb8;
	[tilespmem:$0x1E600] =	vst v63  }
.Ltmp3:
0x86: {  	s9 =	sadd.s32 @!p1 $0x1F00, s18;
	s11 =	sshra.s32 @!p1 s21, $0x2;
	(pc) =	sbr.rel @!p2 .LBB2_4-.Ltmp3, $4  }
0x87: {  	[tilespmem:s9], [sflag:$0x1] =	stream.indirect.gather @!p1 [hbm4b:s5+s25], $0x10, s11, s25, $0xb8;
	[tilespmem:$0x1E600] =	vst v63  }
0x88: {  	s22 =	sadd.s32 $0x50, s12;
	s21 =	sadd.s32 $0x50, s7;
	s9 =	sadd.s32 @!p1 $0x2700, s18  }
0x89: {  	s11 =	sshra.s32 @!p1 s20, $0x2;
	s18 =	simm.s32 $0x3;
	s20 =	simm.s32 $0x1400  }
0x8a: {  	[tilespmem:s9], [sflag:$0x1] =	stream.indirect.gather @!p1 [hbm4b:s5+s25], $0x10, s11, s25, $0xb8;
	[tilespmem:$0x1E600] =	vst v63  }
.LBB2_3:
0x8b: {  	[tilespmem:s28], [sflag:$0x1] =	stream.indirect.gather @!p1 [hbm4b:s5+s25], $0x10, s26, s25, $0xb8;
	[tilespmem:$0x1E600] =	vst v63  }
0x8c: {  	s29 =	rddreg [dreg:$0x4];
	_ =	swait.ge [sflag:s31], $0x800  }
0x8d: {  	[sflag:s31] =	ssyncset.done $0x0  }
0x8e: {  	[sflag:s31] =	ssyncadd.s32 $0xFFFFF800  }
0x8f: {  	_ =	swait.ge [sflag:s31], $0x800  }
0x90: {  	[sflag:s31] =	ssyncset.done $0x0  }
0x91: {  	[sflag:s31] =	ssyncadd.s32 $0xFFFFF800  }
0x92: {  	s24 =	smov.u32 s2;
	_ =	swait.ge [sflag:s31], $0x800  }
0x93: {  	s13 =	smulhi.u32 $0xAAAAAAAB, s24;
	[sflag:s31] =	ssyncset.done $0x0  }
0x94: {  	s2 =	sadd.s32 $0x1, s2;
	s11 =	sand.u32 $0x1, s24;
	[sflag:s31] =	ssyncadd.s32 $0xFFFFF800  }
0x95: {  	p1 =	seq.s32 s11, $0x1;
	s11 =	sshrl.u32 s13, $0x1;
	_ =	swait.ge [sflag:s31], $0x800  }
0x96: {  	s30 =	sshra.s32 s20, $0x2;
	s12 =	smul.u32 $0xFFFFC400, s11;
	[sflag:s31] =	ssyncset.done $0x0  }
0x97: {  	s29 =	simm.s32 @!p1 $0x0;
	s11 =	smul.u32 $0x3C00, s11;
	[sflag:s31] =	ssyncadd.s32 $0xFFFFF800  }
0x98: {  	s13 =	sadd.s32 $0xF00, s29;
	s12 =	sshra.s32 s12, $0x2;
	_ =	swait.ge [sflag:s31], $0x800  }
0x99: {  	s11 =	ssub.s32 s20, s11;
	s12 =	sadd.s32 s30, s12;
	[sflag:s31] =	ssyncset.done $0x0  }
0x9a: {  	s7 =	sadd.s32 $0xC00, s11;
	s30 =	sadd.s32 $0x280, s12;
	[sflag:s31] =	ssyncadd.s32 $0xFFFFF800  }
0x9b: {  	[spmem:s3] =	stream.indirect.scatter.add.f32 [tilespmem:s13], [sflag:$0x2], $0x10, s30, s19, $0xb8;
	[tilespmem:$0x1E600] =	vst v63  }
0x9c: {  	s14 =	sor.u32 $0x1700, s29;
	s15 =	sadd.s32 $0xE00, s11;
	s7 =	sshra.s32 s7, $0x2  }
0x9d: {  	[spmem:s3] =	stream.indirect.scatter.add.f32 [tilespmem:s14], [sflag:$0x2], $0x10, s7, s19, $0xb8;
	[tilespmem:$0x1E600] =	vst v63  }
0x9e: {  	s11 =	sadd.s32 $0x1000, s11;
	s15 =	sshra.s32 s15, $0x2;
	s14 =	sadd.s32 $0x1F00, s29  }
0x9f: {  	[spmem:s3] =	stream.indirect.scatter.add.f32 [tilespmem:s14], [sflag:$0x2], $0x10, s15, s19, $0xb8;
	[tilespmem:$0x1E600] =	vst v63  }
0xa0: {  	p1 =	sge.s32 s2, s8;
	s11 =	sshra.s32 s11, $0x2;
	s30 =	sadd.s32 $0x2700, s29  }
0xa1: {  	[spmem:s3] =	stream.indirect.scatter.add.f32 [tilespmem:s30], [sflag:$0x2], $0x10, s11, s19, $0xb8;
	[tilespmem:$0x1E600] =	vst v63  }
0xa2: {  	s13 =	sadd.s32 $0x2F00, s29;
	s14 =	sadd.s32 $0x480, s12;
	s12 =	simm.s32 @!p1 $0x3  }
0xa3: {  	[spmem:s3] =	stream.indirect.scatter.add.f32 [tilespmem:s13], [sflag:$0x2], $0x10, s14, s19, $0xb8;
	[tilespmem:$0x1E600] =	vst v63  }
0xa4: {  	s9 =	smulhi.u32 $0xAAAAAAAB, s23;
	_ =	swait.ge @!p1 [sflag:s12], $0x280  }
0xa5: {  	[sflag:s12] =	ssyncset.done @!p1 $0x0  }
0xa6: {  	s10 =	sshrl.u32 s9, $0x1;
	[sflag:s12] =	ssyncadd.s32 @!p1 $0xFFFFFD80  }
0xa7: {  	p3 =	seq.s32 s20, $0x0;
	s9 =	smul.u32 $0x3C00, s10;
	_ =	swait.ge @!p1 [sflag:s12], $0x280  }
0xa8: {  	s25 =	simm.s32 @!p3 $0x2;
	s10 =	smul.u32 $0xFFFFC400, s10;
	[sflag:s12] =	ssyncset.done @!p1 $0x0  }
0xa9: {  	s26 =	ssub.s32 $0x1A00, s9;
	s28 =	ssub.s32 $0x1800, s9;
	[sflag:s12] =	ssyncadd.s32 @!p1 $0xFFFFFD80  }
0xaa: {  	s7 =	ssub.s32 $0x1600, s9;
	s9 =	sand.u32 @!p1 $0x1, s2;
	_ =	swait.ge @!p3 [sflag:s25], $0x800  }
0xab: {  	s10 =	sshra.s32 s10, $0x2;
	p4 =	seq.s32 @!p1 s9, $0x1;
	[sflag:s25] =	ssyncset.done @!p3 $0x0  }
0xac: {  	p4 =	por !p4, p1;
	s15 =	smulhi.u32 $0xAAAAAAAB, s18;
	[sflag:s25] =	ssyncadd.s32 @!p3 $0xFFFFF800  }
0xad: {  	s11 =	sshra.s32 @!p1 s20, $0x2;
	s14 =	simm.s32 @!p1 $0x2800;
	_ =	swait.ge @!p3 [sflag:s25], $0x800  }
0xae: {  	s13 =	sadd.s32 @!p1 s11, s10;
	s14 =	simm.s32 @p4 $0x0;
	[sflag:s25] =	ssyncset.done @!p3 $0x0  }
0xaf: {  	s30 =	sadd.s32 @!p1 $0x500, s13;
	s11 =	sadd.s32 @!p1 $0xF00, s14;
	[sflag:s25] =	ssyncadd.s32 @!p3 $0xFFFFF800  }
0xb0: {  	s10 =	sor.u32 @!p1 $0x1700, s14;
	s9 =	sadd.s32 @!p1 $0x1F00, s14;
	_ =	swait.ge @!p3 [sflag:s25], $0x800  }
0xb1: {  	s29 =	sadd.s32 @!p1 $0x2700, s14;
	s12 =	sadd.s32 @!p1 s28, s20;
	[sflag:s25] =	ssyncset.done @!p3 $0x0  }
0xb2: {  	s28 =	sadd.s32 @!p1 $0x2F00, s14;
	s14 =	sadd.s32 @!p1 s26, s20;
	[sflag:s25] =	ssyncadd.s32 @!p3 $0xFFFFF800  }
0xb3: {  	s26 =	sadd.s32 @!p1 $0x700, s13;
	s13 =	sshrl.u32 s15, $0x1;
	_ =	swait.ge @!p3 [sflag:s25], $0x800  }
0xb4: {  	s24 =	sadd.s32 $0x2, s24;
	s13 =	smul.u32 $0xFFFFC400, s13;
	[sflag:s25] =	ssyncset.done @!p3 $0x0  }
0xb5: {  	p4 =	sge.s32 s24, s8;
	[sflag:s25] =	ssyncadd.s32 @!p3 $0xFFFFF800  }
0xb6: {  	s24 =	sshra.s32 @!p4 s20, $0x2;
	s13 =	sshra.s32 s13, $0x2;
	_ =	swait.ge @!p3 [sflag:s25], $0x800  }
0xb7: {  	s13 =	sadd.s32 @!p4 s24, s13;
	[sflag:s25] =	ssyncset.done @!p3 $0x0  }
0xb8: {  	s15 =	simm.s32 @!p4 $0x0;
	s24 =	sadd.s32 @!p4 $0xA00, s13;
	[sflag:s25] =	ssyncadd.s32 @!p3 $0xFFFFF800  }
0xb9: {  	[tilespmem:s24], [sflag:$0x3] =	stream.linear.gather @!p4 [hbm4b:s22+s15], $0x280, $0x38;
	[tilespmem:$0x1E600] =	vst v63  }
0xba: {  	s13 =	sadd.s32 @!p4 $0xC80, s13  }
0xbb: {  	[tilespmem:s13], [sflag:$0x3] =	stream.linear.gather @!p4 [hbm4b:s21+s15], $0x280, $0x38;
	[tilespmem:$0x1E600] =	vst v63  }
0xbc: {  	s7 =	sadd.s32 @!p1 s7, s20;
	s25 =	simm.s32 @!p1 $0x80  }
0xbd: {  	[tilespmem:s11], [sflag:$0x1] =	stream.indirect.gather @!p1 [hbm4b:s5+s25], $0x10, s30, s25, $0xb8;
	[tilespmem:$0x1E600] =	vst v63  }
0xbe: {  	p2 =	sne.s32 s8, s2;
	s7 =	sshra.s32 @!p1 s7, $0x2  }
0xbf: {  	[tilespmem:s10], [sflag:$0x1] =	stream.indirect.gather @!p1 [hbm4b:s5+s25], $0x10, s7, s25, $0xb8;
	[tilespmem:$0x1E600] =	vst v63  }
.Ltmp4:
0xc0: {  	s23 =	sadd.s32 $0x1, s23;
	(pc) =	sbr.rel @p2 .LBB2_3-.Ltmp4, $4  }
0xc1: {  	s18 =	sadd.s32 $0x1, s18;
	s20 =	sadd.s32 $0x1400, s20;
	s12 =	sshra.s32 @!p1 s12, $0x2  }
0xc2: {  	[tilespmem:s9], [sflag:$0x1] =	stream.indirect.gather @!p1 [hbm4b:s5+s25], $0x10, s12, s25, $0xb8;
	[tilespmem:$0x1E600] =	vst v63  }
0xc3: {  	s14 =	sshra.s32 @!p1 s14, $0x2;
	s22 =	sadd.s32 $0x50, s22;
	s21 =	sadd.s32 $0x50, s21  }
0xc4: {  	[tilespmem:s29], [sflag:$0x1] =	stream.indirect.gather @!p1 [hbm4b:s5+s25], $0x10, s14, s25, $0xb8;
	[tilespmem:$0x1E600] =	vst v63  }
.Ltmp5:
0xc5: {  	_ = 	snop;
	(pc) =	sbr.rel .LBB2_4-.Ltmp5, $1  }
0xc6: {  	_ =	sdelay $0x3  }
.LBB2_6:
0xc7: {  	_ =	sfence.sel $0x180000  }
0xc8: {  	[bflag:$0x0] =	sbarrier.arrive $0xFFFF  }
0xc9: {  	_ =	strace $0x9000004A  }
0xca: {  	s0 =	stileid.u32;
	[bflag:$0x2] =	sbarrier.arrive $0xFFFF  }
0xcb: {  	p0 =	sne.s32 s0, $0x0;
	s0 =	rddreg [dreg:$0x3]  }
0xcc: {  	s0 =	sadd.s32 @!p0 $0x100000, s0  }
0xcd: {  	[sflag:s0] =	ssyncadd.tile.s32 @!p0 $0x1;
	_ =	shalt  }
.Lfunc_end2:
_tile_overlayer_lowered:
.L_overlay_start_2:
0xce: {  	(tag) =	ssettag $0x2  }
0xcf: {  	s0 =	rddreg [dreg:$0x0];
	s2 =	stileid.u32  }
0xd0: {  	s1 =	rddreg [dreg:$0x1];
	p0 =	sne.s32 s2, $0x0  }
0xd1: {  	s3 =	rddreg [dreg:$0x2];
	[bflag:$0x3] =	sbarrier.arrive $0xFFFF;
	s2 =	simm.s32 @!p0 $0x1C04  }
0xd2: {  	[timem:s3], [sflag:s2] =	dma.local @!p0 [hbm:s0], s1  }
0xd3: {  	s0 =	simm.s32 @!p0 $0x4  }
0xd4: {  	_ =	swait.ge @!p0 [sflag:s0], s1  }
0xd5: {  	s1 =	ssub.s32 @!p0 $0x0, s1;
	[sflag:s0] =	ssyncset.done @!p0 $0x0  }
0xd6: {  	[sflag:s0] =	ssyncadd.s32 @!p0 s1  }
0xd7: {  	[bflag:$0x3] =	sbarrier.arrive $0xFFFF  }
0xd8: {  	_ =	shalt  }

// kernel: kernel.9.cloned.1.call-start
scs
__scs_entry_jumppad:
0x0: {  	(pc) =	sbr.rel $0x88, $3  }
0x1: {  	(tag) =	ssettag $0x0;
	lr =	simm.s32 $0x1  }
0x2: {  	[smem:$0x3F91] =	sst lr;
	_ =	strace $0xD0000000  }
0x3: {  	_ = 	snop  }
0x4: {  	_ = 	snop  }
0x5: {  	_ = 	snop  }
0x6: {  	_ = 	snop  }
0x7: {  	_ = 	snop  }
__scs_overlays_trampoline_lowered:
0x8: {  	[smem:$0x3FA0] =	sst s0  }
0x9: {  	[smem:$0x3FA1] =	sst s1  }
0xa: {  	[smem:$0x3FA2] =	sst s2  }
0xb: {  	[smem:$0x3FA3] =	sst s3  }
0xc: {  	[smem:$0x3FA4] =	sst s4  }
0xd: {  	[smem:$0x3FA5] =	sst s5  }
0xe: {  	[smem:$0x3FA6] =	sst s6  }
0xf: {  	[smem:$0x3FA7] =	sst s7  }
0x10: {  	[smem:$0x3FA8] =	sst s8  }
0x11: {  	[smem:$0x3FA9] =	sst s9;
	s0 =	simm.s32 @!p0 $0x0  }
0x12: {  	s1 =	sld [smem:$0x3F8F];
	s0 =	simm.s32 @p0 $0x1  }
0x13: {  	[smem:$0x3FAA] =	sst s0;
	s0 =	simm.s32 @!p1 $0x0  }
0x14: {  	s2 =	sld [smem:$0x3F8E];
	s0 =	simm.s32 @p1 $0x1  }
0x15: {  	[smem:$0x3FAB] =	sst s0;
	s0 =	simm.s32 @!p2 $0x0  }
0x16: {  	s3 =	sld [smem:$0x3FDB];
	s0 =	simm.s32 @p2 $0x1  }
0x17: {  	s4 =	simm.s32 $0x1BF5;
	[smem:$0x3FAD] =	sst s0  }
0x18: {  	s0 =	sld [smem:$0x3F90];
	_ =	swait.ge [sflag:s4], $0x0  }
0x19: {  	s7 =	sld [smem:$0x3F91]  }
0x1a: {  	s8 =	sadd.s32 $0xFFFFE003, lr  }
0x1b: {  	s9 =	sadd.s32 $0xFFFFFEF7, lr;
	s5 =	simm.s32 $0xFFFFFFFF;
	p2 =	slt.u32 s8, $0xFFFFF086  }
0x1c: {  	p1 =	slt.u32 s9, $0xF7A;
	s5 =	simm.s32 @!p2 $0x0  }
0x1d: {  	s5 =	simm.s32 @p1 $0x1;
	p0 =	seq.s32 s7, s2  }
0x1e: {  	s7 =	smul.u32 @!p0 $0xF7A, s2;
	p2 =	seq.s32 @!p0 s5, $0x0  }
0x1f: {  	s9 =	smul.u32 $0xF7A, s1;
	s8 =	simm.s32 @!p0 $0x1BF5;
	p2 =	por !p2, p0  }
0x20: {  	[sflag:s8] =	ssyncset.s32 @!p0 $0xFFFFF086;
	s6 =	sadd.s32 @!p0 s3, s7;
	s7 =	simm.s32 @!p0 $0x108  }
0x21: {  	s3 =	sadd.s32 s3, s9;
	s6 =	sadd.s32 @!p0 $0x88, s6;
	s7 =	simm.s32 @p2 $0x1082  }
0x22: {  	[simem:s7], [sflag:s8] =	dma.local @!p0 [hbm:s6], $0xF7A  }
0x23: {  	s9 =	sor.u32 $0xD0000000, s2;
	s6 =	simm.s32 $0x108;
	_ =	swait.ge @!p0 [sflag:s8], $0x0  }
0x24: {  	s3 =	sadd.s32 $0x88, s3;
	s6 =	simm.s32 @!p1 $0x1082;
	[sflag:s4] =	ssyncset.s32 $0xFFFFF086  }
0x25: {  	[simem:s6], [sflag:s4] =	dma.local [hbm:s3], $0xF7A  }
0x26: {  	[smem:$0x3F91] =	sst s1;
	(tag) =	ssettag s2;
	_ =	strace s9  }
0x27: {  	s1 =	sld [smem:$0x3FA1]  }
0x28: {  	s2 =	sld [smem:$0x3FA2]  }
0x29: {  	s4 =	sld [smem:$0x3FA4]  }
0x2a: {  	p0 =	seq.s32 s5, $0x0;
	s5 =	sld [smem:$0x3FA5]  }
0x2b: {  	s6 =	sld [smem:$0x3FA6]  }
0x2c: {  	s7 =	sld [smem:$0x3FA7]  }
0x2d: {  	s3 =	simm.s32 $0x108;
	s8 =	sld [smem:$0x3FA8]  }
0x2e: {  	s3 =	simm.s32 @!p0 $0x1082;
	s9 =	sld [smem:$0x3FA9]  }
0x2f: {  	lr =	sadd.s32 s0, s3;
	s0 =	sld [smem:$0x3FA0]  }
0x30: {  	s3 =	sld [smem:$0x3FA3]  }
0x31: {  	[smem:$0x3FAC] =	sst s10  }
0x32: {  	s10 =	sld [smem:$0x3FAA];
	_ =	sdelay $0x3  }
0x33: {  	p0 =	seq.s32 s10, $0x1;
	s10 =	sld [smem:$0x3FAC];
	_ =	sdelay $0x3  }
0x34: {  	[smem:$0x3FAC] =	sst s10  }
0x35: {  	s10 =	sld [smem:$0x3FAB];
	_ =	sdelay $0x3  }
0x36: {  	p1 =	seq.s32 s10, $0x1;
	s10 =	sld [smem:$0x3FAC];
	_ =	sdelay $0x3  }
0x37: {  	[smem:$0x3FAC] =	sst s10  }
0x38: {  	s10 =	sld [smem:$0x3FAD]  }
0x39: {  	_ = 	snop;
	(pc) =	sbr.ind lr, $3  }
0x3a: {  	_ = 	snop  }
0x3b: {  	_ = 	snop  }
0x3c: {  	p2 =	seq.s32 s10, $0x1;
	s10 =	sld [smem:$0x3FAC]  }
0x3d: {  	_ =	shalt  }
0x3e: {  	_ =	shalt  }
0x3f: {  	_ =	shalt  }
0x40: {  	_ =	shalt  }
0x41: {  	_ =	shalt  }
0x42: {  	_ =	shalt  }
0x43: {  	_ =	shalt  }
0x44: {  	_ =	shalt  }
0x45: {  	_ =	shalt  }
0x46: {  	_ =	shalt  }
0x47: {  	_ =	shalt  }
0x48: {  	_ =	shalt  }
0x49: {  	_ =	shalt  }
0x4a: {  	_ =	shalt  }
0x4b: {  	_ =	shalt  }
0x4c: {  	_ =	shalt  }
0x4d: {  	_ =	shalt  }
0x4e: {  	_ =	shalt  }
0x4f: {  	_ =	shalt  }
0x50: {  	_ =	shalt  }
0x51: {  	_ =	shalt  }
0x52: {  	_ =	shalt  }
0x53: {  	_ =	shalt  }
0x54: {  	_ =	shalt  }
0x55: {  	_ =	shalt  }
0x56: {  	_ =	shalt  }
0x57: {  	_ =	shalt  }
0x58: {  	_ =	shalt  }
0x59: {  	_ =	shalt  }
0x5a: {  	_ =	shalt  }
0x5b: {  	_ =	shalt  }
0x5c: {  	_ =	shalt  }
0x5d: {  	_ =	shalt  }
0x5e: {  	_ =	shalt  }
0x5f: {  	_ =	shalt  }
0x60: {  	_ =	shalt  }
0x61: {  	_ =	shalt  }
0x62: {  	_ =	shalt  }
0x63: {  	_ =	shalt  }
0x64: {  	_ =	shalt  }
0x65: {  	_ =	shalt  }
0x66: {  	_ =	shalt  }
0x67: {  	_ =	shalt  }
0x68: {  	_ =	shalt  }
0x69: {  	_ =	shalt  }
0x6a: {  	_ =	shalt  }
0x6b: {  	_ =	shalt  }
0x6c: {  	_ =	shalt  }
0x6d: {  	_ =	shalt  }
0x6e: {  	_ =	shalt  }
0x6f: {  	_ =	shalt  }
0x70: {  	_ =	shalt  }
0x71: {  	_ =	shalt  }
0x72: {  	_ =	shalt  }
0x73: {  	_ =	shalt  }
0x74: {  	_ =	shalt  }
0x75: {  	_ =	shalt  }
0x76: {  	_ =	shalt  }
0x77: {  	_ =	shalt  }
0x78: {  	_ =	shalt  }
0x79: {  	_ =	shalt  }
0x7a: {  	_ =	shalt  }
0x7b: {  	_ =	shalt  }
0x7c: {  	_ =	shalt  }
0x7d: {  	_ =	shalt  }
0x7e: {  	_ =	shalt  }
0x7f: {  	_ =	shalt  }
0x80: {  	_ =	shalt  }
0x81: {  	_ =	shalt  }
0x82: {  	_ =	shalt  }
0x83: {  	_ =	shalt  }
0x84: {  	_ =	shalt  }
0x85: {  	_ =	shalt  }
0x86: {  	_ =	shalt  }
0x87: {  	_ =	shalt  }
.Lfunc_end0:
.L_simem_size_0:
called_computation.2_lowered:
.L_overlay_start_0:
0x88: {  	s2 =	sld [smem:$0x3FD9]  }
0x89: {  	s3 =	sld [smem:$0x3FFE];
	_ =	sdelay $0x1  }
0x8a: {  	s1 =	srdreg.scid  }
0x8b: {  	s0 =	sand.u32 $0x1, s1  }
0x8c: {  	s17 =	sshll.u32 s0, $0xA;
	s2 =	sadd.s32 s3, s2  }
0x8d: {  	s2 =	sadd.s32 s2, s17  }
0x8e: {  	[smem:$0x3FB8] =	sst s2  }
0x8f: {  	_ = 	snop  }
0x90: {  	s2 =	sld [smem:$0x3FD0];
	(tm) =	ssettm $0x1  }
0x91: {  	s18 =	sld [smem:$0x3FFB];
	_ =	sdelay $0x3  }
0x92: {  	_ =	strace s18  }
0x93: {  	s3 =	sld [smem:$0x3FFC];
	_ =	sdelay $0x3  }
0x94: {  	_ =	strace s3  }
0x95: {  	s3 =	sld [smem:$0x3FFD];
	_ =	sdelay $0x3  }
0x96: {  	_ =	strace s3  }
0x97: {  	_ =	strace $0x8FFFFFFF  }
0x98: {  	s19 =	sld [smem:$0x3FDB];
	_ =	sdelay $0x1  }
0x99: {  	s4 =	simm.s32 $_scs_section_size  }
0x9a: {  	s5 =	simm.s32 $_size__tile_overlayer_lowered;
	s6 =	simm.s32 $_tile_overlayer_lowered  }
0x9b: {  	s22 =	simm.s32 $0x1BFF;
	s21 =	sshll.u32 s6, $0x1;
	s3 =	sadd.s32 s4, s19  }
0x9c: {  	s7 =	simm.s32 $0x0;
	s20 =	sshll.u32 s5, $0x1;
	s5 =	sadd.s32 s21, s3  }
0x9d: {  	[timem:s7], [sflag:s22] =	dma.local [hbm:s5], s20  }
0x9e: {  	_ =	swait.ge [sflag:s22], s20  }
0x9f: {  	s4 =	ssub.s32 $0x0, s20;
	[sflag:s22] =	ssyncset.done $0x0  }
0xa0: {  	[sflag:s22] =	ssyncadd.s32 s4;
	_ =	sdelay $0x1  }
0xa1: {  	s23 =	simm.s32 $0x1B8B  }
0xa2: {  	_ =	swait.ge [sflag:s23], $0x1  }
0xa3: {  	[sflag:s23] =	ssyncset.done $0x0  }
0xa4: {  	s25 =	simm.s32 $0x1B8E;
	s24 =	sld [smem:$0x3FFE];
	[sflag:s23] =	ssyncadd.s32 $0xFFFFFFFF  }
0xa5: {  	s26 =	simm.s32 $execute0_lowered;
	[smem:$0x3FD2] =	sst s25  }
0xa6: {  	s5 =	sshll.u32 s26, $0x1;
	_ =	strace $0x8000004C;
	[dreg:$0x1] =	wrdreg $0xFFFFFFFF  }
0xa7: {  	s28 =	simm.s32 $_size_execute0_lowered;
	s3 =	sadd.s32 s3, s5;
	[dreg:$0x0] =	wrdreg $0x0  }
0xa8: {  	s5 =	sshll.u32 s28, $0x1;
	[dreg:$0x2] =	wrdreg s3  }
0xa9: {  	[dreg:$0x3] =	wrdreg s5  }
0xaa: {  	[dreg:$0x4] =	wrdreg $0xC0  }
0xab: {  	_ =	task [dreg:s7], $0x5FFFF  }
0xac: {  	[dreg:$0x1] =	wrdreg $0xFFFFFFFF  }
0xad: {  	[dreg:$0x0] =	wrdreg $0x60  }
0xae: {  	[dreg:$0x2] =	wrdreg s24  }
0xaf: {  	[dreg:$0x3] =	wrdreg s2  }
0xb0: {  	[dreg:$0x4] =	wrdreg $0x5F000  }
0xb1: {  	[dreg:$0x5] =	wrdreg $0x9  }
0xb2: {  	_ =	task.clear_ibuf [dreg:s7], $0x6FFFF;
	_ =	strace $0x9000004C  }
0xb3: {  	s29 =	simm.s32 $0x9;
	_ =	strace $0x8000004E  }
0xb4: {  	_ =	swait.ge [sflag:s29], $0x1  }
0xb5: {  	[sflag:s29] =	ssyncadd.s32 $0xFFFFFFFF  }
0xb6: {  	_ =	strace $0x9000004E  }
0xb7: {  	_ =	sfence  }
0xb8: {  	s30 =	sld [smem:$0x0];
	_ =	sdelay $0x2  }
0xb9: {  	s31 =	sshll.u32 s1, $0xD;
	s1 =	sshrl.u32 s1, $0x2  }
0xba: {  	s3 =	sand.u32 $0x4000, s31;
	s1 =	sadd.s32 s1, s30  }
0xbb: {  	s0 =	sor.u32 s3, s0;
	s1 =	sshll.u32 s1, $0x11  }
0xbc: {  	s0 =	sor.u32 s1, s0  }
0xbd: {  	s0 =	sadd.s32 $0x8F2B, s0  }
0xbe: {  	[sflag:s0] =	ssyncadd.remote.s32 $0x1  }
0xbf: {  	_ =	sfence.sel $0xFFFF  }
0xc0: {  	[dreg:$0x0] =	wrdreg $0xFFFFFFFF;
	(pc) =	sbr.abs _section_cstart, $3  }
0xc1: {  	[dreg:$0x1] =	wrdreg $0xFFFFFFFF  }
0xc2: {  	_ =	task.clear_ibuf [dreg:s7], $0x2FFFF;
	_ =	strace $0x9FFFFFFF  }
0xc3: {  	(tm) =	ssettm $0x7FFFFFFF  }
tec
execute0_lowered:
.L_overlay_start_1:
0x0: {  	(tag) =	ssettag $0x1  }
0x1: {  	s0 =	rddreg [dreg:$0x0]  }
0x2: {  	s11 =	rddreg [dreg:$0x1]  }
0x3: {  	s2 =	rddreg [dreg:$0x2]  }
0x4: {  	s1 =	simm.s32 $0x0;
	s3 =	srdreg.scid;
	s12 =	stileid.u32  }
0x5: {  	s19 =	simm.s32 $0x4;
	s21 =	simm.s32 $0x80;
	s20 =	simm.s32 $0x0  }
0x6: {  	[smem:$0x7FF] =	sst s1;
	s5 =	sadd.s32 $0x1BAA00, s0;
	s23 =	smul.u32 $0x18700, s12  }
0x7: {  	s6 =	sadd.s32 $0x189C00, s0;
	s22 =	sadd.s32 $0x3200, s0;
	s7 =	smul.u32 $0x2710, s12  }
0x8: {  	s4 =	sadd.s32 $0x21C600, s0;
	s3 =	sand.u32 $0x1, s3;
	s10 =	smul.u32 $0x61A80, s12  }
0x9: {  	s0 =	sadd.s32 $0x1EB800, s0;
	s9 =	sshll.u32 s12, $0x6;
	s26 =	smul.u32 $0x271, s12  }
0xa: {  	s12 =	smul.u32 $0xC350, s12;
	_ =	strace $0x8000004D;
	[dreg:$0x4] =	wrdreg s4  }
0xb: {  	[dreg:$0x5] =	wrdreg s0;
	s24 =	ssub.s32 $0x2, s3;
	s13 =	sor.u32 $0x1C04, s9  }
0xc: {  	s9 =	smov.u32 s11;
	p0 =	sne.s32 s3, $0x0;
	s8 =	sshrl.u32 s24, $0x1  }
0xd: {  	s25 =	sadd.s32 s23, s2;
	s7 =	sadd.s32 $0x2710, s7;
	s10 =	sshrl.u32 s10, $0x3  }
0xe: {  	s4 =	sshrl.u32 s23, $0x3;
	s1 =	sadd.s32 s12, s22;
	[dreg:$0x6] =	wrdreg s13  }
0xf: {  	s0 =	ssub.s32 s24, s8;
	s10 =	sadd.s32 s22, s10;
	[dreg:$0xb] =	wrdreg s4  }
0x10: {  	s7 =	sshrl.u32 s7, $0x4;
	s31 =	sadd.s32 $0xC35A0, s1;
	[dreg:$0x7] =	wrdreg s10  }
.Ltmp0:
0x11: {  	s28 =	sadd.s32 $0xC3500, s10;
	[dreg:$0xd] =	wrdreg s31;
	(pc) =	sbr.rel .LBB2_1-.Ltmp0, $4  }
0x12: {  	s18 =	sshrl.u32 s25, $0x3;
	s29 =	sadd.s32 $0x50, s10;
	[dreg:$0x8] =	wrdreg s28  }
0x13: {  	s4 =	simm.s32 $0x1;
	s30 =	sadd.s32 $0xC3550, s10;
	[dreg:$0x9] =	wrdreg s29  }
0x14: {  	s11 =	ssub.s32 s7, s26;
	s0 =	smax.u32 s0, $0x1;
	[dreg:$0xa] =	wrdreg s30  }
0x15: {  	s1 =	simm.s32 $0x2;
	[dreg:$0xc] =	wrdreg s0;
	p1 =	slt.s32 s11, $0x1  }
.LBB2_9:
0x16: {  	[tilespmem:s30], [sflag:$0x1] =	stream.indirect.gather @!p2 [hbm4b:s6+s16], $0x10, s0, s16, $0xb8;
	[tilespmem:$0x1E600] =	vst v63  }
0x17: {  	_ = 	snop  }
0x18: {  	[tilespmem:s7], [sflag:$0x1] =	stream.indirect.gather @!p2 [hbm4b:s6+s16], $0x10, s29, s16, $0xb8;
	[tilespmem:$0x1E600] =	vst v63  }
0x19: {  	_ = 	snop  }
0x1a: {  	[tilespmem:s8], [sflag:$0x1] =	stream.indirect.gather @!p2 [hbm4b:s6+s16], $0x10, s31, s16, $0xb8;
	[tilespmem:$0x1E600] =	vst v63  }
0x1b: {  	s0 =	rddreg [dreg:$0x5]  }
0x1c: {  	[tilespmem:s12], [sflag:$0x1] =	stream.indirect.gather @!p2 [hbm4b:s6+s16], $0x10, s15, s16, $0xb8;
	[tilespmem:$0x1E600] =	vst v63  }
0x1d: {  	s9 =	rddreg [dreg:$0x1]  }
0x1e: {  	[tilespmem:s14], [sflag:$0x1] =	stream.indirect.gather @!p2 [hbm4b:s6+s16], $0x10, s13, s16, $0xb8;
	[tilespmem:$0x1E600] =	vst v63  }
0x1f: {  	s13 =	rddreg [dreg:$0x6]  }
.LBB2_10:
0x20: {  	_ =	swait.ge [sflag:s1], $0x800  }
0x21: {  	[sflag:s1] =	ssyncset.done $0x0  }
0x22: {  	[sflag:s1] =	ssyncadd.s32 $0xFFFFF800  }
0x23: {  	_ =	swait.ge [sflag:s1], $0x800  }
0x24: {  	[sflag:s1] =	ssyncset.done $0x0  }
0x25: {  	[sflag:s1] =	ssyncadd.s32 $0xFFFFF800  }
0x26: {  	_ =	swait.ge [sflag:s1], $0x800  }
0x27: {  	[sflag:s1] =	ssyncset.done $0x0  }
0x28: {  	[sflag:s1] =	ssyncadd.s32 $0xFFFFF800  }
0x29: {  	_ =	swait.ge [sflag:s1], $0x800  }
0x2a: {  	[sflag:s1] =	ssyncset.done $0x0  }
0x2b: {  	[sflag:s1] =	ssyncadd.s32 $0xFFFFF800  }
0x2c: {  	_ =	swait.ge [sflag:s1], $0x800  }
0x2d: {  	[sflag:s1] =	ssyncset.done $0x0  }
0x2e: {  	s3 =	rddreg [dreg:$0xb];
	[sflag:s1] =	ssyncadd.s32 $0xFFFFF800  }
0x2f: {  	s0 =	sadd.s32 s0, s3;
	[bflag:$0x0] =	sbarrier.arrive $0xFFFF  }
0x30: {  	[hbm:s0], [sflag:s13] =	dma.local [spmem:s18], $0x30E0  }
0x31: {  	_ =	swait.ge [sflag:s19], $0x30E0  }
0x32: {  	s20 =	sadd.s32 $0x1, s20;
	s31 =	rddreg [dreg:$0xc]  }
0x33: {  	p2 =	sne.s32 s20, s31  }
.Ltmp1:
0x34: {  	_ = 	snop;
	(pc) =	sbr.rel @!p2 .LBB2_11-.Ltmp1, $3  }
0x35: {  	_ =	sdelay $0x1  }
0x36: {  	[sflag:s19] =	ssyncset.done $0x0  }
0x37: {  	[sflag:s19] =	ssyncadd.s32 $0xFFFFCF20  }
.LBB2_1:
0x38: {  	[spmem:s18], [sflag:s13] =	dma.local [hbm:s9], $0x30E0  }
0x39: {  	_ =	swait.ge [sflag:s19], $0x30E0  }
0x3a: {  	[sflag:s19] =	ssyncset.done $0x0  }
0x3b: {  	[sflag:s19] =	ssyncadd.s32 $0xFFFFCF20  }
0x3c: {  	[bflag:$0x0] =	sbarrier.arrive $0xFFFF  }
0x3d: {  	s0 =	simm.s32 $0x0;
	s3 =	rddreg [dreg:$0x7]  }
0x3e: {  	[tilespmem:s0], [sflag:$0x4] =	stream.linear.gather [hbm4b:s3+s0], $0x280, $0x38;
	[tilespmem:$0x1E600] =	vst v63  }
0x3f: {  	_ =	swait.ge [sflag:s19], $0x280  }
0x40: {  	s7 =	simm.s32 $0x280;
	[sflag:s19] =	ssyncset.done $0x0  }
.Ltmp2:
0x41: {  	s31 =	rddreg [dreg:$0x8];
	[sflag:s19] =	ssyncadd.s32 $0xFFFFFD80;
	(pc) =	sbr.rel @p0 .LBB2_6-.Ltmp2, $4  }
0x42: {  	[tilespmem:s7], [sflag:$0x4] =	stream.linear.gather [hbm4b:s31+s0], $0x280, $0x38;
	[tilespmem:$0x1E600] =	vst v63  }
0x43: {  	_ =	swait.ge [sflag:s19], $0x280  }
0x44: {  	[sflag:s19] =	ssyncset.done $0x0  }
0x45: {  	s3 =	simm.s32 $0x0;
	s0 =	simm.s32 $0xF00;
	[sflag:s19] =	ssyncadd.s32 $0xFFFFFD80  }
0x46: {  	[tilespmem:s0], [sflag:$0x1] =	stream.indirect.gather [hbm4b:s5+s21], $0x10, s3, s21, $0xb8;
	[tilespmem:$0x1E600] =	vst v63  }
0x47: {  	s17 =	simm.s32 $0x1700  }
0x48: {  	[tilespmem:s17], [sflag:$0x1] =	stream.indirect.gather [hbm4b:s5+s21], $0x10, s21, s21, $0xb8;
	[tilespmem:$0x1E600] =	vst v63  }
0x49: {  	s22 =	simm.s32 $0x100;
	s7 =	simm.s32 $0x1F00  }
0x4a: {  	[tilespmem:s7], [sflag:$0x1] =	stream.indirect.gather [hbm4b:s5+s21], $0x10, s22, s21, $0xb8;
	[tilespmem:$0x1E600] =	vst v63  }
0x4b: {  	s23 =	simm.s32 $0x180;
	s24 =	simm.s32 $0x2700  }
0x4c: {  	[tilespmem:s24], [sflag:$0x1] =	stream.indirect.gather [hbm4b:s5+s21], $0x10, s23, s21, $0xb8;
	[tilespmem:$0x1E600] =	vst v63  }
0x4d: {  	s25 =	simm.s32 $0x200;
	s26 =	simm.s32 $0x2F00  }
0x4e: {  	[tilespmem:s26], [sflag:$0x1] =	stream.indirect.gather [hbm4b:s5+s21], $0x10, s25, s21, $0xb8;
	[tilespmem:$0x1E600] =	vst v63  }
.Ltmp3:
0x4f: {  	s28 =	rddreg [dreg:$0x9];
	(pc) =	sbr.rel @p1 .LBB2_10-.Ltmp3, $4  }
0x50: {  	s29 =	simm.s32 $0x500;
	s30 =	rddreg [dreg:$0xa]  }
0x51: {  	[tilespmem:s29], [sflag:$0x3] =	stream.linear.gather [hbm4b:s28+s3], $0x280, $0x38;
	[tilespmem:$0x1E600] =	vst v63  }
0x52: {  	s31 =	simm.s32 $0x780;
	s0 =	rddreg [dreg:$0x4]  }
0x53: {  	[tilespmem:s31], [sflag:$0x3] =	stream.linear.gather [hbm4b:s30+s3], $0x280, $0x38;
	[tilespmem:$0x1E600] =	vst v63  }
0x54: {  	_ =	swait.ge [sflag:s4], $0x800  }
0x55: {  	[sflag:s4] =	ssyncset.done $0x0  }
0x56: {  	[sflag:s4] =	ssyncadd.s32 $0xFFFFF800  }
0x57: {  	_ =	swait.ge [sflag:s4], $0x800  }
0x58: {  	[sflag:s4] =	ssyncset.done $0x0  }
0x59: {  	[sflag:s4] =	ssyncadd.s32 $0xFFFFF800  }
0x5a: {  	_ =	swait.ge [sflag:s4], $0x800  }
0x5b: {  	s0 =	smulhi.u32 $0xAAAAAAAB, s3;
	s22 =	simm.s32 $0x2;
	[sflag:s4] =	ssyncset.done $0x0  }
0x5c: {  	s7 =	sand.u32 $0x1, s22;
	[sflag:s4] =	ssyncadd.s32 $0xFFFFF800  }
0x5d: {  	s0 =	sshrl.u32 s0, $0x1;
	p2 =	seq.s32 s7, $0x1;
	_ =	swait.ge [sflag:s4], $0x800  }
0x5e: {  	s7 =	simm.s32 $0x2800;
	s10 =	smul.u32 $0xFFFFC400, s0;
	[sflag:s4] =	ssyncset.done $0x0  }
0x5f: {  	s0 =	smul.u32 $0x3C00, s0;
	s7 =	simm.s32 @!p2 $0x0;
	[sflag:s4] =	ssyncadd.s32 $0xFFFFF800  }
0x60: {  	s12 =	sadd.s32 $0xF00, s7;
	s3 =	sshra.s32 s10, $0x2;
	_ =	swait.ge [sflag:s4], $0x800  }
0x61: {  	s0 =	ssub.s32 $0x0, s0;
	s3 =	sadd.s32 $0x0, s3;
	[sflag:s4] =	ssyncset.done $0x0  }
0x62: {  	s13 =	sadd.s32 $0xC00, s0;
	s8 =	sadd.s32 $0x280, s3;
	[sflag:s4] =	ssyncadd.s32 $0xFFFFF800  }
0x63: {  	[spmem:s2] =	stream.indirect.scatter.add.f32 [tilespmem:s12], [sflag:$0x2], $0x10, s8, s21, $0xb8;
	[tilespmem:$0x1E600] =	vst v63  }
0x64: {  	s14 =	sadd.s32 $0xE00, s0;
	s13 =	sshra.s32 s13, $0x2;
	s12 =	sor.u32 $0x1700, s7  }
0x65: {  	[spmem:s2] =	stream.indirect.scatter.add.f32 [tilespmem:s12], [sflag:$0x2], $0x10, s13, s21, $0xb8;
	[tilespmem:$0x1E600] =	vst v63  }
0x66: {  	s16 =	sadd.s32 $0x1F00, s7;
	s0 =	sadd.s32 $0x1000, s0;
	s15 =	sshra.s32 s14, $0x2  }
0x67: {  	[spmem:s2] =	stream.indirect.scatter.add.f32 [tilespmem:s16], [sflag:$0x2], $0x10, s15, s21, $0xb8;
	[tilespmem:$0x1E600] =	vst v63  }
0x68: {  	p2 =	sle.u32 s11, $0x1;
	s17 =	sadd.s32 $0x2700, s7;
	s0 =	sshra.s32 s0, $0x2  }
0x69: {  	[spmem:s2] =	stream.indirect.scatter.add.f32 [tilespmem:s17], [sflag:$0x2], $0x10, s0, s21, $0xb8;
	[tilespmem:$0x1E600] =	vst v63  }
0x6a: {  	s24 =	sadd.s32 $0x2F00, s7;
	s23 =	sadd.s32 $0x480, s3;
	s7 =	simm.s32 @!p2 $0x3  }
0x6b: {  	[spmem:s2] =	stream.indirect.scatter.add.f32 [tilespmem:s24], [sflag:$0x2], $0x10, s23, s21, $0xb8;
	[tilespmem:$0x1E600] =	vst v63  }
0x6c: {  	_ =	swait.ge @!p2 [sflag:s7], $0x280  }
0x6d: {  	s25 =	simm.s32 $0x1;
	[sflag:s7] =	ssyncset.done @!p2 $0x0  }
0x6e: {  	s0 =	smulhi.u32 $0xAAAAAAAB, s25;
	[sflag:s7] =	ssyncadd.s32 @!p2 $0xFFFFFD80  }
0x6f: {  	p3 =	por $0x1, $0x1;
	s28 =	smulhi.u32 $0xAAAAAAAB, s22;
	_ =	swait.ge @!p2 [sflag:s7], $0x280  }
0x70: {  	s14 =	simm.s32 @!p2 $0x2800;
	s0 =	sshrl.u32 s0, $0x1;
	[sflag:s7] =	ssyncset.done @!p2 $0x0  }
0x71: {  	s12 =	simm.s32 @!p3 $0x2;
	s26 =	smul.u32 $0x3C00, s0;
	[sflag:s7] =	ssyncadd.s32 @!p2 $0xFFFFFD80  }
0x72: {  	s25 =	simm.s32 $0x1;
	s23 =	simm.s32 $0x1400;
	_ =	swait.ge @!p3 [sflag:s12], $0x800  }
0x73: {  	s0 =	smul.u32 $0xFFFFC400, s0;
	s8 =	ssub.s32 $0x1800, s26;
	[sflag:s12] =	ssyncset.done @!p3 $0x0  }
0x74: {  	s13 =	ssub.s32 $0x1A00, s26;
	s3 =	ssub.s32 $0x1600, s26;
	[sflag:s12] =	ssyncadd.s32 @!p3 $0xFFFFF800  }
0x75: {  	s0 =	sshra.s32 s0, $0x2;
	s3 =	sadd.s32 @!p2 $0x0, s3;
	_ =	swait.ge @!p3 [sflag:s12], $0x800  }
0x76: {  	s15 =	sadd.s32 @!p2 $0x0, s0;
	s29 =	sshra.s32 @!p2 s3, $0x2;
	[sflag:s12] =	ssyncset.done @!p3 $0x0  }
0x77: {  	s3 =	sadd.s32 @!p2 $0x0, s8;
	s7 =	simm.s32 $0x1;
	[sflag:s12] =	ssyncadd.s32 @!p3 $0xFFFFF800  }
0x78: {  	s0 =	sadd.s32 @!p2 $0x500, s15;
	s7 =	sand.u32 @!p2 $0x1, s7;
	_ =	swait.ge @!p3 [sflag:s12], $0x800  }
0x79: {  	s31 =	sshra.s32 @!p2 s3, $0x2;
	p4 =	seq.s32 @!p2 s7, $0x1;
	[sflag:s12] =	ssyncset.done @!p3 $0x0  }
0x7a: {  	s7 =	sshrl.u32 s28, $0x1;
	p4 =	por !p4, p2;
	[sflag:s12] =	ssyncadd.s32 @!p3 $0xFFFFF800  }
0x7b: {  	s7 =	smul.u32 $0xFFFFC400, s7;
	s14 =	simm.s32 @p4 $0x0;
	_ =	swait.ge @!p3 [sflag:s12], $0x800  }
0x7c: {  	p4 =	sle.u32 s11, $0x2;
	s30 =	sadd.s32 @!p2 $0xF00, s14;
	[sflag:s12] =	ssyncset.done @!p3 $0x0  }
0x7d: {  	s3 =	sshra.s32 s7, $0x2;
	s7 =	sor.u32 @!p2 $0x1700, s14;
	[sflag:s12] =	ssyncadd.s32 @!p3 $0xFFFFF800  }
0x7e: {  	s8 =	sadd.s32 @!p2 $0x1F00, s14;
	s3 =	sadd.s32 @!p4 $0x0, s3;
	_ =	swait.ge @!p3 [sflag:s12], $0x800  }
0x7f: {  	s24 =	simm.s32 @!p4 $0x0;
	s16 =	sadd.s32 @!p4 $0xA00, s3;
	s10 =	rddreg [dreg:$0xd]  }
0x80: {  	s3 =	sadd.s32 @!p4 $0xC80, s3;
	[sflag:s12] =	ssyncset.done @!p3 $0x0;
	s17 =	sadd.s32 @!p4 $0xFFF3CB00, s10  }
0x81: {  	[sflag:s12] =	ssyncadd.s32 @!p3 $0xFFFFF800;
	s12 =	sadd.s32 @!p2 $0x2700, s14;
	s14 =	sadd.s32 @!p2 $0x2F00, s14  }
0x82: {  	[tilespmem:s16], [sflag:$0x3] =	stream.linear.gather @!p4 [hbm4b:s17+s24], $0x280, $0x38;
	[tilespmem:$0x1E600] =	vst v63  }
0x83: {  	s16 =	sadd.s32 @!p2 $0x0, s13;
	s13 =	sadd.s32 @!p2 $0x700, s15;
	s17 =	smov.u32 s10  }
0x84: {  	[tilespmem:s3], [sflag:$0x3] =	stream.linear.gather @!p4 [hbm4b:s10+s24], $0x280, $0x38;
	[tilespmem:$0x1E600] =	vst v63  }
0x85: {  	s15 =	sshra.s32 @!p2 s16, $0x2;
	s16 =	simm.s32 @!p2 $0x80;
	s24 =	simm.s32 $0x2  }
.LBB2_4:
0x86: {  	s17 =	sadd.s32 $0x50, s17  }
0x87: {  	s22 =	sadd.s32 $0x1, s22;
	s28 =	smov.u32 s23;
	s23 =	sadd.s32 $0x1400, s23  }
0x88: {  	[tilespmem:s30], [sflag:$0x1] =	stream.indirect.gather @!p2 [hbm4b:s5+s16], $0x10, s0, s16, $0xb8;
	[tilespmem:$0x1E600] =	vst v63  }
0x89: {  	p3 =	seq.s32 s23, $0x30D400  }
0x8a: {  	[tilespmem:s7], [sflag:$0x1] =	stream.indirect.gather @!p2 [hbm4b:s5+s16], $0x10, s29, s16, $0xb8;
	[tilespmem:$0x1E600] =	vst v63  }
0x8b: {  	_ = 	snop  }
0x8c: {  	[tilespmem:s8], [sflag:$0x1] =	stream.indirect.gather @!p2 [hbm4b:s5+s16], $0x10, s31, s16, $0xb8;
	[tilespmem:$0x1E600] =	vst v63  }
0x8d: {  	_ = 	snop  }
0x8e: {  	[tilespmem:s12], [sflag:$0x1] =	stream.indirect.gather @!p2 [hbm4b:s5+s16], $0x10, s15, s16, $0xb8;
	[tilespmem:$0x1E600] =	vst v63  }
0x8f: {  	s0 =	smulhi.u32 $0xAAAAAAAB, s25  }
0x90: {  	[tilespmem:s14], [sflag:$0x1] =	stream.indirect.gather @!p2 [hbm4b:s5+s16], $0x10, s13, s16, $0xb8;
	[tilespmem:$0x1E600] =	vst v63  }
0x91: {  	s3 =	smulhi.u32 $0xAAAAAAAB, s24;
	s0 =	sshrl.u32 s0, $0x1;
	_ =	swait.ge [sflag:s4], $0x800  }
0x92: {  	s7 =	smul.u32 $0xFFFFC400, s0;
	[sflag:s4] =	ssyncset.done $0x0  }
0x93: {  	s0 =	smul.u32 $0x3C00, s0;
	s8 =	sshra.s32 s28, $0x2;
	[sflag:s4] =	ssyncadd.s32 $0xFFFFF800  }
0x94: {  	s7 =	sshra.s32 s7, $0x2;
	s12 =	sand.u32 $0x1, s22;
	_ =	swait.ge [sflag:s4], $0x800  }
0x95: {  	s0 =	ssub.s32 s28, s0;
	p2 =	seq.s32 s12, $0x1;
	[sflag:s4] =	ssyncset.done $0x0  }
0x96: {  	s7 =	sadd.s32 s8, s7;
	s8 =	simm.s32 $0x2800;
	[sflag:s4] =	ssyncadd.s32 $0xFFFFF800  }
0x97: {  	s12 =	sadd.s32 $0x280, s7;
	s8 =	simm.s32 @!p2 $0x0;
	_ =	swait.ge [sflag:s4], $0x800  }
0x98: {  	s13 =	sadd.s32 $0xF00, s8;
	s14 =	sor.u32 $0x1700, s8;
	[sflag:s4] =	ssyncset.done $0x0  }
0x99: {  	s15 =	sadd.s32 $0xE00, s0;
	s16 =	sadd.s32 $0x1000, s0;
	[sflag:s4] =	ssyncadd.s32 $0xFFFFF800  }
0x9a: {  	s3 =	sshrl.u32 s3, $0x1;
	s0 =	sadd.s32 $0xC00, s0;
	_ =	swait.ge [sflag:s4], $0x800  }
0x9b: {  	s30 =	sadd.s32 $0xFFFFFFFF, s22;
	s29 =	smul.u32 $0x3C00, s3;
	[sflag:s4] =	ssyncset.done $0x0  }
0x9c: {  	s3 =	smul.u32 $0xFFFFC400, s3;
	s0 =	sshra.s32 s0, $0x2;
	[sflag:s4] =	ssyncadd.s32 $0xFFFFF800  }
0x9d: {  	s31 =	ssub.s32 $0x1800, s29;
	s10 =	sadd.s32 $0x2700, s8;
	_ =	swait.ge [sflag:s4], $0x800  }
0x9e: {  	[sflag:s4] =	ssyncset.done $0x0  }
0x9f: {  	s26 =	ssub.s32 $0x1A00, s29;
	[sflag:s4] =	ssyncadd.s32 $0xFFFFF800  }
0xa0: {  	[spmem:s2] =	stream.indirect.scatter.add.f32 [tilespmem:s13], [sflag:$0x2], $0x10, s12, s21, $0xb8;
	[tilespmem:$0x1E600] =	vst v63  }
0xa1: {  	p4 =	seq.s32 s28, $0x0;
	s7 =	sadd.s32 $0x480, s7;
	s12 =	sshra.s32 s3, $0x2  }
0xa2: {  	s15 =	sshra.s32 s15, $0x2;
	s13 =	sadd.s32 $0x2F00, s8;
	s3 =	simm.s32 @!p4 $0x2  }
0xa3: {  	[spmem:s2] =	stream.indirect.scatter.add.f32 [tilespmem:s14], [sflag:$0x2], $0x10, s0, s21, $0xb8;
	[tilespmem:$0x1E600] =	vst v63  }
0xa4: {  	p2 =	sge.u32 s30, s11;
	s0 =	sadd.s32 $0x1F00, s8;
	s8 =	sshra.s32 s16, $0x2  }
0xa5: {  	[spmem:s2] =	stream.indirect.scatter.add.f32 [tilespmem:s0], [sflag:$0x2], $0x10, s15, s21, $0xb8;
	[tilespmem:$0x1E600] =	vst v63  }
0xa6: {  	s14 =	simm.s32 @!p2 $0x3;
	s0 =	ssub.s32 $0x1600, s29;
	s15 =	sand.u32 @!p2 $0x1, s30  }
0xa7: {  	[spmem:s2] =	stream.indirect.scatter.add.f32 [tilespmem:s10], [sflag:$0x2], $0x10, s8, s21, $0xb8;
	[tilespmem:$0x1E600] =	vst v63  }
0xa8: {  	p5 =	seq.s32 @!p2 s15, $0x1;
	s0 =	sadd.s32 @!p2 s0, s28;
	s10 =	simm.s32 @!p2 $0x2800  }
0xa9: {  	[spmem:s2] =	stream.indirect.scatter.add.f32 [tilespmem:s13], [sflag:$0x2], $0x10, s7, s21, $0xb8;
	[tilespmem:$0x1E600] =	vst v63  }
0xaa: {  	p5 =	por !p5, p2;
	s29 =	sshra.s32 @!p2 s0, $0x2;
	_ =	swait.ge @!p2 [sflag:s14], $0x280  }
0xab: {  	s0 =	sshra.s32 @!p2 s28, $0x2;
	s10 =	simm.s32 @p5 $0x0;
	[sflag:s14] =	ssyncset.done @!p2 $0x0  }
0xac: {  	s30 =	sadd.s32 @!p2 $0xF00, s10;
	s7 =	sadd.s32 @!p2 s31, s28;
	[sflag:s14] =	ssyncadd.s32 @!p2 $0xFFFFFD80  }
0xad: {  	s13 =	sadd.s32 @!p2 s0, s12;
	s31 =	sshra.s32 @!p2 s7, $0x2;
	_ =	swait.ge @!p2 [sflag:s14], $0x280  }
0xae: {  	s0 =	sadd.s32 @!p2 $0x500, s13;
	s7 =	sor.u32 @!p2 $0x1700, s10;
	[sflag:s14] =	ssyncset.done @!p2 $0x0  }
0xaf: {  	s8 =	sadd.s32 @!p2 $0x1F00, s10;
	s12 =	sadd.s32 @!p2 $0x2700, s10;
	[sflag:s14] =	ssyncadd.s32 @!p2 $0xFFFFFD80  }
0xb0: {  	s13 =	sadd.s32 @!p2 $0x700, s13;
	s14 =	sadd.s32 @!p2 s26, s28;
	_ =	swait.ge @!p4 [sflag:s3], $0x800  }
0xb1: {  	s15 =	sshra.s32 @!p2 s14, $0x2;
	s14 =	sadd.s32 @!p2 $0x2F00, s10;
	[sflag:s3] =	ssyncset.done @!p4 $0x0  }
0xb2: {  	[sflag:s3] =	ssyncadd.s32 @!p4 $0xFFFFF800  }
0xb3: {  	_ =	swait.ge @!p4 [sflag:s3], $0x800  }
0xb4: {  	[sflag:s3] =	ssyncset.done @!p4 $0x0  }
0xb5: {  	s10 =	smulhi.u32 $0xAAAAAAAB, s22;
	[sflag:s3] =	ssyncadd.s32 @!p4 $0xFFFFF800  }
0xb6: {  	_ =	swait.ge @!p4 [sflag:s3], $0x800  }
0xb7: {  	s10 =	sshrl.u32 s10, $0x1;
	[sflag:s3] =	ssyncset.done @!p4 $0x0  }
0xb8: {  	s10 =	smul.u32 $0xFFFFC400, s10;
	[sflag:s3] =	ssyncadd.s32 @!p4 $0xFFFFF800  }
0xb9: {  	p5 =	sge.u32 s22, s11;
	_ =	swait.ge @!p4 [sflag:s3], $0x800  }
0xba: {  	s16 =	sshra.s32 @!p5 s28, $0x2;
	s10 =	sshra.s32 s10, $0x2;
	[sflag:s3] =	ssyncset.done @!p4 $0x0  }
0xbb: {  	s10 =	sadd.s32 @!p5 s16, s10;
	s16 =	simm.s32 @!p2 $0x80;
	[sflag:s3] =	ssyncadd.s32 @!p4 $0xFFFFF800  }
0xbc: {  	s28 =	sadd.s32 @!p5 $0xFFF3CB00, s17;
	s26 =	sadd.s32 @!p5 $0xA00, s10;
	_ =	swait.ge @!p4 [sflag:s3], $0x800  }
.Ltmp4:
0xbd: {  	[sflag:s3] =	ssyncset.done @!p4 $0x0;
	(pc) =	sbr.rel @!p3 .LBB2_4-.Ltmp4, $4  }
0xbe: {  	s10 =	sadd.s32 @!p5 $0xC80, s10;
	[sflag:s3] =	ssyncadd.s32 @!p4 $0xFFFFF800;
	s3 =	simm.s32 @!p5 $0x0  }
0xbf: {  	[tilespmem:s26], [sflag:$0x3] =	stream.linear.gather @!p5 [hbm4b:s28+s3], $0x280, $0x38;
	[tilespmem:$0x1E600] =	vst v63  }
0xc0: {  	s24 =	sadd.s32 $0x1, s24;
	s25 =	sadd.s32 $0x1, s25  }
0xc1: {  	[tilespmem:s10], [sflag:$0x3] =	stream.linear.gather @!p5 [hbm4b:s17+s3], $0x280, $0x38;
	[tilespmem:$0x1E600] =	vst v63  }
0xc2: {  	[tilespmem:s30], [sflag:$0x1] =	stream.indirect.gather @!p2 [hbm4b:s5+s16], $0x10, s0, s16, $0xb8;
	[tilespmem:$0x1E600] =	vst v63  }
0xc3: {  	_ = 	snop  }
0xc4: {  	[tilespmem:s7], [sflag:$0x1] =	stream.indirect.gather @!p2 [hbm4b:s5+s16], $0x10, s29, s16, $0xb8;
	[tilespmem:$0x1E600] =	vst v63  }
0xc5: {  	_ = 	snop  }
0xc6: {  	[tilespmem:s8], [sflag:$0x1] =	stream.indirect.gather @!p2 [hbm4b:s5+s16], $0x10, s31, s16, $0xb8;
	[tilespmem:$0x1E600] =	vst v63  }
.Ltmp5:
0xc7: {  	_ = 	snop;
	(pc) =	sbr.rel .LBB2_10-.Ltmp5, $4  }
0xc8: {  	[tilespmem:s12], [sflag:$0x1] =	stream.indirect.gather @!p2 [hbm4b:s5+s16], $0x10, s15, s16, $0xb8;
	[tilespmem:$0x1E600] =	vst v63  }
0xc9: {  	s0 =	rddreg [dreg:$0x4]  }
0xca: {  	[tilespmem:s14], [sflag:$0x1] =	stream.indirect.gather @!p2 [hbm4b:s5+s16], $0x10, s13, s16, $0xb8;
	[tilespmem:$0x1E600] =	vst v63  }
0xcb: {  	s13 =	rddreg [dreg:$0x6]  }
.LBB2_6:
0xcc: {  	[tilespmem:s0], [sflag:$0x1] =	stream.indirect.gather [hbm4b:s6+s21], $0x10, s3, s21, $0xb8;
	[tilespmem:$0x1E600] =	vst v63  }
0xcd: {  	s17 =	simm.s32 $0x1700  }
0xce: {  	[tilespmem:s17], [sflag:$0x1] =	stream.indirect.gather [hbm4b:s6+s21], $0x10, s21, s21, $0xb8;
	[tilespmem:$0x1E600] =	vst v63  }
0xcf: {  	s22 =	simm.s32 $0x100;
	s7 =	simm.s32 $0x1F00  }
0xd0: {  	[tilespmem:s7], [sflag:$0x1] =	stream.indirect.gather [hbm4b:s6+s21], $0x10, s22, s21, $0xb8;
	[tilespmem:$0x1E600] =	vst v63  }
0xd1: {  	s23 =	simm.s32 $0x180;
	s24 =	simm.s32 $0x2700  }
0xd2: {  	[tilespmem:s24], [sflag:$0x1] =	stream.indirect.gather [hbm4b:s6+s21], $0x10, s23, s21, $0xb8;
	[tilespmem:$0x1E600] =	vst v63  }
0xd3: {  	s25 =	simm.s32 $0x200;
	s26 =	simm.s32 $0x2F00  }
0xd4: {  	[tilespmem:s26], [sflag:$0x1] =	stream.indirect.gather [hbm4b:s6+s21], $0x10, s25, s21, $0xb8;
	[tilespmem:$0x1E600] =	vst v63  }
.Ltmp6:
0xd5: {  	s28 =	rddreg [dreg:$0x9];
	(pc) =	sbr.rel @p1 .LBB2_10-.Ltmp6, $4  }
0xd6: {  	s29 =	simm.s32 $0x500;
	s30 =	rddreg [dreg:$0xa]  }
0xd7: {  	[tilespmem:s29], [sflag:$0x3] =	stream.linear.gather [hbm4b:s28+s3], $0x280, $0x38;
	[tilespmem:$0x1E600] =	vst v63  }
0xd8: {  	s31 =	simm.s32 $0x780;
	s0 =	rddreg [dreg:$0x5]  }
0xd9: {  	[tilespmem:s31], [sflag:$0x3] =	stream.linear.gather [hbm4b:s30+s3], $0x280, $0x38;
	[tilespmem:$0x1E600] =	vst v63  }
0xda: {  	_ =	swait.ge [sflag:s4], $0x800  }
0xdb: {  	[sflag:s4] =	ssyncset.done $0x0  }
0xdc: {  	[sflag:s4] =	ssyncadd.s32 $0xFFFFF800  }
0xdd: {  	_ =	swait.ge [sflag:s4], $0x800  }
0xde: {  	[sflag:s4] =	ssyncset.done $0x0  }
0xdf: {  	[sflag:s4] =	ssyncadd.s32 $0xFFFFF800  }
0xe0: {  	_ =	swait.ge [sflag:s4], $0x800  }
0xe1: {  	s0 =	smulhi.u32 $0xAAAAAAAB, s3;
	s22 =	simm.s32 $0x2;
	[sflag:s4] =	ssyncset.done $0x0  }
0xe2: {  	s7 =	sand.u32 $0x1, s22;
	[sflag:s4] =	ssyncadd.s32 $0xFFFFF800  }
0xe3: {  	s0 =	sshrl.u32 s0, $0x1;
	p2 =	seq.s32 s7, $0x1;
	_ =	swait.ge [sflag:s4], $0x800  }
0xe4: {  	s7 =	simm.s32 $0x2800;
	s12 =	smul.u32 $0xFFFFC400, s0;
	[sflag:s4] =	ssyncset.done $0x0  }
0xe5: {  	s0 =	smul.u32 $0x3C00, s0;
	s7 =	simm.s32 @!p2 $0x0;
	[sflag:s4] =	ssyncadd.s32 $0xFFFFF800  }
0xe6: {  	s10 =	sadd.s32 $0xF00, s7;
	s3 =	sshra.s32 s12, $0x2;
	_ =	swait.ge [sflag:s4], $0x800  }
0xe7: {  	s0 =	ssub.s32 $0x0, s0;
	s3 =	sadd.s32 $0x0, s3;
	[sflag:s4] =	ssyncset.done $0x0  }
0xe8: {  	s12 =	sadd.s32 $0xC00, s0;
	s8 =	sadd.s32 $0x280, s3;
	[sflag:s4] =	ssyncadd.s32 $0xFFFFF800  }
0xe9: {  	[spmem:s2] =	stream.indirect.scatter.add.f32 [tilespmem:s10], [sflag:$0x2], $0x10, s8, s21, $0xb8;
	[tilespmem:$0x1E600] =	vst v63  }
0xea: {  	s13 =	sor.u32 $0x1700, s7;
	s14 =	sadd.s32 $0xE00, s0;
	s12 =	sshra.s32 s12, $0x2  }
0xeb: {  	[spmem:s2] =	stream.indirect.scatter.add.f32 [tilespmem:s13], [sflag:$0x2], $0x10, s12, s21, $0xb8;
	[tilespmem:$0x1E600] =	vst v63  }
0xec: {  	s16 =	sadd.s32 $0x1F00, s7;
	s0 =	sadd.s32 $0x1000, s0;
	s15 =	sshra.s32 s14, $0x2  }
0xed: {  	[spmem:s2] =	stream.indirect.scatter.add.f32 [tilespmem:s16], [sflag:$0x2], $0x10, s15, s21, $0xb8;
	[tilespmem:$0x1E600] =	vst v63  }
0xee: {  	p2 =	sle.u32 s11, $0x1;
	s17 =	sadd.s32 $0x2700, s7;
	s0 =	sshra.s32 s0, $0x2  }
0xef: {  	[spmem:s2] =	stream.indirect.scatter.add.f32 [tilespmem:s17], [sflag:$0x2], $0x10, s0, s21, $0xb8;
	[tilespmem:$0x1E600] =	vst v63  }
0xf0: {  	s24 =	sadd.s32 $0x2F00, s7;
	s7 =	simm.s32 @!p2 $0x3;
	s23 =	sadd.s32 $0x480, s3  }
0xf1: {  	[spmem:s2] =	stream.indirect.scatter.add.f32 [tilespmem:s24], [sflag:$0x2], $0x10, s23, s21, $0xb8;
	[tilespmem:$0x1E600] =	vst v63  }
0xf2: {  	_ =	swait.ge @!p2 [sflag:s7], $0x280  }
0xf3: {  	s25 =	simm.s32 $0x1;
	s28 =	smulhi.u32 $0xAAAAAAAB, s22;
	[sflag:s7] =	ssyncset.done @!p2 $0x0  }
0xf4: {  	p3 =	por $0x1, $0x1;
	s0 =	smulhi.u32 $0xAAAAAAAB, s25;
	[sflag:s7] =	ssyncadd.s32 @!p2 $0xFFFFFD80  }
0xf5: {  	s14 =	simm.s32 @!p2 $0x2800;
	s10 =	simm.s32 @!p3 $0x2;
	_ =	swait.ge @!p2 [sflag:s7], $0x280  }
0xf6: {  	s25 =	simm.s32 $0x1;
	s0 =	sshrl.u32 s0, $0x1;
	[sflag:s7] =	ssyncset.done @!p2 $0x0  }
0xf7: {  	s23 =	simm.s32 $0x1400;
	s26 =	smul.u32 $0x3C00, s0;
	[sflag:s7] =	ssyncadd.s32 @!p2 $0xFFFFFD80  }
0xf8: {  	s24 =	simm.s32 $0x2;
	s0 =	smul.u32 $0xFFFFC400, s0;
	_ =	swait.ge @!p3 [sflag:s10], $0x800  }
0xf9: {  	s8 =	ssub.s32 $0x1800, s26;
	s13 =	ssub.s32 $0x1A00, s26;
	[sflag:s10] =	ssyncset.done @!p3 $0x0  }
0xfa: {  	s0 =	sshra.s32 s0, $0x2;
	s3 =	ssub.s32 $0x1600, s26;
	[sflag:s10] =	ssyncadd.s32 @!p3 $0xFFFFF800  }
0xfb: {  	s3 =	sadd.s32 @!p2 $0x0, s3;
	s15 =	sadd.s32 @!p2 $0x0, s0;
	_ =	swait.ge @!p3 [sflag:s10], $0x800  }
0xfc: {  	s29 =	sshra.s32 @!p2 s3, $0x2;
	s3 =	sadd.s32 @!p2 $0x0, s8;
	[sflag:s10] =	ssyncset.done @!p3 $0x0  }
0xfd: {  	s0 =	sadd.s32 @!p2 $0x500, s15;
	s7 =	simm.s32 $0x1;
	[sflag:s10] =	ssyncadd.s32 @!p3 $0xFFFFF800  }
0xfe: {  	s31 =	sshra.s32 @!p2 s3, $0x2;
	s7 =	sand.u32 @!p2 $0x1, s7;
	_ =	swait.ge @!p3 [sflag:s10], $0x800  }
0xff: {  	p4 =	seq.s32 @!p2 s7, $0x1;
	s7 =	sshrl.u32 s28, $0x1;
	[sflag:s10] =	ssyncset.done @!p3 $0x0  }
0x100: {  	p4 =	por !p4, p2;
	s7 =	smul.u32 $0xFFFFC400, s7;
	[sflag:s10] =	ssyncadd.s32 @!p3 $0xFFFFF800  }
0x101: {  	s14 =	simm.s32 @p4 $0x0;
	p4 =	sle.u32 s11, $0x2;
	_ =	swait.ge @!p3 [sflag:s10], $0x800  }
0x102: {  	s30 =	sadd.s32 @!p2 $0xF00, s14;
	s3 =	sshra.s32 s7, $0x2;
	[sflag:s10] =	ssyncset.done @!p3 $0x0  }
0x103: {  	s7 =	sor.u32 @!p2 $0x1700, s14;
	s3 =	sadd.s32 @!p4 $0x0, s3;
	[sflag:s10] =	ssyncadd.s32 @!p3 $0xFFFFF800  }
0x104: {  	s8 =	sadd.s32 @!p2 $0x1F00, s14;
	s12 =	sadd.s32 @!p4 $0xA00, s3;
	_ =	swait.ge @!p3 [sflag:s10], $0x800  }
0x105: {  	s3 =	sadd.s32 @!p4 $0xC80, s3;
	[sflag:s10] =	ssyncset.done @!p3 $0x0;
	s17 =	rddreg [dreg:$0xd]  }
0x106: {  	s16 =	sadd.s32 @!p4 $0xFFF3CB00, s17;
	[sflag:s10] =	ssyncadd.s32 @!p3 $0xFFFFF800;
	s10 =	simm.s32 @!p4 $0x0  }
0x107: {  	[tilespmem:s12], [sflag:$0x3] =	stream.linear.gather @!p4 [hbm4b:s16+s10], $0x280, $0x38;
	[tilespmem:$0x1E600] =	vst v63  }
0x108: {  	s12 =	sadd.s32 @!p2 $0x2700, s14;
	s16 =	sadd.s32 @!p2 $0x0, s13;
	s13 =	sadd.s32 @!p2 $0x700, s15  }
0x109: {  	s14 =	sadd.s32 @!p2 $0x2F00, s14;
	s15 =	sshra.s32 @!p2 s16, $0x2;
	s16 =	simm.s32 @!p2 $0x80  }
0x10a: {  	[tilespmem:s3], [sflag:$0x3] =	stream.linear.gather @!p4 [hbm4b:s17+s10], $0x280, $0x38;
	[tilespmem:$0x1E600] =	vst v63  }
.LBB2_8:
0x10b: {  	s17 =	sadd.s32 $0x50, s17  }
0x10c: {  	s22 =	sadd.s32 $0x1, s22;
	s28 =	smov.u32 s23;
	s23 =	sadd.s32 $0x1400, s23  }
0x10d: {  	[tilespmem:s30], [sflag:$0x1] =	stream.indirect.gather @!p2 [hbm4b:s6+s16], $0x10, s0, s16, $0xb8;
	[tilespmem:$0x1E600] =	vst v63  }
0x10e: {  	p3 =	sne.s32 s23, $0x30D400  }
0x10f: {  	[tilespmem:s7], [sflag:$0x1] =	stream.indirect.gather @!p2 [hbm4b:s6+s16], $0x10, s29, s16, $0xb8;
	[tilespmem:$0x1E600] =	vst v63  }
0x110: {  	_ = 	snop  }
0x111: {  	[tilespmem:s8], [sflag:$0x1] =	stream.indirect.gather @!p2 [hbm4b:s6+s16], $0x10, s31, s16, $0xb8;
	[tilespmem:$0x1E600] =	vst v63  }
0x112: {  	_ = 	snop  }
0x113: {  	[tilespmem:s12], [sflag:$0x1] =	stream.indirect.gather @!p2 [hbm4b:s6+s16], $0x10, s15, s16, $0xb8;
	[tilespmem:$0x1E600] =	vst v63  }
0x114: {  	s0 =	smulhi.u32 $0xAAAAAAAB, s25  }
0x115: {  	[tilespmem:s14], [sflag:$0x1] =	stream.indirect.gather @!p2 [hbm4b:s6+s16], $0x10, s13, s16, $0xb8;
	[tilespmem:$0x1E600] =	vst v63  }
0x116: {  	s3 =	smulhi.u32 $0xAAAAAAAB, s24;
	s0 =	sshrl.u32 s0, $0x1;
	_ =	swait.ge [sflag:s4], $0x800  }
0x117: {  	s7 =	smul.u32 $0xFFFFC400, s0;
	[sflag:s4] =	ssyncset.done $0x0  }
0x118: {  	s0 =	smul.u32 $0x3C00, s0;
	s8 =	sshra.s32 s28, $0x2;
	[sflag:s4] =	ssyncadd.s32 $0xFFFFF800  }
0x119: {  	s10 =	sand.u32 $0x1, s22;
	s7 =	sshra.s32 s7, $0x2;
	_ =	swait.ge [sflag:s4], $0x800  }
0x11a: {  	s0 =	ssub.s32 s28, s0;
	p2 =	seq.s32 s10, $0x1;
	[sflag:s4] =	ssyncset.done $0x0  }
0x11b: {  	s7 =	sadd.s32 s8, s7;
	s8 =	simm.s32 $0x2800;
	[sflag:s4] =	ssyncadd.s32 $0xFFFFF800  }
0x11c: {  	s10 =	sadd.s32 $0x280, s7;
	s8 =	simm.s32 @!p2 $0x0;
	_ =	swait.ge [sflag:s4], $0x800  }
0x11d: {  	s12 =	sadd.s32 $0xF00, s8;
	s13 =	sor.u32 $0x1700, s8;
	[sflag:s4] =	ssyncset.done $0x0  }
0x11e: {  	s15 =	sadd.s32 $0x1000, s0;
	s14 =	sadd.s32 $0xE00, s0;
	[sflag:s4] =	ssyncadd.s32 $0xFFFFF800  }
0x11f: {  	s3 =	sshrl.u32 s3, $0x1;
	s0 =	sadd.s32 $0xC00, s0;
	_ =	swait.ge [sflag:s4], $0x800  }
0x120: {  	s26 =	sadd.s32 $0xFFFFFFFF, s22;
	s16 =	smul.u32 $0x3C00, s3;
	[sflag:s4] =	ssyncset.done $0x0  }
0x121: {  	s3 =	smul.u32 $0xFFFFC400, s3;
	s0 =	sshra.s32 s0, $0x2;
	[sflag:s4] =	ssyncadd.s32 $0xFFFFF800  }
0x122: {  	s31 =	ssub.s32 $0x1800, s16;
	s29 =	sadd.s32 $0x2700, s8;
	_ =	swait.ge [sflag:s4], $0x800  }
0x123: {  	[sflag:s4] =	ssyncset.done $0x0  }
0x124: {  	s9 =	ssub.s32 $0x1A00, s16;
	[sflag:s4] =	ssyncadd.s32 $0xFFFFF800  }
0x125: {  	[spmem:s2] =	stream.indirect.scatter.add.f32 [tilespmem:s12], [sflag:$0x2], $0x10, s10, s21, $0xb8;
	[tilespmem:$0x1E600] =	vst v63  }
0x126: {  	p4 =	seq.s32 s28, $0x0;
	s7 =	sadd.s32 $0x480, s7;
	s10 =	sshra.s32 s3, $0x2  }
0x127: {  	s14 =	sshra.s32 s14, $0x2;
	s12 =	sadd.s32 $0x2F00, s8;
	s3 =	simm.s32 @!p4 $0x2  }
0x128: {  	[spmem:s2] =	stream.indirect.scatter.add.f32 [tilespmem:s13], [sflag:$0x2], $0x10, s0, s21, $0xb8;
	[tilespmem:$0x1E600] =	vst v63  }
0x129: {  	p2 =	sge.u32 s26, s11;
	s0 =	sadd.s32 $0x1F00, s8;
	s8 =	sshra.s32 s15, $0x2  }
0x12a: {  	[spmem:s2] =	stream.indirect.scatter.add.f32 [tilespmem:s0], [sflag:$0x2], $0x10, s14, s21, $0xb8;
	[tilespmem:$0x1E600] =	vst v63  }
0x12b: {  	s13 =	simm.s32 @!p2 $0x3;
	s0 =	ssub.s32 $0x1600, s16;
	s14 =	sand.u32 @!p2 $0x1, s26  }
0x12c: {  	[spmem:s2] =	stream.indirect.scatter.add.f32 [tilespmem:s29], [sflag:$0x2], $0x10, s8, s21, $0xb8;
	[tilespmem:$0x1E600] =	vst v63  }
0x12d: {  	p5 =	seq.s32 @!p2 s14, $0x1;
	s14 =	simm.s32 @!p2 $0x2800;
	s0 =	sadd.s32 @!p2 s0, s28  }
0x12e: {  	[spmem:s2] =	stream.indirect.scatter.add.f32 [tilespmem:s12], [sflag:$0x2], $0x10, s7, s21, $0xb8;
	[tilespmem:$0x1E600] =	vst v63  }
0x12f: {  	p5 =	por !p5, p2;
	s29 =	sshra.s32 @!p2 s0, $0x2;
	_ =	swait.ge @!p2 [sflag:s13], $0x280  }
0x130: {  	s0 =	sshra.s32 @!p2 s28, $0x2;
	s14 =	simm.s32 @p5 $0x0;
	[sflag:s13] =	ssyncset.done @!p2 $0x0  }
0x131: {  	s30 =	sadd.s32 @!p2 $0xF00, s14;
	s7 =	sadd.s32 @!p2 s31, s28;
	[sflag:s13] =	ssyncadd.s32 @!p2 $0xFFFFFD80  }
0x132: {  	s10 =	sadd.s32 @!p2 s0, s10;
	s31 =	sshra.s32 @!p2 s7, $0x2;
	_ =	swait.ge @!p2 [sflag:s13], $0x280  }
0x133: {  	s0 =	sadd.s32 @!p2 $0x500, s10;
	s7 =	sor.u32 @!p2 $0x1700, s14;
	[sflag:s13] =	ssyncset.done @!p2 $0x0  }
0x134: {  	s8 =	sadd.s32 @!p2 $0x1F00, s14;
	s12 =	sadd.s32 @!p2 $0x2700, s14;
	[sflag:s13] =	ssyncadd.s32 @!p2 $0xFFFFFD80  }
0x135: {  	s9 =	sadd.s32 @!p2 s9, s28;
	s13 =	sadd.s32 @!p2 $0x700, s10;
	_ =	swait.ge @!p4 [sflag:s3], $0x800  }
0x136: {  	s15 =	sshra.s32 @!p2 s9, $0x2;
	s14 =	sadd.s32 @!p2 $0x2F00, s14;
	[sflag:s3] =	ssyncset.done @!p4 $0x0  }
0x137: {  	[sflag:s3] =	ssyncadd.s32 @!p4 $0xFFFFF800  }
0x138: {  	_ =	swait.ge @!p4 [sflag:s3], $0x800  }
0x139: {  	[sflag:s3] =	ssyncset.done @!p4 $0x0  }
0x13a: {  	s9 =	smulhi.u32 $0xAAAAAAAB, s22;
	[sflag:s3] =	ssyncadd.s32 @!p4 $0xFFFFF800  }
0x13b: {  	_ =	swait.ge @!p4 [sflag:s3], $0x800  }
0x13c: {  	s9 =	sshrl.u32 s9, $0x1;
	[sflag:s3] =	ssyncset.done @!p4 $0x0  }
0x13d: {  	s9 =	smul.u32 $0xFFFFC400, s9;
	[sflag:s3] =	ssyncadd.s32 @!p4 $0xFFFFF800  }
0x13e: {  	p5 =	sge.u32 s22, s11;
	_ =	swait.ge @!p4 [sflag:s3], $0x800  }
0x13f: {  	s9 =	sshra.s32 s9, $0x2;
	s10 =	sshra.s32 @!p5 s28, $0x2;
	[sflag:s3] =	ssyncset.done @!p4 $0x0  }
0x140: {  	s16 =	simm.s32 @!p2 $0x80;
	s9 =	sadd.s32 @!p5 s10, s9;
	[sflag:s3] =	ssyncadd.s32 @!p4 $0xFFFFF800  }
0x141: {  	s26 =	sadd.s32 @!p5 $0xFFF3CB00, s17;
	s10 =	sadd.s32 @!p5 $0xA00, s9;
	_ =	swait.ge @!p4 [sflag:s3], $0x800  }
.Ltmp7:
0x142: {  	[sflag:s3] =	ssyncset.done @!p4 $0x0;
	(pc) =	sbr.rel @p3 .LBB2_8-.Ltmp7, $4  }
0x143: {  	s9 =	sadd.s32 @!p5 $0xC80, s9;
	[sflag:s3] =	ssyncadd.s32 @!p4 $0xFFFFF800;
	s3 =	simm.s32 @!p5 $0x0  }
0x144: {  	[tilespmem:s10], [sflag:$0x3] =	stream.linear.gather @!p5 [hbm4b:s26+s3], $0x280, $0x38;
	[tilespmem:$0x1E600] =	vst v63  }
0x145: {  	s24 =	sadd.s32 $0x1, s24;
	s25 =	sadd.s32 $0x1, s25  }
0x146: {  	[tilespmem:s9], [sflag:$0x3] =	stream.linear.gather @!p5 [hbm4b:s17+s3], $0x280, $0x38;
	[tilespmem:$0x1E600] =	vst v63  }
.Ltmp8:
0x147: {  	_ = 	snop;
	(pc) =	sbr.rel .LBB2_9-.Ltmp8, $1  }
0x148: {  	_ =	sdelay $0x3  }
.LBB2_11:
0x149: {  	_ =	sfence.sel $0x180000  }
0x14a: {  	[bflag:$0x0] =	sbarrier.arrive $0xFFFF  }
0x14b: {  	_ =	strace $0x9000004D  }
0x14c: {  	s0 =	stileid.u32;
	[bflag:$0x2] =	sbarrier.arrive $0xFFFF  }
0x14d: {  	p0 =	sne.s32 s0, $0x0;
	s0 =	rddreg [dreg:$0x3]  }
0x14e: {  	s0 =	sadd.s32 @!p0 $0x100000, s0  }
0x14f: {  	[sflag:s0] =	ssyncadd.tile.s32 @!p0 $0x1;
	_ =	shalt  }
.Lfunc_end2:
_tile_overlayer_lowered:
.L_overlay_start_2:
0x150: {  	(tag) =	ssettag $0x2  }
0x151: {  	s0 =	rddreg [dreg:$0x0];
	s2 =	stileid.u32  }
0x152: {  	s1 =	rddreg [dreg:$0x1];
	p0 =	sne.s32 s2, $0x0  }
0x153: {  	s3 =	rddreg [dreg:$0x2];
	[bflag:$0x3] =	sbarrier.arrive $0xFFFF;
	s2 =	simm.s32 @!p0 $0x1C04  }
0x154: {  	[timem:s3], [sflag:s2] =	dma.local @!p0 [hbm:s0], s1  }
0x155: {  	s0 =	simm.s32 @!p0 $0x4  }
0x156: {  	_ =	swait.ge @!p0 [sflag:s0], s1  }
0x157: {  	s1 =	ssub.s32 @!p0 $0x0, s1;
	[sflag:s0] =	ssyncset.done @!p0 $0x0  }
0x158: {  	[sflag:s0] =	ssyncadd.s32 @!p0 s1  }
0x159: {  	[bflag:$0x3] =	sbarrier.arrive $0xFFFF  }
0x15a: {  	_ =	shalt  }

// kernel: sparse-core-data-format-call.cloned.1.call-start
scs
called_computation_lowered:
.L_overlay_start_0:
0x0: {  	s2 =	sld [smem:$0x3FD9]  }
0x1: {  	s3 =	sld [smem:$0x3FFE];
	_ =	sdelay $0x1  }
0x2: {  	s1 =	srdreg.scid  }
0x3: {  	s0 =	sand.u32 $0x1, s1  }
0x4: {  	s18 =	sshll.u32 s0, $0xA;
	s2 =	sadd.s32 s3, s2  }
0x5: {  	s2 =	sadd.s32 s2, s18  }
0x6: {  	[smem:$0x3FB8] =	sst s2  }
0x7: {  	_ = 	snop  }
0x8: {  	s2 =	sld [smem:$0x3FC8];
	(tm) =	ssettm $0x1  }
0x9: {  	s19 =	sld [smem:$0x3FFB];
	_ =	sdelay $0x3  }
0xa: {  	_ =	strace s19  }
0xb: {  	s3 =	sld [smem:$0x3FFC];
	_ =	sdelay $0x3  }
0xc: {  	_ =	strace s3  }
0xd: {  	s3 =	sld [smem:$0x3FFD];
	_ =	sdelay $0x3  }
0xe: {  	_ =	strace s3  }
0xf: {  	_ =	strace $0x8FFFFFFF  }
0x10: {  	s20 =	sld [smem:$0x3FDB];
	_ =	sdelay $0x1  }
0x11: {  	s4 =	simm.s32 $_scs_section_size  }
0x12: {  	s5 =	simm.s32 $_size__tile_overlayer_lowered;
	s6 =	simm.s32 $_tile_overlayer_lowered  }
0x13: {  	s23 =	simm.s32 $0x1BFF;
	s22 =	sshll.u32 s6, $0x1;
	s3 =	sadd.s32 s4, s20  }
0x14: {  	s7 =	simm.s32 $0x0;
	s21 =	sshll.u32 s5, $0x1;
	s5 =	sadd.s32 s22, s3  }
0x15: {  	[timem:s7], [sflag:s23] =	dma.local [hbm:s5], s21  }
0x16: {  	_ =	swait.ge [sflag:s23], s21  }
0x17: {  	s4 =	ssub.s32 $0x0, s21;
	[sflag:s23] =	ssyncset.done $0x0  }
0x18: {  	[sflag:s23] =	ssyncadd.s32 s4;
	_ =	sdelay $0x1  }
0x19: {  	s24 =	simm.s32 $0x1B8B  }
0x1a: {  	_ =	swait.ge [sflag:s24], $0x1  }
0x1b: {  	[sflag:s24] =	ssyncset.done $0x0  }
0x1c: {  	s26 =	simm.s32 $0x1B8E;
	s25 =	sld [smem:$0x3FFE];
	[sflag:s24] =	ssyncadd.s32 $0xFFFFFFFF  }
0x1d: {  	s27 =	simm.s32 $execute0_lowered;
	[smem:$0x3FD2] =	sst s26  }
0x1e: {  	s5 =	sshll.u32 s27, $0x1;
	_ =	strace $0x80000046;
	[dreg:$0x1] =	wrdreg $0xFFFFFFFF  }
0x1f: {  	s28 =	simm.s32 $_size_execute0_lowered;
	s3 =	sadd.s32 s3, s5;
	[dreg:$0x0] =	wrdreg $0x0  }
0x20: {  	s5 =	sshll.u32 s28, $0x1;
	[dreg:$0x2] =	wrdreg s3  }
0x21: {  	[dreg:$0x3] =	wrdreg s5  }
0x22: {  	[dreg:$0x4] =	wrdreg $0xC0  }
0x23: {  	_ =	task [dreg:s7], $0x5FFFF  }
0x24: {  	[dreg:$0x1] =	wrdreg $0xFFFFFFFF  }
0x25: {  	[dreg:$0x0] =	wrdreg $0x60  }
0x26: {  	[dreg:$0x2] =	wrdreg s2  }
0x27: {  	[dreg:$0x3] =	wrdreg s25  }
0x28: {  	[dreg:$0x4] =	wrdreg $0x9  }
0x29: {  	_ =	task.clear_ibuf [dreg:s7], $0x5FFFF;
	_ =	strace $0x90000046  }
0x2a: {  	s29 =	simm.s32 $0x9;
	_ =	strace $0x80000048  }
0x2b: {  	_ =	swait.ge [sflag:s29], $0x1  }
0x2c: {  	[sflag:s29] =	ssyncadd.s32 $0xFFFFFFFF  }
0x2d: {  	_ =	strace $0x90000048  }
0x2e: {  	_ =	sfence  }
0x2f: {  	s30 =	sld [smem:$0x0];
	_ =	sdelay $0x2  }
0x30: {  	s31 =	sshll.u32 s1, $0xD;
	s1 =	sshrl.u32 s1, $0x2  }
0x31: {  	s3 =	sand.u32 $0x4000, s31;
	s1 =	sadd.s32 s1, s30  }
0x32: {  	s0 =	sor.u32 s3, s0;
	s1 =	sshll.u32 s1, $0x11  }
0x33: {  	s0 =	sor.u32 s1, s0  }
0x34: {  	s0 =	sadd.s32 $0x8F2B, s0  }
0x35: {  	[sflag:s0] =	ssyncadd.remote.s32 $0x1  }
0x36: {  	_ =	sfence.sel $0xFFFF  }
0x37: {  	[dreg:$0x0] =	wrdreg $0xFFFFFFFF;
	(pc) =	sbr.abs _section_cstart, $3  }
0x38: {  	[dreg:$0x1] =	wrdreg $0xFFFFFFFF  }
0x39: {  	_ =	task.clear_ibuf [dreg:s7], $0x2FFFF;
	_ =	strace $0x9FFFFFFF  }
0x3a: {  	(tm) =	ssettm $0x7FFFFFFF  }
0x3b: {  	_ =	shalt  }
tec
execute0_lowered:
.L_overlay_start_1:
0x0: {  	(tag) =	ssettag $0x1  }
0x1: {  	s0 =	stileid.u32;
	s7 =	rddreg [dreg:$0x0]  }
0x2: {  	s1 =	srdreg.scid;
	s4 =	rddreg [dreg:$0x1]  }
0x3: {  	s30 =	simm.s32 $0x2;
	s10 =	simm.s32 $0x0;
	s14 =	simm.s32 $0x0  }
0x4: {  	s15 =	simm.s32 $0x0;
	s11 =	simm.s32 $0x0;
	s13 =	simm.s32 $0x0  }
0x5: {  	s2 =	sand.u32 $0x1, s1;
	s3 =	sshll.u32 s0, $0x7;
	s1 =	rddreg [dreg:$0x2]  }
0x6: {  	_ =	strace $0x80000047;
	s5 =	ssub.s32 $0xC300, s3;
	s6 =	ssub.s32 $0x2, s2  }
.Ltmp0:
0x7: {  	s5 =	sshrl.u32 s5, $0xB;
	s8 =	sshrl.u32 s6, $0x1;
	(pc) =	sbr.rel .LBB1_1-.Ltmp0, $4  }
0x8: {  	s4 =	sadd.s32 $0x3200, s4;
	s9 =	sadd.s32 $0x1, s5;
	s6 =	ssub.s32 s6, s8  }
0x9: {  	s31 =	sshll.u32 s2, $0x4;
	s5 =	simm.s32 $0x1;
	s6 =	smul.u32 s9, s6  }
0xa: {  	s12 =	smov.u32 s3;
	s7 =	sadd.s32 s7, s31;
	[sflag:s5] =	ssyncpa.u1 $0x0  }
0xb: {  	s9 =	simm.s32 $0x0;
	[sflag:s30] =	ssyncpa.u1 $0x0;
	s8 =	sadd.s32 $0x1, s6  }
.LBB1_4:
0xc: {  	s21 =	simm.s32 $0x0  }
.LBB1_8:
0xd: {  	_ =	sdelay $0x3  }
0xe: {  	v6 =	vld [tilespmem:s18+$0xFFFFFFC0];
	[tilespmem:v0+s20+$0x30 ss:$0x1] =	vst.idx.msk @p0 $0xffff, v2  }
0xf: {  	v58 =	vld [tilespmem:s18+$0xFFFFFFD0];
	[tilespmem:v0+s20+$0x40 ss:$0x1] =	vst.idx.msk @p0 $0xffff, v3;
	s21 =	sadd.s32 @p0 $0x80, s21  }
0x10: {  	v59 =	vld [tilespmem:s18+$0xFFFFFFE0];
	[tilespmem:v0+s20+$0x50 ss:$0x1] =	vst.idx.msk @p0 $0xffff, v5;
	s19 =	smov.u32 @p0 s21  }
0x11: {  	v60 =	vld [tilespmem:s18+$0xFFFFFFF0];
	[tilespmem:v0+s20+$0x60 ss:$0x1] =	vst.idx.msk @p0 $0xffff, v4;
	s19 =	sand.u32 $0x3F80, s19  }
0x12: {  	v61 =	vld [tilespmem:s18+$0x0];
	[tilespmem:v0+s19+$0x70 ss:$0x1] =	vst.idx.msk $0xffff, v1  }
0x13: {  	v62 =	vld [tilespmem:s18+$0x10];
	[tilespmem:v0+s19+$0x0 ss:$0x1] =	vst.idx.msk $0xffff, v6  }
0x14: {  	v63 =	vld [tilespmem:s18+$0x20];
	[tilespmem:v0+s19+$0x10 ss:$0x1] =	vst.idx.msk $0xffff, v58  }
0x15: {  	[tilespmem:v0+s19+$0x20 ss:$0x1] =	vst.idx.msk $0xffff, v59  }
0x16: {  	[tilespmem:v0+s19+$0x30 ss:$0x1] =	vst.idx.msk $0xffff, v60  }
0x17: {  	[tilespmem:v0+s19+$0x40 ss:$0x1] =	vst.idx.msk $0xffff, v61  }
0x18: {  	[tilespmem:v0+s19+$0x50 ss:$0x1] =	vst.idx.msk $0xffff, v62  }
0x19: {  	[tilespmem:v0+s19+$0x60 ss:$0x1] =	vst.idx.msk $0xffff, v63  }
.LBB1_9:
0x1a: {  	s18 =	sand.u32 $0x1FFFFFF, s11  }
0x1b: {  	s19 =	smulhi.u32 $0x14F8B59, s18;
	_ =	sdelay $0x1  }
0x1c: {  	s19 =	sshrl.u32 s19, $0x8  }
0x1d: {  	s19 =	smul.u32 $0xC350, s19  }
0x1e: {  	s15 =	smul.u32 $0xC3500, s15  }
0x1f: {  	s18 =	ssub.s32 s18, s19  }
0x20: {  	s15 =	sadd.s32 s4, s15;
	s18 =	sshll.u32 s18, $0x4  }
0x21: {  	s15 =	sadd.s32 s18, s15  }
0x22: {  	[hbm4b:s15+s9] =	stream.linear.scatter [tilespmem:s17], [sflag:$0x2], s16, $0x38;
	[tilespmem:$0x10000] =	vst v63  }
.LBB1_10:
0x23: {  	p0 =	slt.u32 s13, $0x2  }
0x24: {  	p1 =	sgt.s32 @!p0 s14, $0xC2D0  }
0x25: {  	s15 =	smov.u32 s14;
	s16 =	sshra.s32 @!p0 s14, $0x1F;
	p1 =	por !p1, p0  }
0x26: {  	s14 =	sand.u32 @!p0 s16, s14;
	s15 =	simm.s32 @p1 $0xC2D0  }
0x27: {  	s14 =	ssub.s32 @!p0 s15, s14  }
0x28: {  	s14 =	sadd.s32 @!p0 $0xFFFF3D30, s14  }
0x29: {  	s15 =	sshll.u32 @!p0 s14, $0x7  }
0x2a: {  	p1 =	sgt.s32 @!p0 s14, $0x7F;
	s14 =	ssub.s32 @!p0 $0x4000, s15  }
0x2b: {  	s16 =	sadd.s32 $0x800, s12;
	p1 =	por !p1, p0;
	s14 =	sand.u32 @!p0 $0x3FFFFF80, s14  }
0x2c: {  	s14 =	simm.s32 @!p1 $0x0;
	p1 =	sgt.s32 s16, $0xC34F  }
0x2d: {  	s16 =	smov.u32 @p1 s3;
	p1 =	sne.s32 s13, s8  }
.Ltmp1:
0x2e: {  	_ = 	snop;
	(pc) =	sbr.rel @!p1 .LBB1_11-.Ltmp1, $4  }
0x2f: {  	s10 =	sadd.s32 $0x4000, s10;
	s15 =	simm.s32 @!p0 $0x2  }
0x30: {  	_ =	swait.ge @!p0 [sflag:s15], s14;
	s17 =	ssub.s32 @!p0 $0x0, s14;
	s14 =	smov.u32 s11  }
0x31: {  	s13 =	sadd.s32 $0x1, s13;
	s11 =	smov.u32 s12;
	[sflag:s15] =	ssyncset.done @!p0 $0x0  }
0x32: {  	s12 =	smov.u32 s16;
	[sflag:s15] =	ssyncadd.s32 @!p0 s17;
	s15 =	smov.u32 s2  }
.LBB1_1:
0x33: {  	p0 =	sge.u32 s13, s6  }
0x34: {  	p1 =	sgt.s32 @!p0 s12, $0xC2D0  }
0x35: {  	s16 =	smov.u32 s12;
	s17 =	sshra.s32 @!p0 s12, $0x1F;
	p1 =	por !p1, p0  }
0x36: {  	s17 =	sand.u32 @!p0 s17, s12;
	s16 =	simm.s32 @p1 $0xC2D0  }
0x37: {  	s16 =	ssub.s32 @!p0 s16, s17  }
0x38: {  	s31 =	sadd.s32 $0xFFFFFFFF, s13;
	s18 =	sxor.u32 @!p0 $0xFFFFFFFF, s13;
	s16 =	sadd.s32 @!p0 $0xFFFF3D30, s16  }
0x39: {  	s19 =	simm.s32 @!p0 $0x80;
	s20 =	simm.s32 @!p0 $0x100;
	s17 =	sshll.u32 @!p0 s16, $0x7  }
0x3a: {  	p1 =	sgt.s32 @!p0 s16, $0x7F;
	s16 =	ssub.s32 @!p0 $0x4000, s17;
	s17 =	sshll.u32 @!p0 s18, $0xE  }
0x3b: {  	p1 =	por !p1, p0;
	s18 =	sshll.u32 @!p0 s12, $0x5;
	s16 =	sand.u32 @!p0 $0x3FFFFF80, s16  }
0x3c: {  	s17 =	sand.u32 @!p0 $0x4000, s17;
	s18 =	sadd.s32 @!p0 s18, s7;
	s16 =	simm.s32 @!p1 $0x0  }
0x3d: {  	[tilespmem:s17], [sflag:$0x1] =	stream.strided.gather @!p0 [hbm4b:s18+s19], s16, s20, s19, $0x38;
	[tilespmem:$0x10000] =	vst v63  }
0x3e: {  	p0 =	sge.u32 s31, s6  }
.Ltmp2:
0x3f: {  	_ = 	snop;
	(pc) =	sbr.rel @p0 .LBB1_10-.Ltmp2, $1  }
0x40: {  	_ =	sdelay $0x3  }
0x41: {  	p0 =	sgt.s32 s11, $0xC2D0;
	s16 =	smov.u32 s11;
	s17 =	sshra.s32 s11, $0x1F  }
0x42: {  	s16 =	simm.s32 @!p0 $0xC2D0;
	s17 =	sand.u32 s17, s11  }
0x43: {  	s16 =	ssub.s32 s16, s17  }
0x44: {  	s16 =	sadd.s32 $0xFFFF3D30, s16  }
0x45: {  	s30 =	sshll.u32 s16, $0x7  }
0x46: {  	s17 =	ssub.s32 $0x4000, s30  }
0x47: {  	p0 =	sgt.s32 s16, $0x7F;
	s16 =	sand.u32 $0x3FFFFF80, s17;
	s17 =	sadd.s32 $0x80, s11  }
0x48: {  	s16 =	simm.s32 @p0 $0x0;
	p0 =	slt.s32 s17, $0xC350  }
0x49: {  	s17 =	simm.s32 @!p0 $0xC350  }
0x4a: {  	s20 =	ssub.s32 s17, s11  }
0x4b: {  	p0 =	slt.s32 s20, $0x1  }
.Ltmp3:
0x4c: {  	_ = 	snop;
	(pc) =	sbr.rel @p0 .LBB1_9-.Ltmp3, $4  }
0x4d: {  	_ = 	snop  }
0x4e: {  	s19 =	sshll.u32 s13, $0xE;
	_ =	swait.ge [sflag:s5], s16  }
0x4f: {  	s31 =	sand.u32 $0x4000, s19;
	s18 =	ssub.s32 $0x0, s16;
	[sflag:s5] =	ssyncset.done $0x0  }
0x50: {  	s17 =	sor.u32 $0x8000, s31;
	[sflag:s5] =	ssyncadd.s32 s18  }
0x51: {  	p1 =	sne.s32 s20, $0x1  }
.Ltmp4:
0x52: {  	v0 =	vmov s17;
	(pc) =	sbr.rel @!p1 .LBB1_4-.Ltmp4, $4  }
0x53: {  	_ = 	snop  }
0x54: {  	s18 =	sand.u32 $0x4000, s10  }
0x55: {  	s18 =	sor.u32 $0x40, s18  }
0x56: {  	s19 =	simm.s32 $0x0;
	s21 =	sadd.s32 $0xFFFFFFFF, s20;
	p0 =	por $0x0, $0x0;
	v1 =	vld [tilespmem:s18+$0x30]  }
0x57: {  	v4 =	vld [tilespmem:s18+$0xFFFFFFC0]  }
0x58: {  	v6 =	vld [tilespmem:s18+$0xFFFFFFD0]  }
0x59: {  	v7 =	vld [tilespmem:s18+$0xFFFFFFE0];
	p1 =	sne.s32 s21, $0x1  }
.Ltmp5:
0x5a: {  	v2 =	vld [tilespmem:s18+$0xFFFFFFF0];
	s20 =	sand.u32 $0x3F80, s19;
	(pc) =	sbr.rel @!p1 .LBB1_6-.Ltmp5, $4  }
0x5b: {  	v3 =	vld [tilespmem:s18+$0x0];
	[tilespmem:v0+s20+$0x70 ss:$0x1] =	vst.idx.msk $0xffff, v1  }
0x5c: {  	v5 =	vld [tilespmem:s18+$0x10];
	[tilespmem:v0+s20+$0x0 ss:$0x1] =	vst.idx.msk $0xffff, v4  }
0x5d: {  	v4 =	vld [tilespmem:s18+$0x20];
	[tilespmem:v0+s20+$0x10 ss:$0x1] =	vst.idx.msk $0xffff, v6;
	s18 =	sadd.s32 $0x80, s18  }
0x5e: {  	s22 =	sadd.s32 $0xFFFFFFFF, s21;
	p0 =	por $0x1, $0x1;
	s21 =	simm.s32 $0x0;
	[tilespmem:v0+s20+$0x20 ss:$0x1] =	vst.idx.msk $0xffff, v7;
	v1 =	vld [tilespmem:s18+$0x30]  }
.LBB1_7:
0x5f: {  	p1 =	sne.s32 s22, $0x1;
	v6 =	vld [tilespmem:s18+$0xFFFFFFC0];
	[tilespmem:v0+s20+$0x30 ss:$0x1] =	vst.idx.msk $0xffff, v2  }
0x60: {  	v7 =	vld [tilespmem:s18+$0xFFFFFFD0];
	[tilespmem:v0+s20+$0x40 ss:$0x1] =	vst.idx.msk $0xffff, v3  }
0x61: {  	s21 =	sadd.s32 $0x80, s21;
	v8 =	vld [tilespmem:s18+$0xFFFFFFE0];
	[tilespmem:v0+s20+$0x50 ss:$0x1] =	vst.idx.msk $0xffff, v5  }
.Ltmp6:
0x62: {  	v2 =	vld [tilespmem:s18+$0xFFFFFFF0];
	[tilespmem:v0+s20+$0x60 ss:$0x1] =	vst.idx.msk $0xffff, v4;
	s20 =	sand.u32 $0x3F80, s21;
	(pc) =	sbr.rel @p1 .LBB1_7-.Ltmp6, $4  }
0x63: {  	v3 =	vld [tilespmem:s18+$0x0];
	[tilespmem:v0+s20+$0x70 ss:$0x1] =	vst.idx.msk $0xffff, v1  }
0x64: {  	[tilespmem:v0+s20+$0x0 ss:$0x1] =	vst.idx.msk $0xffff, v6;
	v5 =	vld [tilespmem:s18+$0x10]  }
0x65: {  	[tilespmem:v0+s20+$0x10 ss:$0x1] =	vst.idx.msk $0xffff, v7;
	v4 =	vld [tilespmem:s18+$0x20];
	s18 =	sadd.s32 $0x80, s18  }
0x66: {  	s22 =	sadd.s32 $0xFFFFFFFF, s22;
	v1 =	vld [tilespmem:s18+$0x30];
	[tilespmem:v0+s20+$0x20 ss:$0x1] =	vst.idx.msk $0xffff, v8  }
.Ltmp7:
0x67: {  	_ = 	snop;
	(pc) =	sbr.rel .LBB1_8-.Ltmp7, $1  }
0x68: {  	_ =	sdelay $0x3  }
.LBB1_6:
.Ltmp8:
0x69: {  	(pc) =	sbr.rel .LBB1_8-.Ltmp8, $2  }
0x6a: {  	_ =	sdelay $0x2  }
0x6b: {  	s21 =	simm.s32 $0x0  }
.LBB1_11:
0x6c: {  	_ =	sfence.sel $0x180000  }
0x6d: {  	s2 =	simm.s32 $0x1;
	[bflag:$0x0] =	sbarrier.arrive $0xFFFF  }
0x6e: {  	s31 =	simm.s32 $0x2;
	[sflag:s2] =	ssyncpa.u1 $0x1  }
0x6f: {  	[sflag:s31] =	ssyncpa.u1 $0x1  }
0x70: {  	p0 =	sne.s32 s0, $0x0;
	_ =	strace $0x90000047  }
0x71: {  	s0 =	sadd.s32 @!p0 $0x100000, s1;
	[bflag:$0x2] =	sbarrier.arrive $0xFFFF  }
0x72: {  	[sflag:s0] =	ssyncadd.tile.s32 @!p0 $0x1;
	_ =	shalt  }
.Lfunc_end1:
_tile_overlayer_lowered:
.L_overlay_start_2:
0x73: {  	(tag) =	ssettag $0x2  }
0x74: {  	s0 =	rddreg [dreg:$0x0];
	s2 =	stileid.u32  }
0x75: {  	s1 =	rddreg [dreg:$0x1];
	p0 =	sne.s32 s2, $0x0  }
0x76: {  	s3 =	rddreg [dreg:$0x2];
	[bflag:$0x3] =	sbarrier.arrive $0xFFFF;
	s2 =	simm.s32 @!p0 $0x1C01  }
0x77: {  	[timem:s3], [sflag:s2] =	dma.local @!p0 [hbm:s0], s1  }
0x78: {  	s0 =	simm.s32 @!p0 $0x1  }
0x79: {  	_ =	swait.ge @!p0 [sflag:s0], s1  }
0x7a: {  	s1 =	ssub.s32 @!p0 $0x0, s1;
	[sflag:s0] =	ssyncset.done @!p0 $0x0  }
0x7b: {  	[sflag:s0] =	ssyncadd.s32 @!p0 s1  }
0x7c: {  	[bflag:$0x3] =	sbarrier.arrive $0xFFFF  }
0x7d: {  	_ =	shalt  }

</sc_bundles>
